<compile_context>
chip_gen: v7x
topology: tpu7x:2x2x1
jax: 0.10.2.dev20260603
libtpu: 0.0.44.dev20260713+nightly
codegen_flags: <defaults>
</compile_context>

<pallas_src>
import functools

import jax
import jax.numpy as jnp
from jax import lax
from jax.experimental import pallas as pl
from jax.experimental.pallas import tpu as pltpu
from jax.experimental.pallas import tpu_sc as plsc

DIM = 64
B_TOTAL = 4096 * 50
NC = 2
NS = 16
NW = NC * NS
PER_W = B_TOTAL // NW
CHUNK = 128
NCH = PER_W // CHUNK
NBUF = 6
AHEAD = 3

_mesh = plsc.VectorSubcoreMesh(core_axis_name="c", subcore_axis_name="s")


@functools.partial(
    pl.kernel,
    mesh=_mesh,
    out_type=jax.ShapeDtypeStruct((B_TOTAL, DIM), jnp.float32),
    scratch_types=[
        pltpu.VMEM((NCH, CHUNK), jnp.int32),
        pltpu.VMEM((NBUF, CHUNK, DIM), jnp.float32),
        pltpu.VMEM((16, DIM), jnp.float32),
        pltpu.VMEM((PER_W + 16,), jnp.int32),
    ]
    + [pltpu.SemaphoreType.DMA] * (2 * NBUF + 2),
    compiler_params=pltpu.CompilerParams(
        use_tc_tiling_on_sc=False, needs_layout_passes=False
    ),
)
def _emb_gather(x_hbm, table_hbm, out_hbm, idx_v, bufs, zrow, plist, *sems):
    idx_sem = sems[0]
    fix_sem = sems[1]
    gsems = sems[2 : 2 + NBUF]
    psems = sems[2 + NBUF :]
    wid = lax.axis_index("s") * NC + lax.axis_index("c")
    base = wid * PER_W

    pltpu.async_copy(x_hbm.at[wid], idx_v, idx_sem).wait()
    zeros16 = jnp.zeros((16,), jnp.float32)
    for r in range(16):
        for c in range(DIM // 16):
            zrow[r, pl.ds(c * 16, 16)] = zeros16

    hg = [None] * NCH
    hp = [None] * NCH
    for t in range(NCH + AHEAD):
        g = t
        if g < NCH:
            b = g % NBUF
            if g - NBUF >= 0:
                hp[g - NBUF].wait()
            hg[g] = pltpu.async_copy(
                table_hbm.at[idx_v.at[g]], bufs.at[b], gsems[b]
            )
        d = t - AHEAD
        if 0 <= d < NCH:
            b = d % NBUF
            hg[d].wait()
            hp[d] = pltpu.async_copy(
                bufs.at[b], out_hbm.at[pl.ds(base + d * CHUNK, CHUNK)], psems[b]
            )
    for d in range(NCH - NBUF, NCH):
        hp[d].wait()

    lanes = lax.iota(jnp.int32, 16)
    big = jnp.int32(2**30)

    def _compact(i, carry):
        off, first = carry
        d = i // (CHUNK // 16)
        g = i % (CHUNK // 16)
        v = idx_v[d, pl.ds(g * 16, 16)]
        m = v == 0
        pos = base + i * 16 + lanes
        first = jnp.minimum(first, jnp.min(jnp.where(m, pos, big)))
        plsc.store_compressed(plist.at[pl.ds(off, 16)], pos, mask=m)
        cnt = plsc.all_reduce_population_count(m)[0]
        return off + cnt, first

    npad, first = lax.fori_loop(
        0, PER_W // 16, _compact, (jnp.int32(0), big)
    )
    plist[pl.ds(npad, 16)] = jnp.full((16,), first, jnp.int32)

    def _scatter_zeros(j, carry):
        tv = plist[pl.ds(j * 16, 16)]
        pltpu.async_copy(zrow, out_hbm.at[tv], fix_sem).wait()
        return carry

    lax.fori_loop(0, (npad + 15) // 16, _scatter_zeros, 0, unroll=False)


def kernel(x, table):
    xf = x.reshape(NW, NCH, CHUNK).astype(jnp.int32)
    out = _emb_gather(xf, table)
    return out.reshape(x.shape[0], x.shape[1], DIM)

# --- scband reference (transcript-rebuilt; emitter-appended) ---
"""Pipeline reference for scband-embedding-with-padding-31258771980633 (READ-ONLY COPY).

The authoritative reference and input builder live on the scoring server;
editing this copy changes nothing except your own understanding.
"""

import jax, jax.numpy as jnp
import numpy as np

NUM_EMBEDDINGS = 100000
EMBEDDING_DIM = 64
PADDING_IDX = 0


def setup_inputs(seed: int = 0) -> dict:
    key = jax.random.key(seed)
    k1, k2 = jax.random.split(key)
    x = jax.random.randint(k1, (4096, 50), 0, NUM_EMBEDDINGS, dtype=jnp.int64 if jax.config.jax_enable_x64 else jnp.int32)
    # Embedding table, initialized like eqx.nn.Embedding (normal init)
    table = jax.random.normal(k2, (NUM_EMBEDDINGS, EMBEDDING_DIM), dtype=jnp.float32)
    return {"x": x, "table": table}


def reference(x, table):
    # Gather embeddings: equivalent to vmapped eqx.nn.Embedding lookup
    out = jnp.take(table, x, axis=0)  # [B, L, D]
    # Zero out padding positions
    mask = (x != PADDING_IDX).astype(out.dtype)  # [B, L]
    return out * mask[..., None]

if __name__ == "__main__":
    import jax
    _d = setup_inputs()
    print(jax.jit(kernel)(*tuple(_d.values())))

</pallas_src>

<mosaic_0001>
#map = affine_map<(d0, d1) -> (0, 0, 0)>
#map1 = affine_map<(d0, d1) -> (0, 0)>
module attributes {stable_mosaic.version = 14 : i64} {
  func.func @_emb_gather(%arg0: i32, %arg1: i32, %arg2: memref<32x50x128xi32, #tpu.memory_space<hbm>>, %arg3: memref<100000x64xf32, #tpu.memory_space<hbm>>, %arg4: memref<204800x64xf32, #tpu.memory_space<hbm>>, %arg5: memref<50x128xi32, #tpu.memory_space<vmem>>, %arg6: memref<6x128x64xf32, #tpu.memory_space<vmem>>, %arg7: memref<16x64xf32, #tpu.memory_space<vmem>>, %arg8: memref<6416xi32, #tpu.memory_space<vmem>>, %arg9: memref<!tpu.dma_semaphore, #tpu.memory_space<semaphore_mem>>, %arg10: memref<!tpu.dma_semaphore, #tpu.memory_space<semaphore_mem>>, %arg11: memref<!tpu.dma_semaphore, #tpu.memory_space<semaphore_mem>>, %arg12: memref<!tpu.dma_semaphore, #tpu.memory_space<semaphore_mem>>, %arg13: memref<!tpu.dma_semaphore, #tpu.memory_space<semaphore_mem>>, %arg14: memref<!tpu.dma_semaphore, #tpu.memory_space<semaphore_mem>>, %arg15: memref<!tpu.dma_semaphore, #tpu.memory_space<semaphore_mem>>, %arg16: memref<!tpu.dma_semaphore, #tpu.memory_space<semaphore_mem>>, %arg17: memref<!tpu.dma_semaphore, #tpu.memory_space<semaphore_mem>>, %arg18: memref<!tpu.dma_semaphore, #tpu.memory_space<semaphore_mem>>, %arg19: memref<!tpu.dma_semaphore, #tpu.memory_space<semaphore_mem>>, %arg20: memref<!tpu.dma_semaphore, #tpu.memory_space<semaphore_mem>>, %arg21: memref<!tpu.dma_semaphore, #tpu.memory_space<semaphore_mem>>, %arg22: memref<!tpu.dma_semaphore, #tpu.memory_space<semaphore_mem>>) attributes {dimension_semantics = [#tpu.dimension_semantics<core_parallel>, #tpu.dimension_semantics<subcore_parallel>], iteration_bounds = array<i64: 2, 16>, scalar_prefetch = 0 : i64, scratch_operands = 18 : i64, tpu.core_type = #tpu.core_type<sc_vector_subcore>, window_params = [{transform_indices = #map}, {transform_indices = #map1}, {transform_indices = #map1}]} {
    %mul3A = arith.constant 2 : i32
    %mul3A_0 = arith.muli %arg1, %mul3A : i32
    %add3A = arith.addi %mul3A_0, %arg0 : i32
    %mul3A_1 = arith.constant 6400 : i32
    %mul3A_2 = arith.muli %add3A, %mul3A_1 : i32
    %dma_start3A = arith.constant 0 : i32
    %dma_start3A_3 = arith.constant 0 : i32
    %dma_start3A_4 = tpu.memref_slice %arg2[%add3A, %dma_start3A, %dma_start3A_3] : memref<32x50x128xi32, #tpu.memory_space<hbm>> -> memref<1x50x128xi32, #tpu.memory_space<hbm>>
    %dma_start3A_5 = tpu.memref_squeeze %dma_start3A_4 : memref<1x50x128xi32, #tpu.memory_space<hbm>> -> memref<50x128xi32, #tpu.memory_space<hbm>>
    %dma_start3A_6 = arith.constant 0 : i32
    %dma_start3A_7 = arith.constant 0 : i32
    %dma_start3A_8 = tpu.memref_slice %arg2[%add3A, %dma_start3A_6, %dma_start3A_7] : memref<32x50x128xi32, #tpu.memory_space<hbm>> -> memref<1x50x128xi32, #tpu.memory_space<hbm>>
    %dma_start3A_9 = tpu.memref_squeeze %dma_start3A_8 : memref<1x50x128xi32, #tpu.memory_space<hbm>> -> memref<50x128xi32, #tpu.memory_space<hbm>>
    tpu.enqueue_dma source(%dma_start3A_9 : memref<50x128xi32, #tpu.memory_space<hbm>>) target(%arg5 : memref<50x128xi32, #tpu.memory_space<vmem>>) target_semaphore(%arg9 : memref<!tpu.dma_semaphore, #tpu.memory_space<semaphore_mem>>)
    %dma_wait3A = arith.constant 0 : i32
    %dma_wait3A_10 = arith.constant 0 : i32
    %dma_wait3A_11 = tpu.memref_slice %arg2[%add3A, %dma_wait3A, %dma_wait3A_10] : memref<32x50x128xi32, #tpu.memory_space<hbm>> -> memref<1x50x128xi32, #tpu.memory_space<hbm>>
    %dma_wait3A_12 = tpu.memref_squeeze %dma_wait3A_11 : memref<1x50x128xi32, #tpu.memory_space<hbm>> -> memref<50x128xi32, #tpu.memory_space<hbm>>
    %dma_wait3A_13 = arith.constant 0 : i32
    %dma_wait3A_14 = arith.constant 0 : i32
    %dma_wait3A_15 = tpu.memref_slice %arg2[%add3A, %dma_wait3A_13, %dma_wait3A_14] : memref<32x50x128xi32, #tpu.memory_space<hbm>> -> memref<1x50x128xi32, #tpu.memory_space<hbm>>
    %dma_wait3A_16 = tpu.memref_squeeze %dma_wait3A_15 : memref<1x50x128xi32, #tpu.memory_space<hbm>> -> memref<50x128xi32, #tpu.memory_space<hbm>>
    tpu.wait_dma2 semaphore(%arg9 : memref<!tpu.dma_semaphore, #tpu.memory_space<semaphore_mem>>) src(%dma_wait3A_16 : memref<50x128xi32, #tpu.memory_space<hbm>>) dst(%arg5 : memref<50x128xi32, #tpu.memory_space<vmem>>)
    %broadcast_in_dim3A = arith.constant 0.000000e+00 : f32
    %broadcast_in_dim3A_17 = vector.broadcast %broadcast_in_dim3A : f32 to vector<16xf32>
    %swap3A = arith.constant 0 : i32
    %swap3A_18 = arith.index_cast %swap3A : i32 to index
    %swap3A_19 = arith.constant 0 : index
    %swap3A_20 = tpu.vector_load %arg7[%swap3A_18, %swap3A_19] {strides = array<i32>} : memref<16x64xf32, #tpu.memory_space<vmem>>, vector<16xf32>,
    tpu.vector_store %arg7[%swap3A_18, %swap3A_19], %broadcast_in_dim3A_17 {strides = array<i32>} : memref<16x64xf32, #tpu.memory_space<vmem>>, vector<16xf32>,
    %swap3A_21 = arith.constant 0 : i32
    %swap3A_22 = arith.index_cast %swap3A_21 : i32 to index
    %swap3A_23 = arith.constant 16 : index
    %swap3A_24 = tpu.vector_load %arg7[%swap3A_22, %swap3A_23] {strides = array<i32>} : memref<16x64xf32, #tpu.memory_space<vmem>>, vector<16xf32>,
    tpu.vector_store %arg7[%swap3A_22, %swap3A_23], %broadcast_in_dim3A_17 {strides = array<i32>} : memref<16x64xf32, #tpu.memory_space<vmem>>, vector<16xf32>,
    %swap3A_25 = arith.constant 0 : i32
    %swap3A_26 = arith.index_cast %swap3A_25 : i32 to index
    %swap3A_27 = arith.constant 32 : index
    %swap3A_28 = tpu.vector_load %arg7[%swap3A_26, %swap3A_27] {strides = array<i32>} : memref<16x64xf32, #tpu.memory_space<vmem>>, vector<16xf32>,
    tpu.vector_store %arg7[%swap3A_26, %swap3A_27], %broadcast_in_dim3A_17 {strides = array<i32>} : memref<16x64xf32, #tpu.memory_space<vmem>>, vector<16xf32>,
    %swap3A_29 = arith.constant 0 : i32
    %swap3A_30 = arith.index_cast %swap3A_29 : i32 to index
    %swap3A_31 = arith.constant 48 : index
    %swap3A_32 = tpu.vector_load %arg7[%swap3A_30, %swap3A_31] {strides = array<i32>} : memref<16x64xf32, #tpu.memory_space<vmem>>, vector<16xf32>,
    tpu.vector_store %arg7[%swap3A_30, %swap3A_31], %broadcast_in_dim3A_17 {strides = array<i32>} : memref<16x64xf32, #tpu.memory_space<vmem>>, vector<16xf32>,
    %swap3A_33 = arith.constant 1 : i32
    %swap3A_34 = arith.index_cast %swap3A_33 : i32 to index
    %swap3A_35 = arith.constant 0 : index
    %swap3A_36 = tpu.vector_load %arg7[%swap3A_34, %swap3A_35] {strides = array<i32>} : memref<16x64xf32, #tpu.memory_space<vmem>>, vector<16xf32>,
    tpu.vector_store %arg7[%swap3A_34, %swap3A_35], %broadcast_in_dim3A_17 {strides = array<i32>} : memref<16x64xf32, #tpu.memory_space<vmem>>, vector<16xf32>,
    %swap3A_37 = arith.constant 1 : i32
    %swap3A_38 = arith.index_cast %swap3A_37 : i32 to index
    %swap3A_39 = arith.constant 16 : index
    %swap3A_40 = tpu.vector_load %arg7[%swap3A_38, %swap3A_39] {strides = array<i32>} : memref<16x64xf32, #tpu.memory_space<vmem>>, vector<16xf32>,
    tpu.vector_store %arg7[%swap3A_38, %swap3A_39], %broadcast_in_dim3A_17 {strides = array<i32>} : memref<16x64xf32, #tpu.memory_space<vmem>>, vector<16xf32>,
    %swap3A_41 = arith.constant 1 : i32
    %swap3A_42 = arith.index_cast %swap3A_41 : i32 to index
    %swap3A_43 = arith.constant 32 : index
    %swap3A_44 = tpu.vector_load %arg7[%swap3A_42, %swap3A_43] {strides = array<i32>} : memref<16x64xf32, #tpu.memory_space<vmem>>, vector<16xf32>,
    tpu.vector_store %arg7[%swap3A_42, %swap3A_43], %broadcast_in_dim3A_17 {strides = array<i32>} : memref<16x64xf32, #tpu.memory_space<vmem>>, vector<16xf32>,
    %swap3A_45 = arith.constant 1 : i32
    %swap3A_46 = arith.index_cast %swap3A_45 : i32 to index
    %swap3A_47 = arith.constant 48 : index
    %swap3A_48 = tpu.vector_load %arg7[%swap3A_46, %swap3A_47] {strides = array<i32>} : memref<16x64xf32, #tpu.memory_space<vmem>>, vector<16xf32>,
    tpu.vector_store %arg7[%swap3A_46, %swap3A_47], %broadcast_in_dim3A_17 {strides = array<i32>} : memref<16x64xf32, #tpu.memory_space<vmem>>, vector<16xf32>,
    %swap3A_49 = arith.constant 2 : i32
    %swap3A_50 = arith.index_cast %swap3A_49 : i32 to index
    %swap3A_51 = arith.constant 0 : index
    %swap3A_52 = tpu.vector_load %arg7[%swap3A_50, %swap3A_51] {strides = array<i32>} : memref<16x64xf32, #tpu.memory_space<vmem>>, vector<16xf32>,
    tpu.vector_store %arg7[%swap3A_50, %swap3A_51], %broadcast_in_dim3A_17 {strides = array<i32>} : memref<16x64xf32, #tpu.memory_space<vmem>>, vector<16xf32>,
    %swap3A_53 = arith.constant 2 : i32
    %swap3A_54 = arith.index_cast %swap3A_53 : i32 to index
    %swap3A_55 = arith.constant 16 : index
    %swap3A_56 = tpu.vector_load %arg7[%swap3A_54, %swap3A_55] {strides = array<i32>} : memref<16x64xf32, #tpu.memory_space<vmem>>, vector<16xf32>,
    tpu.vector_store %arg7[%swap3A_54, %swap3A_55], %broadcast_in_dim3A_17 {strides = array<i32>} : memref<16x64xf32, #tpu.memory_space<vmem>>, vector<16xf32>,
    %swap3A_57 = arith.constant 2 : i32
    %swap3A_58 = arith.index_cast %swap3A_57 : i32 to index
    %swap3A_59 = arith.constant 32 : index
    %swap3A_60 = tpu.vector_load %arg7[%swap3A_58, %swap3A_59] {strides = array<i32>} : memref<16x64xf32, #tpu.memory_space<vmem>>, vector<16xf32>,
    tpu.vector_store %arg7[%swap3A_58, %swap3A_59], %broadcast_in_dim3A_17 {strides = array<i32>} : memref<16x64xf32, #tpu.memory_space<vmem>>, vector<16xf32>,
    %swap3A_61 = arith.constant 2 : i32
    %swap3A_62 = arith.index_cast %swap3A_61 : i32 to index
    %swap3A_63 = arith.constant 48 : index
    %swap3A_64 = tpu.vector_load %arg7[%swap3A_62, %swap3A_63] {strides = array<i32>} : memref<16x64xf32, #tpu.memory_space<vmem>>, vector<16xf32>,
    tpu.vector_store %arg7[%swap3A_62, %swap3A_63], %broadcast_in_dim3A_17 {strides = array<i32>} : memref<16x64xf32, #tpu.memory_space<vmem>>, vector<16xf32>,
    %swap3A_65 = arith.constant 3 : i32
    %swap3A_66 = arith.index_cast %swap3A_65 : i32 to index
    %swap3A_67 = arith.constant 0 : index
    %swap3A_68 = tpu.vector_load %arg7[%swap3A_66, %swap3A_67] {strides = array<i32>} : memref<16x64xf32, #tpu.memory_space<vmem>>, vector<16xf32>,
    tpu.vector_store %arg7[%swap3A_66, %swap3A_67], %broadcast_in_dim3A_17 {strides = array<i32>} : memref<16x64xf32, #tpu.memory_space<vmem>>, vector<16xf32>,
    %swap3A_69 = arith.constant 3 : i32
    %swap3A_70 = arith.index_cast %swap3A_69 : i32 to index
    %swap3A_71 = arith.constant 16 : index
    %swap3A_72 = tpu.vector_load %arg7[%swap3A_70, %swap3A_71] {strides = array<i32>} : memref<16x64xf32, #tpu.memory_space<vmem>>, vector<16xf32>,
    tpu.vector_store %arg7[%swap3A_70, %swap3A_71], %broadcast_in_dim3A_17 {strides = array<i32>} : memref<16x64xf32, #tpu.memory_space<vmem>>, vector<16xf32>,
    %swap3A_73 = arith.constant 3 : i32
    %swap3A_74 = arith.index_cast %swap3A_73 : i32 to index
    %swap3A_75 = arith.constant 32 : index
    %swap3A_76 = tpu.vector_load %arg7[%swap3A_74, %swap3A_75] {strides = array<i32>} : memref<16x64xf32, #tpu.memory_space<vmem>>, vector<16xf32>,
    tpu.vector_store %arg7[%swap3A_74, %swap3A_75], %broadcast_in_dim3A_17 {strides = array<i32>} : memref<16x64xf32, #tpu.memory_space<vmem>>, vector<16xf32>,
    %swap3A_77 = arith.constant 3 : i32
    %swap3A_78 = arith.index_cast %swap3A_77 : i32 to index
    %swap3A_79 = arith.constant 48 : index
    %swap3A_80 = tpu.vector_load %arg7[%swap3A_78, %swap3A_79] {strides = array<i32>} : memref<16x64xf32, #tpu.memory_space<vmem>>, vector<16xf32>,
    tpu.vector_store %arg7[%swap3A_78, %swap3A_79], %broadcast_in_dim3A_17 {strides = array<i32>} : memref<16x64xf32, #tpu.memory_space<vmem>>, vector<16xf32>,
    %swap3A_81 = arith.constant 4 : i32
    %swap3A_82 = arith.index_cast %swap3A_81 : i32 to index
    %swap3A_83 = arith.constant 0 : index
    %swap3A_84 = tpu.vector_load %arg7[%swap3A_82, %swap3A_83] {strides = array<i32>} : memref<16x64xf32, #tpu.memory_space<vmem>>, vector<16xf32>,
    tpu.vector_store %arg7[%swap3A_82, %swap3A_83], %broadcast_in_dim3A_17 {strides = array<i32>} : memref<16x64xf32, #tpu.memory_space<vmem>>, vector<16xf32>,
    %swap3A_85 = arith.constant 4 : i32
    %swap3A_86 = arith.index_cast %swap3A_85 : i32 to index
    %swap3A_87 = arith.constant 16 : index
    %swap3A_88 = tpu.vector_load %arg7[%swap3A_86, %swap3A_87] {strides = array<i32>} : memref<16x64xf32, #tpu.memory_space<vmem>>, vector<16xf32>,
    tpu.vector_store %arg7[%swap3A_86, %swap3A_87], %broadcast_in_dim3A_17 {strides = array<i32>} : memref<16x64xf32, #tpu.memory_space<vmem>>, vector<16xf32>,
    %swap3A_89 = arith.constant 4 : i32
    %swap3A_90 = arith.index_cast %swap3A_89 : i32 to index
    %swap3A_91 = arith.constant 32 : index
    %swap3A_92 = tpu.vector_load %arg7[%swap3A_90, %swap3A_91] {strides = array<i32>} : memref<16x64xf32, #tpu.memory_space<vmem>>, vector<16xf32>,
    tpu.vector_store %arg7[%swap3A_90, %swap3A_91], %broadcast_in_dim3A_17 {strides = array<i32>} : memref<16x64xf32, #tpu.memory_space<vmem>>, vector<16xf32>,
    %swap3A_93 = arith.constant 4 : i32
    %swap3A_94 = arith.index_cast %swap3A_93 : i32 to index
    %swap3A_95 = arith.constant 48 : index
    %swap3A_96 = tpu.vector_load %arg7[%swap3A_94, %swap3A_95] {strides = array<i32>} : memref<16x64xf32, #tpu.memory_space<vmem>>, vector<16xf32>,
    tpu.vector_store %arg7[%swap3A_94, %swap3A_95], %broadcast_in_dim3A_17 {strides = array<i32>} : memref<16x64xf32, #tpu.memory_space<vmem>>, vector<16xf32>,
    %swap3A_97 = arith.constant 5 : i32
    %swap3A_98 = arith.index_cast %swap3A_97 : i32 to index
    %swap3A_99 = arith.constant 0 : index
    %swap3A_100 = tpu.vector_load %arg7[%swap3A_98, %swap3A_99] {strides = array<i32>} : memref<16x64xf32, #tpu.memory_space<vmem>>, vector<16xf32>,
    tpu.vector_store %arg7[%swap3A_98, %swap3A_99], %broadcast_in_dim3A_17 {strides = array<i32>} : memref<16x64xf32, #tpu.memory_space<vmem>>, vector<16xf32>,
    %swap3A_101 = arith.constant 5 : i32
    %swap3A_102 = arith.index_cast %swap3A_101 : i32 to index
    %swap3A_103 = arith.constant 16 : index
    %swap3A_104 = tpu.vector_load %arg7[%swap3A_102, %swap3A_103] {strides = array<i32>} : memref<16x64xf32, #tpu.memory_space<vmem>>, vector<16xf32>,
    tpu.vector_store %arg7[%swap3A_102, %swap3A_103], %broadcast_in_dim3A_17 {strides = array<i32>} : memref<16x64xf32, #tpu.memory_space<vmem>>, vector<16xf32>,
    %swap3A_105 = arith.constant 5 : i32
    %swap3A_106 = arith.index_cast %swap3A_105 : i32 to index
    %swap3A_107 = arith.constant 32 : index
    %swap3A_108 = tpu.vector_load %arg7[%swap3A_106, %swap3A_107] {strides = array<i32>} : memref<16x64xf32, #tpu.memory_space<vmem>>, vector<16xf32>,
    tpu.vector_store %arg7[%swap3A_106, %swap3A_107], %broadcast_in_dim3A_17 {strides = array<i32>} : memref<16x64xf32, #tpu.memory_space<vmem>>, vector<16xf32>,
    %swap3A_109 = arith.constant 5 : i32
    %swap3A_110 = arith.index_cast %swap3A_109 : i32 to index
    %swap3A_111 = arith.constant 48 : index
    %swap3A_112 = tpu.vector_load %arg7[%swap3A_110, %swap3A_111] {strides = array<i32>} : memref<16x64xf32, #tpu.memory_space<vmem>>, vector<16xf32>,
    tpu.vector_store %arg7[%swap3A_110, %swap3A_111], %broadcast_in_dim3A_17 {strides = array<i32>} : memref<16x64xf32, #tpu.memory_space<vmem>>, vector<16xf32>,
    %swap3A_113 = arith.constant 6 : i32
    %swap3A_114 = arith.index_cast %swap3A_113 : i32 to index
    %swap3A_115 = arith.constant 0 : index
    %swap3A_116 = tpu.vector_load %arg7[%swap3A_114, %swap3A_115] {strides = array<i32>} : memref<16x64xf32, #tpu.memory_space<vmem>>, vector<16xf32>,
    tpu.vector_store %arg7[%swap3A_114, %swap3A_115], %broadcast_in_dim3A_17 {strides = array<i32>} : memref<16x64xf32, #tpu.memory_space<vmem>>, vector<16xf32>,
    %swap3A_117 = arith.constant 6 : i32
    %swap3A_118 = arith.index_cast %swap3A_117 : i32 to index
    %swap3A_119 = arith.constant 16 : index
    %swap3A_120 = tpu.vector_load %arg7[%swap3A_118, %swap3A_119] {strides = array<i32>} : memref<16x64xf32, #tpu.memory_space<vmem>>, vector<16xf32>,
    tpu.vector_store %arg7[%swap3A_118, %swap3A_119], %broadcast_in_dim3A_17 {strides = array<i32>} : memref<16x64xf32, #tpu.memory_space<vmem>>, vector<16xf32>,
    %swap3A_121 = arith.constant 6 : i32
    %swap3A_122 = arith.index_cast %swap3A_121 : i32 to index
    %swap3A_123 = arith.constant 32 : index
    %swap3A_124 = tpu.vector_load %arg7[%swap3A_122, %swap3A_123] {strides = array<i32>} : memref<16x64xf32, #tpu.memory_space<vmem>>, vector<16xf32>,
    tpu.vector_store %arg7[%swap3A_122, %swap3A_123], %broadcast_in_dim3A_17 {strides = array<i32>} : memref<16x64xf32, #tpu.memory_space<vmem>>, vector<16xf32>,
    %swap3A_125 = arith.constant 6 : i32
    %swap3A_126 = arith.index_cast %swap3A_125 : i32 to index
    %swap3A_127 = arith.constant 48 : index
    %swap3A_128 = tpu.vector_load %arg7[%swap3A_126, %swap3A_127] {strides = array<i32>} : memref<16x64xf32, #tpu.memory_space<vmem>>, vector<16xf32>,
    tpu.vector_store %arg7[%swap3A_126, %swap3A_127], %broadcast_in_dim3A_17 {strides = array<i32>} : memref<16x64xf32, #tpu.memory_space<vmem>>, vector<16xf32>,
    %swap3A_129 = arith.constant 7 : i32
    %swap3A_130 = arith.index_cast %swap3A_129 : i32 to index
    %swap3A_131 = arith.constant 0 : index
    %swap3A_132 = tpu.vector_load %arg7[%swap3A_130, %swap3A_131] {strides = array<i32>} : memref<16x64xf32, #tpu.memory_space<vmem>>, vector<16xf32>,
    tpu.vector_store %arg7[%swap3A_130, %swap3A_131], %broadcast_in_dim3A_17 {strides = array<i32>} : memref<16x64xf32, #tpu.memory_space<vmem>>, vector<16xf32>,
    %swap3A_133 = arith.constant 7 : i32
    %swap3A_134 = arith.index_cast %swap3A_133 : i32 to index
    %swap3A_135 = arith.constant 16 : index
    %swap3A_136 = tpu.vector_load %arg7[%swap3A_134, %swap3A_135] {strides = array<i32>} : memref<16x64xf32, #tpu.memory_space<vmem>>, vector<16xf32>,
    tpu.vector_store %arg7[%swap3A_134, %swap3A_135], %broadcast_in_dim3A_17 {strides = array<i32>} : memref<16x64xf32, #tpu.memory_space<vmem>>, vector<16xf32>,
    %swap3A_137 = arith.constant 7 : i32
    %swap3A_138 = arith.index_cast %swap3A_137 : i32 to index
    %swap3A_139 = arith.constant 32 : index
    %swap3A_140 = tpu.vector_load %arg7[%swap3A_138, %swap3A_139] {strides = array<i32>} : memref<16x64xf32, #tpu.memory_space<vmem>>, vector<16xf32>,
    tpu.vector_store %arg7[%swap3A_138, %swap3A_139], %broadcast_in_dim3A_17 {strides = array<i32>} : memref<16x64xf32, #tpu.memory_space<vmem>>, vector<16xf32>,
    %swap3A_141 = arith.constant 7 : i32
    %swap3A_142 = arith.index_cast %swap3A_141 : i32 to index
    %swap3A_143 = arith.constant 48 : index
    %swap3A_144 = tpu.vector_load %arg7[%swap3A_142, %swap3A_143] {strides = array<i32>} : memref<16x64xf32, #tpu.memory_space<vmem>>, vector<16xf32>,
    tpu.vector_store %arg7[%swap3A_142, %swap3A_143], %broadcast_in_dim3A_17 {strides = array<i32>} : memref<16x64xf32, #tpu.memory_space<vmem>>, vector<16xf32>,
    %swap3A_145 = arith.constant 8 : i32
    %swap3A_146 = arith.index_cast %swap3A_145 : i32 to index
    %swap3A_147 = arith.constant 0 : index
    %swap3A_148 = tpu.vector_load %arg7[%swap3A_146, %swap3A_147] {strides = array<i32>} : memref<16x64xf32, #tpu.memory_space<vmem>>, vector<16xf32>,
    tpu.vector_store %arg7[%swap3A_146, %swap3A_147], %broadcast_in_dim3A_17 {strides = array<i32>} : memref<16x64xf32, #tpu.memory_space<vmem>>, vector<16xf32>,
    %swap3A_149 = arith.constant 8 : i32
    %swap3A_150 = arith.index_cast %swap3A_149 : i32 to index
    %swap3A_151 = arith.constant 16 : index
    %swap3A_152 = tpu.vector_load %arg7[%swap3A_150, %swap3A_151] {strides = array<i32>} : memref<16x64xf32, #tpu.memory_space<vmem>>, vector<16xf32>,
    tpu.vector_store %arg7[%swap3A_150, %swap3A_151], %broadcast_in_dim3A_17 {strides = array<i32>} : memref<16x64xf32, #tpu.memory_space<vmem>>, vector<16xf32>,
    %swap3A_153 = arith.constant 8 : i32
    %swap3A_154 = arith.index_cast %swap3A_153 : i32 to index
    %swap3A_155 = arith.constant 32 : index
    %swap3A_156 = tpu.vector_load %arg7[%swap3A_154, %swap3A_155] {strides = array<i32>} : memref<16x64xf32, #tpu.memory_space<vmem>>, vector<16xf32>,
    tpu.vector_store %arg7[%swap3A_154, %swap3A_155], %broadcast_in_dim3A_17 {strides = array<i32>} : memref<16x64xf32, #tpu.memory_space<vmem>>, vector<16xf32>,
    %swap3A_157 = arith.constant 8 : i32
    %swap3A_158 = arith.index_cast %swap3A_157 : i32 to index
    %swap3A_159 = arith.constant 48 : index
    %swap3A_160 = tpu.vector_load %arg7[%swap3A_158, %swap3A_159] {strides = array<i32>} : memref<16x64xf32, #tpu.memory_space<vmem>>, vector<16xf32>,
    tpu.vector_store %arg7[%swap3A_158, %swap3A_159], %broadcast_in_dim3A_17 {strides = array<i32>} : memref<16x64xf32, #tpu.memory_space<vmem>>, vector<16xf32>,
    %swap3A_161 = arith.constant 9 : i32
    %swap3A_162 = arith.index_cast %swap3A_161 : i32 to index
    %swap3A_163 = arith.constant 0 : index
    %swap3A_164 = tpu.vector_load %arg7[%swap3A_162, %swap3A_163] {strides = array<i32>} : memref<16x64xf32, #tpu.memory_space<vmem>>, vector<16xf32>,
    tpu.vector_store %arg7[%swap3A_162, %swap3A_163], %broadcast_in_dim3A_17 {strides = array<i32>} : memref<16x64xf32, #tpu.memory_space<vmem>>, vector<16xf32>,
    %swap3A_165 = arith.constant 9 : i32
    %swap3A_166 = arith.index_cast %swap3A_165 : i32 to index
    %swap3A_167 = arith.constant 16 : index
    %swap3A_168 = tpu.vector_load %arg7[%swap3A_166, %swap3A_167] {strides = array<i32>} : memref<16x64xf32, #tpu.memory_space<vmem>>, vector<16xf32>,
    tpu.vector_store %arg7[%swap3A_166, %swap3A_167], %broadcast_in_dim3A_17 {strides = array<i32>} : memref<16x64xf32, #tpu.memory_space<vmem>>, vector<16xf32>,
    %swap3A_169 = arith.constant 9 : i32
    %swap3A_170 = arith.index_cast %swap3A_169 : i32 to index
    %swap3A_171 = arith.constant 32 : index
    %swap3A_172 = tpu.vector_load %arg7[%swap3A_170, %swap3A_171] {strides = array<i32>} : memref<16x64xf32, #tpu.memory_space<vmem>>, vector<16xf32>,
    tpu.vector_store %arg7[%swap3A_170, %swap3A_171], %broadcast_in_dim3A_17 {strides = array<i32>} : memref<16x64xf32, #tpu.memory_space<vmem>>, vector<16xf32>,
    %swap3A_173 = arith.constant 9 : i32
    %swap3A_174 = arith.index_cast %swap3A_173 : i32 to index
    %swap3A_175 = arith.constant 48 : index
    %swap3A_176 = tpu.vector_load %arg7[%swap3A_174, %swap3A_175] {strides = array<i32>} : memref<16x64xf32, #tpu.memory_space<vmem>>, vector<16xf32>,
    tpu.vector_store %arg7[%swap3A_174, %swap3A_175], %broadcast_in_dim3A_17 {strides = array<i32>} : memref<16x64xf32, #tpu.memory_space<vmem>>, vector<16xf32>,
    %swap3A_177 = arith.constant 10 : i32
    %swap3A_178 = arith.index_cast %swap3A_177 : i32 to index
    %swap3A_179 = arith.constant 0 : index
    %swap3A_180 = tpu.vector_load %arg7[%swap3A_178, %swap3A_179] {strides = array<i32>} : memref<16x64xf32, #tpu.memory_space<vmem>>, vector<16xf32>,
    tpu.vector_store %arg7[%swap3A_178, %swap3A_179], %broadcast_in_dim3A_17 {strides = array<i32>} : memref<16x64xf32, #tpu.memory_space<vmem>>, vector<16xf32>,
    %swap3A_181 = arith.constant 10 : i32
    %swap3A_182 = arith.index_cast %swap3A_181 : i32 to index
    %swap3A_183 = arith.constant 16 : index
    %swap3A_184 = tpu.vector_load %arg7[%swap3A_182, %swap3A_183] {strides = array<i32>} : memref<16x64xf32, #tpu.memory_space<vmem>>, vector<16xf32>,
    tpu.vector_store %arg7[%swap3A_182, %swap3A_183], %broadcast_in_dim3A_17 {strides = array<i32>} : memref<16x64xf32, #tpu.memory_space<vmem>>, vector<16xf32>,
    %swap3A_185 = arith.constant 10 : i32
    %swap3A_186 = arith.index_cast %swap3A_185 : i32 to index
    %swap3A_187 = arith.constant 32 : index
    %swap3A_188 = tpu.vector_load %arg7[%swap3A_186, %swap3A_187] {strides = array<i32>} : memref<16x64xf32, #tpu.memory_space<vmem>>, vector<16xf32>,
    tpu.vector_store %arg7[%swap3A_186, %swap3A_187], %broadcast_in_dim3A_17 {strides = array<i32>} : memref<16x64xf32, #tpu.memory_space<vmem>>, vector<16xf32>,
    %swap3A_189 = arith.constant 10 : i32
    %swap3A_190 = arith.index_cast %swap3A_189 : i32 to index
    %swap3A_191 = arith.constant 48 : index
    %swap3A_192 = tpu.vector_load %arg7[%swap3A_190, %swap3A_191] {strides = array<i32>} : memref<16x64xf32, #tpu.memory_space<vmem>>, vector<16xf32>,
    tpu.vector_store %arg7[%swap3A_190, %swap3A_191], %broadcast_in_dim3A_17 {strides = array<i32>} : memref<16x64xf32, #tpu.memory_space<vmem>>, vector<16xf32>,
    %swap3A_193 = arith.constant 11 : i32
    %swap3A_194 = arith.index_cast %swap3A_193 : i32 to index
    %swap3A_195 = arith.constant 0 : index
    %swap3A_196 = tpu.vector_load %arg7[%swap3A_194, %swap3A_195] {strides = array<i32>} : memref<16x64xf32, #tpu.memory_space<vmem>>, vector<16xf32>,
    tpu.vector_store %arg7[%swap3A_194, %swap3A_195], %broadcast_in_dim3A_17 {strides = array<i32>} : memref<16x64xf32, #tpu.memory_space<vmem>>, vector<16xf32>,
    %swap3A_197 = arith.constant 11 : i32
    %swap3A_198 = arith.index_cast %swap3A_197 : i32 to index
    %swap3A_199 = arith.constant 16 : index
    %swap3A_200 = tpu.vector_load %arg7[%swap3A_198, %swap3A_199] {strides = array<i32>} : memref<16x64xf32, #tpu.memory_space<vmem>>, vector<16xf32>,
    tpu.vector_store %arg7[%swap3A_198, %swap3A_199], %broadcast_in_dim3A_17 {strides = array<i32>} : memref<16x64xf32, #tpu.memory_space<vmem>>, vector<16xf32>,
    %swap3A_201 = arith.constant 11 : i32
    %swap3A_202 = arith.index_cast %swap3A_201 : i32 to index
    %swap3A_203 = arith.constant 32 : index
    %swap3A_204 = tpu.vector_load %arg7[%swap3A_202, %swap3A_203] {strides = array<i32>} : memref<16x64xf32, #tpu.memory_space<vmem>>, vector<16xf32>,
    tpu.vector_store %arg7[%swap3A_202, %swap3A_203], %broadcast_in_dim3A_17 {strides = array<i32>} : memref<16x64xf32, #tpu.memory_space<vmem>>, vector<16xf32>,
    %swap3A_205 = arith.constant 11 : i32
    %swap3A_206 = arith.index_cast %swap3A_205 : i32 to index
    %swap3A_207 = arith.constant 48 : index
    %swap3A_208 = tpu.vector_load %arg7[%swap3A_206, %swap3A_207] {strides = array<i32>} : memref<16x64xf32, #tpu.memory_space<vmem>>, vector<16xf32>,
    tpu.vector_store %arg7[%swap3A_206, %swap3A_207], %broadcast_in_dim3A_17 {strides = array<i32>} : memref<16x64xf32, #tpu.memory_space<vmem>>, vector<16xf32>,
    %swap3A_209 = arith.constant 12 : i32
    %swap3A_210 = arith.index_cast %swap3A_209 : i32 to index
    %swap3A_211 = arith.constant 0 : index
    %swap3A_212 = tpu.vector_load %arg7[%swap3A_210, %swap3A_211] {strides = array<i32>} : memref<16x64xf32, #tpu.memory_space<vmem>>, vector<16xf32>,
    tpu.vector_store %arg7[%swap3A_210, %swap3A_211], %broadcast_in_dim3A_17 {strides = array<i32>} : memref<16x64xf32, #tpu.memory_space<vmem>>, vector<16xf32>,
    %swap3A_213 = arith.constant 12 : i32
    %swap3A_214 = arith.index_cast %swap3A_213 : i32 to index
    %swap3A_215 = arith.constant 16 : index
    %swap3A_216 = tpu.vector_load %arg7[%swap3A_214, %swap3A_215] {strides = array<i32>} : memref<16x64xf32, #tpu.memory_space<vmem>>, vector<16xf32>,
    tpu.vector_store %arg7[%swap3A_214, %swap3A_215], %broadcast_in_dim3A_17 {strides = array<i32>} : memref<16x64xf32, #tpu.memory_space<vmem>>, vector<16xf32>,
    %swap3A_217 = arith.constant 12 : i32
    %swap3A_218 = arith.index_cast %swap3A_217 : i32 to index
    %swap3A_219 = arith.constant 32 : index
    %swap3A_220 = tpu.vector_load %arg7[%swap3A_218, %swap3A_219] {strides = array<i32>} : memref<16x64xf32, #tpu.memory_space<vmem>>, vector<16xf32>,
    tpu.vector_store %arg7[%swap3A_218, %swap3A_219], %broadcast_in_dim3A_17 {strides = array<i32>} : memref<16x64xf32, #tpu.memory_space<vmem>>, vector<16xf32>,
    %swap3A_221 = arith.constant 12 : i32
    %swap3A_222 = arith.index_cast %swap3A_221 : i32 to index
    %swap3A_223 = arith.constant 48 : index
    %swap3A_224 = tpu.vector_load %arg7[%swap3A_222, %swap3A_223] {strides = array<i32>} : memref<16x64xf32, #tpu.memory_space<vmem>>, vector<16xf32>,
    tpu.vector_store %arg7[%swap3A_222, %swap3A_223], %broadcast_in_dim3A_17 {strides = array<i32>} : memref<16x64xf32, #tpu.memory_space<vmem>>, vector<16xf32>,
    %swap3A_225 = arith.constant 13 : i32
    %swap3A_226 = arith.index_cast %swap3A_225 : i32 to index
    %swap3A_227 = arith.constant 0 : index
    %swap3A_228 = tpu.vector_load %arg7[%swap3A_226, %swap3A_227] {strides = array<i32>} : memref<16x64xf32, #tpu.memory_space<vmem>>, vector<16xf32>,
    tpu.vector_store %arg7[%swap3A_226, %swap3A_227], %broadcast_in_dim3A_17 {strides = array<i32>} : memref<16x64xf32, #tpu.memory_space<vmem>>, vector<16xf32>,
    %swap3A_229 = arith.constant 13 : i32
    %swap3A_230 = arith.index_cast %swap3A_229 : i32 to index
    %swap3A_231 = arith.constant 16 : index
    %swap3A_232 = tpu.vector_load %arg7[%swap3A_230, %swap3A_231] {strides = array<i32>} : memref<16x64xf32, #tpu.memory_space<vmem>>, vector<16xf32>,
    tpu.vector_store %arg7[%swap3A_230, %swap3A_231], %broadcast_in_dim3A_17 {strides = array<i32>} : memref<16x64xf32, #tpu.memory_space<vmem>>, vector<16xf32>,
    %swap3A_233 = arith.constant 13 : i32
    %swap3A_234 = arith.index_cast %swap3A_233 : i32 to index
    %swap3A_235 = arith.constant 32 : index
    %swap3A_236 = tpu.vector_load %arg7[%swap3A_234, %swap3A_235] {strides = array<i32>} : memref<16x64xf32, #tpu.memory_space<vmem>>, vector<16xf32>,
    tpu.vector_store %arg7[%swap3A_234, %swap3A_235], %broadcast_in_dim3A_17 {strides = array<i32>} : memref<16x64xf32, #tpu.memory_space<vmem>>, vector<16xf32>,
    %swap3A_237 = arith.constant 13 : i32
    %swap3A_238 = arith.index_cast %swap3A_237 : i32 to index
    %swap3A_239 = arith.constant 48 : index
    %swap3A_240 = tpu.vector_load %arg7[%swap3A_238, %swap3A_239] {strides = array<i32>} : memref<16x64xf32, #tpu.memory_space<vmem>>, vector<16xf32>,
    tpu.vector_store %arg7[%swap3A_238, %swap3A_239], %broadcast_in_dim3A_17 {strides = array<i32>} : memref<16x64xf32, #tpu.memory_space<vmem>>, vector<16xf32>,
    %swap3A_241 = arith.constant 14 : i32
    %swap3A_242 = arith.index_cast %swap3A_241 : i32 to index
    %swap3A_243 = arith.constant 0 : index
    %swap3A_244 = tpu.vector_load %arg7[%swap3A_242, %swap3A_243] {strides = array<i32>} : memref<16x64xf32, #tpu.memory_space<vmem>>, vector<16xf32>,
    tpu.vector_store %arg7[%swap3A_242, %swap3A_243], %broadcast_in_dim3A_17 {strides = array<i32>} : memref<16x64xf32, #tpu.memory_space<vmem>>, vector<16xf32>,
    %swap3A_245 = arith.constant 14 : i32
    %swap3A_246 = arith.index_cast %swap3A_245 : i32 to index
    %swap3A_247 = arith.constant 16 : index
    %swap3A_248 = tpu.vector_load %arg7[%swap3A_246, %swap3A_247] {strides = array<i32>} : memref<16x64xf32, #tpu.memory_space<vmem>>, vector<16xf32>,
    tpu.vector_store %arg7[%swap3A_246, %swap3A_247], %broadcast_in_dim3A_17 {strides = array<i32>} : memref<16x64xf32, #tpu.memory_space<vmem>>, vector<16xf32>,
    %swap3A_249 = arith.constant 14 : i32
    %swap3A_250 = arith.index_cast %swap3A_249 : i32 to index
    %swap3A_251 = arith.constant 32 : index
    %swap3A_252 = tpu.vector_load %arg7[%swap3A_250, %swap3A_251] {strides = array<i32>} : memref<16x64xf32, #tpu.memory_space<vmem>>, vector<16xf32>,
    tpu.vector_store %arg7[%swap3A_250, %swap3A_251], %broadcast_in_dim3A_17 {strides = array<i32>} : memref<16x64xf32, #tpu.memory_space<vmem>>, vector<16xf32>,
    %swap3A_253 = arith.constant 14 : i32
    %swap3A_254 = arith.index_cast %swap3A_253 : i32 to index
    %swap3A_255 = arith.constant 48 : index
    %swap3A_256 = tpu.vector_load %arg7[%swap3A_254, %swap3A_255] {strides = array<i32>} : memref<16x64xf32, #tpu.memory_space<vmem>>, vector<16xf32>,
    tpu.vector_store %arg7[%swap3A_254, %swap3A_255], %broadcast_in_dim3A_17 {strides = array<i32>} : memref<16x64xf32, #tpu.memory_space<vmem>>, vector<16xf32>,
    %swap3A_257 = arith.constant 15 : i32
    %swap3A_258 = arith.index_cast %swap3A_257 : i32 to index
    %swap3A_259 = arith.constant 0 : index
    %swap3A_260 = tpu.vector_load %arg7[%swap3A_258, %swap3A_259] {strides = array<i32>} : memref<16x64xf32, #tpu.memory_space<vmem>>, vector<16xf32>,
    tpu.vector_store %arg7[%swap3A_258, %swap3A_259], %broadcast_in_dim3A_17 {strides = array<i32>} : memref<16x64xf32, #tpu.memory_space<vmem>>, vector<16xf32>,
    %swap3A_261 = arith.constant 15 : i32
    %swap3A_262 = arith.index_cast %swap3A_261 : i32 to index
    %swap3A_263 = arith.constant 16 : index
    %swap3A_264 = tpu.vector_load %arg7[%swap3A_262, %swap3A_263] {strides = array<i32>} : memref<16x64xf32, #tpu.memory_space<vmem>>, vector<16xf32>,
    tpu.vector_store %arg7[%swap3A_262, %swap3A_263], %broadcast_in_dim3A_17 {strides = array<i32>} : memref<16x64xf32, #tpu.memory_space<vmem>>, vector<16xf32>,
    %swap3A_265 = arith.constant 15 : i32
    %swap3A_266 = arith.index_cast %swap3A_265 : i32 to index
    %swap3A_267 = arith.constant 32 : index
    %swap3A_268 = tpu.vector_load %arg7[%swap3A_266, %swap3A_267] {strides = array<i32>} : memref<16x64xf32, #tpu.memory_space<vmem>>, vector<16xf32>,
    tpu.vector_store %arg7[%swap3A_266, %swap3A_267], %broadcast_in_dim3A_17 {strides = array<i32>} : memref<16x64xf32, #tpu.memory_space<vmem>>, vector<16xf32>,
    %swap3A_269 = arith.constant 15 : i32
    %swap3A_270 = arith.index_cast %swap3A_269 : i32 to index
    %swap3A_271 = arith.constant 48 : index
    %swap3A_272 = tpu.vector_load %arg7[%swap3A_270, %swap3A_271] {strides = array<i32>} : memref<16x64xf32, #tpu.memory_space<vmem>>, vector<16xf32>,
    tpu.vector_store %arg7[%swap3A_270, %swap3A_271], %broadcast_in_dim3A_17 {strides = array<i32>} : memref<16x64xf32, #tpu.memory_space<vmem>>, vector<16xf32>,
    %dma_start3A_273 = arith.constant 0 : i32
    %dma_start3A_274 = arith.constant 0 : i32
    %dma_start3A_275 = arith.constant 0 : i32
    %dma_start3A_276 = arith.constant 0 : i32
    %dma_start3A_277 = tpu.memref_slice %arg6[%dma_start3A_274, %dma_start3A_275, %dma_start3A_276] : memref<6x128x64xf32, #tpu.memory_space<vmem>> -> memref<1x128x64xf32, #tpu.memory_space<vmem>>
    %dma_start3A_278 = tpu.memref_squeeze %dma_start3A_277 : memref<1x128x64xf32, #tpu.memory_space<vmem>> -> memref<128x64xf32, #tpu.memory_space<vmem>>
    %dma_start3A_279 = arith.constant 0 : i32
    %dma_start3A_280 = tpu.memref_slice %arg5[%dma_start3A_273, %dma_start3A_279] : memref<50x128xi32, #tpu.memory_space<vmem>> -> memref<1x128xi32, #tpu.memory_space<vmem>>
    %dma_start3A_281 = tpu.memref_squeeze %dma_start3A_280 : memref<1x128xi32, #tpu.memory_space<vmem>> -> memref<128xi32, #tpu.memory_space<vmem>>
    %dma_start3A_282 = arith.constant 0 : i32
    %dma_start3A_283 = arith.constant 0 : i32
    %dma_start3A_284 = tpu.memref_slice %arg3[%dma_start3A_282, %dma_start3A_283] : memref<100000x64xf32, #tpu.memory_space<hbm>> -> memref<100000x64xf32, #tpu.memory_space<hbm>>
    tpu.enqueue_indirect_dma source(%dma_start3A_284 : memref<100000x64xf32, #tpu.memory_space<hbm>>) target(%dma_start3A_278 : memref<128x64xf32, #tpu.memory_space<vmem>>) offsets(%dma_start3A_281 : memref<128xi32, #tpu.memory_space<vmem>>) semaphore(%arg11 : memref<!tpu.dma_semaphore, #tpu.memory_space<semaphore_mem>>)
    %dma_start3A_285 = arith.constant 1 : i32
    %dma_start3A_286 = arith.constant 1 : i32
    %dma_start3A_287 = arith.constant 0 : i32
    %dma_start3A_288 = arith.constant 0 : i32
    %dma_start3A_289 = tpu.memref_slice %arg6[%dma_start3A_286, %dma_start3A_287, %dma_start3A_288] : memref<6x128x64xf32, #tpu.memory_space<vmem>> -> memref<1x128x64xf32, #tpu.memory_space<vmem>>
    %dma_start3A_290 = tpu.memref_squeeze %dma_start3A_289 : memref<1x128x64xf32, #tpu.memory_space<vmem>> -> memref<128x64xf32, #tpu.memory_space<vmem>>
    %dma_start3A_291 = arith.constant 0 : i32
    %dma_start3A_292 = tpu.memref_slice %arg5[%dma_start3A_285, %dma_start3A_291] : memref<50x128xi32, #tpu.memory_space<vmem>> -> memref<1x128xi32, #tpu.memory_space<vmem>>
    %dma_start3A_293 = tpu.memref_squeeze %dma_start3A_292 : memref<1x128xi32, #tpu.memory_space<vmem>> -> memref<128xi32, #tpu.memory_space<vmem>>
    %dma_start3A_294 = arith.constant 0 : i32
    %dma_start3A_295 = arith.constant 0 : i32
    %dma_start3A_296 = tpu.memref_slice %arg3[%dma_start3A_294, %dma_start3A_295] : memref<100000x64xf32, #tpu.memory_space<hbm>> -> memref<100000x64xf32, #tpu.memory_space<hbm>>
    tpu.enqueue_indirect_dma source(%dma_start3A_296 : memref<100000x64xf32, #tpu.memory_space<hbm>>) target(%dma_start3A_290 : memref<128x64xf32, #tpu.memory_space<vmem>>) offsets(%dma_start3A_293 : memref<128xi32, #tpu.memory_space<vmem>>) semaphore(%arg12 : memref<!tpu.dma_semaphore, #tpu.memory_space<semaphore_mem>>)
    %dma_start3A_297 = arith.constant 2 : i32
    %dma_start3A_298 = arith.constant 2 : i32
    %dma_start3A_299 = arith.constant 0 : i32
    %dma_start3A_300 = arith.constant 0 : i32
    %dma_start3A_301 = tpu.memref_slice %arg6[%dma_start3A_298, %dma_start3A_299, %dma_start3A_300] : memref<6x128x64xf32, #tpu.memory_space<vmem>> -> memref<1x128x64xf32, #tpu.memory_space<vmem>>
    %dma_start3A_302 = tpu.memref_squeeze %dma_start3A_301 : memref<1x128x64xf32, #tpu.memory_space<vmem>> -> memref<128x64xf32, #tpu.memory_space<vmem>>
    %dma_start3A_303 = arith.constant 0 : i32
    %dma_start3A_304 = tpu.memref_slice %arg5[%dma_start3A_297, %dma_start3A_303] : memref<50x128xi32, #tpu.memory_space<vmem>> -> memref<1x128xi32, #tpu.memory_space<vmem>>
    %dma_start3A_305 = tpu.memref_squeeze %dma_start3A_304 : memref<1x128xi32, #tpu.memory_space<vmem>> -> memref<128xi32, #tpu.memory_space<vmem>>
    %dma_start3A_306 = arith.constant 0 : i32
    %dma_start3A_307 = arith.constant 0 : i32
    %dma_start3A_308 = tpu.memref_slice %arg3[%dma_start3A_306, %dma_start3A_307] : memref<100000x64xf32, #tpu.memory_space<hbm>> -> memref<100000x64xf32, #tpu.memory_space<hbm>>
    tpu.enqueue_indirect_dma source(%dma_start3A_308 : memref<100000x64xf32, #tpu.memory_space<hbm>>) target(%dma_start3A_302 : memref<128x64xf32, #tpu.memory_space<vmem>>) offsets(%dma_start3A_305 : memref<128xi32, #tpu.memory_space<vmem>>) semaphore(%arg13 : memref<!tpu.dma_semaphore, #tpu.memory_space<semaphore_mem>>)
    %dma_start3A_309 = arith.constant 3 : i32
    %dma_start3A_310 = arith.constant 3 : i32
    %dma_start3A_311 = arith.constant 0 : i32
    %dma_start3A_312 = arith.constant 0 : i32
    %dma_start3A_313 = tpu.memref_slice %arg6[%dma_start3A_310, %dma_start3A_311, %dma_start3A_312] : memref<6x128x64xf32, #tpu.memory_space<vmem>> -> memref<1x128x64xf32, #tpu.memory_space<vmem>>
    %dma_start3A_314 = tpu.memref_squeeze %dma_start3A_313 : memref<1x128x64xf32, #tpu.memory_space<vmem>> -> memref<128x64xf32, #tpu.memory_space<vmem>>
    %dma_start3A_315 = arith.constant 0 : i32
    %dma_start3A_316 = tpu.memref_slice %arg5[%dma_start3A_309, %dma_start3A_315] : memref<50x128xi32, #tpu.memory_space<vmem>> -> memref<1x128xi32, #tpu.memory_space<vmem>>
    %dma_start3A_317 = tpu.memref_squeeze %dma_start3A_316 : memref<1x128xi32, #tpu.memory_space<vmem>> -> memref<128xi32, #tpu.memory_space<vmem>>
    %dma_start3A_318 = arith.constant 0 : i32
    %dma_start3A_319 = arith.constant 0 : i32
    %dma_start3A_320 = tpu.memref_slice %arg3[%dma_start3A_318, %dma_start3A_319] : memref<100000x64xf32, #tpu.memory_space<hbm>> -> memref<100000x64xf32, #tpu.memory_space<hbm>>
    tpu.enqueue_indirect_dma source(%dma_start3A_320 : memref<100000x64xf32, #tpu.memory_space<hbm>>) target(%dma_start3A_314 : memref<128x64xf32, #tpu.memory_space<vmem>>) offsets(%dma_start3A_317 : memref<128xi32, #tpu.memory_space<vmem>>) semaphore(%arg14 : memref<!tpu.dma_semaphore, #tpu.memory_space<semaphore_mem>>)
    %dma_wait3A_321 = arith.constant 0 : i32
    %dma_wait3A_322 = arith.constant 0 : i32
    %dma_wait3A_323 = arith.constant 0 : i32
    %dma_wait3A_324 = arith.constant 0 : i32
    %dma_wait3A_325 = tpu.memref_slice %arg6[%dma_wait3A_322, %dma_wait3A_323, %dma_wait3A_324] : memref<6x128x64xf32, #tpu.memory_space<vmem>> -> memref<1x128x64xf32, #tpu.memory_space<vmem>>
    %dma_wait3A_326 = tpu.memref_squeeze %dma_wait3A_325 : memref<1x128x64xf32, #tpu.memory_space<vmem>> -> memref<128x64xf32, #tpu.memory_space<vmem>>
    %dma_wait3A_327 = arith.constant 0 : i32
    %dma_wait3A_328 = tpu.memref_slice %arg5[%dma_wait3A_321, %dma_wait3A_327] : memref<50x128xi32, #tpu.memory_space<vmem>> -> memref<1x128xi32, #tpu.memory_space<vmem>>
    %dma_wait3A_329 = tpu.memref_squeeze %dma_wait3A_328 : memref<1x128xi32, #tpu.memory_space<vmem>> -> memref<128xi32, #tpu.memory_space<vmem>>
    %dma_wait3A_330 = arith.constant 0 : i32
    %dma_wait3A_331 = arith.constant 0 : i32
    %dma_wait3A_332 = tpu.memref_slice %arg3[%dma_wait3A_330, %dma_wait3A_331] : memref<100000x64xf32, #tpu.memory_space<hbm>> -> memref<100000x64xf32, #tpu.memory_space<hbm>>
    tpu.wait_indirect_dma semaphore(%arg11 : memref<!tpu.dma_semaphore, #tpu.memory_space<semaphore_mem>>) src(%dma_wait3A_332 : memref<100000x64xf32, #tpu.memory_space<hbm>>) dst(%dma_wait3A_326 : memref<128x64xf32, #tpu.memory_space<vmem>>)
    %add3A_333 = arith.constant 0 : i32
    %add3A_334 = arith.addi %mul3A_2, %add3A_333 : i32
    %dma_start3A_335 = arith.constant 0 : i32
    %dma_start3A_336 = arith.constant 0 : i32
    %dma_start3A_337 = arith.constant 0 : i32
    %dma_start3A_338 = tpu.memref_slice %arg6[%dma_start3A_335, %dma_start3A_336, %dma_start3A_337] : memref<6x128x64xf32, #tpu.memory_space<vmem>> -> memref<1x128x64xf32, #tpu.memory_space<vmem>>
    %dma_start3A_339 = tpu.memref_squeeze %dma_start3A_338 : memref<1x128x64xf32, #tpu.memory_space<vmem>> -> memref<128x64xf32, #tpu.memory_space<vmem>>
    %dma_start3A_340 = arith.constant 0 : i32
    %dma_start3A_341 = tpu.memref_slice %arg4[%add3A_334, %dma_start3A_340] : memref<204800x64xf32, #tpu.memory_space<hbm>> -> memref<128x64xf32, #tpu.memory_space<hbm>>
    %dma_start3A_342 = arith.constant 0 : i32
    %dma_start3A_343 = tpu.memref_slice %arg4[%add3A_334, %dma_start3A_342] : memref<204800x64xf32, #tpu.memory_space<hbm>> -> memref<128x64xf32, #tpu.memory_space<hbm>>
    %dma_start3A_344 = arith.constant 0 : i32
    %dma_start3A_345 = arith.constant 0 : i32
    %dma_start3A_346 = tpu.memref_slice %arg6[%dma_start3A_335, %dma_start3A_344, %dma_start3A_345] : memref<6x128x64xf32, #tpu.memory_space<vmem>> -> memref<1x128x64xf32, #tpu.memory_space<vmem>>
    %dma_start3A_347 = tpu.memref_squeeze %dma_start3A_346 : memref<1x128x64xf32, #tpu.memory_space<vmem>> -> memref<128x64xf32, #tpu.memory_space<vmem>>
    tpu.enqueue_dma source(%dma_start3A_347 : memref<128x64xf32, #tpu.memory_space<vmem>>) target(%dma_start3A_343 : memref<128x64xf32, #tpu.memory_space<hbm>>) target_semaphore(%arg17 : memref<!tpu.dma_semaphore, #tpu.memory_space<semaphore_mem>>)
    %dma_start3A_348 = arith.constant 4 : i32
    %dma_start3A_349 = arith.constant 4 : i32
    %dma_start3A_350 = arith.constant 0 : i32
    %dma_start3A_351 = arith.constant 0 : i32
    %dma_start3A_352 = tpu.memref_slice %arg6[%dma_start3A_349, %dma_start3A_350, %dma_start3A_351] : memref<6x128x64xf32, #tpu.memory_space<vmem>> -> memref<1x128x64xf32, #tpu.memory_space<vmem>>
    %dma_start3A_353 = tpu.memref_squeeze %dma_start3A_352 : memref<1x128x64xf32, #tpu.memory_space<vmem>> -> memref<128x64xf32, #tpu.memory_space<vmem>>
    %dma_start3A_354 = arith.constant 0 : i32
    %dma_start3A_355 = tpu.memref_slice %arg5[%dma_start3A_348, %dma_start3A_354] : memref<50x128xi32, #tpu.memory_space<vmem>> -> memref<1x128xi32, #tpu.memory_space<vmem>>
    %dma_start3A_356 = tpu.memref_squeeze %dma_start3A_355 : memref<1x128xi32, #tpu.memory_space<vmem>> -> memref<128xi32, #tpu.memory_space<vmem>>
    %dma_start3A_357 = arith.constant 0 : i32
    %dma_start3A_358 = arith.constant 0 : i32
    %dma_start3A_359 = tpu.memref_slice %arg3[%dma_start3A_357, %dma_start3A_358] : memref<100000x64xf32, #tpu.memory_space<hbm>> -> memref<100000x64xf32, #tpu.memory_space<hbm>>
    tpu.enqueue_indirect_dma source(%dma_start3A_359 : memref<100000x64xf32, #tpu.memory_space<hbm>>) target(%dma_start3A_353 : memref<128x64xf32, #tpu.memory_space<vmem>>) offsets(%dma_start3A_356 : memref<128xi32, #tpu.memory_space<vmem>>) semaphore(%arg15 : memref<!tpu.dma_semaphore, #tpu.memory_space<semaphore_mem>>)
    %dma_wait3A_360 = arith.constant 1 : i32
    %dma_wait3A_361 = arith.constant 1 : i32
    %dma_wait3A_362 = arith.constant 0 : i32
    %dma_wait3A_363 = arith.constant 0 : i32
    %dma_wait3A_364 = tpu.memref_slice %arg6[%dma_wait3A_361, %dma_wait3A_362, %dma_wait3A_363] : memref<6x128x64xf32, #tpu.memory_space<vmem>> -> memref<1x128x64xf32, #tpu.memory_space<vmem>>
    %dma_wait3A_365 = tpu.memref_squeeze %dma_wait3A_364 : memref<1x128x64xf32, #tpu.memory_space<vmem>> -> memref<128x64xf32, #tpu.memory_space<vmem>>
    %dma_wait3A_366 = arith.constant 0 : i32
    %dma_wait3A_367 = tpu.memref_slice %arg5[%dma_wait3A_360, %dma_wait3A_366] : memref<50x128xi32, #tpu.memory_space<vmem>> -> memref<1x128xi32, #tpu.memory_space<vmem>>
    %dma_wait3A_368 = tpu.memref_squeeze %dma_wait3A_367 : memref<1x128xi32, #tpu.memory_space<vmem>> -> memref<128xi32, #tpu.memory_space<vmem>>
    %dma_wait3A_369 = arith.constant 0 : i32
    %dma_wait3A_370 = arith.constant 0 : i32
    %dma_wait3A_371 = tpu.memref_slice %arg3[%dma_wait3A_369, %dma_wait3A_370] : memref<100000x64xf32, #tpu.memory_space<hbm>> -> memref<100000x64xf32, #tpu.memory_space<hbm>>
    tpu.wait_indirect_dma semaphore(%arg12 : memref<!tpu.dma_semaphore, #tpu.memory_space<semaphore_mem>>) src(%dma_wait3A_371 : memref<100000x64xf32, #tpu.memory_space<hbm>>) dst(%dma_wait3A_365 : memref<128x64xf32, #tpu.memory_space<vmem>>)
    %add3A_372 = arith.constant 128 : i32
    %add3A_373 = arith.addi %mul3A_2, %add3A_372 : i32
    %dma_start3A_374 = arith.constant 1 : i32
    %dma_start3A_375 = arith.constant 0 : i32
    %dma_start3A_376 = arith.constant 0 : i32
    %dma_start3A_377 = tpu.memref_slice %arg6[%dma_start3A_374, %dma_start3A_375, %dma_start3A_376] : memref<6x128x64xf32, #tpu.memory_space<vmem>> -> memref<1x128x64xf32, #tpu.memory_space<vmem>>
    %dma_start3A_378 = tpu.memref_squeeze %dma_start3A_377 : memref<1x128x64xf32, #tpu.memory_space<vmem>> -> memref<128x64xf32, #tpu.memory_space<vmem>>
    %dma_start3A_379 = arith.constant 0 : i32
    %dma_start3A_380 = tpu.memref_slice %arg4[%add3A_373, %dma_start3A_379] : memref<204800x64xf32, #tpu.memory_space<hbm>> -> memref<128x64xf32, #tpu.memory_space<hbm>>
    %dma_start3A_381 = arith.constant 0 : i32
    %dma_start3A_382 = tpu.memref_slice %arg4[%add3A_373, %dma_start3A_381] : memref<204800x64xf32, #tpu.memory_space<hbm>> -> memref<128x64xf32, #tpu.memory_space<hbm>>
    %dma_start3A_383 = arith.constant 0 : i32
    %dma_start3A_384 = arith.constant 0 : i32
    %dma_start3A_385 = tpu.memref_slice %arg6[%dma_start3A_374, %dma_start3A_383, %dma_start3A_384] : memref<6x128x64xf32, #tpu.memory_space<vmem>> -> memref<1x128x64xf32, #tpu.memory_space<vmem>>
    %dma_start3A_386 = tpu.memref_squeeze %dma_start3A_385 : memref<1x128x64xf32, #tpu.memory_space<vmem>> -> memref<128x64xf32, #tpu.memory_space<vmem>>
    tpu.enqueue_dma source(%dma_start3A_386 : memref<128x64xf32, #tpu.memory_space<vmem>>) target(%dma_start3A_382 : memref<128x64xf32, #tpu.memory_space<hbm>>) target_semaphore(%arg18 : memref<!tpu.dma_semaphore, #tpu.memory_space<semaphore_mem>>)
    %dma_start3A_387 = arith.constant 5 : i32
    %dma_start3A_388 = arith.constant 5 : i32
    %dma_start3A_389 = arith.constant 0 : i32
    %dma_start3A_390 = arith.constant 0 : i32
    %dma_start3A_391 = tpu.memref_slice %arg6[%dma_start3A_388, %dma_start3A_389, %dma_start3A_390] : memref<6x128x64xf32, #tpu.memory_space<vmem>> -> memref<1x128x64xf32, #tpu.memory_space<vmem>>
    %dma_start3A_392 = tpu.memref_squeeze %dma_start3A_391 : memref<1x128x64xf32, #tpu.memory_space<vmem>> -> memref<128x64xf32, #tpu.memory_space<vmem>>
    %dma_start3A_393 = arith.constant 0 : i32
    %dma_start3A_394 = tpu.memref_slice %arg5[%dma_start3A_387, %dma_start3A_393] : memref<50x128xi32, #tpu.memory_space<vmem>> -> memref<1x128xi32, #tpu.memory_space<vmem>>
    %dma_start3A_395 = tpu.memref_squeeze %dma_start3A_394 : memref<1x128xi32, #tpu.memory_space<vmem>> -> memref<128xi32, #tpu.memory_space<vmem>>
    %dma_start3A_396 = arith.constant 0 : i32
    %dma_start3A_397 = arith.constant 0 : i32
    %dma_start3A_398 = tpu.memref_slice %arg3[%dma_start3A_396, %dma_start3A_397] : memref<100000x64xf32, #tpu.memory_space<hbm>> -> memref<100000x64xf32, #tpu.memory_space<hbm>>
    tpu.enqueue_indirect_dma source(%dma_start3A_398 : memref<100000x64xf32, #tpu.memory_space<hbm>>) target(%dma_start3A_392 : memref<128x64xf32, #tpu.memory_space<vmem>>) offsets(%dma_start3A_395 : memref<128xi32, #tpu.memory_space<vmem>>) semaphore(%arg16 : memref<!tpu.dma_semaphore, #tpu.memory_space<semaphore_mem>>)
    %dma_wait3A_399 = arith.constant 2 : i32
    %dma_wait3A_400 = arith.constant 2 : i32
    %dma_wait3A_401 = arith.constant 0 : i32
    %dma_wait3A_402 = arith.constant 0 : i32
    %dma_wait3A_403 = tpu.memref_slice %arg6[%dma_wait3A_400, %dma_wait3A_401, %dma_wait3A_402] : memref<6x128x64xf32, #tpu.memory_space<vmem>> -> memref<1x128x64xf32, #tpu.memory_space<vmem>>
    %dma_wait3A_404 = tpu.memref_squeeze %dma_wait3A_403 : memref<1x128x64xf32, #tpu.memory_space<vmem>> -> memref<128x64xf32, #tpu.memory_space<vmem>>
    %dma_wait3A_405 = arith.constant 0 : i32
    %dma_wait3A_406 = tpu.memref_slice %arg5[%dma_wait3A_399, %dma_wait3A_405] : memref<50x128xi32, #tpu.memory_space<vmem>> -> memref<1x128xi32, #tpu.memory_space<vmem>>
    %dma_wait3A_407 = tpu.memref_squeeze %dma_wait3A_406 : memref<1x128xi32, #tpu.memory_space<vmem>> -> memref<128xi32, #tpu.memory_space<vmem>>
    %dma_wait3A_408 = arith.constant 0 : i32
    %dma_wait3A_409 = arith.constant 0 : i32
    %dma_wait3A_410 = tpu.memref_slice %arg3[%dma_wait3A_408, %dma_wait3A_409] : memref<100000x64xf32, #tpu.memory_space<hbm>> -> memref<100000x64xf32, #tpu.memory_space<hbm>>
    tpu.wait_indirect_dma semaphore(%arg13 : memref<!tpu.dma_semaphore, #tpu.memory_space<semaphore_mem>>) src(%dma_wait3A_410 : memref<100000x64xf32, #tpu.memory_space<hbm>>) dst(%dma_wait3A_404 : memref<128x64xf32, #tpu.memory_space<vmem>>)
    %add3A_411 = arith.constant 256 : i32
    %add3A_412 = arith.addi %mul3A_2, %add3A_411 : i32
    %dma_start3A_413 = arith.constant 2 : i32
    %dma_start3A_414 = arith.constant 0 : i32
    %dma_start3A_415 = arith.constant 0 : i32
    %dma_start3A_416 = tpu.memref_slice %arg6[%dma_start3A_413, %dma_start3A_414, %dma_start3A_415] : memref<6x128x64xf32, #tpu.memory_space<vmem>> -> memref<1x128x64xf32, #tpu.memory_space<vmem>>
    %dma_start3A_417 = tpu.memref_squeeze %dma_start3A_416 : memref<1x128x64xf32, #tpu.memory_space<vmem>> -> memref<128x64xf32, #tpu.memory_space<vmem>>
    %dma_start3A_418 = arith.constant 0 : i32
    %dma_start3A_419 = tpu.memref_slice %arg4[%add3A_412, %dma_start3A_418] : memref<204800x64xf32, #tpu.memory_space<hbm>> -> memref<128x64xf32, #tpu.memory_space<hbm>>
    %dma_start3A_420 = arith.constant 0 : i32
    %dma_start3A_421 = tpu.memref_slice %arg4[%add3A_412, %dma_start3A_420] : memref<204800x64xf32, #tpu.memory_space<hbm>> -> memref<128x64xf32, #tpu.memory_space<hbm>>
    %dma_start3A_422 = arith.constant 0 : i32
    %dma_start3A_423 = arith.constant 0 : i32
    %dma_start3A_424 = tpu.memref_slice %arg6[%dma_start3A_413, %dma_start3A_422, %dma_start3A_423] : memref<6x128x64xf32, #tpu.memory_space<vmem>> -> memref<1x128x64xf32, #tpu.memory_space<vmem>>
    %dma_start3A_425 = tpu.memref_squeeze %dma_start3A_424 : memref<1x128x64xf32, #tpu.memory_space<vmem>> -> memref<128x64xf32, #tpu.memory_space<vmem>>
    tpu.enqueue_dma source(%dma_start3A_425 : memref<128x64xf32, #tpu.memory_space<vmem>>) target(%dma_start3A_421 : memref<128x64xf32, #tpu.memory_space<hbm>>) target_semaphore(%arg19 : memref<!tpu.dma_semaphore, #tpu.memory_space<semaphore_mem>>)
    %dma_wait3A_426 = arith.constant 0 : i32
    %dma_wait3A_427 = arith.constant 0 : i32
    %dma_wait3A_428 = arith.constant 0 : i32
    %dma_wait3A_429 = tpu.memref_slice %arg6[%dma_wait3A_426, %dma_wait3A_427, %dma_wait3A_428] : memref<6x128x64xf32, #tpu.memory_space<vmem>> -> memref<1x128x64xf32, #tpu.memory_space<vmem>>
    %dma_wait3A_430 = tpu.memref_squeeze %dma_wait3A_429 : memref<1x128x64xf32, #tpu.memory_space<vmem>> -> memref<128x64xf32, #tpu.memory_space<vmem>>
    %dma_wait3A_431 = arith.constant 0 : i32
    %dma_wait3A_432 = tpu.memref_slice %arg4[%add3A_334, %dma_wait3A_431] : memref<204800x64xf32, #tpu.memory_space<hbm>> -> memref<128x64xf32, #tpu.memory_space<hbm>>
    %dma_wait3A_433 = arith.constant 0 : i32
    %dma_wait3A_434 = tpu.memref_slice %arg4[%add3A_334, %dma_wait3A_433] : memref<204800x64xf32, #tpu.memory_space<hbm>> -> memref<128x64xf32, #tpu.memory_space<hbm>>
    %dma_wait3A_435 = arith.constant 0 : i32
    %dma_wait3A_436 = arith.constant 0 : i32
    %dma_wait3A_437 = tpu.memref_slice %arg6[%dma_wait3A_426, %dma_wait3A_435, %dma_wait3A_436] : memref<6x128x64xf32, #tpu.memory_space<vmem>> -> memref<1x128x64xf32, #tpu.memory_space<vmem>>
    %dma_wait3A_438 = tpu.memref_squeeze %dma_wait3A_437 : memref<1x128x64xf32, #tpu.memory_space<vmem>> -> memref<128x64xf32, #tpu.memory_space<vmem>>
    tpu.wait_dma2 semaphore(%arg17 : memref<!tpu.dma_semaphore, #tpu.memory_space<semaphore_mem>>) src(%dma_wait3A_438 : memref<128x64xf32, #tpu.memory_space<vmem>>) dst(%dma_wait3A_434 : memref<128x64xf32, #tpu.memory_space<hbm>>)
    %dma_start3A_439 = arith.constant 6 : i32
    %dma_start3A_440 = arith.constant 0 : i32
    %dma_start3A_441 = arith.constant 0 : i32
    %dma_start3A_442 = arith.constant 0 : i32
    %dma_start3A_443 = tpu.memref_slice %arg6[%dma_start3A_440, %dma_start3A_441, %dma_start3A_442] : memref<6x128x64xf32, #tpu.memory_space<vmem>> -> memref<1x128x64xf32, #tpu.memory_space<vmem>>
    %dma_start3A_444 = tpu.memref_squeeze %dma_start3A_443 : memref<1x128x64xf32, #tpu.memory_space<vmem>> -> memref<128x64xf32, #tpu.memory_space<vmem>>
    %dma_start3A_445 = arith.constant 0 : i32
    %dma_start3A_446 = tpu.memref_slice %arg5[%dma_start3A_439, %dma_start3A_445] : memref<50x128xi32, #tpu.memory_space<vmem>> -> memref<1x128xi32, #tpu.memory_space<vmem>>
    %dma_start3A_447 = tpu.memref_squeeze %dma_start3A_446 : memref<1x128xi32, #tpu.memory_space<vmem>> -> memref<128xi32, #tpu.memory_space<vmem>>
    %dma_start3A_448 = arith.constant 0 : i32
    %dma_start3A_449 = arith.constant 0 : i32
    %dma_start3A_450 = tpu.memref_slice %arg3[%dma_start3A_448, %dma_start3A_449] : memref<100000x64xf32, #tpu.memory_space<hbm>> -> memref<100000x64xf32, #tpu.memory_space<hbm>>
    tpu.enqueue_indirect_dma source(%dma_start3A_450 : memref<100000x64xf32, #tpu.memory_space<hbm>>) target(%dma_start3A_444 : memref<128x64xf32, #tpu.memory_space<vmem>>) offsets(%dma_start3A_447 : memref<128xi32, #tpu.memory_space<vmem>>) semaphore(%arg11 : memref<!tpu.dma_semaphore, #tpu.memory_space<semaphore_mem>>)
    %dma_wait3A_451 = arith.constant 3 : i32
    %dma_wait3A_452 = arith.constant 3 : i32
    %dma_wait3A_453 = arith.constant 0 : i32
    %dma_wait3A_454 = arith.constant 0 : i32
    %dma_wait3A_455 = tpu.memref_slice %arg6[%dma_wait3A_452, %dma_wait3A_453, %dma_wait3A_454] : memref<6x128x64xf32, #tpu.memory_space<vmem>> -> memref<1x128x64xf32, #tpu.memory_space<vmem>>
    %dma_wait3A_456 = tpu.memref_squeeze %dma_wait3A_455 : memref<1x128x64xf32, #tpu.memory_space<vmem>> -> memref<128x64xf32, #tpu.memory_space<vmem>>
    %dma_wait3A_457 = arith.constant 0 : i32
    %dma_wait3A_458 = tpu.memref_slice %arg5[%dma_wait3A_451, %dma_wait3A_457] : memref<50x128xi32, #tpu.memory_space<vmem>> -> memref<1x128xi32, #tpu.memory_space<vmem>>
    %dma_wait3A_459 = tpu.memref_squeeze %dma_wait3A_458 : memref<1x128xi32, #tpu.memory_space<vmem>> -> memref<128xi32, #tpu.memory_space<vmem>>
    %dma_wait3A_460 = arith.constant 0 : i32
    %dma_wait3A_461 = arith.constant 0 : i32
    %dma_wait3A_462 = tpu.memref_slice %arg3[%dma_wait3A_460, %dma_wait3A_461] : memref<100000x64xf32, #tpu.memory_space<hbm>> -> memref<100000x64xf32, #tpu.memory_space<hbm>>
    tpu.wait_indirect_dma semaphore(%arg14 : memref<!tpu.dma_semaphore, #tpu.memory_space<semaphore_mem>>) src(%dma_wait3A_462 : memref<100000x64xf32, #tpu.memory_space<hbm>>) dst(%dma_wait3A_456 : memref<128x64xf32, #tpu.memory_space<vmem>>)
    %add3A_463 = arith.constant 384 : i32
    %add3A_464 = arith.addi %mul3A_2, %add3A_463 : i32
    %dma_start3A_465 = arith.constant 3 : i32
    %dma_start3A_466 = arith.constant 0 : i32
    %dma_start3A_467 = arith.constant 0 : i32
    %dma_start3A_468 = tpu.memref_slice %arg6[%dma_start3A_465, %dma_start3A_466, %dma_start3A_467] : memref<6x128x64xf32, #tpu.memory_space<vmem>> -> memref<1x128x64xf32, #tpu.memory_space<vmem>>
    %dma_start3A_469 = tpu.memref_squeeze %dma_start3A_468 : memref<1x128x64xf32, #tpu.memory_space<vmem>> -> memref<128x64xf32, #tpu.memory_space<vmem>>
    %dma_start3A_470 = arith.constant 0 : i32
    %dma_start3A_471 = tpu.memref_slice %arg4[%add3A_464, %dma_start3A_470] : memref<204800x64xf32, #tpu.memory_space<hbm>> -> memref<128x64xf32, #tpu.memory_space<hbm>>
    %dma_start3A_472 = arith.constant 0 : i32
    %dma_start3A_473 = tpu.memref_slice %arg4[%add3A_464, %dma_start3A_472] : memref<204800x64xf32, #tpu.memory_space<hbm>> -> memref<128x64xf32, #tpu.memory_space<hbm>>
    %dma_start3A_474 = arith.constant 0 : i32
    %dma_start3A_475 = arith.constant 0 : i32
    %dma_start3A_476 = tpu.memref_slice %arg6[%dma_start3A_465, %dma_start3A_474, %dma_start3A_475] : memref<6x128x64xf32, #tpu.memory_space<vmem>> -> memref<1x128x64xf32, #tpu.memory_space<vmem>>
    %dma_start3A_477 = tpu.memref_squeeze %dma_start3A_476 : memref<1x128x64xf32, #tpu.memory_space<vmem>> -> memref<128x64xf32, #tpu.memory_space<vmem>>
    tpu.enqueue_dma source(%dma_start3A_477 : memref<128x64xf32, #tpu.memory_space<vmem>>) target(%dma_start3A_473 : memref<128x64xf32, #tpu.memory_space<hbm>>) target_semaphore(%arg20 : memref<!tpu.dma_semaphore, #tpu.memory_space<semaphore_mem>>)
    %dma_wait3A_478 = arith.constant 1 : i32
    %dma_wait3A_479 = arith.constant 0 : i32
    %dma_wait3A_480 = arith.constant 0 : i32
    %dma_wait3A_481 = tpu.memref_slice %arg6[%dma_wait3A_478, %dma_wait3A_479, %dma_wait3A_480] : memref<6x128x64xf32, #tpu.memory_space<vmem>> -> memref<1x128x64xf32, #tpu.memory_space<vmem>>
    %dma_wait3A_482 = tpu.memref_squeeze %dma_wait3A_481 : memref<1x128x64xf32, #tpu.memory_space<vmem>> -> memref<128x64xf32, #tpu.memory_space<vmem>>
    %dma_wait3A_483 = arith.constant 0 : i32
    %dma_wait3A_484 = tpu.memref_slice %arg4[%add3A_373, %dma_wait3A_483] : memref<204800x64xf32, #tpu.memory_space<hbm>> -> memref<128x64xf32, #tpu.memory_space<hbm>>
    %dma_wait3A_485 = arith.constant 0 : i32
    %dma_wait3A_486 = tpu.memref_slice %arg4[%add3A_373, %dma_wait3A_485] : memref<204800x64xf32, #tpu.memory_space<hbm>> -> memref<128x64xf32, #tpu.memory_space<hbm>>
    %dma_wait3A_487 = arith.constant 0 : i32
    %dma_wait3A_488 = arith.constant 0 : i32
    %dma_wait3A_489 = tpu.memref_slice %arg6[%dma_wait3A_478, %dma_wait3A_487, %dma_wait3A_488] : memref<6x128x64xf32, #tpu.memory_space<vmem>> -> memref<1x128x64xf32, #tpu.memory_space<vmem>>
    %dma_wait3A_490 = tpu.memref_squeeze %dma_wait3A_489 : memref<1x128x64xf32, #tpu.memory_space<vmem>> -> memref<128x64xf32, #tpu.memory_space<vmem>>
    tpu.wait_dma2 semaphore(%arg18 : memref<!tpu.dma_semaphore, #tpu.memory_space<semaphore_mem>>) src(%dma_wait3A_490 : memref<128x64xf32, #tpu.memory_space<vmem>>) dst(%dma_wait3A_486 : memref<128x64xf32, #tpu.memory_space<hbm>>)
    %dma_start3A_491 = arith.constant 7 : i32
    %dma_start3A_492 = arith.constant 1 : i32
    %dma_start3A_493 = arith.constant 0 : i32
    %dma_start3A_494 = arith.constant 0 : i32
    %dma_start3A_495 = tpu.memref_slice %arg6[%dma_start3A_492, %dma_start3A_493, %dma_start3A_494] : memref<6x128x64xf32, #tpu.memory_space<vmem>> -> memref<1x128x64xf32, #tpu.memory_space<vmem>>
    %dma_start3A_496 = tpu.memref_squeeze %dma_start3A_495 : memref<1x128x64xf32, #tpu.memory_space<vmem>> -> memref<128x64xf32, #tpu.memory_space<vmem>>
    %dma_start3A_497 = arith.constant 0 : i32
    %dma_start3A_498 = tpu.memref_slice %arg5[%dma_start3A_491, %dma_start3A_497] : memref<50x128xi32, #tpu.memory_space<vmem>> -> memref<1x128xi32, #tpu.memory_space<vmem>>
    %dma_start3A_499 = tpu.memref_squeeze %dma_start3A_498 : memref<1x128xi32, #tpu.memory_space<vmem>> -> memref<128xi32, #tpu.memory_space<vmem>>
    %dma_start3A_500 = arith.constant 0 : i32
    %dma_start3A_501 = arith.constant 0 : i32
    %dma_start3A_502 = tpu.memref_slice %arg3[%dma_start3A_500, %dma_start3A_501] : memref<100000x64xf32, #tpu.memory_space<hbm>> -> memref<100000x64xf32, #tpu.memory_space<hbm>>
    tpu.enqueue_indirect_dma source(%dma_start3A_502 : memref<100000x64xf32, #tpu.memory_space<hbm>>) target(%dma_start3A_496 : memref<128x64xf32, #tpu.memory_space<vmem>>) offsets(%dma_start3A_499 : memref<128xi32, #tpu.memory_space<vmem>>) semaphore(%arg12 : memref<!tpu.dma_semaphore, #tpu.memory_space<semaphore_mem>>)
    %dma_wait3A_503 = arith.constant 4 : i32
    %dma_wait3A_504 = arith.constant 4 : i32
    %dma_wait3A_505 = arith.constant 0 : i32
    %dma_wait3A_506 = arith.constant 0 : i32
    %dma_wait3A_507 = tpu.memref_slice %arg6[%dma_wait3A_504, %dma_wait3A_505, %dma_wait3A_506] : memref<6x128x64xf32, #tpu.memory_space<vmem>> -> memref<1x128x64xf32, #tpu.memory_space<vmem>>
    %dma_wait3A_508 = tpu.memref_squeeze %dma_wait3A_507 : memref<1x128x64xf32, #tpu.memory_space<vmem>> -> memref<128x64xf32, #tpu.memory_space<vmem>>
    %dma_wait3A_509 = arith.constant 0 : i32
    %dma_wait3A_510 = tpu.memref_slice %arg5[%dma_wait3A_503, %dma_wait3A_509] : memref<50x128xi32, #tpu.memory_space<vmem>> -> memref<1x128xi32, #tpu.memory_space<vmem>>
    %dma_wait3A_511 = tpu.memref_squeeze %dma_wait3A_510 : memref<1x128xi32, #tpu.memory_space<vmem>> -> memref<128xi32, #tpu.memory_space<vmem>>
    %dma_wait3A_512 = arith.constant 0 : i32
    %dma_wait3A_513 = arith.constant 0 : i32
    %dma_wait3A_514 = tpu.memref_slice %arg3[%dma_wait3A_512, %dma_wait3A_513] : memref<100000x64xf32, #tpu.memory_space<hbm>> -> memref<100000x64xf32, #tpu.memory_space<hbm>>
    tpu.wait_indirect_dma semaphore(%arg15 : memref<!tpu.dma_semaphore, #tpu.memory_space<semaphore_mem>>) src(%dma_wait3A_514 : memref<100000x64xf32, #tpu.memory_space<hbm>>) dst(%dma_wait3A_508 : memref<128x64xf32, #tpu.memory_space<vmem>>)
    %add3A_515 = arith.constant 512 : i32
    %add3A_516 = arith.addi %mul3A_2, %add3A_515 : i32
    %dma_start3A_517 = arith.constant 4 : i32
    %dma_start3A_518 = arith.constant 0 : i32
    %dma_start3A_519 = arith.constant 0 : i32
    %dma_start3A_520 = tpu.memref_slice %arg6[%dma_start3A_517, %dma_start3A_518, %dma_start3A_519] : memref<6x128x64xf32, #tpu.memory_space<vmem>> -> memref<1x128x64xf32, #tpu.memory_space<vmem>>
    %dma_start3A_521 = tpu.memref_squeeze %dma_start3A_520 : memref<1x128x64xf32, #tpu.memory_space<vmem>> -> memref<128x64xf32, #tpu.memory_space<vmem>>
    %dma_start3A_522 = arith.constant 0 : i32
    %dma_start3A_523 = tpu.memref_slice %arg4[%add3A_516, %dma_start3A_522] : memref<204800x64xf32, #tpu.memory_space<hbm>> -> memref<128x64xf32, #tpu.memory_space<hbm>>
    %dma_start3A_524 = arith.constant 0 : i32
    %dma_start3A_525 = tpu.memref_slice %arg4[%add3A_516, %dma_start3A_524] : memref<204800x64xf32, #tpu.memory_space<hbm>> -> memref<128x64xf32, #tpu.memory_space<hbm>>
    %dma_start3A_526 = arith.constant 0 : i32
    %dma_start3A_527 = arith.constant 0 : i32
    %dma_start3A_528 = tpu.memref_slice %arg6[%dma_start3A_517, %dma_start3A_526, %dma_start3A_527] : memref<6x128x64xf32, #tpu.memory_space<vmem>> -> memref<1x128x64xf32, #tpu.memory_space<vmem>>
    %dma_start3A_529 = tpu.memref_squeeze %dma_start3A_528 : memref<1x128x64xf32, #tpu.memory_space<vmem>> -> memref<128x64xf32, #tpu.memory_space<vmem>>
    tpu.enqueue_dma source(%dma_start3A_529 : memref<128x64xf32, #tpu.memory_space<vmem>>) target(%dma_start3A_525 : memref<128x64xf32, #tpu.memory_space<hbm>>) target_semaphore(%arg21 : memref<!tpu.dma_semaphore, #tpu.memory_space<semaphore_mem>>)
    %dma_wait3A_530 = arith.constant 2 : i32
    %dma_wait3A_531 = arith.constant 0 : i32
    %dma_wait3A_532 = arith.constant 0 : i32
    %dma_wait3A_533 = tpu.memref_slice %arg6[%dma_wait3A_530, %dma_wait3A_531, %dma_wait3A_532] : memref<6x128x64xf32, #tpu.memory_space<vmem>> -> memref<1x128x64xf32, #tpu.memory_space<vmem>>
    %dma_wait3A_534 = tpu.memref_squeeze %dma_wait3A_533 : memref<1x128x64xf32, #tpu.memory_space<vmem>> -> memref<128x64xf32, #tpu.memory_space<vmem>>
    %dma_wait3A_535 = arith.constant 0 : i32
    %dma_wait3A_536 = tpu.memref_slice %arg4[%add3A_412, %dma_wait3A_535] : memref<204800x64xf32, #tpu.memory_space<hbm>> -> memref<128x64xf32, #tpu.memory_space<hbm>>
    %dma_wait3A_537 = arith.constant 0 : i32
    %dma_wait3A_538 = tpu.memref_slice %arg4[%add3A_412, %dma_wait3A_537] : memref<204800x64xf32, #tpu.memory_space<hbm>> -> memref<128x64xf32, #tpu.memory_space<hbm>>
    %dma_wait3A_539 = arith.constant 0 : i32
    %dma_wait3A_540 = arith.constant 0 : i32
    %dma_wait3A_541 = tpu.memref_slice %arg6[%dma_wait3A_530, %dma_wait3A_539, %dma_wait3A_540] : memref<6x128x64xf32, #tpu.memory_space<vmem>> -> memref<1x128x64xf32, #tpu.memory_space<vmem>>
    %dma_wait3A_542 = tpu.memref_squeeze %dma_wait3A_541 : memref<1x128x64xf32, #tpu.memory_space<vmem>> -> memref<128x64xf32, #tpu.memory_space<vmem>>
    tpu.wait_dma2 semaphore(%arg19 : memref<!tpu.dma_semaphore, #tpu.memory_space<semaphore_mem>>) src(%dma_wait3A_542 : memref<128x64xf32, #tpu.memory_space<vmem>>) dst(%dma_wait3A_538 : memref<128x64xf32, #tpu.memory_space<hbm>>)
    %dma_start3A_543 = arith.constant 8 : i32
    %dma_start3A_544 = arith.constant 2 : i32
    %dma_start3A_545 = arith.constant 0 : i32
    %dma_start3A_546 = arith.constant 0 : i32
    %dma_start3A_547 = tpu.memref_slice %arg6[%dma_start3A_544, %dma_start3A_545, %dma_start3A_546] : memref<6x128x64xf32, #tpu.memory_space<vmem>> -> memref<1x128x64xf32, #tpu.memory_space<vmem>>
    %dma_start3A_548 = tpu.memref_squeeze %dma_start3A_547 : memref<1x128x64xf32, #tpu.memory_space<vmem>> -> memref<128x64xf32, #tpu.memory_space<vmem>>
    %dma_start3A_549 = arith.constant 0 : i32
    %dma_start3A_550 = tpu.memref_slice %arg5[%dma_start3A_543, %dma_start3A_549] : memref<50x128xi32, #tpu.memory_space<vmem>> -> memref<1x128xi32, #tpu.memory_space<vmem>>
    %dma_start3A_551 = tpu.memref_squeeze %dma_start3A_550 : memref<1x128xi32, #tpu.memory_space<vmem>> -> memref<128xi32, #tpu.memory_space<vmem>>
    %dma_start3A_552 = arith.constant 0 : i32
    %dma_start3A_553 = arith.constant 0 : i32
    %dma_start3A_554 = tpu.memref_slice %arg3[%dma_start3A_552, %dma_start3A_553] : memref<100000x64xf32, #tpu.memory_space<hbm>> -> memref<100000x64xf32, #tpu.memory_space<hbm>>
    tpu.enqueue_indirect_dma source(%dma_start3A_554 : memref<100000x64xf32, #tpu.memory_space<hbm>>) target(%dma_start3A_548 : memref<128x64xf32, #tpu.memory_space<vmem>>) offsets(%dma_start3A_551 : memref<128xi32, #tpu.memory_space<vmem>>) semaphore(%arg13 : memref<!tpu.dma_semaphore, #tpu.memory_space<semaphore_mem>>)
    %dma_wait3A_555 = arith.constant 5 : i32
    %dma_wait3A_556 = arith.constant 5 : i32
    %dma_wait3A_557 = arith.constant 0 : i32
    %dma_wait3A_558 = arith.constant 0 : i32
    %dma_wait3A_559 = tpu.memref_slice %arg6[%dma_wait3A_556, %dma_wait3A_557, %dma_wait3A_558] : memref<6x128x64xf32, #tpu.memory_space<vmem>> -> memref<1x128x64xf32, #tpu.memory_space<vmem>>
    %dma_wait3A_560 = tpu.memref_squeeze %dma_wait3A_559 : memref<1x128x64xf32, #tpu.memory_space<vmem>> -> memref<128x64xf32, #tpu.memory_space<vmem>>
    %dma_wait3A_561 = arith.constant 0 : i32
    %dma_wait3A_562 = tpu.memref_slice %arg5[%dma_wait3A_555, %dma_wait3A_561] : memref<50x128xi32, #tpu.memory_space<vmem>> -> memref<1x128xi32, #tpu.memory_space<vmem>>
    %dma_wait3A_563 = tpu.memref_squeeze %dma_wait3A_562 : memref<1x128xi32, #tpu.memory_space<vmem>> -> memref<128xi32, #tpu.memory_space<vmem>>
    %dma_wait3A_564 = arith.constant 0 : i32
    %dma_wait3A_565 = arith.constant 0 : i32
    %dma_wait3A_566 = tpu.memref_slice %arg3[%dma_wait3A_564, %dma_wait3A_565] : memref<100000x64xf32, #tpu.memory_space<hbm>> -> memref<100000x64xf32, #tpu.memory_space<hbm>>
    tpu.wait_indirect_dma semaphore(%arg16 : memref<!tpu.dma_semaphore, #tpu.memory_space<semaphore_mem>>) src(%dma_wait3A_566 : memref<100000x64xf32, #tpu.memory_space<hbm>>) dst(%dma_wait3A_560 : memref<128x64xf32, #tpu.memory_space<vmem>>)
    %add3A_567 = arith.constant 640 : i32
    %add3A_568 = arith.addi %mul3A_2, %add3A_567 : i32
    %dma_start3A_569 = arith.constant 5 : i32
    %dma_start3A_570 = arith.constant 0 : i32
    %dma_start3A_571 = arith.constant 0 : i32
    %dma_start3A_572 = tpu.memref_slice %arg6[%dma_start3A_569, %dma_start3A_570, %dma_start3A_571] : memref<6x128x64xf32, #tpu.memory_space<vmem>> -> memref<1x128x64xf32, #tpu.memory_space<vmem>>
    %dma_start3A_573 = tpu.memref_squeeze %dma_start3A_572 : memref<1x128x64xf32, #tpu.memory_space<vmem>> -> memref<128x64xf32, #tpu.memory_space<vmem>>
    %dma_start3A_574 = arith.constant 0 : i32
    %dma_start3A_575 = tpu.memref_slice %arg4[%add3A_568, %dma_start3A_574] : memref<204800x64xf32, #tpu.memory_space<hbm>> -> memref<128x64xf32, #tpu.memory_space<hbm>>
    %dma_start3A_576 = arith.constant 0 : i32
    %dma_start3A_577 = tpu.memref_slice %arg4[%add3A_568, %dma_start3A_576] : memref<204800x64xf32, #tpu.memory_space<hbm>> -> memref<128x64xf32, #tpu.memory_space<hbm>>
    %dma_start3A_578 = arith.constant 0 : i32
    %dma_start3A_579 = arith.constant 0 : i32
    %dma_start3A_580 = tpu.memref_slice %arg6[%dma_start3A_569, %dma_start3A_578, %dma_start3A_579] : memref<6x128x64xf32, #tpu.memory_space<vmem>> -> memref<1x128x64xf32, #tpu.memory_space<vmem>>
    %dma_start3A_581 = tpu.memref_squeeze %dma_start3A_580 : memref<1x128x64xf32, #tpu.memory_space<vmem>> -> memref<128x64xf32, #tpu.memory_space<vmem>>
    tpu.enqueue_dma source(%dma_start3A_581 : memref<128x64xf32, #tpu.memory_space<vmem>>) target(%dma_start3A_577 : memref<128x64xf32, #tpu.memory_space<hbm>>) target_semaphore(%arg22 : memref<!tpu.dma_semaphore, #tpu.memory_space<semaphore_mem>>)
    %dma_wait3A_582 = arith.constant 3 : i32
    %dma_wait3A_583 = arith.constant 0 : i32
    %dma_wait3A_584 = arith.constant 0 : i32
    %dma_wait3A_585 = tpu.memref_slice %arg6[%dma_wait3A_582, %dma_wait3A_583, %dma_wait3A_584] : memref<6x128x64xf32, #tpu.memory_space<vmem>> -> memref<1x128x64xf32, #tpu.memory_space<vmem>>
    %dma_wait3A_586 = tpu.memref_squeeze %dma_wait3A_585 : memref<1x128x64xf32, #tpu.memory_space<vmem>> -> memref<128x64xf32, #tpu.memory_space<vmem>>
    %dma_wait3A_587 = arith.constant 0 : i32
    %dma_wait3A_588 = tpu.memref_slice %arg4[%add3A_464, %dma_wait3A_587] : memref<204800x64xf32, #tpu.memory_space<hbm>> -> memref<128x64xf32, #tpu.memory_space<hbm>>
    %dma_wait3A_589 = arith.constant 0 : i32
    %dma_wait3A_590 = tpu.memref_slice %arg4[%add3A_464, %dma_wait3A_589] : memref<204800x64xf32, #tpu.memory_space<hbm>> -> memref<128x64xf32, #tpu.memory_space<hbm>>
    %dma_wait3A_591 = arith.constant 0 : i32
    %dma_wait3A_592 = arith.constant 0 : i32
    %dma_wait3A_593 = tpu.memref_slice %arg6[%dma_wait3A_582, %dma_wait3A_591, %dma_wait3A_592] : memref<6x128x64xf32, #tpu.memory_space<vmem>> -> memref<1x128x64xf32, #tpu.memory_space<vmem>>
    %dma_wait3A_594 = tpu.memref_squeeze %dma_wait3A_593 : memref<1x128x64xf32, #tpu.memory_space<vmem>> -> memref<128x64xf32, #tpu.memory_space<vmem>>
    tpu.wait_dma2 semaphore(%arg20 : memref<!tpu.dma_semaphore, #tpu.memory_space<semaphore_mem>>) src(%dma_wait3A_594 : memref<128x64xf32, #tpu.memory_space<vmem>>) dst(%dma_wait3A_590 : memref<128x64xf32, #tpu.memory_space<hbm>>)
    %dma_start3A_595 = arith.constant 9 : i32
    %dma_start3A_596 = arith.constant 3 : i32
    %dma_start3A_597 = arith.constant 0 : i32
    %dma_start3A_598 = arith.constant 0 : i32
    %dma_start3A_599 = tpu.memref_slice %arg6[%dma_start3A_596, %dma_start3A_597, %dma_start3A_598] : memref<6x128x64xf32, #tpu.memory_space<vmem>> -> memref<1x128x64xf32, #tpu.memory_space<vmem>>
    %dma_start3A_600 = tpu.memref_squeeze %dma_start3A_599 : memref<1x128x64xf32, #tpu.memory_space<vmem>> -> memref<128x64xf32, #tpu.memory_space<vmem>>
    %dma_start3A_601 = arith.constant 0 : i32
    %dma_start3A_602 = tpu.memref_slice %arg5[%dma_start3A_595, %dma_start3A_601] : memref<50x128xi32, #tpu.memory_space<vmem>> -> memref<1x128xi32, #tpu.memory_space<vmem>>
    %dma_start3A_603 = tpu.memref_squeeze %dma_start3A_602 : memref<1x128xi32, #tpu.memory_space<vmem>> -> memref<128xi32, #tpu.memory_space<vmem>>
    %dma_start3A_604 = arith.constant 0 : i32
    %dma_start3A_605 = arith.constant 0 : i32
    %dma_start3A_606 = tpu.memref_slice %arg3[%dma_start3A_604, %dma_start3A_605] : memref<100000x64xf32, #tpu.memory_space<hbm>> -> memref<100000x64xf32, #tpu.memory_space<hbm>>
    tpu.enqueue_indirect_dma source(%dma_start3A_606 : memref<100000x64xf32, #tpu.memory_space<hbm>>) target(%dma_start3A_600 : memref<128x64xf32, #tpu.memory_space<vmem>>) offsets(%dma_start3A_603 : memref<128xi32, #tpu.memory_space<vmem>>) semaphore(%arg14 : memref<!tpu.dma_semaphore, #tpu.memory_space<semaphore_mem>>)
    %dma_wait3A_607 = arith.constant 6 : i32
    %dma_wait3A_608 = arith.constant 0 : i32
    %dma_wait3A_609 = arith.constant 0 : i32
    %dma_wait3A_610 = arith.constant 0 : i32
    %dma_wait3A_611 = tpu.memref_slice %arg6[%dma_wait3A_608, %dma_wait3A_609, %dma_wait3A_610] : memref<6x128x64xf32, #tpu.memory_space<vmem>> -> memref<1x128x64xf32, #tpu.memory_space<vmem>>
    %dma_wait3A_612 = tpu.memref_squeeze %dma_wait3A_611 : memref<1x128x64xf32, #tpu.memory_space<vmem>> -> memref<128x64xf32, #tpu.memory_space<vmem>>
    %dma_wait3A_613 = arith.constant 0 : i32
    %dma_wait3A_614 = tpu.memref_slice %arg5[%dma_wait3A_607, %dma_wait3A_613] : memref<50x128xi32, #tpu.memory_space<vmem>> -> memref<1x128xi32, #tpu.memory_space<vmem>>
    %dma_wait3A_615 = tpu.memref_squeeze %dma_wait3A_614 : memref<1x128xi32, #tpu.memory_space<vmem>> -> memref<128xi32, #tpu.memory_space<vmem>>
    %dma_wait3A_616 = arith.constant 0 : i32
    %dma_wait3A_617 = arith.constant 0 : i32
    %dma_wait3A_618 = tpu.memref_slice %arg3[%dma_wait3A_616, %dma_wait3A_617] : memref<100000x64xf32, #tpu.memory_space<hbm>> -> memref<100000x64xf32, #tpu.memory_space<hbm>>
    tpu.wait_indirect_dma semaphore(%arg11 : memref<!tpu.dma_semaphore, #tpu.memory_space<semaphore_mem>>) src(%dma_wait3A_618 : memref<100000x64xf32, #tpu.memory_space<hbm>>) dst(%dma_wait3A_612 : memref<128x64xf32, #tpu.memory_space<vmem>>)
    %add3A_619 = arith.constant 768 : i32
    %add3A_620 = arith.addi %mul3A_2, %add3A_619 : i32
    %dma_start3A_621 = arith.constant 0 : i32
    %dma_start3A_622 = arith.constant 0 : i32
    %dma_start3A_623 = arith.constant 0 : i32
    %dma_start3A_624 = tpu.memref_slice %arg6[%dma_start3A_621, %dma_start3A_622, %dma_start3A_623] : memref<6x128x64xf32, #tpu.memory_space<vmem>> -> memref<1x128x64xf32, #tpu.memory_space<vmem>>
    %dma_start3A_625 = tpu.memref_squeeze %dma_start3A_624 : memref<1x128x64xf32, #tpu.memory_space<vmem>> -> memref<128x64xf32, #tpu.memory_space<vmem>>
    %dma_start3A_626 = arith.constant 0 : i32
    %dma_start3A_627 = tpu.memref_slice %arg4[%add3A_620, %dma_start3A_626] : memref<204800x64xf32, #tpu.memory_space<hbm>> -> memref<128x64xf32, #tpu.memory_space<hbm>>
    %dma_start3A_628 = arith.constant 0 : i32
    %dma_start3A_629 = tpu.memref_slice %arg4[%add3A_620, %dma_start3A_628] : memref<204800x64xf32, #tpu.memory_space<hbm>> -> memref<128x64xf32, #tpu.memory_space<hbm>>
    %dma_start3A_630 = arith.constant 0 : i32
    %dma_start3A_631 = arith.constant 0 : i32
    %dma_start3A_632 = tpu.memref_slice %arg6[%dma_start3A_621, %dma_start3A_630, %dma_start3A_631] : memref<6x128x64xf32, #tpu.memory_space<vmem>> -> memref<1x128x64xf32, #tpu.memory_space<vmem>>
    %dma_start3A_633 = tpu.memref_squeeze %dma_start3A_632 : memref<1x128x64xf32, #tpu.memory_space<vmem>> -> memref<128x64xf32, #tpu.memory_space<vmem>>
    tpu.enqueue_dma source(%dma_start3A_633 : memref<128x64xf32, #tpu.memory_space<vmem>>) target(%dma_start3A_629 : memref<128x64xf32, #tpu.memory_space<hbm>>) target_semaphore(%arg17 : memref<!tpu.dma_semaphore, #tpu.memory_space<semaphore_mem>>)
    %dma_wait3A_634 = arith.constant 4 : i32
    %dma_wait3A_635 = arith.constant 0 : i32
    %dma_wait3A_636 = arith.constant 0 : i32
    %dma_wait3A_637 = tpu.memref_slice %arg6[%dma_wait3A_634, %dma_wait3A_635, %dma_wait3A_636] : memref<6x128x64xf32, #tpu.memory_space<vmem>> -> memref<1x128x64xf32, #tpu.memory_space<vmem>>
    %dma_wait3A_638 = tpu.memref_squeeze %dma_wait3A_637 : memref<1x128x64xf32, #tpu.memory_space<vmem>> -> memref<128x64xf32, #tpu.memory_space<vmem>>
    %dma_wait3A_639 = arith.constant 0 : i32
    %dma_wait3A_640 = tpu.memref_slice %arg4[%add3A_516, %dma_wait3A_639] : memref<204800x64xf32, #tpu.memory_space<hbm>> -> memref<128x64xf32, #tpu.memory_space<hbm>>
    %dma_wait3A_641 = arith.constant 0 : i32
    %dma_wait3A_642 = tpu.memref_slice %arg4[%add3A_516, %dma_wait3A_641] : memref<204800x64xf32, #tpu.memory_space<hbm>> -> memref<128x64xf32, #tpu.memory_space<hbm>>
    %dma_wait3A_643 = arith.constant 0 : i32
    %dma_wait3A_644 = arith.constant 0 : i32
    %dma_wait3A_645 = tpu.memref_slice %arg6[%dma_wait3A_634, %dma_wait3A_643, %dma_wait3A_644] : memref<6x128x64xf32, #tpu.memory_space<vmem>> -> memref<1x128x64xf32, #tpu.memory_space<vmem>>
    %dma_wait3A_646 = tpu.memref_squeeze %dma_wait3A_645 : memref<1x128x64xf32, #tpu.memory_space<vmem>> -> memref<128x64xf32, #tpu.memory_space<vmem>>
    tpu.wait_dma2 semaphore(%arg21 : memref<!tpu.dma_semaphore, #tpu.memory_space<semaphore_mem>>) src(%dma_wait3A_646 : memref<128x64xf32, #tpu.memory_space<vmem>>) dst(%dma_wait3A_642 : memref<128x64xf32, #tpu.memory_space<hbm>>)
    %dma_start3A_647 = arith.constant 10 : i32
    %dma_start3A_648 = arith.constant 4 : i32
    %dma_start3A_649 = arith.constant 0 : i32
    %dma_start3A_650 = arith.constant 0 : i32
    %dma_start3A_651 = tpu.memref_slice %arg6[%dma_start3A_648, %dma_start3A_649, %dma_start3A_650] : memref<6x128x64xf32, #tpu.memory_space<vmem>> -> memref<1x128x64xf32, #tpu.memory_space<vmem>>
    %dma_start3A_652 = tpu.memref_squeeze %dma_start3A_651 : memref<1x128x64xf32, #tpu.memory_space<vmem>> -> memref<128x64xf32, #tpu.memory_space<vmem>>
    %dma_start3A_653 = arith.constant 0 : i32
    %dma_start3A_654 = tpu.memref_slice %arg5[%dma_start3A_647, %dma_start3A_653] : memref<50x128xi32, #tpu.memory_space<vmem>> -> memref<1x128xi32, #tpu.memory_space<vmem>>
    %dma_start3A_655 = tpu.memref_squeeze %dma_start3A_654 : memref<1x128xi32, #tpu.memory_space<vmem>> -> memref<128xi32, #tpu.memory_space<vmem>>
    %dma_start3A_656 = arith.constant 0 : i32
    %dma_start3A_657 = arith.constant 0 : i32
    %dma_start3A_658 = tpu.memref_slice %arg3[%dma_start3A_656, %dma_start3A_657] : memref<100000x64xf32, #tpu.memory_space<hbm>> -> memref<100000x64xf32, #tpu.memory_space<hbm>>
    tpu.enqueue_indirect_dma source(%dma_start3A_658 : memref<100000x64xf32, #tpu.memory_space<hbm>>) target(%dma_start3A_652 : memref<128x64xf32, #tpu.memory_space<vmem>>) offsets(%dma_start3A_655 : memref<128xi32, #tpu.memory_space<vmem>>) semaphore(%arg15 : memref<!tpu.dma_semaphore, #tpu.memory_space<semaphore_mem>>)
    %dma_wait3A_659 = arith.constant 7 : i32
    %dma_wait3A_660 = arith.constant 1 : i32
    %dma_wait3A_661 = arith.constant 0 : i32
    %dma_wait3A_662 = arith.constant 0 : i32
    %dma_wait3A_663 = tpu.memref_slice %arg6[%dma_wait3A_660, %dma_wait3A_661, %dma_wait3A_662] : memref<6x128x64xf32, #tpu.memory_space<vmem>> -> memref<1x128x64xf32, #tpu.memory_space<vmem>>
    %dma_wait3A_664 = tpu.memref_squeeze %dma_wait3A_663 : memref<1x128x64xf32, #tpu.memory_space<vmem>> -> memref<128x64xf32, #tpu.memory_space<vmem>>
    %dma_wait3A_665 = arith.constant 0 : i32
    %dma_wait3A_666 = tpu.memref_slice %arg5[%dma_wait3A_659, %dma_wait3A_665] : memref<50x128xi32, #tpu.memory_space<vmem>> -> memref<1x128xi32, #tpu.memory_space<vmem>>
    %dma_wait3A_667 = tpu.memref_squeeze %dma_wait3A_666 : memref<1x128xi32, #tpu.memory_space<vmem>> -> memref<128xi32, #tpu.memory_space<vmem>>
    %dma_wait3A_668 = arith.constant 0 : i32
    %dma_wait3A_669 = arith.constant 0 : i32
    %dma_wait3A_670 = tpu.memref_slice %arg3[%dma_wait3A_668, %dma_wait3A_669] : memref<100000x64xf32, #tpu.memory_space<hbm>> -> memref<100000x64xf32, #tpu.memory_space<hbm>>
    tpu.wait_indirect_dma semaphore(%arg12 : memref<!tpu.dma_semaphore, #tpu.memory_space<semaphore_mem>>) src(%dma_wait3A_670 : memref<100000x64xf32, #tpu.memory_space<hbm>>) dst(%dma_wait3A_664 : memref<128x64xf32, #tpu.memory_space<vmem>>)
    %add3A_671 = arith.constant 896 : i32
    %add3A_672 = arith.addi %mul3A_2, %add3A_671 : i32
    %dma_start3A_673 = arith.constant 1 : i32
    %dma_start3A_674 = arith.constant 0 : i32
    %dma_start3A_675 = arith.constant 0 : i32
    %dma_start3A_676 = tpu.memref_slice %arg6[%dma_start3A_673, %dma_start3A_674, %dma_start3A_675] : memref<6x128x64xf32, #tpu.memory_space<vmem>> -> memref<1x128x64xf32, #tpu.memory_space<vmem>>
    %dma_start3A_677 = tpu.memref_squeeze %dma_start3A_676 : memref<1x128x64xf32, #tpu.memory_space<vmem>> -> memref<128x64xf32, #tpu.memory_space<vmem>>
    %dma_start3A_678 = arith.constant 0 : i32
    %dma_start3A_679 = tpu.memref_slice %arg4[%add3A_672, %dma_start3A_678] : memref<204800x64xf32, #tpu.memory_space<hbm>> -> memref<128x64xf32, #tpu.memory_space<hbm>>
    %dma_start3A_680 = arith.constant 0 : i32
    %dma_start3A_681 = tpu.memref_slice %arg4[%add3A_672, %dma_start3A_680] : memref<204800x64xf32, #tpu.memory_space<hbm>> -> memref<128x64xf32, #tpu.memory_space<hbm>>
    %dma_start3A_682 = arith.constant 0 : i32
    %dma_start3A_683 = arith.constant 0 : i32
    %dma_start3A_684 = tpu.memref_slice %arg6[%dma_start3A_673, %dma_start3A_682, %dma_start3A_683] : memref<6x128x64xf32, #tpu.memory_space<vmem>> -> memref<1x128x64xf32, #tpu.memory_space<vmem>>
    %dma_start3A_685 = tpu.memref_squeeze %dma_start3A_684 : memref<1x128x64xf32, #tpu.memory_space<vmem>> -> memref<128x64xf32, #tpu.memory_space<vmem>>
    tpu.enqueue_dma source(%dma_start3A_685 : memref<128x64xf32, #tpu.memory_space<vmem>>) target(%dma_start3A_681 : memref<128x64xf32, #tpu.memory_space<hbm>>) target_semaphore(%arg18 : memref<!tpu.dma_semaphore, #tpu.memory_space<semaphore_mem>>)
    %dma_wait3A_686 = arith.constant 5 : i32
    %dma_wait3A_687 = arith.constant 0 : i32
    %dma_wait3A_688 = arith.constant 0 : i32
    %dma_wait3A_689 = tpu.memref_slice %arg6[%dma_wait3A_686, %dma_wait3A_687, %dma_wait3A_688] : memref<6x128x64xf32, #tpu.memory_space<vmem>> -> memref<1x128x64xf32, #tpu.memory_space<vmem>>
    %dma_wait3A_690 = tpu.memref_squeeze %dma_wait3A_689 : memref<1x128x64xf32, #tpu.memory_space<vmem>> -> memref<128x64xf32, #tpu.memory_space<vmem>>
    %dma_wait3A_691 = arith.constant 0 : i32
    %dma_wait3A_692 = tpu.memref_slice %arg4[%add3A_568, %dma_wait3A_691] : memref<204800x64xf32, #tpu.memory_space<hbm>> -> memref<128x64xf32, #tpu.memory_space<hbm>>
    %dma_wait3A_693 = arith.constant 0 : i32
    %dma_wait3A_694 = tpu.memref_slice %arg4[%add3A_568, %dma_wait3A_693] : memref<204800x64xf32, #tpu.memory_space<hbm>> -> memref<128x64xf32, #tpu.memory_space<hbm>>
    %dma_wait3A_695 = arith.constant 0 : i32
    %dma_wait3A_696 = arith.constant 0 : i32
    %dma_wait3A_697 = tpu.memref_slice %arg6[%dma_wait3A_686, %dma_wait3A_695, %dma_wait3A_696] : memref<6x128x64xf32, #tpu.memory_space<vmem>> -> memref<1x128x64xf32, #tpu.memory_space<vmem>>
    %dma_wait3A_698 = tpu.memref_squeeze %dma_wait3A_697 : memref<1x128x64xf32, #tpu.memory_space<vmem>> -> memref<128x64xf32, #tpu.memory_space<vmem>>
    tpu.wait_dma2 semaphore(%arg22 : memref<!tpu.dma_semaphore, #tpu.memory_space<semaphore_mem>>) src(%dma_wait3A_698 : memref<128x64xf32, #tpu.memory_space<vmem>>) dst(%dma_wait3A_694 : memref<128x64xf32, #tpu.memory_space<hbm>>)
    %dma_start3A_699 = arith.constant 11 : i32
    %dma_start3A_700 = arith.constant 5 : i32
    %dma_start3A_701 = arith.constant 0 : i32
    %dma_start3A_702 = arith.constant 0 : i32
    %dma_start3A_703 = tpu.memref_slice %arg6[%dma_start3A_700, %dma_start3A_701, %dma_start3A_702] : memref<6x128x64xf32, #tpu.memory_space<vmem>> -> memref<1x128x64xf32, #tpu.memory_space<vmem>>
    %dma_start3A_704 = tpu.memref_squeeze %dma_start3A_703 : memref<1x128x64xf32, #tpu.memory_space<vmem>> -> memref<128x64xf32, #tpu.memory_space<vmem>>
    %dma_start3A_705 = arith.constant 0 : i32
    %dma_start3A_706 = tpu.memref_slice %arg5[%dma_start3A_699, %dma_start3A_705] : memref<50x128xi32, #tpu.memory_space<vmem>> -> memref<1x128xi32, #tpu.memory_space<vmem>>
    %dma_start3A_707 = tpu.memref_squeeze %dma_start3A_706 : memref<1x128xi32, #tpu.memory_space<vmem>> -> memref<128xi32, #tpu.memory_space<vmem>>
    %dma_start3A_708 = arith.constant 0 : i32
    %dma_start3A_709 = arith.constant 0 : i32
    %dma_start3A_710 = tpu.memref_slice %arg3[%dma_start3A_708, %dma_start3A_709] : memref<100000x64xf32, #tpu.memory_space<hbm>> -> memref<100000x64xf32, #tpu.memory_space<hbm>>
    tpu.enqueue_indirect_dma source(%dma_start3A_710 : memref<100000x64xf32, #tpu.memory_space<hbm>>) target(%dma_start3A_704 : memref<128x64xf32, #tpu.memory_space<vmem>>) offsets(%dma_start3A_707 : memref<128xi32, #tpu.memory_space<vmem>>) semaphore(%arg16 : memref<!tpu.dma_semaphore, #tpu.memory_space<semaphore_mem>>)
    %dma_wait3A_711 = arith.constant 8 : i32
    %dma_wait3A_712 = arith.constant 2 : i32
    %dma_wait3A_713 = arith.constant 0 : i32
    %dma_wait3A_714 = arith.constant 0 : i32
    %dma_wait3A_715 = tpu.memref_slice %arg6[%dma_wait3A_712, %dma_wait3A_713, %dma_wait3A_714] : memref<6x128x64xf32, #tpu.memory_space<vmem>> -> memref<1x128x64xf32, #tpu.memory_space<vmem>>
    %dma_wait3A_716 = tpu.memref_squeeze %dma_wait3A_715 : memref<1x128x64xf32, #tpu.memory_space<vmem>> -> memref<128x64xf32, #tpu.memory_space<vmem>>
    %dma_wait3A_717 = arith.constant 0 : i32
    %dma_wait3A_718 = tpu.memref_slice %arg5[%dma_wait3A_711, %dma_wait3A_717] : memref<50x128xi32, #tpu.memory_space<vmem>> -> memref<1x128xi32, #tpu.memory_space<vmem>>
    %dma_wait3A_719 = tpu.memref_squeeze %dma_wait3A_718 : memref<1x128xi32, #tpu.memory_space<vmem>> -> memref<128xi32, #tpu.memory_space<vmem>>
    %dma_wait3A_720 = arith.constant 0 : i32
    %dma_wait3A_721 = arith.constant 0 : i32
    %dma_wait3A_722 = tpu.memref_slice %arg3[%dma_wait3A_720, %dma_wait3A_721] : memref<100000x64xf32, #tpu.memory_space<hbm>> -> memref<100000x64xf32, #tpu.memory_space<hbm>>
    tpu.wait_indirect_dma semaphore(%arg13 : memref<!tpu.dma_semaphore, #tpu.memory_space<semaphore_mem>>) src(%dma_wait3A_722 : memref<100000x64xf32, #tpu.memory_space<hbm>>) dst(%dma_wait3A_716 : memref<128x64xf32, #tpu.memory_space<vmem>>)
    %add3A_723 = arith.constant 1024 : i32
    %add3A_724 = arith.addi %mul3A_2, %add3A_723 : i32
    %dma_start3A_725 = arith.constant 2 : i32
    %dma_start3A_726 = arith.constant 0 : i32
    %dma_start3A_727 = arith.constant 0 : i32
    %dma_start3A_728 = tpu.memref_slice %arg6[%dma_start3A_725, %dma_start3A_726, %dma_start3A_727] : memref<6x128x64xf32, #tpu.memory_space<vmem>> -> memref<1x128x64xf32, #tpu.memory_space<vmem>>
    %dma_start3A_729 = tpu.memref_squeeze %dma_start3A_728 : memref<1x128x64xf32, #tpu.memory_space<vmem>> -> memref<128x64xf32, #tpu.memory_space<vmem>>
    %dma_start3A_730 = arith.constant 0 : i32
    %dma_start3A_731 = tpu.memref_slice %arg4[%add3A_724, %dma_start3A_730] : memref<204800x64xf32, #tpu.memory_space<hbm>> -> memref<128x64xf32, #tpu.memory_space<hbm>>
    %dma_start3A_732 = arith.constant 0 : i32
    %dma_start3A_733 = tpu.memref_slice %arg4[%add3A_724, %dma_start3A_732] : memref<204800x64xf32, #tpu.memory_space<hbm>> -> memref<128x64xf32, #tpu.memory_space<hbm>>
    %dma_start3A_734 = arith.constant 0 : i32
    %dma_start3A_735 = arith.constant 0 : i32
    %dma_start3A_736 = tpu.memref_slice %arg6[%dma_start3A_725, %dma_start3A_734, %dma_start3A_735] : memref<6x128x64xf32, #tpu.memory_space<vmem>> -> memref<1x128x64xf32, #tpu.memory_space<vmem>>
    %dma_start3A_737 = tpu.memref_squeeze %dma_start3A_736 : memref<1x128x64xf32, #tpu.memory_space<vmem>> -> memref<128x64xf32, #tpu.memory_space<vmem>>
    tpu.enqueue_dma source(%dma_start3A_737 : memref<128x64xf32, #tpu.memory_space<vmem>>) target(%dma_start3A_733 : memref<128x64xf32, #tpu.memory_space<hbm>>) target_semaphore(%arg19 : memref<!tpu.dma_semaphore, #tpu.memory_space<semaphore_mem>>)
    %dma_wait3A_738 = arith.constant 0 : i32
    %dma_wait3A_739 = arith.constant 0 : i32
    %dma_wait3A_740 = arith.constant 0 : i32
    %dma_wait3A_741 = tpu.memref_slice %arg6[%dma_wait3A_738, %dma_wait3A_739, %dma_wait3A_740] : memref<6x128x64xf32, #tpu.memory_space<vmem>> -> memref<1x128x64xf32, #tpu.memory_space<vmem>>
    %dma_wait3A_742 = tpu.memref_squeeze %dma_wait3A_741 : memref<1x128x64xf32, #tpu.memory_space<vmem>> -> memref<128x64xf32, #tpu.memory_space<vmem>>
    %dma_wait3A_743 = arith.constant 0 : i32
    %dma_wait3A_744 = tpu.memref_slice %arg4[%add3A_620, %dma_wait3A_743] : memref<204800x64xf32, #tpu.memory_space<hbm>> -> memref<128x64xf32, #tpu.memory_space<hbm>>
    %dma_wait3A_745 = arith.constant 0 : i32
    %dma_wait3A_746 = tpu.memref_slice %arg4[%add3A_620, %dma_wait3A_745] : memref<204800x64xf32, #tpu.memory_space<hbm>> -> memref<128x64xf32, #tpu.memory_space<hbm>>
    %dma_wait3A_747 = arith.constant 0 : i32
    %dma_wait3A_748 = arith.constant 0 : i32
    %dma_wait3A_749 = tpu.memref_slice %arg6[%dma_wait3A_738, %dma_wait3A_747, %dma_wait3A_748] : memref<6x128x64xf32, #tpu.memory_space<vmem>> -> memref<1x128x64xf32, #tpu.memory_space<vmem>>
    %dma_wait3A_750 = tpu.memref_squeeze %dma_wait3A_749 : memref<1x128x64xf32, #tpu.memory_space<vmem>> -> memref<128x64xf32, #tpu.memory_space<vmem>>
    tpu.wait_dma2 semaphore(%arg17 : memref<!tpu.dma_semaphore, #tpu.memory_space<semaphore_mem>>) src(%dma_wait3A_750 : memref<128x64xf32, #tpu.memory_space<vmem>>) dst(%dma_wait3A_746 : memref<128x64xf32, #tpu.memory_space<hbm>>)
    %dma_start3A_751 = arith.constant 12 : i32
    %dma_start3A_752 = arith.constant 0 : i32
    %dma_start3A_753 = arith.constant 0 : i32
    %dma_start3A_754 = arith.constant 0 : i32
    %dma_start3A_755 = tpu.memref_slice %arg6[%dma_start3A_752, %dma_start3A_753, %dma_start3A_754] : memref<6x128x64xf32, #tpu.memory_space<vmem>> -> memref<1x128x64xf32, #tpu.memory_space<vmem>>
    %dma_start3A_756 = tpu.memref_squeeze %dma_start3A_755 : memref<1x128x64xf32, #tpu.memory_space<vmem>> -> memref<128x64xf32, #tpu.memory_space<vmem>>
    %dma_start3A_757 = arith.constant 0 : i32
    %dma_start3A_758 = tpu.memref_slice %arg5[%dma_start3A_751, %dma_start3A_757] : memref<50x128xi32, #tpu.memory_space<vmem>> -> memref<1x128xi32, #tpu.memory_space<vmem>>
    %dma_start3A_759 = tpu.memref_squeeze %dma_start3A_758 : memref<1x128xi32, #tpu.memory_space<vmem>> -> memref<128xi32, #tpu.memory_space<vmem>>
    %dma_start3A_760 = arith.constant 0 : i32
    %dma_start3A_761 = arith.constant 0 : i32
    %dma_start3A_762 = tpu.memref_slice %arg3[%dma_start3A_760, %dma_start3A_761] : memref<100000x64xf32, #tpu.memory_space<hbm>> -> memref<100000x64xf32, #tpu.memory_space<hbm>>
    tpu.enqueue_indirect_dma source(%dma_start3A_762 : memref<100000x64xf32, #tpu.memory_space<hbm>>) target(%dma_start3A_756 : memref<128x64xf32, #tpu.memory_space<vmem>>) offsets(%dma_start3A_759 : memref<128xi32, #tpu.memory_space<vmem>>) semaphore(%arg11 : memref<!tpu.dma_semaphore, #tpu.memory_space<semaphore_mem>>)
    %dma_wait3A_763 = arith.constant 9 : i32
    %dma_wait3A_764 = arith.constant 3 : i32
    %dma_wait3A_765 = arith.constant 0 : i32
    %dma_wait3A_766 = arith.constant 0 : i32
    %dma_wait3A_767 = tpu.memref_slice %arg6[%dma_wait3A_764, %dma_wait3A_765, %dma_wait3A_766] : memref<6x128x64xf32, #tpu.memory_space<vmem>> -> memref<1x128x64xf32, #tpu.memory_space<vmem>>
    %dma_wait3A_768 = tpu.memref_squeeze %dma_wait3A_767 : memref<1x128x64xf32, #tpu.memory_space<vmem>> -> memref<128x64xf32, #tpu.memory_space<vmem>>
    %dma_wait3A_769 = arith.constant 0 : i32
    %dma_wait3A_770 = tpu.memref_slice %arg5[%dma_wait3A_763, %dma_wait3A_769] : memref<50x128xi32, #tpu.memory_space<vmem>> -> memref<1x128xi32, #tpu.memory_space<vmem>>
    %dma_wait3A_771 = tpu.memref_squeeze %dma_wait3A_770 : memref<1x128xi32, #tpu.memory_space<vmem>> -> memref<128xi32, #tpu.memory_space<vmem>>
    %dma_wait3A_772 = arith.constant 0 : i32
    %dma_wait3A_773 = arith.constant 0 : i32
    %dma_wait3A_774 = tpu.memref_slice %arg3[%dma_wait3A_772, %dma_wait3A_773] : memref<100000x64xf32, #tpu.memory_space<hbm>> -> memref<100000x64xf32, #tpu.memory_space<hbm>>
    tpu.wait_indirect_dma semaphore(%arg14 : memref<!tpu.dma_semaphore, #tpu.memory_space<semaphore_mem>>) src(%dma_wait3A_774 : memref<100000x64xf32, #tpu.memory_space<hbm>>) dst(%dma_wait3A_768 : memref<128x64xf32, #tpu.memory_space<vmem>>)
    %add3A_775 = arith.constant 1152 : i32
    %add3A_776 = arith.addi %mul3A_2, %add3A_775 : i32
    %dma_start3A_777 = arith.constant 3 : i32
    %dma_start3A_778 = arith.constant 0 : i32
    %dma_start3A_779 = arith.constant 0 : i32
    %dma_start3A_780 = tpu.memref_slice %arg6[%dma_start3A_777, %dma_start3A_778, %dma_start3A_779] : memref<6x128x64xf32, #tpu.memory_space<vmem>> -> memref<1x128x64xf32, #tpu.memory_space<vmem>>
    %dma_start3A_781 = tpu.memref_squeeze %dma_start3A_780 : memref<1x128x64xf32, #tpu.memory_space<vmem>> -> memref<128x64xf32, #tpu.memory_space<vmem>>
    %dma_start3A_782 = arith.constant 0 : i32
    %dma_start3A_783 = tpu.memref_slice %arg4[%add3A_776, %dma_start3A_782] : memref<204800x64xf32, #tpu.memory_space<hbm>> -> memref<128x64xf32, #tpu.memory_space<hbm>>
    %dma_start3A_784 = arith.constant 0 : i32
    %dma_start3A_785 = tpu.memref_slice %arg4[%add3A_776, %dma_start3A_784] : memref<204800x64xf32, #tpu.memory_space<hbm>> -> memref<128x64xf32, #tpu.memory_space<hbm>>
    %dma_start3A_786 = arith.constant 0 : i32
    %dma_start3A_787 = arith.constant 0 : i32
    %dma_start3A_788 = tpu.memref_slice %arg6[%dma_start3A_777, %dma_start3A_786, %dma_start3A_787] : memref<6x128x64xf32, #tpu.memory_space<vmem>> -> memref<1x128x64xf32, #tpu.memory_space<vmem>>
    %dma_start3A_789 = tpu.memref_squeeze %dma_start3A_788 : memref<1x128x64xf32, #tpu.memory_space<vmem>> -> memref<128x64xf32, #tpu.memory_space<vmem>>
    tpu.enqueue_dma source(%dma_start3A_789 : memref<128x64xf32, #tpu.memory_space<vmem>>) target(%dma_start3A_785 : memref<128x64xf32, #tpu.memory_space<hbm>>) target_semaphore(%arg20 : memref<!tpu.dma_semaphore, #tpu.memory_space<semaphore_mem>>)
    %dma_wait3A_790 = arith.constant 1 : i32
    %dma_wait3A_791 = arith.constant 0 : i32
    %dma_wait3A_792 = arith.constant 0 : i32
    %dma_wait3A_793 = tpu.memref_slice %arg6[%dma_wait3A_790, %dma_wait3A_791, %dma_wait3A_792] : memref<6x128x64xf32, #tpu.memory_space<vmem>> -> memref<1x128x64xf32, #tpu.memory_space<vmem>>
    %dma_wait3A_794 = tpu.memref_squeeze %dma_wait3A_793 : memref<1x128x64xf32, #tpu.memory_space<vmem>> -> memref<128x64xf32, #tpu.memory_space<vmem>>
    %dma_wait3A_795 = arith.constant 0 : i32
    %dma_wait3A_796 = tpu.memref_slice %arg4[%add3A_672, %dma_wait3A_795] : memref<204800x64xf32, #tpu.memory_space<hbm>> -> memref<128x64xf32, #tpu.memory_space<hbm>>
    %dma_wait3A_797 = arith.constant 0 : i32
    %dma_wait3A_798 = tpu.memref_slice %arg4[%add3A_672, %dma_wait3A_797] : memref<204800x64xf32, #tpu.memory_space<hbm>> -> memref<128x64xf32, #tpu.memory_space<hbm>>
    %dma_wait3A_799 = arith.constant 0 : i32
    %dma_wait3A_800 = arith.constant 0 : i32
    %dma_wait3A_801 = tpu.memref_slice %arg6[%dma_wait3A_790, %dma_wait3A_799, %dma_wait3A_800] : memref<6x128x64xf32, #tpu.memory_space<vmem>> -> memref<1x128x64xf32, #tpu.memory_space<vmem>>
    %dma_wait3A_802 = tpu.memref_squeeze %dma_wait3A_801 : memref<1x128x64xf32, #tpu.memory_space<vmem>> -> memref<128x64xf32, #tpu.memory_space<vmem>>
    tpu.wait_dma2 semaphore(%arg18 : memref<!tpu.dma_semaphore, #tpu.memory_space<semaphore_mem>>) src(%dma_wait3A_802 : memref<128x64xf32, #tpu.memory_space<vmem>>) dst(%dma_wait3A_798 : memref<128x64xf32, #tpu.memory_space<hbm>>)
    %dma_start3A_803 = arith.constant 13 : i32
    %dma_start3A_804 = arith.constant 1 : i32
    %dma_start3A_805 = arith.constant 0 : i32
    %dma_start3A_806 = arith.constant 0 : i32
    %dma_start3A_807 = tpu.memref_slice %arg6[%dma_start3A_804, %dma_start3A_805, %dma_start3A_806] : memref<6x128x64xf32, #tpu.memory_space<vmem>> -> memref<1x128x64xf32, #tpu.memory_space<vmem>>
    %dma_start3A_808 = tpu.memref_squeeze %dma_start3A_807 : memref<1x128x64xf32, #tpu.memory_space<vmem>> -> memref<128x64xf32, #tpu.memory_space<vmem>>
    %dma_start3A_809 = arith.constant 0 : i32
    %dma_start3A_810 = tpu.memref_slice %arg5[%dma_start3A_803, %dma_start3A_809] : memref<50x128xi32, #tpu.memory_space<vmem>> -> memref<1x128xi32, #tpu.memory_space<vmem>>
    %dma_start3A_811 = tpu.memref_squeeze %dma_start3A_810 : memref<1x128xi32, #tpu.memory_space<vmem>> -> memref<128xi32, #tpu.memory_space<vmem>>
    %dma_start3A_812 = arith.constant 0 : i32
    %dma_start3A_813 = arith.constant 0 : i32
    %dma_start3A_814 = tpu.memref_slice %arg3[%dma_start3A_812, %dma_start3A_813] : memref<100000x64xf32, #tpu.memory_space<hbm>> -> memref<100000x64xf32, #tpu.memory_space<hbm>>
    tpu.enqueue_indirect_dma source(%dma_start3A_814 : memref<100000x64xf32, #tpu.memory_space<hbm>>) target(%dma_start3A_808 : memref<128x64xf32, #tpu.memory_space<vmem>>) offsets(%dma_start3A_811 : memref<128xi32, #tpu.memory_space<vmem>>) semaphore(%arg12 : memref<!tpu.dma_semaphore, #tpu.memory_space<semaphore_mem>>)
    %dma_wait3A_815 = arith.constant 10 : i32
    %dma_wait3A_816 = arith.constant 4 : i32
    %dma_wait3A_817 = arith.constant 0 : i32
    %dma_wait3A_818 = arith.constant 0 : i32
    %dma_wait3A_819 = tpu.memref_slice %arg6[%dma_wait3A_816, %dma_wait3A_817, %dma_wait3A_818] : memref<6x128x64xf32, #tpu.memory_space<vmem>> -> memref<1x128x64xf32, #tpu.memory_space<vmem>>
    %dma_wait3A_820 = tpu.memref_squeeze %dma_wait3A_819 : memref<1x128x64xf32, #tpu.memory_space<vmem>> -> memref<128x64xf32, #tpu.memory_space<vmem>>
    %dma_wait3A_821 = arith.constant 0 : i32
    %dma_wait3A_822 = tpu.memref_slice %arg5[%dma_wait3A_815, %dma_wait3A_821] : memref<50x128xi32, #tpu.memory_space<vmem>> -> memref<1x128xi32, #tpu.memory_space<vmem>>
    %dma_wait3A_823 = tpu.memref_squeeze %dma_wait3A_822 : memref<1x128xi32, #tpu.memory_space<vmem>> -> memref<128xi32, #tpu.memory_space<vmem>>
    %dma_wait3A_824 = arith.constant 0 : i32
    %dma_wait3A_825 = arith.constant 0 : i32
    %dma_wait3A_826 = tpu.memref_slice %arg3[%dma_wait3A_824, %dma_wait3A_825] : memref<100000x64xf32, #tpu.memory_space<hbm>> -> memref<100000x64xf32, #tpu.memory_space<hbm>>
    tpu.wait_indirect_dma semaphore(%arg15 : memref<!tpu.dma_semaphore, #tpu.memory_space<semaphore_mem>>) src(%dma_wait3A_826 : memref<100000x64xf32, #tpu.memory_space<hbm>>) dst(%dma_wait3A_820 : memref<128x64xf32, #tpu.memory_space<vmem>>)
    %add3A_827 = arith.constant 1280 : i32
    %add3A_828 = arith.addi %mul3A_2, %add3A_827 : i32
    %dma_start3A_829 = arith.constant 4 : i32
    %dma_start3A_830 = arith.constant 0 : i32
    %dma_start3A_831 = arith.constant 0 : i32
    %dma_start3A_832 = tpu.memref_slice %arg6[%dma_start3A_829, %dma_start3A_830, %dma_start3A_831] : memref<6x128x64xf32, #tpu.memory_space<vmem>> -> memref<1x128x64xf32, #tpu.memory_space<vmem>>
    %dma_start3A_833 = tpu.memref_squeeze %dma_start3A_832 : memref<1x128x64xf32, #tpu.memory_space<vmem>> -> memref<128x64xf32, #tpu.memory_space<vmem>>
    %dma_start3A_834 = arith.constant 0 : i32
    %dma_start3A_835 = tpu.memref_slice %arg4[%add3A_828, %dma_start3A_834] : memref<204800x64xf32, #tpu.memory_space<hbm>> -> memref<128x64xf32, #tpu.memory_space<hbm>>
    %dma_start3A_836 = arith.constant 0 : i32
    %dma_start3A_837 = tpu.memref_slice %arg4[%add3A_828, %dma_start3A_836] : memref<204800x64xf32, #tpu.memory_space<hbm>> -> memref<128x64xf32, #tpu.memory_space<hbm>>
    %dma_start3A_838 = arith.constant 0 : i32
    %dma_start3A_839 = arith.constant 0 : i32
    %dma_start3A_840 = tpu.memref_slice %arg6[%dma_start3A_829, %dma_start3A_838, %dma_start3A_839] : memref<6x128x64xf32, #tpu.memory_space<vmem>> -> memref<1x128x64xf32, #tpu.memory_space<vmem>>
    %dma_start3A_841 = tpu.memref_squeeze %dma_start3A_840 : memref<1x128x64xf32, #tpu.memory_space<vmem>> -> memref<128x64xf32, #tpu.memory_space<vmem>>
    tpu.enqueue_dma source(%dma_start3A_841 : memref<128x64xf32, #tpu.memory_space<vmem>>) target(%dma_start3A_837 : memref<128x64xf32, #tpu.memory_space<hbm>>) target_semaphore(%arg21 : memref<!tpu.dma_semaphore, #tpu.memory_space<semaphore_mem>>)
    %dma_wait3A_842 = arith.constant 2 : i32
    %dma_wait3A_843 = arith.constant 0 : i32
    %dma_wait3A_844 = arith.constant 0 : i32
    %dma_wait3A_845 = tpu.memref_slice %arg6[%dma_wait3A_842, %dma_wait3A_843, %dma_wait3A_844] : memref<6x128x64xf32, #tpu.memory_space<vmem>> -> memref<1x128x64xf32, #tpu.memory_space<vmem>>
    %dma_wait3A_846 = tpu.memref_squeeze %dma_wait3A_845 : memref<1x128x64xf32, #tpu.memory_space<vmem>> -> memref<128x64xf32, #tpu.memory_space<vmem>>
    %dma_wait3A_847 = arith.constant 0 : i32
    %dma_wait3A_848 = tpu.memref_slice %arg4[%add3A_724, %dma_wait3A_847] : memref<204800x64xf32, #tpu.memory_space<hbm>> -> memref<128x64xf32, #tpu.memory_space<hbm>>
    %dma_wait3A_849 = arith.constant 0 : i32
    %dma_wait3A_850 = tpu.memref_slice %arg4[%add3A_724, %dma_wait3A_849] : memref<204800x64xf32, #tpu.memory_space<hbm>> -> memref<128x64xf32, #tpu.memory_space<hbm>>
    %dma_wait3A_851 = arith.constant 0 : i32
    %dma_wait3A_852 = arith.constant 0 : i32
    %dma_wait3A_853 = tpu.memref_slice %arg6[%dma_wait3A_842, %dma_wait3A_851, %dma_wait3A_852] : memref<6x128x64xf32, #tpu.memory_space<vmem>> -> memref<1x128x64xf32, #tpu.memory_space<vmem>>
    %dma_wait3A_854 = tpu.memref_squeeze %dma_wait3A_853 : memref<1x128x64xf32, #tpu.memory_space<vmem>> -> memref<128x64xf32, #tpu.memory_space<vmem>>
    tpu.wait_dma2 semaphore(%arg19 : memref<!tpu.dma_semaphore, #tpu.memory_space<semaphore_mem>>) src(%dma_wait3A_854 : memref<128x64xf32, #tpu.memory_space<vmem>>) dst(%dma_wait3A_850 : memref<128x64xf32, #tpu.memory_space<hbm>>)
    %dma_start3A_855 = arith.constant 14 : i32
    %dma_start3A_856 = arith.constant 2 : i32
    %dma_start3A_857 = arith.constant 0 : i32
    %dma_start3A_858 = arith.constant 0 : i32
    %dma_start3A_859 = tpu.memref_slice %arg6[%dma_start3A_856, %dma_start3A_857, %dma_start3A_858] : memref<6x128x64xf32, #tpu.memory_space<vmem>> -> memref<1x128x64xf32, #tpu.memory_space<vmem>>
    %dma_start3A_860 = tpu.memref_squeeze %dma_start3A_859 : memref<1x128x64xf32, #tpu.memory_space<vmem>> -> memref<128x64xf32, #tpu.memory_space<vmem>>
    %dma_start3A_861 = arith.constant 0 : i32
    %dma_start3A_862 = tpu.memref_slice %arg5[%dma_start3A_855, %dma_start3A_861] : memref<50x128xi32, #tpu.memory_space<vmem>> -> memref<1x128xi32, #tpu.memory_space<vmem>>
    %dma_start3A_863 = tpu.memref_squeeze %dma_start3A_862 : memref<1x128xi32, #tpu.memory_space<vmem>> -> memref<128xi32, #tpu.memory_space<vmem>>
    %dma_start3A_864 = arith.constant 0 : i32
    %dma_start3A_865 = arith.constant 0 : i32
    %dma_start3A_866 = tpu.memref_slice %arg3[%dma_start3A_864, %dma_start3A_865] : memref<100000x64xf32, #tpu.memory_space<hbm>> -> memref<100000x64xf32, #tpu.memory_space<hbm>>
    tpu.enqueue_indirect_dma source(%dma_start3A_866 : memref<100000x64xf32, #tpu.memory_space<hbm>>) target(%dma_start3A_860 : memref<128x64xf32, #tpu.memory_space<vmem>>) offsets(%dma_start3A_863 : memref<128xi32, #tpu.memory_space<vmem>>) semaphore(%arg13 : memref<!tpu.dma_semaphore, #tpu.memory_space<semaphore_mem>>)
    %dma_wait3A_867 = arith.constant 11 : i32
    %dma_wait3A_868 = arith.constant 5 : i32
    %dma_wait3A_869 = arith.constant 0 : i32
    %dma_wait3A_870 = arith.constant 0 : i32
    %dma_wait3A_871 = tpu.memref_slice %arg6[%dma_wait3A_868, %dma_wait3A_869, %dma_wait3A_870] : memref<6x128x64xf32, #tpu.memory_space<vmem>> -> memref<1x128x64xf32, #tpu.memory_space<vmem>>
    %dma_wait3A_872 = tpu.memref_squeeze %dma_wait3A_871 : memref<1x128x64xf32, #tpu.memory_space<vmem>> -> memref<128x64xf32, #tpu.memory_space<vmem>>
    %dma_wait3A_873 = arith.constant 0 : i32
    %dma_wait3A_874 = tpu.memref_slice %arg5[%dma_wait3A_867, %dma_wait3A_873] : memref<50x128xi32, #tpu.memory_space<vmem>> -> memref<1x128xi32, #tpu.memory_space<vmem>>
    %dma_wait3A_875 = tpu.memref_squeeze %dma_wait3A_874 : memref<1x128xi32, #tpu.memory_space<vmem>> -> memref<128xi32, #tpu.memory_space<vmem>>
    %dma_wait3A_876 = arith.constant 0 : i32
    %dma_wait3A_877 = arith.constant 0 : i32
    %dma_wait3A_878 = tpu.memref_slice %arg3[%dma_wait3A_876, %dma_wait3A_877] : memref<100000x64xf32, #tpu.memory_space<hbm>> -> memref<100000x64xf32, #tpu.memory_space<hbm>>
    tpu.wait_indirect_dma semaphore(%arg16 : memref<!tpu.dma_semaphore, #tpu.memory_space<semaphore_mem>>) src(%dma_wait3A_878 : memref<100000x64xf32, #tpu.memory_space<hbm>>) dst(%dma_wait3A_872 : memref<128x64xf32, #tpu.memory_space<vmem>>)
    %add3A_879 = arith.constant 1408 : i32
    %add3A_880 = arith.addi %mul3A_2, %add3A_879 : i32
    %dma_start3A_881 = arith.constant 5 : i32
    %dma_start3A_882 = arith.constant 0 : i32
    %dma_start3A_883 = arith.constant 0 : i32
    %dma_start3A_884 = tpu.memref_slice %arg6[%dma_start3A_881, %dma_start3A_882, %dma_start3A_883] : memref<6x128x64xf32, #tpu.memory_space<vmem>> -> memref<1x128x64xf32, #tpu.memory_space<vmem>>
    %dma_start3A_885 = tpu.memref_squeeze %dma_start3A_884 : memref<1x128x64xf32, #tpu.memory_space<vmem>> -> memref<128x64xf32, #tpu.memory_space<vmem>>
    %dma_start3A_886 = arith.constant 0 : i32
    %dma_start3A_887 = tpu.memref_slice %arg4[%add3A_880, %dma_start3A_886] : memref<204800x64xf32, #tpu.memory_space<hbm>> -> memref<128x64xf32, #tpu.memory_space<hbm>>
    %dma_start3A_888 = arith.constant 0 : i32
    %dma_start3A_889 = tpu.memref_slice %arg4[%add3A_880, %dma_start3A_888] : memref<204800x64xf32, #tpu.memory_space<hbm>> -> memref<128x64xf32, #tpu.memory_space<hbm>>
    %dma_start3A_890 = arith.constant 0 : i32
    %dma_start3A_891 = arith.constant 0 : i32
    %dma_start3A_892 = tpu.memref_slice %arg6[%dma_start3A_881, %dma_start3A_890, %dma_start3A_891] : memref<6x128x64xf32, #tpu.memory_space<vmem>> -> memref<1x128x64xf32, #tpu.memory_space<vmem>>
    %dma_start3A_893 = tpu.memref_squeeze %dma_start3A_892 : memref<1x128x64xf32, #tpu.memory_space<vmem>> -> memref<128x64xf32, #tpu.memory_space<vmem>>
    tpu.enqueue_dma source(%dma_start3A_893 : memref<128x64xf32, #tpu.memory_space<vmem>>) target(%dma_start3A_889 : memref<128x64xf32, #tpu.memory_space<hbm>>) target_semaphore(%arg22 : memref<!tpu.dma_semaphore, #tpu.memory_space<semaphore_mem>>)
    %dma_wait3A_894 = arith.constant 3 : i32
    %dma_wait3A_895 = arith.constant 0 : i32
    %dma_wait3A_896 = arith.constant 0 : i32
    %dma_wait3A_897 = tpu.memref_slice %arg6[%dma_wait3A_894, %dma_wait3A_895, %dma_wait3A_896] : memref<6x128x64xf32, #tpu.memory_space<vmem>> -> memref<1x128x64xf32, #tpu.memory_space<vmem>>
    %dma_wait3A_898 = tpu.memref_squeeze %dma_wait3A_897 : memref<1x128x64xf32, #tpu.memory_space<vmem>> -> memref<128x64xf32, #tpu.memory_space<vmem>>
    %dma_wait3A_899 = arith.constant 0 : i32
    %dma_wait3A_900 = tpu.memref_slice %arg4[%add3A_776, %dma_wait3A_899] : memref<204800x64xf32, #tpu.memory_space<hbm>> -> memref<128x64xf32, #tpu.memory_space<hbm>>
    %dma_wait3A_901 = arith.constant 0 : i32
    %dma_wait3A_902 = tpu.memref_slice %arg4[%add3A_776, %dma_wait3A_901] : memref<204800x64xf32, #tpu.memory_space<hbm>> -> memref<128x64xf32, #tpu.memory_space<hbm>>
    %dma_wait3A_903 = arith.constant 0 : i32
    %dma_wait3A_904 = arith.constant 0 : i32
    %dma_wait3A_905 = tpu.memref_slice %arg6[%dma_wait3A_894, %dma_wait3A_903, %dma_wait3A_904] : memref<6x128x64xf32, #tpu.memory_space<vmem>> -> memref<1x128x64xf32, #tpu.memory_space<vmem>>
    %dma_wait3A_906 = tpu.memref_squeeze %dma_wait3A_905 : memref<1x128x64xf32, #tpu.memory_space<vmem>> -> memref<128x64xf32, #tpu.memory_space<vmem>>
    tpu.wait_dma2 semaphore(%arg20 : memref<!tpu.dma_semaphore, #tpu.memory_space<semaphore_mem>>) src(%dma_wait3A_906 : memref<128x64xf32, #tpu.memory_space<vmem>>) dst(%dma_wait3A_902 : memref<128x64xf32, #tpu.memory_space<hbm>>)
    %dma_start3A_907 = arith.constant 15 : i32
    %dma_start3A_908 = arith.constant 3 : i32
    %dma_start3A_909 = arith.constant 0 : i32
    %dma_start3A_910 = arith.constant 0 : i32
    %dma_start3A_911 = tpu.memref_slice %arg6[%dma_start3A_908, %dma_start3A_909, %dma_start3A_910] : memref<6x128x64xf32, #tpu.memory_space<vmem>> -> memref<1x128x64xf32, #tpu.memory_space<vmem>>
    %dma_start3A_912 = tpu.memref_squeeze %dma_start3A_911 : memref<1x128x64xf32, #tpu.memory_space<vmem>> -> memref<128x64xf32, #tpu.memory_space<vmem>>
    %dma_start3A_913 = arith.constant 0 : i32
    %dma_start3A_914 = tpu.memref_slice %arg5[%dma_start3A_907, %dma_start3A_913] : memref<50x128xi32, #tpu.memory_space<vmem>> -> memref<1x128xi32, #tpu.memory_space<vmem>>
    %dma_start3A_915 = tpu.memref_squeeze %dma_start3A_914 : memref<1x128xi32, #tpu.memory_space<vmem>> -> memref<128xi32, #tpu.memory_space<vmem>>
    %dma_start3A_916 = arith.constant 0 : i32
    %dma_start3A_917 = arith.constant 0 : i32
    %dma_start3A_918 = tpu.memref_slice %arg3[%dma_start3A_916, %dma_start3A_917] : memref<100000x64xf32, #tpu.memory_space<hbm>> -> memref<100000x64xf32, #tpu.memory_space<hbm>>
    tpu.enqueue_indirect_dma source(%dma_start3A_918 : memref<100000x64xf32, #tpu.memory_space<hbm>>) target(%dma_start3A_912 : memref<128x64xf32, #tpu.memory_space<vmem>>) offsets(%dma_start3A_915 : memref<128xi32, #tpu.memory_space<vmem>>) semaphore(%arg14 : memref<!tpu.dma_semaphore, #tpu.memory_space<semaphore_mem>>)
    %dma_wait3A_919 = arith.constant 12 : i32
    %dma_wait3A_920 = arith.constant 0 : i32
    %dma_wait3A_921 = arith.constant 0 : i32
    %dma_wait3A_922 = arith.constant 0 : i32
    %dma_wait3A_923 = tpu.memref_slice %arg6[%dma_wait3A_920, %dma_wait3A_921, %dma_wait3A_922] : memref<6x128x64xf32, #tpu.memory_space<vmem>> -> memref<1x128x64xf32, #tpu.memory_space<vmem>>
    %dma_wait3A_924 = tpu.memref_squeeze %dma_wait3A_923 : memref<1x128x64xf32, #tpu.memory_space<vmem>> -> memref<128x64xf32, #tpu.memory_space<vmem>>
    %dma_wait3A_925 = arith.constant 0 : i32
    %dma_wait3A_926 = tpu.memref_slice %arg5[%dma_wait3A_919, %dma_wait3A_925] : memref<50x128xi32, #tpu.memory_space<vmem>> -> memref<1x128xi32, #tpu.memory_space<vmem>>
    %dma_wait3A_927 = tpu.memref_squeeze %dma_wait3A_926 : memref<1x128xi32, #tpu.memory_space<vmem>> -> memref<128xi32, #tpu.memory_space<vmem>>
    %dma_wait3A_928 = arith.constant 0 : i32
    %dma_wait3A_929 = arith.constant 0 : i32
    %dma_wait3A_930 = tpu.memref_slice %arg3[%dma_wait3A_928, %dma_wait3A_929] : memref<100000x64xf32, #tpu.memory_space<hbm>> -> memref<100000x64xf32, #tpu.memory_space<hbm>>
    tpu.wait_indirect_dma semaphore(%arg11 : memref<!tpu.dma_semaphore, #tpu.memory_space<semaphore_mem>>) src(%dma_wait3A_930 : memref<100000x64xf32, #tpu.memory_space<hbm>>) dst(%dma_wait3A_924 : memref<128x64xf32, #tpu.memory_space<vmem>>)
    %add3A_931 = arith.constant 1536 : i32
    %add3A_932 = arith.addi %mul3A_2, %add3A_931 : i32
    %dma_start3A_933 = arith.constant 0 : i32
    %dma_start3A_934 = arith.constant 0 : i32
    %dma_start3A_935 = arith.constant 0 : i32
    %dma_start3A_936 = tpu.memref_slice %arg6[%dma_start3A_933, %dma_start3A_934, %dma_start3A_935] : memref<6x128x64xf32, #tpu.memory_space<vmem>> -> memref<1x128x64xf32, #tpu.memory_space<vmem>>
    %dma_start3A_937 = tpu.memref_squeeze %dma_start3A_936 : memref<1x128x64xf32, #tpu.memory_space<vmem>> -> memref<128x64xf32, #tpu.memory_space<vmem>>
    %dma_start3A_938 = arith.constant 0 : i32
    %dma_start3A_939 = tpu.memref_slice %arg4[%add3A_932, %dma_start3A_938] : memref<204800x64xf32, #tpu.memory_space<hbm>> -> memref<128x64xf32, #tpu.memory_space<hbm>>
    %dma_start3A_940 = arith.constant 0 : i32
    %dma_start3A_941 = tpu.memref_slice %arg4[%add3A_932, %dma_start3A_940] : memref<204800x64xf32, #tpu.memory_space<hbm>> -> memref<128x64xf32, #tpu.memory_space<hbm>>
    %dma_start3A_942 = arith.constant 0 : i32
    %dma_start3A_943 = arith.constant 0 : i32
    %dma_start3A_944 = tpu.memref_slice %arg6[%dma_start3A_933, %dma_start3A_942, %dma_start3A_943] : memref<6x128x64xf32, #tpu.memory_space<vmem>> -> memref<1x128x64xf32, #tpu.memory_space<vmem>>
    %dma_start3A_945 = tpu.memref_squeeze %dma_start3A_944 : memref<1x128x64xf32, #tpu.memory_space<vmem>> -> memref<128x64xf32, #tpu.memory_space<vmem>>
    tpu.enqueue_dma source(%dma_start3A_945 : memref<128x64xf32, #tpu.memory_space<vmem>>) target(%dma_start3A_941 : memref<128x64xf32, #tpu.memory_space<hbm>>) target_semaphore(%arg17 : memref<!tpu.dma_semaphore, #tpu.memory_space<semaphore_mem>>)
    %dma_wait3A_946 = arith.constant 4 : i32
    %dma_wait3A_947 = arith.constant 0 : i32
    %dma_wait3A_948 = arith.constant 0 : i32
    %dma_wait3A_949 = tpu.memref_slice %arg6[%dma_wait3A_946, %dma_wait3A_947, %dma_wait3A_948] : memref<6x128x64xf32, #tpu.memory_space<vmem>> -> memref<1x128x64xf32, #tpu.memory_space<vmem>>
    %dma_wait3A_950 = tpu.memref_squeeze %dma_wait3A_949 : memref<1x128x64xf32, #tpu.memory_space<vmem>> -> memref<128x64xf32, #tpu.memory_space<vmem>>
    %dma_wait3A_951 = arith.constant 0 : i32
    %dma_wait3A_952 = tpu.memref_slice %arg4[%add3A_828, %dma_wait3A_951] : memref<204800x64xf32, #tpu.memory_space<hbm>> -> memref<128x64xf32, #tpu.memory_space<hbm>>
    %dma_wait3A_953 = arith.constant 0 : i32
    %dma_wait3A_954 = tpu.memref_slice %arg4[%add3A_828, %dma_wait3A_953] : memref<204800x64xf32, #tpu.memory_space<hbm>> -> memref<128x64xf32, #tpu.memory_space<hbm>>
    %dma_wait3A_955 = arith.constant 0 : i32
    %dma_wait3A_956 = arith.constant 0 : i32
    %dma_wait3A_957 = tpu.memref_slice %arg6[%dma_wait3A_946, %dma_wait3A_955, %dma_wait3A_956] : memref<6x128x64xf32, #tpu.memory_space<vmem>> -> memref<1x128x64xf32, #tpu.memory_space<vmem>>
    %dma_wait3A_958 = tpu.memref_squeeze %dma_wait3A_957 : memref<1x128x64xf32, #tpu.memory_space<vmem>> -> memref<128x64xf32, #tpu.memory_space<vmem>>
    tpu.wait_dma2 semaphore(%arg21 : memref<!tpu.dma_semaphore, #tpu.memory_space<semaphore_mem>>) src(%dma_wait3A_958 : memref<128x64xf32, #tpu.memory_space<vmem>>) dst(%dma_wait3A_954 : memref<128x64xf32, #tpu.memory_space<hbm>>)
    %dma_start3A_959 = arith.constant 16 : i32
    %dma_start3A_960 = arith.constant 4 : i32
    %dma_start3A_961 = arith.constant 0 : i32
    %dma_start3A_962 = arith.constant 0 : i32
    %dma_start3A_963 = tpu.memref_slice %arg6[%dma_start3A_960, %dma_start3A_961, %dma_start3A_962] : memref<6x128x64xf32, #tpu.memory_space<vmem>> -> memref<1x128x64xf32, #tpu.memory_space<vmem>>
    %dma_start3A_964 = tpu.memref_squeeze %dma_start3A_963 : memref<1x128x64xf32, #tpu.memory_space<vmem>> -> memref<128x64xf32, #tpu.memory_space<vmem>>
    %dma_start3A_965 = arith.constant 0 : i32
    %dma_start3A_966 = tpu.memref_slice %arg5[%dma_start3A_959, %dma_start3A_965] : memref<50x128xi32, #tpu.memory_space<vmem>> -> memref<1x128xi32, #tpu.memory_space<vmem>>
    %dma_start3A_967 = tpu.memref_squeeze %dma_start3A_966 : memref<1x128xi32, #tpu.memory_space<vmem>> -> memref<128xi32, #tpu.memory_space<vmem>>
    %dma_start3A_968 = arith.constant 0 : i32
    %dma_start3A_969 = arith.constant 0 : i32
    %dma_start3A_970 = tpu.memref_slice %arg3[%dma_start3A_968, %dma_start3A_969] : memref<100000x64xf32, #tpu.memory_space<hbm>> -> memref<100000x64xf32, #tpu.memory_space<hbm>>
    tpu.enqueue_indirect_dma source(%dma_start3A_970 : memref<100000x64xf32, #tpu.memory_space<hbm>>) target(%dma_start3A_964 : memref<128x64xf32, #tpu.memory_space<vmem>>) offsets(%dma_start3A_967 : memref<128xi32, #tpu.memory_space<vmem>>) semaphore(%arg15 : memref<!tpu.dma_semaphore, #tpu.memory_space<semaphore_mem>>)
    %dma_wait3A_971 = arith.constant 13 : i32
    %dma_wait3A_972 = arith.constant 1 : i32
    %dma_wait3A_973 = arith.constant 0 : i32
    %dma_wait3A_974 = arith.constant 0 : i32
    %dma_wait3A_975 = tpu.memref_slice %arg6[%dma_wait3A_972, %dma_wait3A_973, %dma_wait3A_974] : memref<6x128x64xf32, #tpu.memory_space<vmem>> -> memref<1x128x64xf32, #tpu.memory_space<vmem>>
    %dma_wait3A_976 = tpu.memref_squeeze %dma_wait3A_975 : memref<1x128x64xf32, #tpu.memory_space<vmem>> -> memref<128x64xf32, #tpu.memory_space<vmem>>
    %dma_wait3A_977 = arith.constant 0 : i32
    %dma_wait3A_978 = tpu.memref_slice %arg5[%dma_wait3A_971, %dma_wait3A_977] : memref<50x128xi32, #tpu.memory_space<vmem>> -> memref<1x128xi32, #tpu.memory_space<vmem>>
    %dma_wait3A_979 = tpu.memref_squeeze %dma_wait3A_978 : memref<1x128xi32, #tpu.memory_space<vmem>> -> memref<128xi32, #tpu.memory_space<vmem>>
    %dma_wait3A_980 = arith.constant 0 : i32
    %dma_wait3A_981 = arith.constant 0 : i32
    %dma_wait3A_982 = tpu.memref_slice %arg3[%dma_wait3A_980, %dma_wait3A_981] : memref<100000x64xf32, #tpu.memory_space<hbm>> -> memref<100000x64xf32, #tpu.memory_space<hbm>>
    tpu.wait_indirect_dma semaphore(%arg12 : memref<!tpu.dma_semaphore, #tpu.memory_space<semaphore_mem>>) src(%dma_wait3A_982 : memref<100000x64xf32, #tpu.memory_space<hbm>>) dst(%dma_wait3A_976 : memref<128x64xf32, #tpu.memory_space<vmem>>)
    %add3A_983 = arith.constant 1664 : i32
    %add3A_984 = arith.addi %mul3A_2, %add3A_983 : i32
    %dma_start3A_985 = arith.constant 1 : i32
    %dma_start3A_986 = arith.constant 0 : i32
    %dma_start3A_987 = arith.constant 0 : i32
    %dma_start3A_988 = tpu.memref_slice %arg6[%dma_start3A_985, %dma_start3A_986, %dma_start3A_987] : memref<6x128x64xf32, #tpu.memory_space<vmem>> -> memref<1x128x64xf32, #tpu.memory_space<vmem>>
    %dma_start3A_989 = tpu.memref_squeeze %dma_start3A_988 : memref<1x128x64xf32, #tpu.memory_space<vmem>> -> memref<128x64xf32, #tpu.memory_space<vmem>>
    %dma_start3A_990 = arith.constant 0 : i32
    %dma_start3A_991 = tpu.memref_slice %arg4[%add3A_984, %dma_start3A_990] : memref<204800x64xf32, #tpu.memory_space<hbm>> -> memref<128x64xf32, #tpu.memory_space<hbm>>
    %dma_start3A_992 = arith.constant 0 : i32
    %dma_start3A_993 = tpu.memref_slice %arg4[%add3A_984, %dma_start3A_992] : memref<204800x64xf32, #tpu.memory_space<hbm>> -> memref<128x64xf32, #tpu.memory_space<hbm>>
    %dma_start3A_994 = arith.constant 0 : i32
    %dma_start3A_995 = arith.constant 0 : i32
    %dma_start3A_996 = tpu.memref_slice %arg6[%dma_start3A_985, %dma_start3A_994, %dma_start3A_995] : memref<6x128x64xf32, #tpu.memory_space<vmem>> -> memref<1x128x64xf32, #tpu.memory_space<vmem>>
    %dma_start3A_997 = tpu.memref_squeeze %dma_start3A_996 : memref<1x128x64xf32, #tpu.memory_space<vmem>> -> memref<128x64xf32, #tpu.memory_space<vmem>>
    tpu.enqueue_dma source(%dma_start3A_997 : memref<128x64xf32, #tpu.memory_space<vmem>>) target(%dma_start3A_993 : memref<128x64xf32, #tpu.memory_space<hbm>>) target_semaphore(%arg18 : memref<!tpu.dma_semaphore, #tpu.memory_space<semaphore_mem>>)
    %dma_wait3A_998 = arith.constant 5 : i32
    %dma_wait3A_999 = arith.constant 0 : i32
    %dma_wait3A_1000 = arith.constant 0 : i32
    %dma_wait3A_1001 = tpu.memref_slice %arg6[%dma_wait3A_998, %dma_wait3A_999, %dma_wait3A_1000] : memref<6x128x64xf32, #tpu.memory_space<vmem>> -> memref<1x128x64xf32, #tpu.memory_space<vmem>>
    %dma_wait3A_1002 = tpu.memref_squeeze %dma_wait3A_1001 : memref<1x128x64xf32, #tpu.memory_space<vmem>> -> memref<128x64xf32, #tpu.memory_space<vmem>>
    %dma_wait3A_1003 = arith.constant 0 : i32
    %dma_wait3A_1004 = tpu.memref_slice %arg4[%add3A_880, %dma_wait3A_1003] : memref<204800x64xf32, #tpu.memory_space<hbm>> -> memref<128x64xf32, #tpu.memory_space<hbm>>
    %dma_wait3A_1005 = arith.constant 0 : i32
    %dma_wait3A_1006 = tpu.memref_slice %arg4[%add3A_880, %dma_wait3A_1005] : memref<204800x64xf32, #tpu.memory_space<hbm>> -> memref<128x64xf32, #tpu.memory_space<hbm>>
    %dma_wait3A_1007 = arith.constant 0 : i32
    %dma_wait3A_1008 = arith.constant 0 : i32
    %dma_wait3A_1009 = tpu.memref_slice %arg6[%dma_wait3A_998, %dma_wait3A_1007, %dma_wait3A_1008] : memref<6x128x64xf32, #tpu.memory_space<vmem>> -> memref<1x128x64xf32, #tpu.memory_space<vmem>>
    %dma_wait3A_1010 = tpu.memref_squeeze %dma_wait3A_1009 : memref<1x128x64xf32, #tpu.memory_space<vmem>> -> memref<128x64xf32, #tpu.memory_space<vmem>>
    tpu.wait_dma2 semaphore(%arg22 : memref<!tpu.dma_semaphore, #tpu.memory_space<semaphore_mem>>) src(%dma_wait3A_1010 : memref<128x64xf32, #tpu.memory_space<vmem>>) dst(%dma_wait3A_1006 : memref<128x64xf32, #tpu.memory_space<hbm>>)
    %dma_start3A_1011 = arith.constant 17 : i32
    %dma_start3A_1012 = arith.constant 5 : i32
    %dma_start3A_1013 = arith.constant 0 : i32
    %dma_start3A_1014 = arith.constant 0 : i32
    %dma_start3A_1015 = tpu.memref_slice %arg6[%dma_start3A_1012, %dma_start3A_1013, %dma_start3A_1014] : memref<6x128x64xf32, #tpu.memory_space<vmem>> -> memref<1x128x64xf32, #tpu.memory_space<vmem>>
    %dma_start3A_1016 = tpu.memref_squeeze %dma_start3A_1015 : memref<1x128x64xf32, #tpu.memory_space<vmem>> -> memref<128x64xf32, #tpu.memory_space<vmem>>
    %dma_start3A_1017 = arith.constant 0 : i32
    %dma_start3A_1018 = tpu.memref_slice %arg5[%dma_start3A_1011, %dma_start3A_1017] : memref<50x128xi32, #tpu.memory_space<vmem>> -> memref<1x128xi32, #tpu.memory_space<vmem>>
    %dma_start3A_1019 = tpu.memref_squeeze %dma_start3A_1018 : memref<1x128xi32, #tpu.memory_space<vmem>> -> memref<128xi32, #tpu.memory_space<vmem>>
    %dma_start3A_1020 = arith.constant 0 : i32
    %dma_start3A_1021 = arith.constant 0 : i32
    %dma_start3A_1022 = tpu.memref_slice %arg3[%dma_start3A_1020, %dma_start3A_1021] : memref<100000x64xf32, #tpu.memory_space<hbm>> -> memref<100000x64xf32, #tpu.memory_space<hbm>>
    tpu.enqueue_indirect_dma source(%dma_start3A_1022 : memref<100000x64xf32, #tpu.memory_space<hbm>>) target(%dma_start3A_1016 : memref<128x64xf32, #tpu.memory_space<vmem>>) offsets(%dma_start3A_1019 : memref<128xi32, #tpu.memory_space<vmem>>) semaphore(%arg16 : memref<!tpu.dma_semaphore, #tpu.memory_space<semaphore_mem>>)
    %dma_wait3A_1023 = arith.constant 14 : i32
    %dma_wait3A_1024 = arith.constant 2 : i32
    %dma_wait3A_1025 = arith.constant 0 : i32
    %dma_wait3A_1026 = arith.constant 0 : i32
    %dma_wait3A_1027 = tpu.memref_slice %arg6[%dma_wait3A_1024, %dma_wait3A_1025, %dma_wait3A_1026] : memref<6x128x64xf32, #tpu.memory_space<vmem>> -> memref<1x128x64xf32, #tpu.memory_space<vmem>>
    %dma_wait3A_1028 = tpu.memref_squeeze %dma_wait3A_1027 : memref<1x128x64xf32, #tpu.memory_space<vmem>> -> memref<128x64xf32, #tpu.memory_space<vmem>>
    %dma_wait3A_1029 = arith.constant 0 : i32
    %dma_wait3A_1030 = tpu.memref_slice %arg5[%dma_wait3A_1023, %dma_wait3A_1029] : memref<50x128xi32, #tpu.memory_space<vmem>> -> memref<1x128xi32, #tpu.memory_space<vmem>>
    %dma_wait3A_1031 = tpu.memref_squeeze %dma_wait3A_1030 : memref<1x128xi32, #tpu.memory_space<vmem>> -> memref<128xi32, #tpu.memory_space<vmem>>
    %dma_wait3A_1032 = arith.constant 0 : i32
    %dma_wait3A_1033 = arith.constant 0 : i32
    %dma_wait3A_1034 = tpu.memref_slice %arg3[%dma_wait3A_1032, %dma_wait3A_1033] : memref<100000x64xf32, #tpu.memory_space<hbm>> -> memref<100000x64xf32, #tpu.memory_space<hbm>>
    tpu.wait_indirect_dma semaphore(%arg13 : memref<!tpu.dma_semaphore, #tpu.memory_space<semaphore_mem>>) src(%dma_wait3A_1034 : memref<100000x64xf32, #tpu.memory_space<hbm>>) dst(%dma_wait3A_1028 : memref<128x64xf32, #tpu.memory_space<vmem>>)
    %add3A_1035 = arith.constant 1792 : i32
    %add3A_1036 = arith.addi %mul3A_2, %add3A_1035 : i32
    %dma_start3A_1037 = arith.constant 2 : i32
    %dma_start3A_1038 = arith.constant 0 : i32
    %dma_start3A_1039 = arith.constant 0 : i32
    %dma_start3A_1040 = tpu.memref_slice %arg6[%dma_start3A_1037, %dma_start3A_1038, %dma_start3A_1039] : memref<6x128x64xf32, #tpu.memory_space<vmem>> -> memref<1x128x64xf32, #tpu.memory_space<vmem>>
    %dma_start3A_1041 = tpu.memref_squeeze %dma_start3A_1040 : memref<1x128x64xf32, #tpu.memory_space<vmem>> -> memref<128x64xf32, #tpu.memory_space<vmem>>
    %dma_start3A_1042 = arith.constant 0 : i32
    %dma_start3A_1043 = tpu.memref_slice %arg4[%add3A_1036, %dma_start3A_1042] : memref<204800x64xf32, #tpu.memory_space<hbm>> -> memref<128x64xf32, #tpu.memory_space<hbm>>
    %dma_start3A_1044 = arith.constant 0 : i32
    %dma_start3A_1045 = tpu.memref_slice %arg4[%add3A_1036, %dma_start3A_1044] : memref<204800x64xf32, #tpu.memory_space<hbm>> -> memref<128x64xf32, #tpu.memory_space<hbm>>
    %dma_start3A_1046 = arith.constant 0 : i32
    %dma_start3A_1047 = arith.constant 0 : i32
    %dma_start3A_1048 = tpu.memref_slice %arg6[%dma_start3A_1037, %dma_start3A_1046, %dma_start3A_1047] : memref<6x128x64xf32, #tpu.memory_space<vmem>> -> memref<1x128x64xf32, #tpu.memory_space<vmem>>
    %dma_start3A_1049 = tpu.memref_squeeze %dma_start3A_1048 : memref<1x128x64xf32, #tpu.memory_space<vmem>> -> memref<128x64xf32, #tpu.memory_space<vmem>>
    tpu.enqueue_dma source(%dma_start3A_1049 : memref<128x64xf32, #tpu.memory_space<vmem>>) target(%dma_start3A_1045 : memref<128x64xf32, #tpu.memory_space<hbm>>) target_semaphore(%arg19 : memref<!tpu.dma_semaphore, #tpu.memory_space<semaphore_mem>>)
    %dma_wait3A_1050 = arith.constant 0 : i32
    %dma_wait3A_1051 = arith.constant 0 : i32
    %dma_wait3A_1052 = arith.constant 0 : i32
    %dma_wait3A_1053 = tpu.memref_slice %arg6[%dma_wait3A_1050, %dma_wait3A_1051, %dma_wait3A_1052] : memref<6x128x64xf32, #tpu.memory_space<vmem>> -> memref<1x128x64xf32, #tpu.memory_space<vmem>>
    %dma_wait3A_1054 = tpu.memref_squeeze %dma_wait3A_1053 : memref<1x128x64xf32, #tpu.memory_space<vmem>> -> memref<128x64xf32, #tpu.memory_space<vmem>>
    %dma_wait3A_1055 = arith.constant 0 : i32
    %dma_wait3A_1056 = tpu.memref_slice %arg4[%add3A_932, %dma_wait3A_1055] : memref<204800x64xf32, #tpu.memory_space<hbm>> -> memref<128x64xf32, #tpu.memory_space<hbm>>
    %dma_wait3A_1057 = arith.constant 0 : i32
    %dma_wait3A_1058 = tpu.memref_slice %arg4[%add3A_932, %dma_wait3A_1057] : memref<204800x64xf32, #tpu.memory_space<hbm>> -> memref<128x64xf32, #tpu.memory_space<hbm>>
    %dma_wait3A_1059 = arith.constant 0 : i32
    %dma_wait3A_1060 = arith.constant 0 : i32
    %dma_wait3A_1061 = tpu.memref_slice %arg6[%dma_wait3A_1050, %dma_wait3A_1059, %dma_wait3A_1060] : memref<6x128x64xf32, #tpu.memory_space<vmem>> -> memref<1x128x64xf32, #tpu.memory_space<vmem>>
    %dma_wait3A_1062 = tpu.memref_squeeze %dma_wait3A_1061 : memref<1x128x64xf32, #tpu.memory_space<vmem>> -> memref<128x64xf32, #tpu.memory_space<vmem>>
    tpu.wait_dma2 semaphore(%arg17 : memref<!tpu.dma_semaphore, #tpu.memory_space<semaphore_mem>>) src(%dma_wait3A_1062 : memref<128x64xf32, #tpu.memory_space<vmem>>) dst(%dma_wait3A_1058 : memref<128x64xf32, #tpu.memory_space<hbm>>)
    %dma_start3A_1063 = arith.constant 18 : i32
    %dma_start3A_1064 = arith.constant 0 : i32
    %dma_start3A_1065 = arith.constant 0 : i32
    %dma_start3A_1066 = arith.constant 0 : i32
    %dma_start3A_1067 = tpu.memref_slice %arg6[%dma_start3A_1064, %dma_start3A_1065, %dma_start3A_1066] : memref<6x128x64xf32, #tpu.memory_space<vmem>> -> memref<1x128x64xf32, #tpu.memory_space<vmem>>
    %dma_start3A_1068 = tpu.memref_squeeze %dma_start3A_1067 : memref<1x128x64xf32, #tpu.memory_space<vmem>> -> memref<128x64xf32, #tpu.memory_space<vmem>>
    %dma_start3A_1069 = arith.constant 0 : i32
    %dma_start3A_1070 = tpu.memref_slice %arg5[%dma_start3A_1063, %dma_start3A_1069] : memref<50x128xi32, #tpu.memory_space<vmem>> -> memref<1x128xi32, #tpu.memory_space<vmem>>
    %dma_start3A_1071 = tpu.memref_squeeze %dma_start3A_1070 : memref<1x128xi32, #tpu.memory_space<vmem>> -> memref<128xi32, #tpu.memory_space<vmem>>
    %dma_start3A_1072 = arith.constant 0 : i32
    %dma_start3A_1073 = arith.constant 0 : i32
    %dma_start3A_1074 = tpu.memref_slice %arg3[%dma_start3A_1072, %dma_start3A_1073] : memref<100000x64xf32, #tpu.memory_space<hbm>> -> memref<100000x64xf32, #tpu.memory_space<hbm>>
    tpu.enqueue_indirect_dma source(%dma_start3A_1074 : memref<100000x64xf32, #tpu.memory_space<hbm>>) target(%dma_start3A_1068 : memref<128x64xf32, #tpu.memory_space<vmem>>) offsets(%dma_start3A_1071 : memref<128xi32, #tpu.memory_space<vmem>>) semaphore(%arg11 : memref<!tpu.dma_semaphore, #tpu.memory_space<semaphore_mem>>)
    %dma_wait3A_1075 = arith.constant 15 : i32
    %dma_wait3A_1076 = arith.constant 3 : i32
    %dma_wait3A_1077 = arith.constant 0 : i32
    %dma_wait3A_1078 = arith.constant 0 : i32
    %dma_wait3A_1079 = tpu.memref_slice %arg6[%dma_wait3A_1076, %dma_wait3A_1077, %dma_wait3A_1078] : memref<6x128x64xf32, #tpu.memory_space<vmem>> -> memref<1x128x64xf32, #tpu.memory_space<vmem>>
    %dma_wait3A_1080 = tpu.memref_squeeze %dma_wait3A_1079 : memref<1x128x64xf32, #tpu.memory_space<vmem>> -> memref<128x64xf32, #tpu.memory_space<vmem>>
    %dma_wait3A_1081 = arith.constant 0 : i32
    %dma_wait3A_1082 = tpu.memref_slice %arg5[%dma_wait3A_1075, %dma_wait3A_1081] : memref<50x128xi32, #tpu.memory_space<vmem>> -> memref<1x128xi32, #tpu.memory_space<vmem>>
    %dma_wait3A_1083 = tpu.memref_squeeze %dma_wait3A_1082 : memref<1x128xi32, #tpu.memory_space<vmem>> -> memref<128xi32, #tpu.memory_space<vmem>>
    %dma_wait3A_1084 = arith.constant 0 : i32
    %dma_wait3A_1085 = arith.constant 0 : i32
    %dma_wait3A_1086 = tpu.memref_slice %arg3[%dma_wait3A_1084, %dma_wait3A_1085] : memref<100000x64xf32, #tpu.memory_space<hbm>> -> memref<100000x64xf32, #tpu.memory_space<hbm>>
    tpu.wait_indirect_dma semaphore(%arg14 : memref<!tpu.dma_semaphore, #tpu.memory_space<semaphore_mem>>) src(%dma_wait3A_1086 : memref<100000x64xf32, #tpu.memory_space<hbm>>) dst(%dma_wait3A_1080 : memref<128x64xf32, #tpu.memory_space<vmem>>)
    %add3A_1087 = arith.constant 1920 : i32
    %add3A_1088 = arith.addi %mul3A_2, %add3A_1087 : i32
    %dma_start3A_1089 = arith.constant 3 : i32
    %dma_start3A_1090 = arith.constant 0 : i32
    %dma_start3A_1091 = arith.constant 0 : i32
    %dma_start3A_1092 = tpu.memref_slice %arg6[%dma_start3A_1089, %dma_start3A_1090, %dma_start3A_1091] : memref<6x128x64xf32, #tpu.memory_space<vmem>> -> memref<1x128x64xf32, #tpu.memory_space<vmem>>
    %dma_start3A_1093 = tpu.memref_squeeze %dma_start3A_1092 : memref<1x128x64xf32, #tpu.memory_space<vmem>> -> memref<128x64xf32, #tpu.memory_space<vmem>>
    %dma_start3A_1094 = arith.constant 0 : i32
    %dma_start3A_1095 = tpu.memref_slice %arg4[%add3A_1088, %dma_start3A_1094] : memref<204800x64xf32, #tpu.memory_space<hbm>> -> memref<128x64xf32, #tpu.memory_space<hbm>>
    %dma_start3A_1096 = arith.constant 0 : i32
    %dma_start3A_1097 = tpu.memref_slice %arg4[%add3A_1088, %dma_start3A_1096] : memref<204800x64xf32, #tpu.memory_space<hbm>> -> memref<128x64xf32, #tpu.memory_space<hbm>>
    %dma_start3A_1098 = arith.constant 0 : i32
    %dma_start3A_1099 = arith.constant 0 : i32
    %dma_start3A_1100 = tpu.memref_slice %arg6[%dma_start3A_1089, %dma_start3A_1098, %dma_start3A_1099] : memref<6x128x64xf32, #tpu.memory_space<vmem>> -> memref<1x128x64xf32, #tpu.memory_space<vmem>>
    %dma_start3A_1101 = tpu.memref_squeeze %dma_start3A_1100 : memref<1x128x64xf32, #tpu.memory_space<vmem>> -> memref<128x64xf32, #tpu.memory_space<vmem>>
    tpu.enqueue_dma source(%dma_start3A_1101 : memref<128x64xf32, #tpu.memory_space<vmem>>) target(%dma_start3A_1097 : memref<128x64xf32, #tpu.memory_space<hbm>>) target_semaphore(%arg20 : memref<!tpu.dma_semaphore, #tpu.memory_space<semaphore_mem>>)
    %dma_wait3A_1102 = arith.constant 1 : i32
    %dma_wait3A_1103 = arith.constant 0 : i32
    %dma_wait3A_1104 = arith.constant 0 : i32
    %dma_wait3A_1105 = tpu.memref_slice %arg6[%dma_wait3A_1102, %dma_wait3A_1103, %dma_wait3A_1104] : memref<6x128x64xf32, #tpu.memory_space<vmem>> -> memref<1x128x64xf32, #tpu.memory_space<vmem>>
    %dma_wait3A_1106 = tpu.memref_squeeze %dma_wait3A_1105 : memref<1x128x64xf32, #tpu.memory_space<vmem>> -> memref<128x64xf32, #tpu.memory_space<vmem>>
    %dma_wait3A_1107 = arith.constant 0 : i32
    %dma_wait3A_1108 = tpu.memref_slice %arg4[%add3A_984, %dma_wait3A_1107] : memref<204800x64xf32, #tpu.memory_space<hbm>> -> memref<128x64xf32, #tpu.memory_space<hbm>>
    %dma_wait3A_1109 = arith.constant 0 : i32
    %dma_wait3A_1110 = tpu.memref_slice %arg4[%add3A_984, %dma_wait3A_1109] : memref<204800x64xf32, #tpu.memory_space<hbm>> -> memref<128x64xf32, #tpu.memory_space<hbm>>
    %dma_wait3A_1111 = arith.constant 0 : i32
    %dma_wait3A_1112 = arith.constant 0 : i32
    %dma_wait3A_1113 = tpu.memref_slice %arg6[%dma_wait3A_1102, %dma_wait3A_1111, %dma_wait3A_1112] : memref<6x128x64xf32, #tpu.memory_space<vmem>> -> memref<1x128x64xf32, #tpu.memory_space<vmem>>
    %dma_wait3A_1114 = tpu.memref_squeeze %dma_wait3A_1113 : memref<1x128x64xf32, #tpu.memory_space<vmem>> -> memref<128x64xf32, #tpu.memory_space<vmem>>
    tpu.wait_dma2 semaphore(%arg18 : memref<!tpu.dma_semaphore, #tpu.memory_space<semaphore_mem>>) src(%dma_wait3A_1114 : memref<128x64xf32, #tpu.memory_space<vmem>>) dst(%dma_wait3A_1110 : memref<128x64xf32, #tpu.memory_space<hbm>>)
    %dma_start3A_1115 = arith.constant 19 : i32
    %dma_start3A_1116 = arith.constant 1 : i32
    %dma_start3A_1117 = arith.constant 0 : i32
    %dma_start3A_1118 = arith.constant 0 : i32
    %dma_start3A_1119 = tpu.memref_slice %arg6[%dma_start3A_1116, %dma_start3A_1117, %dma_start3A_1118] : memref<6x128x64xf32, #tpu.memory_space<vmem>> -> memref<1x128x64xf32, #tpu.memory_space<vmem>>
    %dma_start3A_1120 = tpu.memref_squeeze %dma_start3A_1119 : memref<1x128x64xf32, #tpu.memory_space<vmem>> -> memref<128x64xf32, #tpu.memory_space<vmem>>
    %dma_start3A_1121 = arith.constant 0 : i32
    %dma_start3A_1122 = tpu.memref_slice %arg5[%dma_start3A_1115, %dma_start3A_1121] : memref<50x128xi32, #tpu.memory_space<vmem>> -> memref<1x128xi32, #tpu.memory_space<vmem>>
    %dma_start3A_1123 = tpu.memref_squeeze %dma_start3A_1122 : memref<1x128xi32, #tpu.memory_space<vmem>> -> memref<128xi32, #tpu.memory_space<vmem>>
    %dma_start3A_1124 = arith.constant 0 : i32
    %dma_start3A_1125 = arith.constant 0 : i32
    %dma_start3A_1126 = tpu.memref_slice %arg3[%dma_start3A_1124, %dma_start3A_1125] : memref<100000x64xf32, #tpu.memory_space<hbm>> -> memref<100000x64xf32, #tpu.memory_space<hbm>>
    tpu.enqueue_indirect_dma source(%dma_start3A_1126 : memref<100000x64xf32, #tpu.memory_space<hbm>>) target(%dma_start3A_1120 : memref<128x64xf32, #tpu.memory_space<vmem>>) offsets(%dma_start3A_1123 : memref<128xi32, #tpu.memory_space<vmem>>) semaphore(%arg12 : memref<!tpu.dma_semaphore, #tpu.memory_space<semaphore_mem>>)
    %dma_wait3A_1127 = arith.constant 16 : i32
    %dma_wait3A_1128 = arith.constant 4 : i32
    %dma_wait3A_1129 = arith.constant 0 : i32
    %dma_wait3A_1130 = arith.constant 0 : i32
    %dma_wait3A_1131 = tpu.memref_slice %arg6[%dma_wait3A_1128, %dma_wait3A_1129, %dma_wait3A_1130] : memref<6x128x64xf32, #tpu.memory_space<vmem>> -> memref<1x128x64xf32, #tpu.memory_space<vmem>>
    %dma_wait3A_1132 = tpu.memref_squeeze %dma_wait3A_1131 : memref<1x128x64xf32, #tpu.memory_space<vmem>> -> memref<128x64xf32, #tpu.memory_space<vmem>>
    %dma_wait3A_1133 = arith.constant 0 : i32
    %dma_wait3A_1134 = tpu.memref_slice %arg5[%dma_wait3A_1127, %dma_wait3A_1133] : memref<50x128xi32, #tpu.memory_space<vmem>> -> memref<1x128xi32, #tpu.memory_space<vmem>>
    %dma_wait3A_1135 = tpu.memref_squeeze %dma_wait3A_1134 : memref<1x128xi32, #tpu.memory_space<vmem>> -> memref<128xi32, #tpu.memory_space<vmem>>
    %dma_wait3A_1136 = arith.constant 0 : i32
    %dma_wait3A_1137 = arith.constant 0 : i32
    %dma_wait3A_1138 = tpu.memref_slice %arg3[%dma_wait3A_1136, %dma_wait3A_1137] : memref<100000x64xf32, #tpu.memory_space<hbm>> -> memref<100000x64xf32, #tpu.memory_space<hbm>>
    tpu.wait_indirect_dma semaphore(%arg15 : memref<!tpu.dma_semaphore, #tpu.memory_space<semaphore_mem>>) src(%dma_wait3A_1138 : memref<100000x64xf32, #tpu.memory_space<hbm>>) dst(%dma_wait3A_1132 : memref<128x64xf32, #tpu.memory_space<vmem>>)
    %add3A_1139 = arith.constant 2048 : i32
    %add3A_1140 = arith.addi %mul3A_2, %add3A_1139 : i32
    %dma_start3A_1141 = arith.constant 4 : i32
    %dma_start3A_1142 = arith.constant 0 : i32
    %dma_start3A_1143 = arith.constant 0 : i32
    %dma_start3A_1144 = tpu.memref_slice %arg6[%dma_start3A_1141, %dma_start3A_1142, %dma_start3A_1143] : memref<6x128x64xf32, #tpu.memory_space<vmem>> -> memref<1x128x64xf32, #tpu.memory_space<vmem>>
    %dma_start3A_1145 = tpu.memref_squeeze %dma_start3A_1144 : memref<1x128x64xf32, #tpu.memory_space<vmem>> -> memref<128x64xf32, #tpu.memory_space<vmem>>
    %dma_start3A_1146 = arith.constant 0 : i32
    %dma_start3A_1147 = tpu.memref_slice %arg4[%add3A_1140, %dma_start3A_1146] : memref<204800x64xf32, #tpu.memory_space<hbm>> -> memref<128x64xf32, #tpu.memory_space<hbm>>
    %dma_start3A_1148 = arith.constant 0 : i32
    %dma_start3A_1149 = tpu.memref_slice %arg4[%add3A_1140, %dma_start3A_1148] : memref<204800x64xf32, #tpu.memory_space<hbm>> -> memref<128x64xf32, #tpu.memory_space<hbm>>
    %dma_start3A_1150 = arith.constant 0 : i32
    %dma_start3A_1151 = arith.constant 0 : i32
    %dma_start3A_1152 = tpu.memref_slice %arg6[%dma_start3A_1141, %dma_start3A_1150, %dma_start3A_1151] : memref<6x128x64xf32, #tpu.memory_space<vmem>> -> memref<1x128x64xf32, #tpu.memory_space<vmem>>
    %dma_start3A_1153 = tpu.memref_squeeze %dma_start3A_1152 : memref<1x128x64xf32, #tpu.memory_space<vmem>> -> memref<128x64xf32, #tpu.memory_space<vmem>>
    tpu.enqueue_dma source(%dma_start3A_1153 : memref<128x64xf32, #tpu.memory_space<vmem>>) target(%dma_start3A_1149 : memref<128x64xf32, #tpu.memory_space<hbm>>) target_semaphore(%arg21 : memref<!tpu.dma_semaphore, #tpu.memory_space<semaphore_mem>>)
    %dma_wait3A_1154 = arith.constant 2 : i32
    %dma_wait3A_1155 = arith.constant 0 : i32
    %dma_wait3A_1156 = arith.constant 0 : i32
    %dma_wait3A_1157 = tpu.memref_slice %arg6[%dma_wait3A_1154, %dma_wait3A_1155, %dma_wait3A_1156] : memref<6x128x64xf32, #tpu.memory_space<vmem>> -> memref<1x128x64xf32, #tpu.memory_space<vmem>>
    %dma_wait3A_1158 = tpu.memref_squeeze %dma_wait3A_1157 : memref<1x128x64xf32, #tpu.memory_space<vmem>> -> memref<128x64xf32, #tpu.memory_space<vmem>>
    %dma_wait3A_1159 = arith.constant 0 : i32
    %dma_wait3A_1160 = tpu.memref_slice %arg4[%add3A_1036, %dma_wait3A_1159] : memref<204800x64xf32, #tpu.memory_space<hbm>> -> memref<128x64xf32, #tpu.memory_space<hbm>>
    %dma_wait3A_1161 = arith.constant 0 : i32
    %dma_wait3A_1162 = tpu.memref_slice %arg4[%add3A_1036, %dma_wait3A_1161] : memref<204800x64xf32, #tpu.memory_space<hbm>> -> memref<128x64xf32, #tpu.memory_space<hbm>>
    %dma_wait3A_1163 = arith.constant 0 : i32
    %dma_wait3A_1164 = arith.constant 0 : i32
    %dma_wait3A_1165 = tpu.memref_slice %arg6[%dma_wait3A_1154, %dma_wait3A_1163, %dma_wait3A_1164] : memref<6x128x64xf32, #tpu.memory_space<vmem>> -> memref<1x128x64xf32, #tpu.memory_space<vmem>>
    %dma_wait3A_1166 = tpu.memref_squeeze %dma_wait3A_1165 : memref<1x128x64xf32, #tpu.memory_space<vmem>> -> memref<128x64xf32, #tpu.memory_space<vmem>>
    tpu.wait_dma2 semaphore(%arg19 : memref<!tpu.dma_semaphore, #tpu.memory_space<semaphore_mem>>) src(%dma_wait3A_1166 : memref<128x64xf32, #tpu.memory_space<vmem>>) dst(%dma_wait3A_1162 : memref<128x64xf32, #tpu.memory_space<hbm>>)
    %dma_start3A_1167 = arith.constant 20 : i32
    %dma_start3A_1168 = arith.constant 2 : i32
    %dma_start3A_1169 = arith.constant 0 : i32
    %dma_start3A_1170 = arith.constant 0 : i32
    %dma_start3A_1171 = tpu.memref_slice %arg6[%dma_start3A_1168, %dma_start3A_1169, %dma_start3A_1170] : memref<6x128x64xf32, #tpu.memory_space<vmem>> -> memref<1x128x64xf32, #tpu.memory_space<vmem>>
    %dma_start3A_1172 = tpu.memref_squeeze %dma_start3A_1171 : memref<1x128x64xf32, #tpu.memory_space<vmem>> -> memref<128x64xf32, #tpu.memory_space<vmem>>
    %dma_start3A_1173 = arith.constant 0 : i32
    %dma_start3A_1174 = tpu.memref_slice %arg5[%dma_start3A_1167, %dma_start3A_1173] : memref<50x128xi32, #tpu.memory_space<vmem>> -> memref<1x128xi32, #tpu.memory_space<vmem>>
    %dma_start3A_1175 = tpu.memref_squeeze %dma_start3A_1174 : memref<1x128xi32, #tpu.memory_space<vmem>> -> memref<128xi32, #tpu.memory_space<vmem>>
    %dma_start3A_1176 = arith.constant 0 : i32
    %dma_start3A_1177 = arith.constant 0 : i32
    %dma_start3A_1178 = tpu.memref_slice %arg3[%dma_start3A_1176, %dma_start3A_1177] : memref<100000x64xf32, #tpu.memory_space<hbm>> -> memref<100000x64xf32, #tpu.memory_space<hbm>>
    tpu.enqueue_indirect_dma source(%dma_start3A_1178 : memref<100000x64xf32, #tpu.memory_space<hbm>>) target(%dma_start3A_1172 : memref<128x64xf32, #tpu.memory_space<vmem>>) offsets(%dma_start3A_1175 : memref<128xi32, #tpu.memory_space<vmem>>) semaphore(%arg13 : memref<!tpu.dma_semaphore, #tpu.memory_space<semaphore_mem>>)
    %dma_wait3A_1179 = arith.constant 17 : i32
    %dma_wait3A_1180 = arith.constant 5 : i32
    %dma_wait3A_1181 = arith.constant 0 : i32
    %dma_wait3A_1182 = arith.constant 0 : i32
    %dma_wait3A_1183 = tpu.memref_slice %arg6[%dma_wait3A_1180, %dma_wait3A_1181, %dma_wait3A_1182] : memref<6x128x64xf32, #tpu.memory_space<vmem>> -> memref<1x128x64xf32, #tpu.memory_space<vmem>>
    %dma_wait3A_1184 = tpu.memref_squeeze %dma_wait3A_1183 : memref<1x128x64xf32, #tpu.memory_space<vmem>> -> memref<128x64xf32, #tpu.memory_space<vmem>>
    %dma_wait3A_1185 = arith.constant 0 : i32
    %dma_wait3A_1186 = tpu.memref_slice %arg5[%dma_wait3A_1179, %dma_wait3A_1185] : memref<50x128xi32, #tpu.memory_space<vmem>> -> memref<1x128xi32, #tpu.memory_space<vmem>>
    %dma_wait3A_1187 = tpu.memref_squeeze %dma_wait3A_1186 : memref<1x128xi32, #tpu.memory_space<vmem>> -> memref<128xi32, #tpu.memory_space<vmem>>
    %dma_wait3A_1188 = arith.constant 0 : i32
    %dma_wait3A_1189 = arith.constant 0 : i32
    %dma_wait3A_1190 = tpu.memref_slice %arg3[%dma_wait3A_1188, %dma_wait3A_1189] : memref<100000x64xf32, #tpu.memory_space<hbm>> -> memref<100000x64xf32, #tpu.memory_space<hbm>>
    tpu.wait_indirect_dma semaphore(%arg16 : memref<!tpu.dma_semaphore, #tpu.memory_space<semaphore_mem>>) src(%dma_wait3A_1190 : memref<100000x64xf32, #tpu.memory_space<hbm>>) dst(%dma_wait3A_1184 : memref<128x64xf32, #tpu.memory_space<vmem>>)
    %add3A_1191 = arith.constant 2176 : i32
    %add3A_1192 = arith.addi %mul3A_2, %add3A_1191 : i32
    %dma_start3A_1193 = arith.constant 5 : i32
    %dma_start3A_1194 = arith.constant 0 : i32
    %dma_start3A_1195 = arith.constant 0 : i32
    %dma_start3A_1196 = tpu.memref_slice %arg6[%dma_start3A_1193, %dma_start3A_1194, %dma_start3A_1195] : memref<6x128x64xf32, #tpu.memory_space<vmem>> -> memref<1x128x64xf32, #tpu.memory_space<vmem>>
    %dma_start3A_1197 = tpu.memref_squeeze %dma_start3A_1196 : memref<1x128x64xf32, #tpu.memory_space<vmem>> -> memref<128x64xf32, #tpu.memory_space<vmem>>
    %dma_start3A_1198 = arith.constant 0 : i32
    %dma_start3A_1199 = tpu.memref_slice %arg4[%add3A_1192, %dma_start3A_1198] : memref<204800x64xf32, #tpu.memory_space<hbm>> -> memref<128x64xf32, #tpu.memory_space<hbm>>
    %dma_start3A_1200 = arith.constant 0 : i32
    %dma_start3A_1201 = tpu.memref_slice %arg4[%add3A_1192, %dma_start3A_1200] : memref<204800x64xf32, #tpu.memory_space<hbm>> -> memref<128x64xf32, #tpu.memory_space<hbm>>
    %dma_start3A_1202 = arith.constant 0 : i32
    %dma_start3A_1203 = arith.constant 0 : i32
    %dma_start3A_1204 = tpu.memref_slice %arg6[%dma_start3A_1193, %dma_start3A_1202, %dma_start3A_1203] : memref<6x128x64xf32, #tpu.memory_space<vmem>> -> memref<1x128x64xf32, #tpu.memory_space<vmem>>
    %dma_start3A_1205 = tpu.memref_squeeze %dma_start3A_1204 : memref<1x128x64xf32, #tpu.memory_space<vmem>> -> memref<128x64xf32, #tpu.memory_space<vmem>>
    tpu.enqueue_dma source(%dma_start3A_1205 : memref<128x64xf32, #tpu.memory_space<vmem>>) target(%dma_start3A_1201 : memref<128x64xf32, #tpu.memory_space<hbm>>) target_semaphore(%arg22 : memref<!tpu.dma_semaphore, #tpu.memory_space<semaphore_mem>>)
    %dma_wait3A_1206 = arith.constant 3 : i32
    %dma_wait3A_1207 = arith.constant 0 : i32
    %dma_wait3A_1208 = arith.constant 0 : i32
    %dma_wait3A_1209 = tpu.memref_slice %arg6[%dma_wait3A_1206, %dma_wait3A_1207, %dma_wait3A_1208] : memref<6x128x64xf32, #tpu.memory_space<vmem>> -> memref<1x128x64xf32, #tpu.memory_space<vmem>>
    %dma_wait3A_1210 = tpu.memref_squeeze %dma_wait3A_1209 : memref<1x128x64xf32, #tpu.memory_space<vmem>> -> memref<128x64xf32, #tpu.memory_space<vmem>>
    %dma_wait3A_1211 = arith.constant 0 : i32
    %dma_wait3A_1212 = tpu.memref_slice %arg4[%add3A_1088, %dma_wait3A_1211] : memref<204800x64xf32, #tpu.memory_space<hbm>> -> memref<128x64xf32, #tpu.memory_space<hbm>>
    %dma_wait3A_1213 = arith.constant 0 : i32
    %dma_wait3A_1214 = tpu.memref_slice %arg4[%add3A_1088, %dma_wait3A_1213] : memref<204800x64xf32, #tpu.memory_space<hbm>> -> memref<128x64xf32, #tpu.memory_space<hbm>>
    %dma_wait3A_1215 = arith.constant 0 : i32
    %dma_wait3A_1216 = arith.constant 0 : i32
    %dma_wait3A_1217 = tpu.memref_slice %arg6[%dma_wait3A_1206, %dma_wait3A_1215, %dma_wait3A_1216] : memref<6x128x64xf32, #tpu.memory_space<vmem>> -> memref<1x128x64xf32, #tpu.memory_space<vmem>>
    %dma_wait3A_1218 = tpu.memref_squeeze %dma_wait3A_1217 : memref<1x128x64xf32, #tpu.memory_space<vmem>> -> memref<128x64xf32, #tpu.memory_space<vmem>>
    tpu.wait_dma2 semaphore(%arg20 : memref<!tpu.dma_semaphore, #tpu.memory_space<semaphore_mem>>) src(%dma_wait3A_1218 : memref<128x64xf32, #tpu.memory_space<vmem>>) dst(%dma_wait3A_1214 : memref<128x64xf32, #tpu.memory_space<hbm>>)
    %dma_start3A_1219 = arith.constant 21 : i32
    %dma_start3A_1220 = arith.constant 3 : i32
    %dma_start3A_1221 = arith.constant 0 : i32
    %dma_start3A_1222 = arith.constant 0 : i32
    %dma_start3A_1223 = tpu.memref_slice %arg6[%dma_start3A_1220, %dma_start3A_1221, %dma_start3A_1222] : memref<6x128x64xf32, #tpu.memory_space<vmem>> -> memref<1x128x64xf32, #tpu.memory_space<vmem>>
    %dma_start3A_1224 = tpu.memref_squeeze %dma_start3A_1223 : memref<1x128x64xf32, #tpu.memory_space<vmem>> -> memref<128x64xf32, #tpu.memory_space<vmem>>
    %dma_start3A_1225 = arith.constant 0 : i32
    %dma_start3A_1226 = tpu.memref_slice %arg5[%dma_start3A_1219, %dma_start3A_1225] : memref<50x128xi32, #tpu.memory_space<vmem>> -> memref<1x128xi32, #tpu.memory_space<vmem>>
    %dma_start3A_1227 = tpu.memref_squeeze %dma_start3A_1226 : memref<1x128xi32, #tpu.memory_space<vmem>> -> memref<128xi32, #tpu.memory_space<vmem>>
    %dma_start3A_1228 = arith.constant 0 : i32
    %dma_start3A_1229 = arith.constant 0 : i32
    %dma_start3A_1230 = tpu.memref_slice %arg3[%dma_start3A_1228, %dma_start3A_1229] : memref<100000x64xf32, #tpu.memory_space<hbm>> -> memref<100000x64xf32, #tpu.memory_space<hbm>>
    tpu.enqueue_indirect_dma source(%dma_start3A_1230 : memref<100000x64xf32, #tpu.memory_space<hbm>>) target(%dma_start3A_1224 : memref<128x64xf32, #tpu.memory_space<vmem>>) offsets(%dma_start3A_1227 : memref<128xi32, #tpu.memory_space<vmem>>) semaphore(%arg14 : memref<!tpu.dma_semaphore, #tpu.memory_space<semaphore_mem>>)
    %dma_wait3A_1231 = arith.constant 18 : i32
    %dma_wait3A_1232 = arith.constant 0 : i32
    %dma_wait3A_1233 = arith.constant 0 : i32
    %dma_wait3A_1234 = arith.constant 0 : i32
    %dma_wait3A_1235 = tpu.memref_slice %arg6[%dma_wait3A_1232, %dma_wait3A_1233, %dma_wait3A_1234] : memref<6x128x64xf32, #tpu.memory_space<vmem>> -> memref<1x128x64xf32, #tpu.memory_space<vmem>>
    %dma_wait3A_1236 = tpu.memref_squeeze %dma_wait3A_1235 : memref<1x128x64xf32, #tpu.memory_space<vmem>> -> memref<128x64xf32, #tpu.memory_space<vmem>>
    %dma_wait3A_1237 = arith.constant 0 : i32
    %dma_wait3A_1238 = tpu.memref_slice %arg5[%dma_wait3A_1231, %dma_wait3A_1237] : memref<50x128xi32, #tpu.memory_space<vmem>> -> memref<1x128xi32, #tpu.memory_space<vmem>>
    %dma_wait3A_1239 = tpu.memref_squeeze %dma_wait3A_1238 : memref<1x128xi32, #tpu.memory_space<vmem>> -> memref<128xi32, #tpu.memory_space<vmem>>
    %dma_wait3A_1240 = arith.constant 0 : i32
    %dma_wait3A_1241 = arith.constant 0 : i32
    %dma_wait3A_1242 = tpu.memref_slice %arg3[%dma_wait3A_1240, %dma_wait3A_1241] : memref<100000x64xf32, #tpu.memory_space<hbm>> -> memref<100000x64xf32, #tpu.memory_space<hbm>>
    tpu.wait_indirect_dma semaphore(%arg11 : memref<!tpu.dma_semaphore, #tpu.memory_space<semaphore_mem>>) src(%dma_wait3A_1242 : memref<100000x64xf32, #tpu.memory_space<hbm>>) dst(%dma_wait3A_1236 : memref<128x64xf32, #tpu.memory_space<vmem>>)
    %add3A_1243 = arith.constant 2304 : i32
    %add3A_1244 = arith.addi %mul3A_2, %add3A_1243 : i32
    %dma_start3A_1245 = arith.constant 0 : i32
    %dma_start3A_1246 = arith.constant 0 : i32
    %dma_start3A_1247 = arith.constant 0 : i32
    %dma_start3A_1248 = tpu.memref_slice %arg6[%dma_start3A_1245, %dma_start3A_1246, %dma_start3A_1247] : memref<6x128x64xf32, #tpu.memory_space<vmem>> -> memref<1x128x64xf32, #tpu.memory_space<vmem>>
    %dma_start3A_1249 = tpu.memref_squeeze %dma_start3A_1248 : memref<1x128x64xf32, #tpu.memory_space<vmem>> -> memref<128x64xf32, #tpu.memory_space<vmem>>
    %dma_start3A_1250 = arith.constant 0 : i32
    %dma_start3A_1251 = tpu.memref_slice %arg4[%add3A_1244, %dma_start3A_1250] : memref<204800x64xf32, #tpu.memory_space<hbm>> -> memref<128x64xf32, #tpu.memory_space<hbm>>
    %dma_start3A_1252 = arith.constant 0 : i32
    %dma_start3A_1253 = tpu.memref_slice %arg4[%add3A_1244, %dma_start3A_1252] : memref<204800x64xf32, #tpu.memory_space<hbm>> -> memref<128x64xf32, #tpu.memory_space<hbm>>
    %dma_start3A_1254 = arith.constant 0 : i32
    %dma_start3A_1255 = arith.constant 0 : i32
    %dma_start3A_1256 = tpu.memref_slice %arg6[%dma_start3A_1245, %dma_start3A_1254, %dma_start3A_1255] : memref<6x128x64xf32, #tpu.memory_space<vmem>> -> memref<1x128x64xf32, #tpu.memory_space<vmem>>
    %dma_start3A_1257 = tpu.memref_squeeze %dma_start3A_1256 : memref<1x128x64xf32, #tpu.memory_space<vmem>> -> memref<128x64xf32, #tpu.memory_space<vmem>>
    tpu.enqueue_dma source(%dma_start3A_1257 : memref<128x64xf32, #tpu.memory_space<vmem>>) target(%dma_start3A_1253 : memref<128x64xf32, #tpu.memory_space<hbm>>) target_semaphore(%arg17 : memref<!tpu.dma_semaphore, #tpu.memory_space<semaphore_mem>>)
    %dma_wait3A_1258 = arith.constant 4 : i32
    %dma_wait3A_1259 = arith.constant 0 : i32
    %dma_wait3A_1260 = arith.constant 0 : i32
    %dma_wait3A_1261 = tpu.memref_slice %arg6[%dma_wait3A_1258, %dma_wait3A_1259, %dma_wait3A_1260] : memref<6x128x64xf32, #tpu.memory_space<vmem>> -> memref<1x128x64xf32, #tpu.memory_space<vmem>>
    %dma_wait3A_1262 = tpu.memref_squeeze %dma_wait3A_1261 : memref<1x128x64xf32, #tpu.memory_space<vmem>> -> memref<128x64xf32, #tpu.memory_space<vmem>>
    %dma_wait3A_1263 = arith.constant 0 : i32
    %dma_wait3A_1264 = tpu.memref_slice %arg4[%add3A_1140, %dma_wait3A_1263] : memref<204800x64xf32, #tpu.memory_space<hbm>> -> memref<128x64xf32, #tpu.memory_space<hbm>>
    %dma_wait3A_1265 = arith.constant 0 : i32
    %dma_wait3A_1266 = tpu.memref_slice %arg4[%add3A_1140, %dma_wait3A_1265] : memref<204800x64xf32, #tpu.memory_space<hbm>> -> memref<128x64xf32, #tpu.memory_space<hbm>>
    %dma_wait3A_1267 = arith.constant 0 : i32
    %dma_wait3A_1268 = arith.constant 0 : i32
    %dma_wait3A_1269 = tpu.memref_slice %arg6[%dma_wait3A_1258, %dma_wait3A_1267, %dma_wait3A_1268] : memref<6x128x64xf32, #tpu.memory_space<vmem>> -> memref<1x128x64xf32, #tpu.memory_space<vmem>>
    %dma_wait3A_1270 = tpu.memref_squeeze %dma_wait3A_1269 : memref<1x128x64xf32, #tpu.memory_space<vmem>> -> memref<128x64xf32, #tpu.memory_space<vmem>>
    tpu.wait_dma2 semaphore(%arg21 : memref<!tpu.dma_semaphore, #tpu.memory_space<semaphore_mem>>) src(%dma_wait3A_1270 : memref<128x64xf32, #tpu.memory_space<vmem>>) dst(%dma_wait3A_1266 : memref<128x64xf32, #tpu.memory_space<hbm>>)
    %dma_start3A_1271 = arith.constant 22 : i32
    %dma_start3A_1272 = arith.constant 4 : i32
    %dma_start3A_1273 = arith.constant 0 : i32
    %dma_start3A_1274 = arith.constant 0 : i32
    %dma_start3A_1275 = tpu.memref_slice %arg6[%dma_start3A_1272, %dma_start3A_1273, %dma_start3A_1274] : memref<6x128x64xf32, #tpu.memory_space<vmem>> -> memref<1x128x64xf32, #tpu.memory_space<vmem>>
    %dma_start3A_1276 = tpu.memref_squeeze %dma_start3A_1275 : memref<1x128x64xf32, #tpu.memory_space<vmem>> -> memref<128x64xf32, #tpu.memory_space<vmem>>
    %dma_start3A_1277 = arith.constant 0 : i32
    %dma_start3A_1278 = tpu.memref_slice %arg5[%dma_start3A_1271, %dma_start3A_1277] : memref<50x128xi32, #tpu.memory_space<vmem>> -> memref<1x128xi32, #tpu.memory_space<vmem>>
    %dma_start3A_1279 = tpu.memref_squeeze %dma_start3A_1278 : memref<1x128xi32, #tpu.memory_space<vmem>> -> memref<128xi32, #tpu.memory_space<vmem>>
    %dma_start3A_1280 = arith.constant 0 : i32
    %dma_start3A_1281 = arith.constant 0 : i32
    %dma_start3A_1282 = tpu.memref_slice %arg3[%dma_start3A_1280, %dma_start3A_1281] : memref<100000x64xf32, #tpu.memory_space<hbm>> -> memref<100000x64xf32, #tpu.memory_space<hbm>>
    tpu.enqueue_indirect_dma source(%dma_start3A_1282 : memref<100000x64xf32, #tpu.memory_space<hbm>>) target(%dma_start3A_1276 : memref<128x64xf32, #tpu.memory_space<vmem>>) offsets(%dma_start3A_1279 : memref<128xi32, #tpu.memory_space<vmem>>) semaphore(%arg15 : memref<!tpu.dma_semaphore, #tpu.memory_space<semaphore_mem>>)
    %dma_wait3A_1283 = arith.constant 19 : i32
    %dma_wait3A_1284 = arith.constant 1 : i32
    %dma_wait3A_1285 = arith.constant 0 : i32
    %dma_wait3A_1286 = arith.constant 0 : i32
    %dma_wait3A_1287 = tpu.memref_slice %arg6[%dma_wait3A_1284, %dma_wait3A_1285, %dma_wait3A_1286] : memref<6x128x64xf32, #tpu.memory_space<vmem>> -> memref<1x128x64xf32, #tpu.memory_space<vmem>>
    %dma_wait3A_1288 = tpu.memref_squeeze %dma_wait3A_1287 : memref<1x128x64xf32, #tpu.memory_space<vmem>> -> memref<128x64xf32, #tpu.memory_space<vmem>>
    %dma_wait3A_1289 = arith.constant 0 : i32
    %dma_wait3A_1290 = tpu.memref_slice %arg5[%dma_wait3A_1283, %dma_wait3A_1289] : memref<50x128xi32, #tpu.memory_space<vmem>> -> memref<1x128xi32, #tpu.memory_space<vmem>>
    %dma_wait3A_1291 = tpu.memref_squeeze %dma_wait3A_1290 : memref<1x128xi32, #tpu.memory_space<vmem>> -> memref<128xi32, #tpu.memory_space<vmem>>
    %dma_wait3A_1292 = arith.constant 0 : i32
    %dma_wait3A_1293 = arith.constant 0 : i32
    %dma_wait3A_1294 = tpu.memref_slice %arg3[%dma_wait3A_1292, %dma_wait3A_1293] : memref<100000x64xf32, #tpu.memory_space<hbm>> -> memref<100000x64xf32, #tpu.memory_space<hbm>>
    tpu.wait_indirect_dma semaphore(%arg12 : memref<!tpu.dma_semaphore, #tpu.memory_space<semaphore_mem>>) src(%dma_wait3A_1294 : memref<100000x64xf32, #tpu.memory_space<hbm>>) dst(%dma_wait3A_1288 : memref<128x64xf32, #tpu.memory_space<vmem>>)
    %add3A_1295 = arith.constant 2432 : i32
    %add3A_1296 = arith.addi %mul3A_2, %add3A_1295 : i32
    %dma_start3A_1297 = arith.constant 1 : i32
    %dma_start3A_1298 = arith.constant 0 : i32
    %dma_start3A_1299 = arith.constant 0 : i32
    %dma_start3A_1300 = tpu.memref_slice %arg6[%dma_start3A_1297, %dma_start3A_1298, %dma_start3A_1299] : memref<6x128x64xf32, #tpu.memory_space<vmem>> -> memref<1x128x64xf32, #tpu.memory_space<vmem>>
    %dma_start3A_1301 = tpu.memref_squeeze %dma_start3A_1300 : memref<1x128x64xf32, #tpu.memory_space<vmem>> -> memref<128x64xf32, #tpu.memory_space<vmem>>
    %dma_start3A_1302 = arith.constant 0 : i32
    %dma_start3A_1303 = tpu.memref_slice %arg4[%add3A_1296, %dma_start3A_1302] : memref<204800x64xf32, #tpu.memory_space<hbm>> -> memref<128x64xf32, #tpu.memory_space<hbm>>
    %dma_start3A_1304 = arith.constant 0 : i32
    %dma_start3A_1305 = tpu.memref_slice %arg4[%add3A_1296, %dma_start3A_1304] : memref<204800x64xf32, #tpu.memory_space<hbm>> -> memref<128x64xf32, #tpu.memory_space<hbm>>
    %dma_start3A_1306 = arith.constant 0 : i32
    %dma_start3A_1307 = arith.constant 0 : i32
    %dma_start3A_1308 = tpu.memref_slice %arg6[%dma_start3A_1297, %dma_start3A_1306, %dma_start3A_1307] : memref<6x128x64xf32, #tpu.memory_space<vmem>> -> memref<1x128x64xf32, #tpu.memory_space<vmem>>
    %dma_start3A_1309 = tpu.memref_squeeze %dma_start3A_1308 : memref<1x128x64xf32, #tpu.memory_space<vmem>> -> memref<128x64xf32, #tpu.memory_space<vmem>>
    tpu.enqueue_dma source(%dma_start3A_1309 : memref<128x64xf32, #tpu.memory_space<vmem>>) target(%dma_start3A_1305 : memref<128x64xf32, #tpu.memory_space<hbm>>) target_semaphore(%arg18 : memref<!tpu.dma_semaphore, #tpu.memory_space<semaphore_mem>>)
    %dma_wait3A_1310 = arith.constant 5 : i32
    %dma_wait3A_1311 = arith.constant 0 : i32
    %dma_wait3A_1312 = arith.constant 0 : i32
    %dma_wait3A_1313 = tpu.memref_slice %arg6[%dma_wait3A_1310, %dma_wait3A_1311, %dma_wait3A_1312] : memref<6x128x64xf32, #tpu.memory_space<vmem>> -> memref<1x128x64xf32, #tpu.memory_space<vmem>>
    %dma_wait3A_1314 = tpu.memref_squeeze %dma_wait3A_1313 : memref<1x128x64xf32, #tpu.memory_space<vmem>> -> memref<128x64xf32, #tpu.memory_space<vmem>>
    %dma_wait3A_1315 = arith.constant 0 : i32
    %dma_wait3A_1316 = tpu.memref_slice %arg4[%add3A_1192, %dma_wait3A_1315] : memref<204800x64xf32, #tpu.memory_space<hbm>> -> memref<128x64xf32, #tpu.memory_space<hbm>>
    %dma_wait3A_1317 = arith.constant 0 : i32
    %dma_wait3A_1318 = tpu.memref_slice %arg4[%add3A_1192, %dma_wait3A_1317] : memref<204800x64xf32, #tpu.memory_space<hbm>> -> memref<128x64xf32, #tpu.memory_space<hbm>>
    %dma_wait3A_1319 = arith.constant 0 : i32
    %dma_wait3A_1320 = arith.constant 0 : i32
    %dma_wait3A_1321 = tpu.memref_slice %arg6[%dma_wait3A_1310, %dma_wait3A_1319, %dma_wait3A_1320] : memref<6x128x64xf32, #tpu.memory_space<vmem>> -> memref<1x128x64xf32, #tpu.memory_space<vmem>>
    %dma_wait3A_1322 = tpu.memref_squeeze %dma_wait3A_1321 : memref<1x128x64xf32, #tpu.memory_space<vmem>> -> memref<128x64xf32, #tpu.memory_space<vmem>>
    tpu.wait_dma2 semaphore(%arg22 : memref<!tpu.dma_semaphore, #tpu.memory_space<semaphore_mem>>) src(%dma_wait3A_1322 : memref<128x64xf32, #tpu.memory_space<vmem>>) dst(%dma_wait3A_1318 : memref<128x64xf32, #tpu.memory_space<hbm>>)
    %dma_start3A_1323 = arith.constant 23 : i32
    %dma_start3A_1324 = arith.constant 5 : i32
    %dma_start3A_1325 = arith.constant 0 : i32
    %dma_start3A_1326 = arith.constant 0 : i32
    %dma_start3A_1327 = tpu.memref_slice %arg6[%dma_start3A_1324, %dma_start3A_1325, %dma_start3A_1326] : memref<6x128x64xf32, #tpu.memory_space<vmem>> -> memref<1x128x64xf32, #tpu.memory_space<vmem>>
    %dma_start3A_1328 = tpu.memref_squeeze %dma_start3A_1327 : memref<1x128x64xf32, #tpu.memory_space<vmem>> -> memref<128x64xf32, #tpu.memory_space<vmem>>
    %dma_start3A_1329 = arith.constant 0 : i32
    %dma_start3A_1330 = tpu.memref_slice %arg5[%dma_start3A_1323, %dma_start3A_1329] : memref<50x128xi32, #tpu.memory_space<vmem>> -> memref<1x128xi32, #tpu.memory_space<vmem>>
    %dma_start3A_1331 = tpu.memref_squeeze %dma_start3A_1330 : memref<1x128xi32, #tpu.memory_space<vmem>> -> memref<128xi32, #tpu.memory_space<vmem>>
    %dma_start3A_1332 = arith.constant 0 : i32
    %dma_start3A_1333 = arith.constant 0 : i32
    %dma_start3A_1334 = tpu.memref_slice %arg3[%dma_start3A_1332, %dma_start3A_1333] : memref<100000x64xf32, #tpu.memory_space<hbm>> -> memref<100000x64xf32, #tpu.memory_space<hbm>>
    tpu.enqueue_indirect_dma source(%dma_start3A_1334 : memref<100000x64xf32, #tpu.memory_space<hbm>>) target(%dma_start3A_1328 : memref<128x64xf32, #tpu.memory_space<vmem>>) offsets(%dma_start3A_1331 : memref<128xi32, #tpu.memory_space<vmem>>) semaphore(%arg16 : memref<!tpu.dma_semaphore, #tpu.memory_space<semaphore_mem>>)
    %dma_wait3A_1335 = arith.constant 20 : i32
    %dma_wait3A_1336 = arith.constant 2 : i32
    %dma_wait3A_1337 = arith.constant 0 : i32
    %dma_wait3A_1338 = arith.constant 0 : i32
    %dma_wait3A_1339 = tpu.memref_slice %arg6[%dma_wait3A_1336, %dma_wait3A_1337, %dma_wait3A_1338] : memref<6x128x64xf32, #tpu.memory_space<vmem>> -> memref<1x128x64xf32, #tpu.memory_space<vmem>>
    %dma_wait3A_1340 = tpu.memref_squeeze %dma_wait3A_1339 : memref<1x128x64xf32, #tpu.memory_space<vmem>> -> memref<128x64xf32, #tpu.memory_space<vmem>>
    %dma_wait3A_1341 = arith.constant 0 : i32
    %dma_wait3A_1342 = tpu.memref_slice %arg5[%dma_wait3A_1335, %dma_wait3A_1341] : memref<50x128xi32, #tpu.memory_space<vmem>> -> memref<1x128xi32, #tpu.memory_space<vmem>>
    %dma_wait3A_1343 = tpu.memref_squeeze %dma_wait3A_1342 : memref<1x128xi32, #tpu.memory_space<vmem>> -> memref<128xi32, #tpu.memory_space<vmem>>
    %dma_wait3A_1344 = arith.constant 0 : i32
    %dma_wait3A_1345 = arith.constant 0 : i32
    %dma_wait3A_1346 = tpu.memref_slice %arg3[%dma_wait3A_1344, %dma_wait3A_1345] : memref<100000x64xf32, #tpu.memory_space<hbm>> -> memref<100000x64xf32, #tpu.memory_space<hbm>>
    tpu.wait_indirect_dma semaphore(%arg13 : memref<!tpu.dma_semaphore, #tpu.memory_space<semaphore_mem>>) src(%dma_wait3A_1346 : memref<100000x64xf32, #tpu.memory_space<hbm>>) dst(%dma_wait3A_1340 : memref<128x64xf32, #tpu.memory_space<vmem>>)
    %add3A_1347 = arith.constant 2560 : i32
    %add3A_1348 = arith.addi %mul3A_2, %add3A_1347 : i32
    %dma_start3A_1349 = arith.constant 2 : i32
    %dma_start3A_1350 = arith.constant 0 : i32
    %dma_start3A_1351 = arith.constant 0 : i32
    %dma_start3A_1352 = tpu.memref_slice %arg6[%dma_start3A_1349, %dma_start3A_1350, %dma_start3A_1351] : memref<6x128x64xf32, #tpu.memory_space<vmem>> -> memref<1x128x64xf32, #tpu.memory_space<vmem>>
    %dma_start3A_1353 = tpu.memref_squeeze %dma_start3A_1352 : memref<1x128x64xf32, #tpu.memory_space<vmem>> -> memref<128x64xf32, #tpu.memory_space<vmem>>
    %dma_start3A_1354 = arith.constant 0 : i32
    %dma_start3A_1355 = tpu.memref_slice %arg4[%add3A_1348, %dma_start3A_1354] : memref<204800x64xf32, #tpu.memory_space<hbm>> -> memref<128x64xf32, #tpu.memory_space<hbm>>
    %dma_start3A_1356 = arith.constant 0 : i32
    %dma_start3A_1357 = tpu.memref_slice %arg4[%add3A_1348, %dma_start3A_1356] : memref<204800x64xf32, #tpu.memory_space<hbm>> -> memref<128x64xf32, #tpu.memory_space<hbm>>
    %dma_start3A_1358 = arith.constant 0 : i32
    %dma_start3A_1359 = arith.constant 0 : i32
    %dma_start3A_1360 = tpu.memref_slice %arg6[%dma_start3A_1349, %dma_start3A_1358, %dma_start3A_1359] : memref<6x128x64xf32, #tpu.memory_space<vmem>> -> memref<1x128x64xf32, #tpu.memory_space<vmem>>
    %dma_start3A_1361 = tpu.memref_squeeze %dma_start3A_1360 : memref<1x128x64xf32, #tpu.memory_space<vmem>> -> memref<128x64xf32, #tpu.memory_space<vmem>>
    tpu.enqueue_dma source(%dma_start3A_1361 : memref<128x64xf32, #tpu.memory_space<vmem>>) target(%dma_start3A_1357 : memref<128x64xf32, #tpu.memory_space<hbm>>) target_semaphore(%arg19 : memref<!tpu.dma_semaphore, #tpu.memory_space<semaphore_mem>>)
    %dma_wait3A_1362 = arith.constant 0 : i32
    %dma_wait3A_1363 = arith.constant 0 : i32
    %dma_wait3A_1364 = arith.constant 0 : i32
    %dma_wait3A_1365 = tpu.memref_slice %arg6[%dma_wait3A_1362, %dma_wait3A_1363, %dma_wait3A_1364] : memref<6x128x64xf32, #tpu.memory_space<vmem>> -> memref<1x128x64xf32, #tpu.memory_space<vmem>>
    %dma_wait3A_1366 = tpu.memref_squeeze %dma_wait3A_1365 : memref<1x128x64xf32, #tpu.memory_space<vmem>> -> memref<128x64xf32, #tpu.memory_space<vmem>>
    %dma_wait3A_1367 = arith.constant 0 : i32
    %dma_wait3A_1368 = tpu.memref_slice %arg4[%add3A_1244, %dma_wait3A_1367] : memref<204800x64xf32, #tpu.memory_space<hbm>> -> memref<128x64xf32, #tpu.memory_space<hbm>>
    %dma_wait3A_1369 = arith.constant 0 : i32
    %dma_wait3A_1370 = tpu.memref_slice %arg4[%add3A_1244, %dma_wait3A_1369] : memref<204800x64xf32, #tpu.memory_space<hbm>> -> memref<128x64xf32, #tpu.memory_space<hbm>>
    %dma_wait3A_1371 = arith.constant 0 : i32
    %dma_wait3A_1372 = arith.constant 0 : i32
    %dma_wait3A_1373 = tpu.memref_slice %arg6[%dma_wait3A_1362, %dma_wait3A_1371, %dma_wait3A_1372] : memref<6x128x64xf32, #tpu.memory_space<vmem>> -> memref<1x128x64xf32, #tpu.memory_space<vmem>>
    %dma_wait3A_1374 = tpu.memref_squeeze %dma_wait3A_1373 : memref<1x128x64xf32, #tpu.memory_space<vmem>> -> memref<128x64xf32, #tpu.memory_space<vmem>>
    tpu.wait_dma2 semaphore(%arg17 : memref<!tpu.dma_semaphore, #tpu.memory_space<semaphore_mem>>) src(%dma_wait3A_1374 : memref<128x64xf32, #tpu.memory_space<vmem>>) dst(%dma_wait3A_1370 : memref<128x64xf32, #tpu.memory_space<hbm>>)
    %dma_start3A_1375 = arith.constant 24 : i32
    %dma_start3A_1376 = arith.constant 0 : i32
    %dma_start3A_1377 = arith.constant 0 : i32
    %dma_start3A_1378 = arith.constant 0 : i32
    %dma_start3A_1379 = tpu.memref_slice %arg6[%dma_start3A_1376, %dma_start3A_1377, %dma_start3A_1378] : memref<6x128x64xf32, #tpu.memory_space<vmem>> -> memref<1x128x64xf32, #tpu.memory_space<vmem>>
    %dma_start3A_1380 = tpu.memref_squeeze %dma_start3A_1379 : memref<1x128x64xf32, #tpu.memory_space<vmem>> -> memref<128x64xf32, #tpu.memory_space<vmem>>
    %dma_start3A_1381 = arith.constant 0 : i32
    %dma_start3A_1382 = tpu.memref_slice %arg5[%dma_start3A_1375, %dma_start3A_1381] : memref<50x128xi32, #tpu.memory_space<vmem>> -> memref<1x128xi32, #tpu.memory_space<vmem>>
    %dma_start3A_1383 = tpu.memref_squeeze %dma_start3A_1382 : memref<1x128xi32, #tpu.memory_space<vmem>> -> memref<128xi32, #tpu.memory_space<vmem>>
    %dma_start3A_1384 = arith.constant 0 : i32
    %dma_start3A_1385 = arith.constant 0 : i32
    %dma_start3A_1386 = tpu.memref_slice %arg3[%dma_start3A_1384, %dma_start3A_1385] : memref<100000x64xf32, #tpu.memory_space<hbm>> -> memref<100000x64xf32, #tpu.memory_space<hbm>>
    tpu.enqueue_indirect_dma source(%dma_start3A_1386 : memref<100000x64xf32, #tpu.memory_space<hbm>>) target(%dma_start3A_1380 : memref<128x64xf32, #tpu.memory_space<vmem>>) offsets(%dma_start3A_1383 : memref<128xi32, #tpu.memory_space<vmem>>) semaphore(%arg11 : memref<!tpu.dma_semaphore, #tpu.memory_space<semaphore_mem>>)
    %dma_wait3A_1387 = arith.constant 21 : i32
    %dma_wait3A_1388 = arith.constant 3 : i32
    %dma_wait3A_1389 = arith.constant 0 : i32
    %dma_wait3A_1390 = arith.constant 0 : i32
    %dma_wait3A_1391 = tpu.memref_slice %arg6[%dma_wait3A_1388, %dma_wait3A_1389, %dma_wait3A_1390] : memref<6x128x64xf32, #tpu.memory_space<vmem>> -> memref<1x128x64xf32, #tpu.memory_space<vmem>>
    %dma_wait3A_1392 = tpu.memref_squeeze %dma_wait3A_1391 : memref<1x128x64xf32, #tpu.memory_space<vmem>> -> memref<128x64xf32, #tpu.memory_space<vmem>>
    %dma_wait3A_1393 = arith.constant 0 : i32
    %dma_wait3A_1394 = tpu.memref_slice %arg5[%dma_wait3A_1387, %dma_wait3A_1393] : memref<50x128xi32, #tpu.memory_space<vmem>> -> memref<1x128xi32, #tpu.memory_space<vmem>>
    %dma_wait3A_1395 = tpu.memref_squeeze %dma_wait3A_1394 : memref<1x128xi32, #tpu.memory_space<vmem>> -> memref<128xi32, #tpu.memory_space<vmem>>
    %dma_wait3A_1396 = arith.constant 0 : i32
    %dma_wait3A_1397 = arith.constant 0 : i32
    %dma_wait3A_1398 = tpu.memref_slice %arg3[%dma_wait3A_1396, %dma_wait3A_1397] : memref<100000x64xf32, #tpu.memory_space<hbm>> -> memref<100000x64xf32, #tpu.memory_space<hbm>>
    tpu.wait_indirect_dma semaphore(%arg14 : memref<!tpu.dma_semaphore, #tpu.memory_space<semaphore_mem>>) src(%dma_wait3A_1398 : memref<100000x64xf32, #tpu.memory_space<hbm>>) dst(%dma_wait3A_1392 : memref<128x64xf32, #tpu.memory_space<vmem>>)
    %add3A_1399 = arith.constant 2688 : i32
    %add3A_1400 = arith.addi %mul3A_2, %add3A_1399 : i32
    %dma_start3A_1401 = arith.constant 3 : i32
    %dma_start3A_1402 = arith.constant 0 : i32
    %dma_start3A_1403 = arith.constant 0 : i32
    %dma_start3A_1404 = tpu.memref_slice %arg6[%dma_start3A_1401, %dma_start3A_1402, %dma_start3A_1403] : memref<6x128x64xf32, #tpu.memory_space<vmem>> -> memref<1x128x64xf32, #tpu.memory_space<vmem>>
    %dma_start3A_1405 = tpu.memref_squeeze %dma_start3A_1404 : memref<1x128x64xf32, #tpu.memory_space<vmem>> -> memref<128x64xf32, #tpu.memory_space<vmem>>
    %dma_start3A_1406 = arith.constant 0 : i32
    %dma_start3A_1407 = tpu.memref_slice %arg4[%add3A_1400, %dma_start3A_1406] : memref<204800x64xf32, #tpu.memory_space<hbm>> -> memref<128x64xf32, #tpu.memory_space<hbm>>
    %dma_start3A_1408 = arith.constant 0 : i32
    %dma_start3A_1409 = tpu.memref_slice %arg4[%add3A_1400, %dma_start3A_1408] : memref<204800x64xf32, #tpu.memory_space<hbm>> -> memref<128x64xf32, #tpu.memory_space<hbm>>
    %dma_start3A_1410 = arith.constant 0 : i32
    %dma_start3A_1411 = arith.constant 0 : i32
    %dma_start3A_1412 = tpu.memref_slice %arg6[%dma_start3A_1401, %dma_start3A_1410, %dma_start3A_1411] : memref<6x128x64xf32, #tpu.memory_space<vmem>> -> memref<1x128x64xf32, #tpu.memory_space<vmem>>
    %dma_start3A_1413 = tpu.memref_squeeze %dma_start3A_1412 : memref<1x128x64xf32, #tpu.memory_space<vmem>> -> memref<128x64xf32, #tpu.memory_space<vmem>>
    tpu.enqueue_dma source(%dma_start3A_1413 : memref<128x64xf32, #tpu.memory_space<vmem>>) target(%dma_start3A_1409 : memref<128x64xf32, #tpu.memory_space<hbm>>) target_semaphore(%arg20 : memref<!tpu.dma_semaphore, #tpu.memory_space<semaphore_mem>>)
    %dma_wait3A_1414 = arith.constant 1 : i32
    %dma_wait3A_1415 = arith.constant 0 : i32
    %dma_wait3A_1416 = arith.constant 0 : i32
    %dma_wait3A_1417 = tpu.memref_slice %arg6[%dma_wait3A_1414, %dma_wait3A_1415, %dma_wait3A_1416] : memref<6x128x64xf32, #tpu.memory_space<vmem>> -> memref<1x128x64xf32, #tpu.memory_space<vmem>>
    %dma_wait3A_1418 = tpu.memref_squeeze %dma_wait3A_1417 : memref<1x128x64xf32, #tpu.memory_space<vmem>> -> memref<128x64xf32, #tpu.memory_space<vmem>>
    %dma_wait3A_1419 = arith.constant 0 : i32
    %dma_wait3A_1420 = tpu.memref_slice %arg4[%add3A_1296, %dma_wait3A_1419] : memref<204800x64xf32, #tpu.memory_space<hbm>> -> memref<128x64xf32, #tpu.memory_space<hbm>>
    %dma_wait3A_1421 = arith.constant 0 : i32
    %dma_wait3A_1422 = tpu.memref_slice %arg4[%add3A_1296, %dma_wait3A_1421] : memref<204800x64xf32, #tpu.memory_space<hbm>> -> memref<128x64xf32, #tpu.memory_space<hbm>>
    %dma_wait3A_1423 = arith.constant 0 : i32
    %dma_wait3A_1424 = arith.constant 0 : i32
    %dma_wait3A_1425 = tpu.memref_slice %arg6[%dma_wait3A_1414, %dma_wait3A_1423, %dma_wait3A_1424] : memref<6x128x64xf32, #tpu.memory_space<vmem>> -> memref<1x128x64xf32, #tpu.memory_space<vmem>>
    %dma_wait3A_1426 = tpu.memref_squeeze %dma_wait3A_1425 : memref<1x128x64xf32, #tpu.memory_space<vmem>> -> memref<128x64xf32, #tpu.memory_space<vmem>>
    tpu.wait_dma2 semaphore(%arg18 : memref<!tpu.dma_semaphore, #tpu.memory_space<semaphore_mem>>) src(%dma_wait3A_1426 : memref<128x64xf32, #tpu.memory_space<vmem>>) dst(%dma_wait3A_1422 : memref<128x64xf32, #tpu.memory_space<hbm>>)
    %dma_start3A_1427 = arith.constant 25 : i32
    %dma_start3A_1428 = arith.constant 1 : i32
    %dma_start3A_1429 = arith.constant 0 : i32
    %dma_start3A_1430 = arith.constant 0 : i32
    %dma_start3A_1431 = tpu.memref_slice %arg6[%dma_start3A_1428, %dma_start3A_1429, %dma_start3A_1430] : memref<6x128x64xf32, #tpu.memory_space<vmem>> -> memref<1x128x64xf32, #tpu.memory_space<vmem>>
    %dma_start3A_1432 = tpu.memref_squeeze %dma_start3A_1431 : memref<1x128x64xf32, #tpu.memory_space<vmem>> -> memref<128x64xf32, #tpu.memory_space<vmem>>
    %dma_start3A_1433 = arith.constant 0 : i32
    %dma_start3A_1434 = tpu.memref_slice %arg5[%dma_start3A_1427, %dma_start3A_1433] : memref<50x128xi32, #tpu.memory_space<vmem>> -> memref<1x128xi32, #tpu.memory_space<vmem>>
    %dma_start3A_1435 = tpu.memref_squeeze %dma_start3A_1434 : memref<1x128xi32, #tpu.memory_space<vmem>> -> memref<128xi32, #tpu.memory_space<vmem>>
    %dma_start3A_1436 = arith.constant 0 : i32
    %dma_start3A_1437 = arith.constant 0 : i32
    %dma_start3A_1438 = tpu.memref_slice %arg3[%dma_start3A_1436, %dma_start3A_1437] : memref<100000x64xf32, #tpu.memory_space<hbm>> -> memref<100000x64xf32, #tpu.memory_space<hbm>>
    tpu.enqueue_indirect_dma source(%dma_start3A_1438 : memref<100000x64xf32, #tpu.memory_space<hbm>>) target(%dma_start3A_1432 : memref<128x64xf32, #tpu.memory_space<vmem>>) offsets(%dma_start3A_1435 : memref<128xi32, #tpu.memory_space<vmem>>) semaphore(%arg12 : memref<!tpu.dma_semaphore, #tpu.memory_space<semaphore_mem>>)
    %dma_wait3A_1439 = arith.constant 22 : i32
    %dma_wait3A_1440 = arith.constant 4 : i32
    %dma_wait3A_1441 = arith.constant 0 : i32
    %dma_wait3A_1442 = arith.constant 0 : i32
    %dma_wait3A_1443 = tpu.memref_slice %arg6[%dma_wait3A_1440, %dma_wait3A_1441, %dma_wait3A_1442] : memref<6x128x64xf32, #tpu.memory_space<vmem>> -> memref<1x128x64xf32, #tpu.memory_space<vmem>>
    %dma_wait3A_1444 = tpu.memref_squeeze %dma_wait3A_1443 : memref<1x128x64xf32, #tpu.memory_space<vmem>> -> memref<128x64xf32, #tpu.memory_space<vmem>>
    %dma_wait3A_1445 = arith.constant 0 : i32
    %dma_wait3A_1446 = tpu.memref_slice %arg5[%dma_wait3A_1439, %dma_wait3A_1445] : memref<50x128xi32, #tpu.memory_space<vmem>> -> memref<1x128xi32, #tpu.memory_space<vmem>>
    %dma_wait3A_1447 = tpu.memref_squeeze %dma_wait3A_1446 : memref<1x128xi32, #tpu.memory_space<vmem>> -> memref<128xi32, #tpu.memory_space<vmem>>
    %dma_wait3A_1448 = arith.constant 0 : i32
    %dma_wait3A_1449 = arith.constant 0 : i32
    %dma_wait3A_1450 = tpu.memref_slice %arg3[%dma_wait3A_1448, %dma_wait3A_1449] : memref<100000x64xf32, #tpu.memory_space<hbm>> -> memref<100000x64xf32, #tpu.memory_space<hbm>>
    tpu.wait_indirect_dma semaphore(%arg15 : memref<!tpu.dma_semaphore, #tpu.memory_space<semaphore_mem>>) src(%dma_wait3A_1450 : memref<100000x64xf32, #tpu.memory_space<hbm>>) dst(%dma_wait3A_1444 : memref<128x64xf32, #tpu.memory_space<vmem>>)
    %add3A_1451 = arith.constant 2816 : i32
    %add3A_1452 = arith.addi %mul3A_2, %add3A_1451 : i32
    %dma_start3A_1453 = arith.constant 4 : i32
    %dma_start3A_1454 = arith.constant 0 : i32
    %dma_start3A_1455 = arith.constant 0 : i32
    %dma_start3A_1456 = tpu.memref_slice %arg6[%dma_start3A_1453, %dma_start3A_1454, %dma_start3A_1455] : memref<6x128x64xf32, #tpu.memory_space<vmem>> -> memref<1x128x64xf32, #tpu.memory_space<vmem>>
    %dma_start3A_1457 = tpu.memref_squeeze %dma_start3A_1456 : memref<1x128x64xf32, #tpu.memory_space<vmem>> -> memref<128x64xf32, #tpu.memory_space<vmem>>
    %dma_start3A_1458 = arith.constant 0 : i32
    %dma_start3A_1459 = tpu.memref_slice %arg4[%add3A_1452, %dma_start3A_1458] : memref<204800x64xf32, #tpu.memory_space<hbm>> -> memref<128x64xf32, #tpu.memory_space<hbm>>
    %dma_start3A_1460 = arith.constant 0 : i32
    %dma_start3A_1461 = tpu.memref_slice %arg4[%add3A_1452, %dma_start3A_1460] : memref<204800x64xf32, #tpu.memory_space<hbm>> -> memref<128x64xf32, #tpu.memory_space<hbm>>
    %dma_start3A_1462 = arith.constant 0 : i32
    %dma_start3A_1463 = arith.constant 0 : i32
    %dma_start3A_1464 = tpu.memref_slice %arg6[%dma_start3A_1453, %dma_start3A_1462, %dma_start3A_1463] : memref<6x128x64xf32, #tpu.memory_space<vmem>> -> memref<1x128x64xf32, #tpu.memory_space<vmem>>
    %dma_start3A_1465 = tpu.memref_squeeze %dma_start3A_1464 : memref<1x128x64xf32, #tpu.memory_space<vmem>> -> memref<128x64xf32, #tpu.memory_space<vmem>>
    tpu.enqueue_dma source(%dma_start3A_1465 : memref<128x64xf32, #tpu.memory_space<vmem>>) target(%dma_start3A_1461 : memref<128x64xf32, #tpu.memory_space<hbm>>) target_semaphore(%arg21 : memref<!tpu.dma_semaphore, #tpu.memory_space<semaphore_mem>>)
    %dma_wait3A_1466 = arith.constant 2 : i32
    %dma_wait3A_1467 = arith.constant 0 : i32
    %dma_wait3A_1468 = arith.constant 0 : i32
    %dma_wait3A_1469 = tpu.memref_slice %arg6[%dma_wait3A_1466, %dma_wait3A_1467, %dma_wait3A_1468] : memref<6x128x64xf32, #tpu.memory_space<vmem>> -> memref<1x128x64xf32, #tpu.memory_space<vmem>>
    %dma_wait3A_1470 = tpu.memref_squeeze %dma_wait3A_1469 : memref<1x128x64xf32, #tpu.memory_space<vmem>> -> memref<128x64xf32, #tpu.memory_space<vmem>>
    %dma_wait3A_1471 = arith.constant 0 : i32
    %dma_wait3A_1472 = tpu.memref_slice %arg4[%add3A_1348, %dma_wait3A_1471] : memref<204800x64xf32, #tpu.memory_space<hbm>> -> memref<128x64xf32, #tpu.memory_space<hbm>>
    %dma_wait3A_1473 = arith.constant 0 : i32
    %dma_wait3A_1474 = tpu.memref_slice %arg4[%add3A_1348, %dma_wait3A_1473] : memref<204800x64xf32, #tpu.memory_space<hbm>> -> memref<128x64xf32, #tpu.memory_space<hbm>>
    %dma_wait3A_1475 = arith.constant 0 : i32
    %dma_wait3A_1476 = arith.constant 0 : i32
    %dma_wait3A_1477 = tpu.memref_slice %arg6[%dma_wait3A_1466, %dma_wait3A_1475, %dma_wait3A_1476] : memref<6x128x64xf32, #tpu.memory_space<vmem>> -> memref<1x128x64xf32, #tpu.memory_space<vmem>>
    %dma_wait3A_1478 = tpu.memref_squeeze %dma_wait3A_1477 : memref<1x128x64xf32, #tpu.memory_space<vmem>> -> memref<128x64xf32, #tpu.memory_space<vmem>>
    tpu.wait_dma2 semaphore(%arg19 : memref<!tpu.dma_semaphore, #tpu.memory_space<semaphore_mem>>) src(%dma_wait3A_1478 : memref<128x64xf32, #tpu.memory_space<vmem>>) dst(%dma_wait3A_1474 : memref<128x64xf32, #tpu.memory_space<hbm>>)
    %dma_start3A_1479 = arith.constant 26 : i32
    %dma_start3A_1480 = arith.constant 2 : i32
    %dma_start3A_1481 = arith.constant 0 : i32
    %dma_start3A_1482 = arith.constant 0 : i32
    %dma_start3A_1483 = tpu.memref_slice %arg6[%dma_start3A_1480, %dma_start3A_1481, %dma_start3A_1482] : memref<6x128x64xf32, #tpu.memory_space<vmem>> -> memref<1x128x64xf32, #tpu.memory_space<vmem>>
    %dma_start3A_1484 = tpu.memref_squeeze %dma_start3A_1483 : memref<1x128x64xf32, #tpu.memory_space<vmem>> -> memref<128x64xf32, #tpu.memory_space<vmem>>
    %dma_start3A_1485 = arith.constant 0 : i32
    %dma_start3A_1486 = tpu.memref_slice %arg5[%dma_start3A_1479, %dma_start3A_1485] : memref<50x128xi32, #tpu.memory_space<vmem>> -> memref<1x128xi32, #tpu.memory_space<vmem>>
    %dma_start3A_1487 = tpu.memref_squeeze %dma_start3A_1486 : memref<1x128xi32, #tpu.memory_space<vmem>> -> memref<128xi32, #tpu.memory_space<vmem>>
    %dma_start3A_1488 = arith.constant 0 : i32
    %dma_start3A_1489 = arith.constant 0 : i32
    %dma_start3A_1490 = tpu.memref_slice %arg3[%dma_start3A_1488, %dma_start3A_1489] : memref<100000x64xf32, #tpu.memory_space<hbm>> -> memref<100000x64xf32, #tpu.memory_space<hbm>>
    tpu.enqueue_indirect_dma source(%dma_start3A_1490 : memref<100000x64xf32, #tpu.memory_space<hbm>>) target(%dma_start3A_1484 : memref<128x64xf32, #tpu.memory_space<vmem>>) offsets(%dma_start3A_1487 : memref<128xi32, #tpu.memory_space<vmem>>) semaphore(%arg13 : memref<!tpu.dma_semaphore, #tpu.memory_space<semaphore_mem>>)
    %dma_wait3A_1491 = arith.constant 23 : i32
    %dma_wait3A_1492 = arith.constant 5 : i32
    %dma_wait3A_1493 = arith.constant 0 : i32
    %dma_wait3A_1494 = arith.constant 0 : i32
    %dma_wait3A_1495 = tpu.memref_slice %arg6[%dma_wait3A_1492, %dma_wait3A_1493, %dma_wait3A_1494] : memref<6x128x64xf32, #tpu.memory_space<vmem>> -> memref<1x128x64xf32, #tpu.memory_space<vmem>>
    %dma_wait3A_1496 = tpu.memref_squeeze %dma_wait3A_1495 : memref<1x128x64xf32, #tpu.memory_space<vmem>> -> memref<128x64xf32, #tpu.memory_space<vmem>>
    %dma_wait3A_1497 = arith.constant 0 : i32
    %dma_wait3A_1498 = tpu.memref_slice %arg5[%dma_wait3A_1491, %dma_wait3A_1497] : memref<50x128xi32, #tpu.memory_space<vmem>> -> memref<1x128xi32, #tpu.memory_space<vmem>>
    %dma_wait3A_1499 = tpu.memref_squeeze %dma_wait3A_1498 : memref<1x128xi32, #tpu.memory_space<vmem>> -> memref<128xi32, #tpu.memory_space<vmem>>
    %dma_wait3A_1500 = arith.constant 0 : i32
    %dma_wait3A_1501 = arith.constant 0 : i32
    %dma_wait3A_1502 = tpu.memref_slice %arg3[%dma_wait3A_1500, %dma_wait3A_1501] : memref<100000x64xf32, #tpu.memory_space<hbm>> -> memref<100000x64xf32, #tpu.memory_space<hbm>>
    tpu.wait_indirect_dma semaphore(%arg16 : memref<!tpu.dma_semaphore, #tpu.memory_space<semaphore_mem>>) src(%dma_wait3A_1502 : memref<100000x64xf32, #tpu.memory_space<hbm>>) dst(%dma_wait3A_1496 : memref<128x64xf32, #tpu.memory_space<vmem>>)
    %add3A_1503 = arith.constant 2944 : i32
    %add3A_1504 = arith.addi %mul3A_2, %add3A_1503 : i32
    %dma_start3A_1505 = arith.constant 5 : i32
    %dma_start3A_1506 = arith.constant 0 : i32
    %dma_start3A_1507 = arith.constant 0 : i32
    %dma_start3A_1508 = tpu.memref_slice %arg6[%dma_start3A_1505, %dma_start3A_1506, %dma_start3A_1507] : memref<6x128x64xf32, #tpu.memory_space<vmem>> -> memref<1x128x64xf32, #tpu.memory_space<vmem>>
    %dma_start3A_1509 = tpu.memref_squeeze %dma_start3A_1508 : memref<1x128x64xf32, #tpu.memory_space<vmem>> -> memref<128x64xf32, #tpu.memory_space<vmem>>
    %dma_start3A_1510 = arith.constant 0 : i32
    %dma_start3A_1511 = tpu.memref_slice %arg4[%add3A_1504, %dma_start3A_1510] : memref<204800x64xf32, #tpu.memory_space<hbm>> -> memref<128x64xf32, #tpu.memory_space<hbm>>
    %dma_start3A_1512 = arith.constant 0 : i32
    %dma_start3A_1513 = tpu.memref_slice %arg4[%add3A_1504, %dma_start3A_1512] : memref<204800x64xf32, #tpu.memory_space<hbm>> -> memref<128x64xf32, #tpu.memory_space<hbm>>
    %dma_start3A_1514 = arith.constant 0 : i32
    %dma_start3A_1515 = arith.constant 0 : i32
    %dma_start3A_1516 = tpu.memref_slice %arg6[%dma_start3A_1505, %dma_start3A_1514, %dma_start3A_1515] : memref<6x128x64xf32, #tpu.memory_space<vmem>> -> memref<1x128x64xf32, #tpu.memory_space<vmem>>
    %dma_start3A_1517 = tpu.memref_squeeze %dma_start3A_1516 : memref<1x128x64xf32, #tpu.memory_space<vmem>> -> memref<128x64xf32, #tpu.memory_space<vmem>>
    tpu.enqueue_dma source(%dma_start3A_1517 : memref<128x64xf32, #tpu.memory_space<vmem>>) target(%dma_start3A_1513 : memref<128x64xf32, #tpu.memory_space<hbm>>) target_semaphore(%arg22 : memref<!tpu.dma_semaphore, #tpu.memory_space<semaphore_mem>>)
    %dma_wait3A_1518 = arith.constant 3 : i32
    %dma_wait3A_1519 = arith.constant 0 : i32
    %dma_wait3A_1520 = arith.constant 0 : i32
    %dma_wait3A_1521 = tpu.memref_slice %arg6[%dma_wait3A_1518, %dma_wait3A_1519, %dma_wait3A_1520] : memref<6x128x64xf32, #tpu.memory_space<vmem>> -> memref<1x128x64xf32, #tpu.memory_space<vmem>>
    %dma_wait3A_1522 = tpu.memref_squeeze %dma_wait3A_1521 : memref<1x128x64xf32, #tpu.memory_space<vmem>> -> memref<128x64xf32, #tpu.memory_space<vmem>>
    %dma_wait3A_1523 = arith.constant 0 : i32
    %dma_wait3A_1524 = tpu.memref_slice %arg4[%add3A_1400, %dma_wait3A_1523] : memref<204800x64xf32, #tpu.memory_space<hbm>> -> memref<128x64xf32, #tpu.memory_space<hbm>>
    %dma_wait3A_1525 = arith.constant 0 : i32
    %dma_wait3A_1526 = tpu.memref_slice %arg4[%add3A_1400, %dma_wait3A_1525] : memref<204800x64xf32, #tpu.memory_space<hbm>> -> memref<128x64xf32, #tpu.memory_space<hbm>>
    %dma_wait3A_1527 = arith.constant 0 : i32
    %dma_wait3A_1528 = arith.constant 0 : i32
    %dma_wait3A_1529 = tpu.memref_slice %arg6[%dma_wait3A_1518, %dma_wait3A_1527, %dma_wait3A_1528] : memref<6x128x64xf32, #tpu.memory_space<vmem>> -> memref<1x128x64xf32, #tpu.memory_space<vmem>>
    %dma_wait3A_1530 = tpu.memref_squeeze %dma_wait3A_1529 : memref<1x128x64xf32, #tpu.memory_space<vmem>> -> memref<128x64xf32, #tpu.memory_space<vmem>>
    tpu.wait_dma2 semaphore(%arg20 : memref<!tpu.dma_semaphore, #tpu.memory_space<semaphore_mem>>) src(%dma_wait3A_1530 : memref<128x64xf32, #tpu.memory_space<vmem>>) dst(%dma_wait3A_1526 : memref<128x64xf32, #tpu.memory_space<hbm>>)
    %dma_start3A_1531 = arith.constant 27 : i32
    %dma_start3A_1532 = arith.constant 3 : i32
    %dma_start3A_1533 = arith.constant 0 : i32
    %dma_start3A_1534 = arith.constant 0 : i32
    %dma_start3A_1535 = tpu.memref_slice %arg6[%dma_start3A_1532, %dma_start3A_1533, %dma_start3A_1534] : memref<6x128x64xf32, #tpu.memory_space<vmem>> -> memref<1x128x64xf32, #tpu.memory_space<vmem>>
    %dma_start3A_1536 = tpu.memref_squeeze %dma_start3A_1535 : memref<1x128x64xf32, #tpu.memory_space<vmem>> -> memref<128x64xf32, #tpu.memory_space<vmem>>
    %dma_start3A_1537 = arith.constant 0 : i32
    %dma_start3A_1538 = tpu.memref_slice %arg5[%dma_start3A_1531, %dma_start3A_1537] : memref<50x128xi32, #tpu.memory_space<vmem>> -> memref<1x128xi32, #tpu.memory_space<vmem>>
    %dma_start3A_1539 = tpu.memref_squeeze %dma_start3A_1538 : memref<1x128xi32, #tpu.memory_space<vmem>> -> memref<128xi32, #tpu.memory_space<vmem>>
    %dma_start3A_1540 = arith.constant 0 : i32
    %dma_start3A_1541 = arith.constant 0 : i32
    %dma_start3A_1542 = tpu.memref_slice %arg3[%dma_start3A_1540, %dma_start3A_1541] : memref<100000x64xf32, #tpu.memory_space<hbm>> -> memref<100000x64xf32, #tpu.memory_space<hbm>>
    tpu.enqueue_indirect_dma source(%dma_start3A_1542 : memref<100000x64xf32, #tpu.memory_space<hbm>>) target(%dma_start3A_1536 : memref<128x64xf32, #tpu.memory_space<vmem>>) offsets(%dma_start3A_1539 : memref<128xi32, #tpu.memory_space<vmem>>) semaphore(%arg14 : memref<!tpu.dma_semaphore, #tpu.memory_space<semaphore_mem>>)
    %dma_wait3A_1543 = arith.constant 24 : i32
    %dma_wait3A_1544 = arith.constant 0 : i32
    %dma_wait3A_1545 = arith.constant 0 : i32
    %dma_wait3A_1546 = arith.constant 0 : i32
    %dma_wait3A_1547 = tpu.memref_slice %arg6[%dma_wait3A_1544, %dma_wait3A_1545, %dma_wait3A_1546] : memref<6x128x64xf32, #tpu.memory_space<vmem>> -> memref<1x128x64xf32, #tpu.memory_space<vmem>>
    %dma_wait3A_1548 = tpu.memref_squeeze %dma_wait3A_1547 : memref<1x128x64xf32, #tpu.memory_space<vmem>> -> memref<128x64xf32, #tpu.memory_space<vmem>>
    %dma_wait3A_1549 = arith.constant 0 : i32
    %dma_wait3A_1550 = tpu.memref_slice %arg5[%dma_wait3A_1543, %dma_wait3A_1549] : memref<50x128xi32, #tpu.memory_space<vmem>> -> memref<1x128xi32, #tpu.memory_space<vmem>>
    %dma_wait3A_1551 = tpu.memref_squeeze %dma_wait3A_1550 : memref<1x128xi32, #tpu.memory_space<vmem>> -> memref<128xi32, #tpu.memory_space<vmem>>
    %dma_wait3A_1552 = arith.constant 0 : i32
    %dma_wait3A_1553 = arith.constant 0 : i32
    %dma_wait3A_1554 = tpu.memref_slice %arg3[%dma_wait3A_1552, %dma_wait3A_1553] : memref<100000x64xf32, #tpu.memory_space<hbm>> -> memref<100000x64xf32, #tpu.memory_space<hbm>>
    tpu.wait_indirect_dma semaphore(%arg11 : memref<!tpu.dma_semaphore, #tpu.memory_space<semaphore_mem>>) src(%dma_wait3A_1554 : memref<100000x64xf32, #tpu.memory_space<hbm>>) dst(%dma_wait3A_1548 : memref<128x64xf32, #tpu.memory_space<vmem>>)
    %add3A_1555 = arith.constant 3072 : i32
    %add3A_1556 = arith.addi %mul3A_2, %add3A_1555 : i32
    %dma_start3A_1557 = arith.constant 0 : i32
    %dma_start3A_1558 = arith.constant 0 : i32
    %dma_start3A_1559 = arith.constant 0 : i32
    %dma_start3A_1560 = tpu.memref_slice %arg6[%dma_start3A_1557, %dma_start3A_1558, %dma_start3A_1559] : memref<6x128x64xf32, #tpu.memory_space<vmem>> -> memref<1x128x64xf32, #tpu.memory_space<vmem>>
    %dma_start3A_1561 = tpu.memref_squeeze %dma_start3A_1560 : memref<1x128x64xf32, #tpu.memory_space<vmem>> -> memref<128x64xf32, #tpu.memory_space<vmem>>
    %dma_start3A_1562 = arith.constant 0 : i32
    %dma_start3A_1563 = tpu.memref_slice %arg4[%add3A_1556, %dma_start3A_1562] : memref<204800x64xf32, #tpu.memory_space<hbm>> -> memref<128x64xf32, #tpu.memory_space<hbm>>
    %dma_start3A_1564 = arith.constant 0 : i32
    %dma_start3A_1565 = tpu.memref_slice %arg4[%add3A_1556, %dma_start3A_1564] : memref<204800x64xf32, #tpu.memory_space<hbm>> -> memref<128x64xf32, #tpu.memory_space<hbm>>
    %dma_start3A_1566 = arith.constant 0 : i32
    %dma_start3A_1567 = arith.constant 0 : i32
    %dma_start3A_1568 = tpu.memref_slice %arg6[%dma_start3A_1557, %dma_start3A_1566, %dma_start3A_1567] : memref<6x128x64xf32, #tpu.memory_space<vmem>> -> memref<1x128x64xf32, #tpu.memory_space<vmem>>
    %dma_start3A_1569 = tpu.memref_squeeze %dma_start3A_1568 : memref<1x128x64xf32, #tpu.memory_space<vmem>> -> memref<128x64xf32, #tpu.memory_space<vmem>>
    tpu.enqueue_dma source(%dma_start3A_1569 : memref<128x64xf32, #tpu.memory_space<vmem>>) target(%dma_start3A_1565 : memref<128x64xf32, #tpu.memory_space<hbm>>) target_semaphore(%arg17 : memref<!tpu.dma_semaphore, #tpu.memory_space<semaphore_mem>>)
    %dma_wait3A_1570 = arith.constant 4 : i32
    %dma_wait3A_1571 = arith.constant 0 : i32
    %dma_wait3A_1572 = arith.constant 0 : i32
    %dma_wait3A_1573 = tpu.memref_slice %arg6[%dma_wait3A_1570, %dma_wait3A_1571, %dma_wait3A_1572] : memref<6x128x64xf32, #tpu.memory_space<vmem>> -> memref<1x128x64xf32, #tpu.memory_space<vmem>>
    %dma_wait3A_1574 = tpu.memref_squeeze %dma_wait3A_1573 : memref<1x128x64xf32, #tpu.memory_space<vmem>> -> memref<128x64xf32, #tpu.memory_space<vmem>>
    %dma_wait3A_1575 = arith.constant 0 : i32
    %dma_wait3A_1576 = tpu.memref_slice %arg4[%add3A_1452, %dma_wait3A_1575] : memref<204800x64xf32, #tpu.memory_space<hbm>> -> memref<128x64xf32, #tpu.memory_space<hbm>>
    %dma_wait3A_1577 = arith.constant 0 : i32
    %dma_wait3A_1578 = tpu.memref_slice %arg4[%add3A_1452, %dma_wait3A_1577] : memref<204800x64xf32, #tpu.memory_space<hbm>> -> memref<128x64xf32, #tpu.memory_space<hbm>>
    %dma_wait3A_1579 = arith.constant 0 : i32
    %dma_wait3A_1580 = arith.constant 0 : i32
    %dma_wait3A_1581 = tpu.memref_slice %arg6[%dma_wait3A_1570, %dma_wait3A_1579, %dma_wait3A_1580] : memref<6x128x64xf32, #tpu.memory_space<vmem>> -> memref<1x128x64xf32, #tpu.memory_space<vmem>>
    %dma_wait3A_1582 = tpu.memref_squeeze %dma_wait3A_1581 : memref<1x128x64xf32, #tpu.memory_space<vmem>> -> memref<128x64xf32, #tpu.memory_space<vmem>>
    tpu.wait_dma2 semaphore(%arg21 : memref<!tpu.dma_semaphore, #tpu.memory_space<semaphore_mem>>) src(%dma_wait3A_1582 : memref<128x64xf32, #tpu.memory_space<vmem>>) dst(%dma_wait3A_1578 : memref<128x64xf32, #tpu.memory_space<hbm>>)
    %dma_start3A_1583 = arith.constant 28 : i32
    %dma_start3A_1584 = arith.constant 4 : i32
    %dma_start3A_1585 = arith.constant 0 : i32
    %dma_start3A_1586 = arith.constant 0 : i32
    %dma_start3A_1587 = tpu.memref_slice %arg6[%dma_start3A_1584, %dma_start3A_1585, %dma_start3A_1586] : memref<6x128x64xf32, #tpu.memory_space<vmem>> -> memref<1x128x64xf32, #tpu.memory_space<vmem>>
    %dma_start3A_1588 = tpu.memref_squeeze %dma_start3A_1587 : memref<1x128x64xf32, #tpu.memory_space<vmem>> -> memref<128x64xf32, #tpu.memory_space<vmem>>
    %dma_start3A_1589 = arith.constant 0 : i32
    %dma_start3A_1590 = tpu.memref_slice %arg5[%dma_start3A_1583, %dma_start3A_1589] : memref<50x128xi32, #tpu.memory_space<vmem>> -> memref<1x128xi32, #tpu.memory_space<vmem>>
    %dma_start3A_1591 = tpu.memref_squeeze %dma_start3A_1590 : memref<1x128xi32, #tpu.memory_space<vmem>> -> memref<128xi32, #tpu.memory_space<vmem>>
    %dma_start3A_1592 = arith.constant 0 : i32
    %dma_start3A_1593 = arith.constant 0 : i32
    %dma_start3A_1594 = tpu.memref_slice %arg3[%dma_start3A_1592, %dma_start3A_1593] : memref<100000x64xf32, #tpu.memory_space<hbm>> -> memref<100000x64xf32, #tpu.memory_space<hbm>>
    tpu.enqueue_indirect_dma source(%dma_start3A_1594 : memref<100000x64xf32, #tpu.memory_space<hbm>>) target(%dma_start3A_1588 : memref<128x64xf32, #tpu.memory_space<vmem>>) offsets(%dma_start3A_1591 : memref<128xi32, #tpu.memory_space<vmem>>) semaphore(%arg15 : memref<!tpu.dma_semaphore, #tpu.memory_space<semaphore_mem>>)
    %dma_wait3A_1595 = arith.constant 25 : i32
    %dma_wait3A_1596 = arith.constant 1 : i32
    %dma_wait3A_1597 = arith.constant 0 : i32
    %dma_wait3A_1598 = arith.constant 0 : i32
    %dma_wait3A_1599 = tpu.memref_slice %arg6[%dma_wait3A_1596, %dma_wait3A_1597, %dma_wait3A_1598] : memref<6x128x64xf32, #tpu.memory_space<vmem>> -> memref<1x128x64xf32, #tpu.memory_space<vmem>>
    %dma_wait3A_1600 = tpu.memref_squeeze %dma_wait3A_1599 : memref<1x128x64xf32, #tpu.memory_space<vmem>> -> memref<128x64xf32, #tpu.memory_space<vmem>>
    %dma_wait3A_1601 = arith.constant 0 : i32
    %dma_wait3A_1602 = tpu.memref_slice %arg5[%dma_wait3A_1595, %dma_wait3A_1601] : memref<50x128xi32, #tpu.memory_space<vmem>> -> memref<1x128xi32, #tpu.memory_space<vmem>>
    %dma_wait3A_1603 = tpu.memref_squeeze %dma_wait3A_1602 : memref<1x128xi32, #tpu.memory_space<vmem>> -> memref<128xi32, #tpu.memory_space<vmem>>
    %dma_wait3A_1604 = arith.constant 0 : i32
    %dma_wait3A_1605 = arith.constant 0 : i32
    %dma_wait3A_1606 = tpu.memref_slice %arg3[%dma_wait3A_1604, %dma_wait3A_1605] : memref<100000x64xf32, #tpu.memory_space<hbm>> -> memref<100000x64xf32, #tpu.memory_space<hbm>>
    tpu.wait_indirect_dma semaphore(%arg12 : memref<!tpu.dma_semaphore, #tpu.memory_space<semaphore_mem>>) src(%dma_wait3A_1606 : memref<100000x64xf32, #tpu.memory_space<hbm>>) dst(%dma_wait3A_1600 : memref<128x64xf32, #tpu.memory_space<vmem>>)
    %add3A_1607 = arith.constant 3200 : i32
    %add3A_1608 = arith.addi %mul3A_2, %add3A_1607 : i32
    %dma_start3A_1609 = arith.constant 1 : i32
    %dma_start3A_1610 = arith.constant 0 : i32
    %dma_start3A_1611 = arith.constant 0 : i32
    %dma_start3A_1612 = tpu.memref_slice %arg6[%dma_start3A_1609, %dma_start3A_1610, %dma_start3A_1611] : memref<6x128x64xf32, #tpu.memory_space<vmem>> -> memref<1x128x64xf32, #tpu.memory_space<vmem>>
    %dma_start3A_1613 = tpu.memref_squeeze %dma_start3A_1612 : memref<1x128x64xf32, #tpu.memory_space<vmem>> -> memref<128x64xf32, #tpu.memory_space<vmem>>
    %dma_start3A_1614 = arith.constant 0 : i32
    %dma_start3A_1615 = tpu.memref_slice %arg4[%add3A_1608, %dma_start3A_1614] : memref<204800x64xf32, #tpu.memory_space<hbm>> -> memref<128x64xf32, #tpu.memory_space<hbm>>
    %dma_start3A_1616 = arith.constant 0 : i32
    %dma_start3A_1617 = tpu.memref_slice %arg4[%add3A_1608, %dma_start3A_1616] : memref<204800x64xf32, #tpu.memory_space<hbm>> -> memref<128x64xf32, #tpu.memory_space<hbm>>
    %dma_start3A_1618 = arith.constant 0 : i32
    %dma_start3A_1619 = arith.constant 0 : i32
    %dma_start3A_1620 = tpu.memref_slice %arg6[%dma_start3A_1609, %dma_start3A_1618, %dma_start3A_1619] : memref<6x128x64xf32, #tpu.memory_space<vmem>> -> memref<1x128x64xf32, #tpu.memory_space<vmem>>
    %dma_start3A_1621 = tpu.memref_squeeze %dma_start3A_1620 : memref<1x128x64xf32, #tpu.memory_space<vmem>> -> memref<128x64xf32, #tpu.memory_space<vmem>>
    tpu.enqueue_dma source(%dma_start3A_1621 : memref<128x64xf32, #tpu.memory_space<vmem>>) target(%dma_start3A_1617 : memref<128x64xf32, #tpu.memory_space<hbm>>) target_semaphore(%arg18 : memref<!tpu.dma_semaphore, #tpu.memory_space<semaphore_mem>>)
    %dma_wait3A_1622 = arith.constant 5 : i32
    %dma_wait3A_1623 = arith.constant 0 : i32
    %dma_wait3A_1624 = arith.constant 0 : i32
    %dma_wait3A_1625 = tpu.memref_slice %arg6[%dma_wait3A_1622, %dma_wait3A_1623, %dma_wait3A_1624] : memref<6x128x64xf32, #tpu.memory_space<vmem>> -> memref<1x128x64xf32, #tpu.memory_space<vmem>>
    %dma_wait3A_1626 = tpu.memref_squeeze %dma_wait3A_1625 : memref<1x128x64xf32, #tpu.memory_space<vmem>> -> memref<128x64xf32, #tpu.memory_space<vmem>>
    %dma_wait3A_1627 = arith.constant 0 : i32
    %dma_wait3A_1628 = tpu.memref_slice %arg4[%add3A_1504, %dma_wait3A_1627] : memref<204800x64xf32, #tpu.memory_space<hbm>> -> memref<128x64xf32, #tpu.memory_space<hbm>>
    %dma_wait3A_1629 = arith.constant 0 : i32
    %dma_wait3A_1630 = tpu.memref_slice %arg4[%add3A_1504, %dma_wait3A_1629] : memref<204800x64xf32, #tpu.memory_space<hbm>> -> memref<128x64xf32, #tpu.memory_space<hbm>>
    %dma_wait3A_1631 = arith.constant 0 : i32
    %dma_wait3A_1632 = arith.constant 0 : i32
    %dma_wait3A_1633 = tpu.memref_slice %arg6[%dma_wait3A_1622, %dma_wait3A_1631, %dma_wait3A_1632] : memref<6x128x64xf32, #tpu.memory_space<vmem>> -> memref<1x128x64xf32, #tpu.memory_space<vmem>>
    %dma_wait3A_1634 = tpu.memref_squeeze %dma_wait3A_1633 : memref<1x128x64xf32, #tpu.memory_space<vmem>> -> memref<128x64xf32, #tpu.memory_space<vmem>>
    tpu.wait_dma2 semaphore(%arg22 : memref<!tpu.dma_semaphore, #tpu.memory_space<semaphore_mem>>) src(%dma_wait3A_1634 : memref<128x64xf32, #tpu.memory_space<vmem>>) dst(%dma_wait3A_1630 : memref<128x64xf32, #tpu.memory_space<hbm>>)
    %dma_start3A_1635 = arith.constant 29 : i32
    %dma_start3A_1636 = arith.constant 5 : i32
    %dma_start3A_1637 = arith.constant 0 : i32
    %dma_start3A_1638 = arith.constant 0 : i32
    %dma_start3A_1639 = tpu.memref_slice %arg6[%dma_start3A_1636, %dma_start3A_1637, %dma_start3A_1638] : memref<6x128x64xf32, #tpu.memory_space<vmem>> -> memref<1x128x64xf32, #tpu.memory_space<vmem>>
    %dma_start3A_1640 = tpu.memref_squeeze %dma_start3A_1639 : memref<1x128x64xf32, #tpu.memory_space<vmem>> -> memref<128x64xf32, #tpu.memory_space<vmem>>
    %dma_start3A_1641 = arith.constant 0 : i32
    %dma_start3A_1642 = tpu.memref_slice %arg5[%dma_start3A_1635, %dma_start3A_1641] : memref<50x128xi32, #tpu.memory_space<vmem>> -> memref<1x128xi32, #tpu.memory_space<vmem>>
    %dma_start3A_1643 = tpu.memref_squeeze %dma_start3A_1642 : memref<1x128xi32, #tpu.memory_space<vmem>> -> memref<128xi32, #tpu.memory_space<vmem>>
    %dma_start3A_1644 = arith.constant 0 : i32
    %dma_start3A_1645 = arith.constant 0 : i32
    %dma_start3A_1646 = tpu.memref_slice %arg3[%dma_start3A_1644, %dma_start3A_1645] : memref<100000x64xf32, #tpu.memory_space<hbm>> -> memref<100000x64xf32, #tpu.memory_space<hbm>>
    tpu.enqueue_indirect_dma source(%dma_start3A_1646 : memref<100000x64xf32, #tpu.memory_space<hbm>>) target(%dma_start3A_1640 : memref<128x64xf32, #tpu.memory_space<vmem>>) offsets(%dma_start3A_1643 : memref<128xi32, #tpu.memory_space<vmem>>) semaphore(%arg16 : memref<!tpu.dma_semaphore, #tpu.memory_space<semaphore_mem>>)
    %dma_wait3A_1647 = arith.constant 26 : i32
    %dma_wait3A_1648 = arith.constant 2 : i32
    %dma_wait3A_1649 = arith.constant 0 : i32
    %dma_wait3A_1650 = arith.constant 0 : i32
    %dma_wait3A_1651 = tpu.memref_slice %arg6[%dma_wait3A_1648, %dma_wait3A_1649, %dma_wait3A_1650] : memref<6x128x64xf32, #tpu.memory_space<vmem>> -> memref<1x128x64xf32, #tpu.memory_space<vmem>>
    %dma_wait3A_1652 = tpu.memref_squeeze %dma_wait3A_1651 : memref<1x128x64xf32, #tpu.memory_space<vmem>> -> memref<128x64xf32, #tpu.memory_space<vmem>>
    %dma_wait3A_1653 = arith.constant 0 : i32
    %dma_wait3A_1654 = tpu.memref_slice %arg5[%dma_wait3A_1647, %dma_wait3A_1653] : memref<50x128xi32, #tpu.memory_space<vmem>> -> memref<1x128xi32, #tpu.memory_space<vmem>>
    %dma_wait3A_1655 = tpu.memref_squeeze %dma_wait3A_1654 : memref<1x128xi32, #tpu.memory_space<vmem>> -> memref<128xi32, #tpu.memory_space<vmem>>
    %dma_wait3A_1656 = arith.constant 0 : i32
    %dma_wait3A_1657 = arith.constant 0 : i32
    %dma_wait3A_1658 = tpu.memref_slice %arg3[%dma_wait3A_1656, %dma_wait3A_1657] : memref<100000x64xf32, #tpu.memory_space<hbm>> -> memref<100000x64xf32, #tpu.memory_space<hbm>>
    tpu.wait_indirect_dma semaphore(%arg13 : memref<!tpu.dma_semaphore, #tpu.memory_space<semaphore_mem>>) src(%dma_wait3A_1658 : memref<100000x64xf32, #tpu.memory_space<hbm>>) dst(%dma_wait3A_1652 : memref<128x64xf32, #tpu.memory_space<vmem>>)
    %add3A_1659 = arith.constant 3328 : i32
    %add3A_1660 = arith.addi %mul3A_2, %add3A_1659 : i32
    %dma_start3A_1661 = arith.constant 2 : i32
    %dma_start3A_1662 = arith.constant 0 : i32
    %dma_start3A_1663 = arith.constant 0 : i32
    %dma_start3A_1664 = tpu.memref_slice %arg6[%dma_start3A_1661, %dma_start3A_1662, %dma_start3A_1663] : memref<6x128x64xf32, #tpu.memory_space<vmem>> -> memref<1x128x64xf32, #tpu.memory_space<vmem>>
    %dma_start3A_1665 = tpu.memref_squeeze %dma_start3A_1664 : memref<1x128x64xf32, #tpu.memory_space<vmem>> -> memref<128x64xf32, #tpu.memory_space<vmem>>
    %dma_start3A_1666 = arith.constant 0 : i32
    %dma_start3A_1667 = tpu.memref_slice %arg4[%add3A_1660, %dma_start3A_1666] : memref<204800x64xf32, #tpu.memory_space<hbm>> -> memref<128x64xf32, #tpu.memory_space<hbm>>
    %dma_start3A_1668 = arith.constant 0 : i32
    %dma_start3A_1669 = tpu.memref_slice %arg4[%add3A_1660, %dma_start3A_1668] : memref<204800x64xf32, #tpu.memory_space<hbm>> -> memref<128x64xf32, #tpu.memory_space<hbm>>
    %dma_start3A_1670 = arith.constant 0 : i32
    %dma_start3A_1671 = arith.constant 0 : i32
    %dma_start3A_1672 = tpu.memref_slice %arg6[%dma_start3A_1661, %dma_start3A_1670, %dma_start3A_1671] : memref<6x128x64xf32, #tpu.memory_space<vmem>> -> memref<1x128x64xf32, #tpu.memory_space<vmem>>
    %dma_start3A_1673 = tpu.memref_squeeze %dma_start3A_1672 : memref<1x128x64xf32, #tpu.memory_space<vmem>> -> memref<128x64xf32, #tpu.memory_space<vmem>>
    tpu.enqueue_dma source(%dma_start3A_1673 : memref<128x64xf32, #tpu.memory_space<vmem>>) target(%dma_start3A_1669 : memref<128x64xf32, #tpu.memory_space<hbm>>) target_semaphore(%arg19 : memref<!tpu.dma_semaphore, #tpu.memory_space<semaphore_mem>>)
    %dma_wait3A_1674 = arith.constant 0 : i32
    %dma_wait3A_1675 = arith.constant 0 : i32
    %dma_wait3A_1676 = arith.constant 0 : i32
    %dma_wait3A_1677 = tpu.memref_slice %arg6[%dma_wait3A_1674, %dma_wait3A_1675, %dma_wait3A_1676] : memref<6x128x64xf32, #tpu.memory_space<vmem>> -> memref<1x128x64xf32, #tpu.memory_space<vmem>>
    %dma_wait3A_1678 = tpu.memref_squeeze %dma_wait3A_1677 : memref<1x128x64xf32, #tpu.memory_space<vmem>> -> memref<128x64xf32, #tpu.memory_space<vmem>>
    %dma_wait3A_1679 = arith.constant 0 : i32
    %dma_wait3A_1680 = tpu.memref_slice %arg4[%add3A_1556, %dma_wait3A_1679] : memref<204800x64xf32, #tpu.memory_space<hbm>> -> memref<128x64xf32, #tpu.memory_space<hbm>>
    %dma_wait3A_1681 = arith.constant 0 : i32
    %dma_wait3A_1682 = tpu.memref_slice %arg4[%add3A_1556, %dma_wait3A_1681] : memref<204800x64xf32, #tpu.memory_space<hbm>> -> memref<128x64xf32, #tpu.memory_space<hbm>>
    %dma_wait3A_1683 = arith.constant 0 : i32
    %dma_wait3A_1684 = arith.constant 0 : i32
    %dma_wait3A_1685 = tpu.memref_slice %arg6[%dma_wait3A_1674, %dma_wait3A_1683, %dma_wait3A_1684] : memref<6x128x64xf32, #tpu.memory_space<vmem>> -> memref<1x128x64xf32, #tpu.memory_space<vmem>>
    %dma_wait3A_1686 = tpu.memref_squeeze %dma_wait3A_1685 : memref<1x128x64xf32, #tpu.memory_space<vmem>> -> memref<128x64xf32, #tpu.memory_space<vmem>>
    tpu.wait_dma2 semaphore(%arg17 : memref<!tpu.dma_semaphore, #tpu.memory_space<semaphore_mem>>) src(%dma_wait3A_1686 : memref<128x64xf32, #tpu.memory_space<vmem>>) dst(%dma_wait3A_1682 : memref<128x64xf32, #tpu.memory_space<hbm>>)
    %dma_start3A_1687 = arith.constant 30 : i32
    %dma_start3A_1688 = arith.constant 0 : i32
    %dma_start3A_1689 = arith.constant 0 : i32
    %dma_start3A_1690 = arith.constant 0 : i32
    %dma_start3A_1691 = tpu.memref_slice %arg6[%dma_start3A_1688, %dma_start3A_1689, %dma_start3A_1690] : memref<6x128x64xf32, #tpu.memory_space<vmem>> -> memref<1x128x64xf32, #tpu.memory_space<vmem>>
    %dma_start3A_1692 = tpu.memref_squeeze %dma_start3A_1691 : memref<1x128x64xf32, #tpu.memory_space<vmem>> -> memref<128x64xf32, #tpu.memory_space<vmem>>
    %dma_start3A_1693 = arith.constant 0 : i32
    %dma_start3A_1694 = tpu.memref_slice %arg5[%dma_start3A_1687, %dma_start3A_1693] : memref<50x128xi32, #tpu.memory_space<vmem>> -> memref<1x128xi32, #tpu.memory_space<vmem>>
    %dma_start3A_1695 = tpu.memref_squeeze %dma_start3A_1694 : memref<1x128xi32, #tpu.memory_space<vmem>> -> memref<128xi32, #tpu.memory_space<vmem>>
    %dma_start3A_1696 = arith.constant 0 : i32
    %dma_start3A_1697 = arith.constant 0 : i32
    %dma_start3A_1698 = tpu.memref_slice %arg3[%dma_start3A_1696, %dma_start3A_1697] : memref<100000x64xf32, #tpu.memory_space<hbm>> -> memref<100000x64xf32, #tpu.memory_space<hbm>>
    tpu.enqueue_indirect_dma source(%dma_start3A_1698 : memref<100000x64xf32, #tpu.memory_space<hbm>>) target(%dma_start3A_1692 : memref<128x64xf32, #tpu.memory_space<vmem>>) offsets(%dma_start3A_1695 : memref<128xi32, #tpu.memory_space<vmem>>) semaphore(%arg11 : memref<!tpu.dma_semaphore, #tpu.memory_space<semaphore_mem>>)
    %dma_wait3A_1699 = arith.constant 27 : i32
    %dma_wait3A_1700 = arith.constant 3 : i32
    %dma_wait3A_1701 = arith.constant 0 : i32
    %dma_wait3A_1702 = arith.constant 0 : i32
    %dma_wait3A_1703 = tpu.memref_slice %arg6[%dma_wait3A_1700, %dma_wait3A_1701, %dma_wait3A_1702] : memref<6x128x64xf32, #tpu.memory_space<vmem>> -> memref<1x128x64xf32, #tpu.memory_space<vmem>>
    %dma_wait3A_1704 = tpu.memref_squeeze %dma_wait3A_1703 : memref<1x128x64xf32, #tpu.memory_space<vmem>> -> memref<128x64xf32, #tpu.memory_space<vmem>>
    %dma_wait3A_1705 = arith.constant 0 : i32
    %dma_wait3A_1706 = tpu.memref_slice %arg5[%dma_wait3A_1699, %dma_wait3A_1705] : memref<50x128xi32, #tpu.memory_space<vmem>> -> memref<1x128xi32, #tpu.memory_space<vmem>>
    %dma_wait3A_1707 = tpu.memref_squeeze %dma_wait3A_1706 : memref<1x128xi32, #tpu.memory_space<vmem>> -> memref<128xi32, #tpu.memory_space<vmem>>
    %dma_wait3A_1708 = arith.constant 0 : i32
    %dma_wait3A_1709 = arith.constant 0 : i32
    %dma_wait3A_1710 = tpu.memref_slice %arg3[%dma_wait3A_1708, %dma_wait3A_1709] : memref<100000x64xf32, #tpu.memory_space<hbm>> -> memref<100000x64xf32, #tpu.memory_space<hbm>>
    tpu.wait_indirect_dma semaphore(%arg14 : memref<!tpu.dma_semaphore, #tpu.memory_space<semaphore_mem>>) src(%dma_wait3A_1710 : memref<100000x64xf32, #tpu.memory_space<hbm>>) dst(%dma_wait3A_1704 : memref<128x64xf32, #tpu.memory_space<vmem>>)
    %add3A_1711 = arith.constant 3456 : i32
    %add3A_1712 = arith.addi %mul3A_2, %add3A_1711 : i32
    %dma_start3A_1713 = arith.constant 3 : i32
    %dma_start3A_1714 = arith.constant 0 : i32
    %dma_start3A_1715 = arith.constant 0 : i32
    %dma_start3A_1716 = tpu.memref_slice %arg6[%dma_start3A_1713, %dma_start3A_1714, %dma_start3A_1715] : memref<6x128x64xf32, #tpu.memory_space<vmem>> -> memref<1x128x64xf32, #tpu.memory_space<vmem>>
    %dma_start3A_1717 = tpu.memref_squeeze %dma_start3A_1716 : memref<1x128x64xf32, #tpu.memory_space<vmem>> -> memref<128x64xf32, #tpu.memory_space<vmem>>
    %dma_start3A_1718 = arith.constant 0 : i32
    %dma_start3A_1719 = tpu.memref_slice %arg4[%add3A_1712, %dma_start3A_1718] : memref<204800x64xf32, #tpu.memory_space<hbm>> -> memref<128x64xf32, #tpu.memory_space<hbm>>
    %dma_start3A_1720 = arith.constant 0 : i32
    %dma_start3A_1721 = tpu.memref_slice %arg4[%add3A_1712, %dma_start3A_1720] : memref<204800x64xf32, #tpu.memory_space<hbm>> -> memref<128x64xf32, #tpu.memory_space<hbm>>
    %dma_start3A_1722 = arith.constant 0 : i32
    %dma_start3A_1723 = arith.constant 0 : i32
    %dma_start3A_1724 = tpu.memref_slice %arg6[%dma_start3A_1713, %dma_start3A_1722, %dma_start3A_1723] : memref<6x128x64xf32, #tpu.memory_space<vmem>> -> memref<1x128x64xf32, #tpu.memory_space<vmem>>
    %dma_start3A_1725 = tpu.memref_squeeze %dma_start3A_1724 : memref<1x128x64xf32, #tpu.memory_space<vmem>> -> memref<128x64xf32, #tpu.memory_space<vmem>>
    tpu.enqueue_dma source(%dma_start3A_1725 : memref<128x64xf32, #tpu.memory_space<vmem>>) target(%dma_start3A_1721 : memref<128x64xf32, #tpu.memory_space<hbm>>) target_semaphore(%arg20 : memref<!tpu.dma_semaphore, #tpu.memory_space<semaphore_mem>>)
    %dma_wait3A_1726 = arith.constant 1 : i32
    %dma_wait3A_1727 = arith.constant 0 : i32
    %dma_wait3A_1728 = arith.constant 0 : i32
    %dma_wait3A_1729 = tpu.memref_slice %arg6[%dma_wait3A_1726, %dma_wait3A_1727, %dma_wait3A_1728] : memref<6x128x64xf32, #tpu.memory_space<vmem>> -> memref<1x128x64xf32, #tpu.memory_space<vmem>>
    %dma_wait3A_1730 = tpu.memref_squeeze %dma_wait3A_1729 : memref<1x128x64xf32, #tpu.memory_space<vmem>> -> memref<128x64xf32, #tpu.memory_space<vmem>>
    %dma_wait3A_1731 = arith.constant 0 : i32
    %dma_wait3A_1732 = tpu.memref_slice %arg4[%add3A_1608, %dma_wait3A_1731] : memref<204800x64xf32, #tpu.memory_space<hbm>> -> memref<128x64xf32, #tpu.memory_space<hbm>>
    %dma_wait3A_1733 = arith.constant 0 : i32
    %dma_wait3A_1734 = tpu.memref_slice %arg4[%add3A_1608, %dma_wait3A_1733] : memref<204800x64xf32, #tpu.memory_space<hbm>> -> memref<128x64xf32, #tpu.memory_space<hbm>>
    %dma_wait3A_1735 = arith.constant 0 : i32
    %dma_wait3A_1736 = arith.constant 0 : i32
    %dma_wait3A_1737 = tpu.memref_slice %arg6[%dma_wait3A_1726, %dma_wait3A_1735, %dma_wait3A_1736] : memref<6x128x64xf32, #tpu.memory_space<vmem>> -> memref<1x128x64xf32, #tpu.memory_space<vmem>>
    %dma_wait3A_1738 = tpu.memref_squeeze %dma_wait3A_1737 : memref<1x128x64xf32, #tpu.memory_space<vmem>> -> memref<128x64xf32, #tpu.memory_space<vmem>>
    tpu.wait_dma2 semaphore(%arg18 : memref<!tpu.dma_semaphore, #tpu.memory_space<semaphore_mem>>) src(%dma_wait3A_1738 : memref<128x64xf32, #tpu.memory_space<vmem>>) dst(%dma_wait3A_1734 : memref<128x64xf32, #tpu.memory_space<hbm>>)
    %dma_start3A_1739 = arith.constant 31 : i32
    %dma_start3A_1740 = arith.constant 1 : i32
    %dma_start3A_1741 = arith.constant 0 : i32
    %dma_start3A_1742 = arith.constant 0 : i32
    %dma_start3A_1743 = tpu.memref_slice %arg6[%dma_start3A_1740, %dma_start3A_1741, %dma_start3A_1742] : memref<6x128x64xf32, #tpu.memory_space<vmem>> -> memref<1x128x64xf32, #tpu.memory_space<vmem>>
    %dma_start3A_1744 = tpu.memref_squeeze %dma_start3A_1743 : memref<1x128x64xf32, #tpu.memory_space<vmem>> -> memref<128x64xf32, #tpu.memory_space<vmem>>
    %dma_start3A_1745 = arith.constant 0 : i32
    %dma_start3A_1746 = tpu.memref_slice %arg5[%dma_start3A_1739, %dma_start3A_1745] : memref<50x128xi32, #tpu.memory_space<vmem>> -> memref<1x128xi32, #tpu.memory_space<vmem>>
    %dma_start3A_1747 = tpu.memref_squeeze %dma_start3A_1746 : memref<1x128xi32, #tpu.memory_space<vmem>> -> memref<128xi32, #tpu.memory_space<vmem>>
    %dma_start3A_1748 = arith.constant 0 : i32
    %dma_start3A_1749 = arith.constant 0 : i32
    %dma_start3A_1750 = tpu.memref_slice %arg3[%dma_start3A_1748, %dma_start3A_1749] : memref<100000x64xf32, #tpu.memory_space<hbm>> -> memref<100000x64xf32, #tpu.memory_space<hbm>>
    tpu.enqueue_indirect_dma source(%dma_start3A_1750 : memref<100000x64xf32, #tpu.memory_space<hbm>>) target(%dma_start3A_1744 : memref<128x64xf32, #tpu.memory_space<vmem>>) offsets(%dma_start3A_1747 : memref<128xi32, #tpu.memory_space<vmem>>) semaphore(%arg12 : memref<!tpu.dma_semaphore, #tpu.memory_space<semaphore_mem>>)
    %dma_wait3A_1751 = arith.constant 28 : i32
    %dma_wait3A_1752 = arith.constant 4 : i32
    %dma_wait3A_1753 = arith.constant 0 : i32
    %dma_wait3A_1754 = arith.constant 0 : i32
    %dma_wait3A_1755 = tpu.memref_slice %arg6[%dma_wait3A_1752, %dma_wait3A_1753, %dma_wait3A_1754] : memref<6x128x64xf32, #tpu.memory_space<vmem>> -> memref<1x128x64xf32, #tpu.memory_space<vmem>>
    %dma_wait3A_1756 = tpu.memref_squeeze %dma_wait3A_1755 : memref<1x128x64xf32, #tpu.memory_space<vmem>> -> memref<128x64xf32, #tpu.memory_space<vmem>>
    %dma_wait3A_1757 = arith.constant 0 : i32
    %dma_wait3A_1758 = tpu.memref_slice %arg5[%dma_wait3A_1751, %dma_wait3A_1757] : memref<50x128xi32, #tpu.memory_space<vmem>> -> memref<1x128xi32, #tpu.memory_space<vmem>>
    %dma_wait3A_1759 = tpu.memref_squeeze %dma_wait3A_1758 : memref<1x128xi32, #tpu.memory_space<vmem>> -> memref<128xi32, #tpu.memory_space<vmem>>
    %dma_wait3A_1760 = arith.constant 0 : i32
    %dma_wait3A_1761 = arith.constant 0 : i32
    %dma_wait3A_1762 = tpu.memref_slice %arg3[%dma_wait3A_1760, %dma_wait3A_1761] : memref<100000x64xf32, #tpu.memory_space<hbm>> -> memref<100000x64xf32, #tpu.memory_space<hbm>>
    tpu.wait_indirect_dma semaphore(%arg15 : memref<!tpu.dma_semaphore, #tpu.memory_space<semaphore_mem>>) src(%dma_wait3A_1762 : memref<100000x64xf32, #tpu.memory_space<hbm>>) dst(%dma_wait3A_1756 : memref<128x64xf32, #tpu.memory_space<vmem>>)
    %add3A_1763 = arith.constant 3584 : i32
    %add3A_1764 = arith.addi %mul3A_2, %add3A_1763 : i32
    %dma_start3A_1765 = arith.constant 4 : i32
    %dma_start3A_1766 = arith.constant 0 : i32
    %dma_start3A_1767 = arith.constant 0 : i32
    %dma_start3A_1768 = tpu.memref_slice %arg6[%dma_start3A_1765, %dma_start3A_1766, %dma_start3A_1767] : memref<6x128x64xf32, #tpu.memory_space<vmem>> -> memref<1x128x64xf32, #tpu.memory_space<vmem>>
    %dma_start3A_1769 = tpu.memref_squeeze %dma_start3A_1768 : memref<1x128x64xf32, #tpu.memory_space<vmem>> -> memref<128x64xf32, #tpu.memory_space<vmem>>
    %dma_start3A_1770 = arith.constant 0 : i32
    %dma_start3A_1771 = tpu.memref_slice %arg4[%add3A_1764, %dma_start3A_1770] : memref<204800x64xf32, #tpu.memory_space<hbm>> -> memref<128x64xf32, #tpu.memory_space<hbm>>
    %dma_start3A_1772 = arith.constant 0 : i32
    %dma_start3A_1773 = tpu.memref_slice %arg4[%add3A_1764, %dma_start3A_1772] : memref<204800x64xf32, #tpu.memory_space<hbm>> -> memref<128x64xf32, #tpu.memory_space<hbm>>
    %dma_start3A_1774 = arith.constant 0 : i32
    %dma_start3A_1775 = arith.constant 0 : i32
    %dma_start3A_1776 = tpu.memref_slice %arg6[%dma_start3A_1765, %dma_start3A_1774, %dma_start3A_1775] : memref<6x128x64xf32, #tpu.memory_space<vmem>> -> memref<1x128x64xf32, #tpu.memory_space<vmem>>
    %dma_start3A_1777 = tpu.memref_squeeze %dma_start3A_1776 : memref<1x128x64xf32, #tpu.memory_space<vmem>> -> memref<128x64xf32, #tpu.memory_space<vmem>>
    tpu.enqueue_dma source(%dma_start3A_1777 : memref<128x64xf32, #tpu.memory_space<vmem>>) target(%dma_start3A_1773 : memref<128x64xf32, #tpu.memory_space<hbm>>) target_semaphore(%arg21 : memref<!tpu.dma_semaphore, #tpu.memory_space<semaphore_mem>>)
    %dma_wait3A_1778 = arith.constant 2 : i32
    %dma_wait3A_1779 = arith.constant 0 : i32
    %dma_wait3A_1780 = arith.constant 0 : i32
    %dma_wait3A_1781 = tpu.memref_slice %arg6[%dma_wait3A_1778, %dma_wait3A_1779, %dma_wait3A_1780] : memref<6x128x64xf32, #tpu.memory_space<vmem>> -> memref<1x128x64xf32, #tpu.memory_space<vmem>>
    %dma_wait3A_1782 = tpu.memref_squeeze %dma_wait3A_1781 : memref<1x128x64xf32, #tpu.memory_space<vmem>> -> memref<128x64xf32, #tpu.memory_space<vmem>>
    %dma_wait3A_1783 = arith.constant 0 : i32
    %dma_wait3A_1784 = tpu.memref_slice %arg4[%add3A_1660, %dma_wait3A_1783] : memref<204800x64xf32, #tpu.memory_space<hbm>> -> memref<128x64xf32, #tpu.memory_space<hbm>>
    %dma_wait3A_1785 = arith.constant 0 : i32
    %dma_wait3A_1786 = tpu.memref_slice %arg4[%add3A_1660, %dma_wait3A_1785] : memref<204800x64xf32, #tpu.memory_space<hbm>> -> memref<128x64xf32, #tpu.memory_space<hbm>>
    %dma_wait3A_1787 = arith.constant 0 : i32
    %dma_wait3A_1788 = arith.constant 0 : i32
    %dma_wait3A_1789 = tpu.memref_slice %arg6[%dma_wait3A_1778, %dma_wait3A_1787, %dma_wait3A_1788] : memref<6x128x64xf32, #tpu.memory_space<vmem>> -> memref<1x128x64xf32, #tpu.memory_space<vmem>>
    %dma_wait3A_1790 = tpu.memref_squeeze %dma_wait3A_1789 : memref<1x128x64xf32, #tpu.memory_space<vmem>> -> memref<128x64xf32, #tpu.memory_space<vmem>>
    tpu.wait_dma2 semaphore(%arg19 : memref<!tpu.dma_semaphore, #tpu.memory_space<semaphore_mem>>) src(%dma_wait3A_1790 : memref<128x64xf32, #tpu.memory_space<vmem>>) dst(%dma_wait3A_1786 : memref<128x64xf32, #tpu.memory_space<hbm>>)
    %dma_start3A_1791 = arith.constant 32 : i32
    %dma_start3A_1792 = arith.constant 2 : i32
    %dma_start3A_1793 = arith.constant 0 : i32
    %dma_start3A_1794 = arith.constant 0 : i32
    %dma_start3A_1795 = tpu.memref_slice %arg6[%dma_start3A_1792, %dma_start3A_1793, %dma_start3A_1794] : memref<6x128x64xf32, #tpu.memory_space<vmem>> -> memref<1x128x64xf32, #tpu.memory_space<vmem>>
    %dma_start3A_1796 = tpu.memref_squeeze %dma_start3A_1795 : memref<1x128x64xf32, #tpu.memory_space<vmem>> -> memref<128x64xf32, #tpu.memory_space<vmem>>
    %dma_start3A_1797 = arith.constant 0 : i32
    %dma_start3A_1798 = tpu.memref_slice %arg5[%dma_start3A_1791, %dma_start3A_1797] : memref<50x128xi32, #tpu.memory_space<vmem>> -> memref<1x128xi32, #tpu.memory_space<vmem>>
    %dma_start3A_1799 = tpu.memref_squeeze %dma_start3A_1798 : memref<1x128xi32, #tpu.memory_space<vmem>> -> memref<128xi32, #tpu.memory_space<vmem>>
    %dma_start3A_1800 = arith.constant 0 : i32
    %dma_start3A_1801 = arith.constant 0 : i32
    %dma_start3A_1802 = tpu.memref_slice %arg3[%dma_start3A_1800, %dma_start3A_1801] : memref<100000x64xf32, #tpu.memory_space<hbm>> -> memref<100000x64xf32, #tpu.memory_space<hbm>>
    tpu.enqueue_indirect_dma source(%dma_start3A_1802 : memref<100000x64xf32, #tpu.memory_space<hbm>>) target(%dma_start3A_1796 : memref<128x64xf32, #tpu.memory_space<vmem>>) offsets(%dma_start3A_1799 : memref<128xi32, #tpu.memory_space<vmem>>) semaphore(%arg13 : memref<!tpu.dma_semaphore, #tpu.memory_space<semaphore_mem>>)
    %dma_wait3A_1803 = arith.constant 29 : i32
    %dma_wait3A_1804 = arith.constant 5 : i32
    %dma_wait3A_1805 = arith.constant 0 : i32
    %dma_wait3A_1806 = arith.constant 0 : i32
    %dma_wait3A_1807 = tpu.memref_slice %arg6[%dma_wait3A_1804, %dma_wait3A_1805, %dma_wait3A_1806] : memref<6x128x64xf32, #tpu.memory_space<vmem>> -> memref<1x128x64xf32, #tpu.memory_space<vmem>>
    %dma_wait3A_1808 = tpu.memref_squeeze %dma_wait3A_1807 : memref<1x128x64xf32, #tpu.memory_space<vmem>> -> memref<128x64xf32, #tpu.memory_space<vmem>>
    %dma_wait3A_1809 = arith.constant 0 : i32
    %dma_wait3A_1810 = tpu.memref_slice %arg5[%dma_wait3A_1803, %dma_wait3A_1809] : memref<50x128xi32, #tpu.memory_space<vmem>> -> memref<1x128xi32, #tpu.memory_space<vmem>>
    %dma_wait3A_1811 = tpu.memref_squeeze %dma_wait3A_1810 : memref<1x128xi32, #tpu.memory_space<vmem>> -> memref<128xi32, #tpu.memory_space<vmem>>
    %dma_wait3A_1812 = arith.constant 0 : i32
    %dma_wait3A_1813 = arith.constant 0 : i32
    %dma_wait3A_1814 = tpu.memref_slice %arg3[%dma_wait3A_1812, %dma_wait3A_1813] : memref<100000x64xf32, #tpu.memory_space<hbm>> -> memref<100000x64xf32, #tpu.memory_space<hbm>>
    tpu.wait_indirect_dma semaphore(%arg16 : memref<!tpu.dma_semaphore, #tpu.memory_space<semaphore_mem>>) src(%dma_wait3A_1814 : memref<100000x64xf32, #tpu.memory_space<hbm>>) dst(%dma_wait3A_1808 : memref<128x64xf32, #tpu.memory_space<vmem>>)
    %add3A_1815 = arith.constant 3712 : i32
    %add3A_1816 = arith.addi %mul3A_2, %add3A_1815 : i32
    %dma_start3A_1817 = arith.constant 5 : i32
    %dma_start3A_1818 = arith.constant 0 : i32
    %dma_start3A_1819 = arith.constant 0 : i32
    %dma_start3A_1820 = tpu.memref_slice %arg6[%dma_start3A_1817, %dma_start3A_1818, %dma_start3A_1819] : memref<6x128x64xf32, #tpu.memory_space<vmem>> -> memref<1x128x64xf32, #tpu.memory_space<vmem>>
    %dma_start3A_1821 = tpu.memref_squeeze %dma_start3A_1820 : memref<1x128x64xf32, #tpu.memory_space<vmem>> -> memref<128x64xf32, #tpu.memory_space<vmem>>
    %dma_start3A_1822 = arith.constant 0 : i32
    %dma_start3A_1823 = tpu.memref_slice %arg4[%add3A_1816, %dma_start3A_1822] : memref<204800x64xf32, #tpu.memory_space<hbm>> -> memref<128x64xf32, #tpu.memory_space<hbm>>
    %dma_start3A_1824 = arith.constant 0 : i32
    %dma_start3A_1825 = tpu.memref_slice %arg4[%add3A_1816, %dma_start3A_1824] : memref<204800x64xf32, #tpu.memory_space<hbm>> -> memref<128x64xf32, #tpu.memory_space<hbm>>
    %dma_start3A_1826 = arith.constant 0 : i32
    %dma_start3A_1827 = arith.constant 0 : i32
    %dma_start3A_1828 = tpu.memref_slice %arg6[%dma_start3A_1817, %dma_start3A_1826, %dma_start3A_1827] : memref<6x128x64xf32, #tpu.memory_space<vmem>> -> memref<1x128x64xf32, #tpu.memory_space<vmem>>
    %dma_start3A_1829 = tpu.memref_squeeze %dma_start3A_1828 : memref<1x128x64xf32, #tpu.memory_space<vmem>> -> memref<128x64xf32, #tpu.memory_space<vmem>>
    tpu.enqueue_dma source(%dma_start3A_1829 : memref<128x64xf32, #tpu.memory_space<vmem>>) target(%dma_start3A_1825 : memref<128x64xf32, #tpu.memory_space<hbm>>) target_semaphore(%arg22 : memref<!tpu.dma_semaphore, #tpu.memory_space<semaphore_mem>>)
    %dma_wait3A_1830 = arith.constant 3 : i32
    %dma_wait3A_1831 = arith.constant 0 : i32
    %dma_wait3A_1832 = arith.constant 0 : i32
    %dma_wait3A_1833 = tpu.memref_slice %arg6[%dma_wait3A_1830, %dma_wait3A_1831, %dma_wait3A_1832] : memref<6x128x64xf32, #tpu.memory_space<vmem>> -> memref<1x128x64xf32, #tpu.memory_space<vmem>>
    %dma_wait3A_1834 = tpu.memref_squeeze %dma_wait3A_1833 : memref<1x128x64xf32, #tpu.memory_space<vmem>> -> memref<128x64xf32, #tpu.memory_space<vmem>>
    %dma_wait3A_1835 = arith.constant 0 : i32
    %dma_wait3A_1836 = tpu.memref_slice %arg4[%add3A_1712, %dma_wait3A_1835] : memref<204800x64xf32, #tpu.memory_space<hbm>> -> memref<128x64xf32, #tpu.memory_space<hbm>>
    %dma_wait3A_1837 = arith.constant 0 : i32
    %dma_wait3A_1838 = tpu.memref_slice %arg4[%add3A_1712, %dma_wait3A_1837] : memref<204800x64xf32, #tpu.memory_space<hbm>> -> memref<128x64xf32, #tpu.memory_space<hbm>>
    %dma_wait3A_1839 = arith.constant 0 : i32
    %dma_wait3A_1840 = arith.constant 0 : i32
    %dma_wait3A_1841 = tpu.memref_slice %arg6[%dma_wait3A_1830, %dma_wait3A_1839, %dma_wait3A_1840] : memref<6x128x64xf32, #tpu.memory_space<vmem>> -> memref<1x128x64xf32, #tpu.memory_space<vmem>>
    %dma_wait3A_1842 = tpu.memref_squeeze %dma_wait3A_1841 : memref<1x128x64xf32, #tpu.memory_space<vmem>> -> memref<128x64xf32, #tpu.memory_space<vmem>>
    tpu.wait_dma2 semaphore(%arg20 : memref<!tpu.dma_semaphore, #tpu.memory_space<semaphore_mem>>) src(%dma_wait3A_1842 : memref<128x64xf32, #tpu.memory_space<vmem>>) dst(%dma_wait3A_1838 : memref<128x64xf32, #tpu.memory_space<hbm>>)
    %dma_start3A_1843 = arith.constant 33 : i32
    %dma_start3A_1844 = arith.constant 3 : i32
    %dma_start3A_1845 = arith.constant 0 : i32
    %dma_start3A_1846 = arith.constant 0 : i32
    %dma_start3A_1847 = tpu.memref_slice %arg6[%dma_start3A_1844, %dma_start3A_1845, %dma_start3A_1846] : memref<6x128x64xf32, #tpu.memory_space<vmem>> -> memref<1x128x64xf32, #tpu.memory_space<vmem>>
    %dma_start3A_1848 = tpu.memref_squeeze %dma_start3A_1847 : memref<1x128x64xf32, #tpu.memory_space<vmem>> -> memref<128x64xf32, #tpu.memory_space<vmem>>
    %dma_start3A_1849 = arith.constant 0 : i32
    %dma_start3A_1850 = tpu.memref_slice %arg5[%dma_start3A_1843, %dma_start3A_1849] : memref<50x128xi32, #tpu.memory_space<vmem>> -> memref<1x128xi32, #tpu.memory_space<vmem>>
    %dma_start3A_1851 = tpu.memref_squeeze %dma_start3A_1850 : memref<1x128xi32, #tpu.memory_space<vmem>> -> memref<128xi32, #tpu.memory_space<vmem>>
    %dma_start3A_1852 = arith.constant 0 : i32
    %dma_start3A_1853 = arith.constant 0 : i32
    %dma_start3A_1854 = tpu.memref_slice %arg3[%dma_start3A_1852, %dma_start3A_1853] : memref<100000x64xf32, #tpu.memory_space<hbm>> -> memref<100000x64xf32, #tpu.memory_space<hbm>>
    tpu.enqueue_indirect_dma source(%dma_start3A_1854 : memref<100000x64xf32, #tpu.memory_space<hbm>>) target(%dma_start3A_1848 : memref<128x64xf32, #tpu.memory_space<vmem>>) offsets(%dma_start3A_1851 : memref<128xi32, #tpu.memory_space<vmem>>) semaphore(%arg14 : memref<!tpu.dma_semaphore, #tpu.memory_space<semaphore_mem>>)
    %dma_wait3A_1855 = arith.constant 30 : i32
    %dma_wait3A_1856 = arith.constant 0 : i32
    %dma_wait3A_1857 = arith.constant 0 : i32
    %dma_wait3A_1858 = arith.constant 0 : i32
    %dma_wait3A_1859 = tpu.memref_slice %arg6[%dma_wait3A_1856, %dma_wait3A_1857, %dma_wait3A_1858] : memref<6x128x64xf32, #tpu.memory_space<vmem>> -> memref<1x128x64xf32, #tpu.memory_space<vmem>>
    %dma_wait3A_1860 = tpu.memref_squeeze %dma_wait3A_1859 : memref<1x128x64xf32, #tpu.memory_space<vmem>> -> memref<128x64xf32, #tpu.memory_space<vmem>>
    %dma_wait3A_1861 = arith.constant 0 : i32
    %dma_wait3A_1862 = tpu.memref_slice %arg5[%dma_wait3A_1855, %dma_wait3A_1861] : memref<50x128xi32, #tpu.memory_space<vmem>> -> memref<1x128xi32, #tpu.memory_space<vmem>>
    %dma_wait3A_1863 = tpu.memref_squeeze %dma_wait3A_1862 : memref<1x128xi32, #tpu.memory_space<vmem>> -> memref<128xi32, #tpu.memory_space<vmem>>
    %dma_wait3A_1864 = arith.constant 0 : i32
    %dma_wait3A_1865 = arith.constant 0 : i32
    %dma_wait3A_1866 = tpu.memref_slice %arg3[%dma_wait3A_1864, %dma_wait3A_1865] : memref<100000x64xf32, #tpu.memory_space<hbm>> -> memref<100000x64xf32, #tpu.memory_space<hbm>>
    tpu.wait_indirect_dma semaphore(%arg11 : memref<!tpu.dma_semaphore, #tpu.memory_space<semaphore_mem>>) src(%dma_wait3A_1866 : memref<100000x64xf32, #tpu.memory_space<hbm>>) dst(%dma_wait3A_1860 : memref<128x64xf32, #tpu.memory_space<vmem>>)
    %add3A_1867 = arith.constant 3840 : i32
    %add3A_1868 = arith.addi %mul3A_2, %add3A_1867 : i32
    %dma_start3A_1869 = arith.constant 0 : i32
    %dma_start3A_1870 = arith.constant 0 : i32
    %dma_start3A_1871 = arith.constant 0 : i32
    %dma_start3A_1872 = tpu.memref_slice %arg6[%dma_start3A_1869, %dma_start3A_1870, %dma_start3A_1871] : memref<6x128x64xf32, #tpu.memory_space<vmem>> -> memref<1x128x64xf32, #tpu.memory_space<vmem>>
    %dma_start3A_1873 = tpu.memref_squeeze %dma_start3A_1872 : memref<1x128x64xf32, #tpu.memory_space<vmem>> -> memref<128x64xf32, #tpu.memory_space<vmem>>
    %dma_start3A_1874 = arith.constant 0 : i32
    %dma_start3A_1875 = tpu.memref_slice %arg4[%add3A_1868, %dma_start3A_1874] : memref<204800x64xf32, #tpu.memory_space<hbm>> -> memref<128x64xf32, #tpu.memory_space<hbm>>
    %dma_start3A_1876 = arith.constant 0 : i32
    %dma_start3A_1877 = tpu.memref_slice %arg4[%add3A_1868, %dma_start3A_1876] : memref<204800x64xf32, #tpu.memory_space<hbm>> -> memref<128x64xf32, #tpu.memory_space<hbm>>
    %dma_start3A_1878 = arith.constant 0 : i32
    %dma_start3A_1879 = arith.constant 0 : i32
    %dma_start3A_1880 = tpu.memref_slice %arg6[%dma_start3A_1869, %dma_start3A_1878, %dma_start3A_1879] : memref<6x128x64xf32, #tpu.memory_space<vmem>> -> memref<1x128x64xf32, #tpu.memory_space<vmem>>
    %dma_start3A_1881 = tpu.memref_squeeze %dma_start3A_1880 : memref<1x128x64xf32, #tpu.memory_space<vmem>> -> memref<128x64xf32, #tpu.memory_space<vmem>>
    tpu.enqueue_dma source(%dma_start3A_1881 : memref<128x64xf32, #tpu.memory_space<vmem>>) target(%dma_start3A_1877 : memref<128x64xf32, #tpu.memory_space<hbm>>) target_semaphore(%arg17 : memref<!tpu.dma_semaphore, #tpu.memory_space<semaphore_mem>>)
    %dma_wait3A_1882 = arith.constant 4 : i32
    %dma_wait3A_1883 = arith.constant 0 : i32
    %dma_wait3A_1884 = arith.constant 0 : i32
    %dma_wait3A_1885 = tpu.memref_slice %arg6[%dma_wait3A_1882, %dma_wait3A_1883, %dma_wait3A_1884] : memref<6x128x64xf32, #tpu.memory_space<vmem>> -> memref<1x128x64xf32, #tpu.memory_space<vmem>>
    %dma_wait3A_1886 = tpu.memref_squeeze %dma_wait3A_1885 : memref<1x128x64xf32, #tpu.memory_space<vmem>> -> memref<128x64xf32, #tpu.memory_space<vmem>>
    %dma_wait3A_1887 = arith.constant 0 : i32
    %dma_wait3A_1888 = tpu.memref_slice %arg4[%add3A_1764, %dma_wait3A_1887] : memref<204800x64xf32, #tpu.memory_space<hbm>> -> memref<128x64xf32, #tpu.memory_space<hbm>>
    %dma_wait3A_1889 = arith.constant 0 : i32
    %dma_wait3A_1890 = tpu.memref_slice %arg4[%add3A_1764, %dma_wait3A_1889] : memref<204800x64xf32, #tpu.memory_space<hbm>> -> memref<128x64xf32, #tpu.memory_space<hbm>>
    %dma_wait3A_1891 = arith.constant 0 : i32
    %dma_wait3A_1892 = arith.constant 0 : i32
    %dma_wait3A_1893 = tpu.memref_slice %arg6[%dma_wait3A_1882, %dma_wait3A_1891, %dma_wait3A_1892] : memref<6x128x64xf32, #tpu.memory_space<vmem>> -> memref<1x128x64xf32, #tpu.memory_space<vmem>>
    %dma_wait3A_1894 = tpu.memref_squeeze %dma_wait3A_1893 : memref<1x128x64xf32, #tpu.memory_space<vmem>> -> memref<128x64xf32, #tpu.memory_space<vmem>>
    tpu.wait_dma2 semaphore(%arg21 : memref<!tpu.dma_semaphore, #tpu.memory_space<semaphore_mem>>) src(%dma_wait3A_1894 : memref<128x64xf32, #tpu.memory_space<vmem>>) dst(%dma_wait3A_1890 : memref<128x64xf32, #tpu.memory_space<hbm>>)
    %dma_start3A_1895 = arith.constant 34 : i32
    %dma_start3A_1896 = arith.constant 4 : i32
    %dma_start3A_1897 = arith.constant 0 : i32
    %dma_start3A_1898 = arith.constant 0 : i32
    %dma_start3A_1899 = tpu.memref_slice %arg6[%dma_start3A_1896, %dma_start3A_1897, %dma_start3A_1898] : memref<6x128x64xf32, #tpu.memory_space<vmem>> -> memref<1x128x64xf32, #tpu.memory_space<vmem>>
    %dma_start3A_1900 = tpu.memref_squeeze %dma_start3A_1899 : memref<1x128x64xf32, #tpu.memory_space<vmem>> -> memref<128x64xf32, #tpu.memory_space<vmem>>
    %dma_start3A_1901 = arith.constant 0 : i32
    %dma_start3A_1902 = tpu.memref_slice %arg5[%dma_start3A_1895, %dma_start3A_1901] : memref<50x128xi32, #tpu.memory_space<vmem>> -> memref<1x128xi32, #tpu.memory_space<vmem>>
    %dma_start3A_1903 = tpu.memref_squeeze %dma_start3A_1902 : memref<1x128xi32, #tpu.memory_space<vmem>> -> memref<128xi32, #tpu.memory_space<vmem>>
    %dma_start3A_1904 = arith.constant 0 : i32
    %dma_start3A_1905 = arith.constant 0 : i32
    %dma_start3A_1906 = tpu.memref_slice %arg3[%dma_start3A_1904, %dma_start3A_1905] : memref<100000x64xf32, #tpu.memory_space<hbm>> -> memref<100000x64xf32, #tpu.memory_space<hbm>>
    tpu.enqueue_indirect_dma source(%dma_start3A_1906 : memref<100000x64xf32, #tpu.memory_space<hbm>>) target(%dma_start3A_1900 : memref<128x64xf32, #tpu.memory_space<vmem>>) offsets(%dma_start3A_1903 : memref<128xi32, #tpu.memory_space<vmem>>) semaphore(%arg15 : memref<!tpu.dma_semaphore, #tpu.memory_space<semaphore_mem>>)
    %dma_wait3A_1907 = arith.constant 31 : i32
    %dma_wait3A_1908 = arith.constant 1 : i32
    %dma_wait3A_1909 = arith.constant 0 : i32
    %dma_wait3A_1910 = arith.constant 0 : i32
    %dma_wait3A_1911 = tpu.memref_slice %arg6[%dma_wait3A_1908, %dma_wait3A_1909, %dma_wait3A_1910] : memref<6x128x64xf32, #tpu.memory_space<vmem>> -> memref<1x128x64xf32, #tpu.memory_space<vmem>>
    %dma_wait3A_1912 = tpu.memref_squeeze %dma_wait3A_1911 : memref<1x128x64xf32, #tpu.memory_space<vmem>> -> memref<128x64xf32, #tpu.memory_space<vmem>>
    %dma_wait3A_1913 = arith.constant 0 : i32
    %dma_wait3A_1914 = tpu.memref_slice %arg5[%dma_wait3A_1907, %dma_wait3A_1913] : memref<50x128xi32, #tpu.memory_space<vmem>> -> memref<1x128xi32, #tpu.memory_space<vmem>>
    %dma_wait3A_1915 = tpu.memref_squeeze %dma_wait3A_1914 : memref<1x128xi32, #tpu.memory_space<vmem>> -> memref<128xi32, #tpu.memory_space<vmem>>
    %dma_wait3A_1916 = arith.constant 0 : i32
    %dma_wait3A_1917 = arith.constant 0 : i32
    %dma_wait3A_1918 = tpu.memref_slice %arg3[%dma_wait3A_1916, %dma_wait3A_1917] : memref<100000x64xf32, #tpu.memory_space<hbm>> -> memref<100000x64xf32, #tpu.memory_space<hbm>>
    tpu.wait_indirect_dma semaphore(%arg12 : memref<!tpu.dma_semaphore, #tpu.memory_space<semaphore_mem>>) src(%dma_wait3A_1918 : memref<100000x64xf32, #tpu.memory_space<hbm>>) dst(%dma_wait3A_1912 : memref<128x64xf32, #tpu.memory_space<vmem>>)
    %add3A_1919 = arith.constant 3968 : i32
    %add3A_1920 = arith.addi %mul3A_2, %add3A_1919 : i32
    %dma_start3A_1921 = arith.constant 1 : i32
    %dma_start3A_1922 = arith.constant 0 : i32
    %dma_start3A_1923 = arith.constant 0 : i32
    %dma_start3A_1924 = tpu.memref_slice %arg6[%dma_start3A_1921, %dma_start3A_1922, %dma_start3A_1923] : memref<6x128x64xf32, #tpu.memory_space<vmem>> -> memref<1x128x64xf32, #tpu.memory_space<vmem>>
    %dma_start3A_1925 = tpu.memref_squeeze %dma_start3A_1924 : memref<1x128x64xf32, #tpu.memory_space<vmem>> -> memref<128x64xf32, #tpu.memory_space<vmem>>
    %dma_start3A_1926 = arith.constant 0 : i32
    %dma_start3A_1927 = tpu.memref_slice %arg4[%add3A_1920, %dma_start3A_1926] : memref<204800x64xf32, #tpu.memory_space<hbm>> -> memref<128x64xf32, #tpu.memory_space<hbm>>
    %dma_start3A_1928 = arith.constant 0 : i32
    %dma_start3A_1929 = tpu.memref_slice %arg4[%add3A_1920, %dma_start3A_1928] : memref<204800x64xf32, #tpu.memory_space<hbm>> -> memref<128x64xf32, #tpu.memory_space<hbm>>
    %dma_start3A_1930 = arith.constant 0 : i32
    %dma_start3A_1931 = arith.constant 0 : i32
    %dma_start3A_1932 = tpu.memref_slice %arg6[%dma_start3A_1921, %dma_start3A_1930, %dma_start3A_1931] : memref<6x128x64xf32, #tpu.memory_space<vmem>> -> memref<1x128x64xf32, #tpu.memory_space<vmem>>
    %dma_start3A_1933 = tpu.memref_squeeze %dma_start3A_1932 : memref<1x128x64xf32, #tpu.memory_space<vmem>> -> memref<128x64xf32, #tpu.memory_space<vmem>>
    tpu.enqueue_dma source(%dma_start3A_1933 : memref<128x64xf32, #tpu.memory_space<vmem>>) target(%dma_start3A_1929 : memref<128x64xf32, #tpu.memory_space<hbm>>) target_semaphore(%arg18 : memref<!tpu.dma_semaphore, #tpu.memory_space<semaphore_mem>>)
    %dma_wait3A_1934 = arith.constant 5 : i32
    %dma_wait3A_1935 = arith.constant 0 : i32
    %dma_wait3A_1936 = arith.constant 0 : i32
    %dma_wait3A_1937 = tpu.memref_slice %arg6[%dma_wait3A_1934, %dma_wait3A_1935, %dma_wait3A_1936] : memref<6x128x64xf32, #tpu.memory_space<vmem>> -> memref<1x128x64xf32, #tpu.memory_space<vmem>>
    %dma_wait3A_1938 = tpu.memref_squeeze %dma_wait3A_1937 : memref<1x128x64xf32, #tpu.memory_space<vmem>> -> memref<128x64xf32, #tpu.memory_space<vmem>>
    %dma_wait3A_1939 = arith.constant 0 : i32
    %dma_wait3A_1940 = tpu.memref_slice %arg4[%add3A_1816, %dma_wait3A_1939] : memref<204800x64xf32, #tpu.memory_space<hbm>> -> memref<128x64xf32, #tpu.memory_space<hbm>>
    %dma_wait3A_1941 = arith.constant 0 : i32
    %dma_wait3A_1942 = tpu.memref_slice %arg4[%add3A_1816, %dma_wait3A_1941] : memref<204800x64xf32, #tpu.memory_space<hbm>> -> memref<128x64xf32, #tpu.memory_space<hbm>>
    %dma_wait3A_1943 = arith.constant 0 : i32
    %dma_wait3A_1944 = arith.constant 0 : i32
    %dma_wait3A_1945 = tpu.memref_slice %arg6[%dma_wait3A_1934, %dma_wait3A_1943, %dma_wait3A_1944] : memref<6x128x64xf32, #tpu.memory_space<vmem>> -> memref<1x128x64xf32, #tpu.memory_space<vmem>>
    %dma_wait3A_1946 = tpu.memref_squeeze %dma_wait3A_1945 : memref<1x128x64xf32, #tpu.memory_space<vmem>> -> memref<128x64xf32, #tpu.memory_space<vmem>>
    tpu.wait_dma2 semaphore(%arg22 : memref<!tpu.dma_semaphore, #tpu.memory_space<semaphore_mem>>) src(%dma_wait3A_1946 : memref<128x64xf32, #tpu.memory_space<vmem>>) dst(%dma_wait3A_1942 : memref<128x64xf32, #tpu.memory_space<hbm>>)
    %dma_start3A_1947 = arith.constant 35 : i32
    %dma_start3A_1948 = arith.constant 5 : i32
    %dma_start3A_1949 = arith.constant 0 : i32
    %dma_start3A_1950 = arith.constant 0 : i32
    %dma_start3A_1951 = tpu.memref_slice %arg6[%dma_start3A_1948, %dma_start3A_1949, %dma_start3A_1950] : memref<6x128x64xf32, #tpu.memory_space<vmem>> -> memref<1x128x64xf32, #tpu.memory_space<vmem>>
    %dma_start3A_1952 = tpu.memref_squeeze %dma_start3A_1951 : memref<1x128x64xf32, #tpu.memory_space<vmem>> -> memref<128x64xf32, #tpu.memory_space<vmem>>
    %dma_start3A_1953 = arith.constant 0 : i32
    %dma_start3A_1954 = tpu.memref_slice %arg5[%dma_start3A_1947, %dma_start3A_1953] : memref<50x128xi32, #tpu.memory_space<vmem>> -> memref<1x128xi32, #tpu.memory_space<vmem>>
    %dma_start3A_1955 = tpu.memref_squeeze %dma_start3A_1954 : memref<1x128xi32, #tpu.memory_space<vmem>> -> memref<128xi32, #tpu.memory_space<vmem>>
    %dma_start3A_1956 = arith.constant 0 : i32
    %dma_start3A_1957 = arith.constant 0 : i32
    %dma_start3A_1958 = tpu.memref_slice %arg3[%dma_start3A_1956, %dma_start3A_1957] : memref<100000x64xf32, #tpu.memory_space<hbm>> -> memref<100000x64xf32, #tpu.memory_space<hbm>>
    tpu.enqueue_indirect_dma source(%dma_start3A_1958 : memref<100000x64xf32, #tpu.memory_space<hbm>>) target(%dma_start3A_1952 : memref<128x64xf32, #tpu.memory_space<vmem>>) offsets(%dma_start3A_1955 : memref<128xi32, #tpu.memory_space<vmem>>) semaphore(%arg16 : memref<!tpu.dma_semaphore, #tpu.memory_space<semaphore_mem>>)
    %dma_wait3A_1959 = arith.constant 32 : i32
    %dma_wait3A_1960 = arith.constant 2 : i32
    %dma_wait3A_1961 = arith.constant 0 : i32
    %dma_wait3A_1962 = arith.constant 0 : i32
    %dma_wait3A_1963 = tpu.memref_slice %arg6[%dma_wait3A_1960, %dma_wait3A_1961, %dma_wait3A_1962] : memref<6x128x64xf32, #tpu.memory_space<vmem>> -> memref<1x128x64xf32, #tpu.memory_space<vmem>>
    %dma_wait3A_1964 = tpu.memref_squeeze %dma_wait3A_1963 : memref<1x128x64xf32, #tpu.memory_space<vmem>> -> memref<128x64xf32, #tpu.memory_space<vmem>>
    %dma_wait3A_1965 = arith.constant 0 : i32
    %dma_wait3A_1966 = tpu.memref_slice %arg5[%dma_wait3A_1959, %dma_wait3A_1965] : memref<50x128xi32, #tpu.memory_space<vmem>> -> memref<1x128xi32, #tpu.memory_space<vmem>>
    %dma_wait3A_1967 = tpu.memref_squeeze %dma_wait3A_1966 : memref<1x128xi32, #tpu.memory_space<vmem>> -> memref<128xi32, #tpu.memory_space<vmem>>
    %dma_wait3A_1968 = arith.constant 0 : i32
    %dma_wait3A_1969 = arith.constant 0 : i32
    %dma_wait3A_1970 = tpu.memref_slice %arg3[%dma_wait3A_1968, %dma_wait3A_1969] : memref<100000x64xf32, #tpu.memory_space<hbm>> -> memref<100000x64xf32, #tpu.memory_space<hbm>>
    tpu.wait_indirect_dma semaphore(%arg13 : memref<!tpu.dma_semaphore, #tpu.memory_space<semaphore_mem>>) src(%dma_wait3A_1970 : memref<100000x64xf32, #tpu.memory_space<hbm>>) dst(%dma_wait3A_1964 : memref<128x64xf32, #tpu.memory_space<vmem>>)
    %add3A_1971 = arith.constant 4096 : i32
    %add3A_1972 = arith.addi %mul3A_2, %add3A_1971 : i32
    %dma_start3A_1973 = arith.constant 2 : i32
    %dma_start3A_1974 = arith.constant 0 : i32
    %dma_start3A_1975 = arith.constant 0 : i32
    %dma_start3A_1976 = tpu.memref_slice %arg6[%dma_start3A_1973, %dma_start3A_1974, %dma_start3A_1975] : memref<6x128x64xf32, #tpu.memory_space<vmem>> -> memref<1x128x64xf32, #tpu.memory_space<vmem>>
    %dma_start3A_1977 = tpu.memref_squeeze %dma_start3A_1976 : memref<1x128x64xf32, #tpu.memory_space<vmem>> -> memref<128x64xf32, #tpu.memory_space<vmem>>
    %dma_start3A_1978 = arith.constant 0 : i32
    %dma_start3A_1979 = tpu.memref_slice %arg4[%add3A_1972, %dma_start3A_1978] : memref<204800x64xf32, #tpu.memory_space<hbm>> -> memref<128x64xf32, #tpu.memory_space<hbm>>
    %dma_start3A_1980 = arith.constant 0 : i32
    %dma_start3A_1981 = tpu.memref_slice %arg4[%add3A_1972, %dma_start3A_1980] : memref<204800x64xf32, #tpu.memory_space<hbm>> -> memref<128x64xf32, #tpu.memory_space<hbm>>
    %dma_start3A_1982 = arith.constant 0 : i32
    %dma_start3A_1983 = arith.constant 0 : i32
    %dma_start3A_1984 = tpu.memref_slice %arg6[%dma_start3A_1973, %dma_start3A_1982, %dma_start3A_1983] : memref<6x128x64xf32, #tpu.memory_space<vmem>> -> memref<1x128x64xf32, #tpu.memory_space<vmem>>
    %dma_start3A_1985 = tpu.memref_squeeze %dma_start3A_1984 : memref<1x128x64xf32, #tpu.memory_space<vmem>> -> memref<128x64xf32, #tpu.memory_space<vmem>>
    tpu.enqueue_dma source(%dma_start3A_1985 : memref<128x64xf32, #tpu.memory_space<vmem>>) target(%dma_start3A_1981 : memref<128x64xf32, #tpu.memory_space<hbm>>) target_semaphore(%arg19 : memref<!tpu.dma_semaphore, #tpu.memory_space<semaphore_mem>>)
    %dma_wait3A_1986 = arith.constant 0 : i32
    %dma_wait3A_1987 = arith.constant 0 : i32
    %dma_wait3A_1988 = arith.constant 0 : i32
    %dma_wait3A_1989 = tpu.memref_slice %arg6[%dma_wait3A_1986, %dma_wait3A_1987, %dma_wait3A_1988] : memref<6x128x64xf32, #tpu.memory_space<vmem>> -> memref<1x128x64xf32, #tpu.memory_space<vmem>>
    %dma_wait3A_1990 = tpu.memref_squeeze %dma_wait3A_1989 : memref<1x128x64xf32, #tpu.memory_space<vmem>> -> memref<128x64xf32, #tpu.memory_space<vmem>>
    %dma_wait3A_1991 = arith.constant 0 : i32
    %dma_wait3A_1992 = tpu.memref_slice %arg4[%add3A_1868, %dma_wait3A_1991] : memref<204800x64xf32, #tpu.memory_space<hbm>> -> memref<128x64xf32, #tpu.memory_space<hbm>>
    %dma_wait3A_1993 = arith.constant 0 : i32
    %dma_wait3A_1994 = tpu.memref_slice %arg4[%add3A_1868, %dma_wait3A_1993] : memref<204800x64xf32, #tpu.memory_space<hbm>> -> memref<128x64xf32, #tpu.memory_space<hbm>>
    %dma_wait3A_1995 = arith.constant 0 : i32
    %dma_wait3A_1996 = arith.constant 0 : i32
    %dma_wait3A_1997 = tpu.memref_slice %arg6[%dma_wait3A_1986, %dma_wait3A_1995, %dma_wait3A_1996] : memref<6x128x64xf32, #tpu.memory_space<vmem>> -> memref<1x128x64xf32, #tpu.memory_space<vmem>>
    %dma_wait3A_1998 = tpu.memref_squeeze %dma_wait3A_1997 : memref<1x128x64xf32, #tpu.memory_space<vmem>> -> memref<128x64xf32, #tpu.memory_space<vmem>>
    tpu.wait_dma2 semaphore(%arg17 : memref<!tpu.dma_semaphore, #tpu.memory_space<semaphore_mem>>) src(%dma_wait3A_1998 : memref<128x64xf32, #tpu.memory_space<vmem>>) dst(%dma_wait3A_1994 : memref<128x64xf32, #tpu.memory_space<hbm>>)
    %dma_start3A_1999 = arith.constant 36 : i32
    %dma_start3A_2000 = arith.constant 0 : i32
    %dma_start3A_2001 = arith.constant 0 : i32
    %dma_start3A_2002 = arith.constant 0 : i32
    %dma_start3A_2003 = tpu.memref_slice %arg6[%dma_start3A_2000, %dma_start3A_2001, %dma_start3A_2002] : memref<6x128x64xf32, #tpu.memory_space<vmem>> -> memref<1x128x64xf32, #tpu.memory_space<vmem>>
    %dma_start3A_2004 = tpu.memref_squeeze %dma_start3A_2003 : memref<1x128x64xf32, #tpu.memory_space<vmem>> -> memref<128x64xf32, #tpu.memory_space<vmem>>
    %dma_start3A_2005 = arith.constant 0 : i32
    %dma_start3A_2006 = tpu.memref_slice %arg5[%dma_start3A_1999, %dma_start3A_2005] : memref<50x128xi32, #tpu.memory_space<vmem>> -> memref<1x128xi32, #tpu.memory_space<vmem>>
    %dma_start3A_2007 = tpu.memref_squeeze %dma_start3A_2006 : memref<1x128xi32, #tpu.memory_space<vmem>> -> memref<128xi32, #tpu.memory_space<vmem>>
    %dma_start3A_2008 = arith.constant 0 : i32
    %dma_start3A_2009 = arith.constant 0 : i32
    %dma_start3A_2010 = tpu.memref_slice %arg3[%dma_start3A_2008, %dma_start3A_2009] : memref<100000x64xf32, #tpu.memory_space<hbm>> -> memref<100000x64xf32, #tpu.memory_space<hbm>>
    tpu.enqueue_indirect_dma source(%dma_start3A_2010 : memref<100000x64xf32, #tpu.memory_space<hbm>>) target(%dma_start3A_2004 : memref<128x64xf32, #tpu.memory_space<vmem>>) offsets(%dma_start3A_2007 : memref<128xi32, #tpu.memory_space<vmem>>) semaphore(%arg11 : memref<!tpu.dma_semaphore, #tpu.memory_space<semaphore_mem>>)
    %dma_wait3A_2011 = arith.constant 33 : i32
    %dma_wait3A_2012 = arith.constant 3 : i32
    %dma_wait3A_2013 = arith.constant 0 : i32
    %dma_wait3A_2014 = arith.constant 0 : i32
    %dma_wait3A_2015 = tpu.memref_slice %arg6[%dma_wait3A_2012, %dma_wait3A_2013, %dma_wait3A_2014] : memref<6x128x64xf32, #tpu.memory_space<vmem>> -> memref<1x128x64xf32, #tpu.memory_space<vmem>>
    %dma_wait3A_2016 = tpu.memref_squeeze %dma_wait3A_2015 : memref<1x128x64xf32, #tpu.memory_space<vmem>> -> memref<128x64xf32, #tpu.memory_space<vmem>>
    %dma_wait3A_2017 = arith.constant 0 : i32
    %dma_wait3A_2018 = tpu.memref_slice %arg5[%dma_wait3A_2011, %dma_wait3A_2017] : memref<50x128xi32, #tpu.memory_space<vmem>> -> memref<1x128xi32, #tpu.memory_space<vmem>>
    %dma_wait3A_2019 = tpu.memref_squeeze %dma_wait3A_2018 : memref<1x128xi32, #tpu.memory_space<vmem>> -> memref<128xi32, #tpu.memory_space<vmem>>
    %dma_wait3A_2020 = arith.constant 0 : i32
    %dma_wait3A_2021 = arith.constant 0 : i32
    %dma_wait3A_2022 = tpu.memref_slice %arg3[%dma_wait3A_2020, %dma_wait3A_2021] : memref<100000x64xf32, #tpu.memory_space<hbm>> -> memref<100000x64xf32, #tpu.memory_space<hbm>>
    tpu.wait_indirect_dma semaphore(%arg14 : memref<!tpu.dma_semaphore, #tpu.memory_space<semaphore_mem>>) src(%dma_wait3A_2022 : memref<100000x64xf32, #tpu.memory_space<hbm>>) dst(%dma_wait3A_2016 : memref<128x64xf32, #tpu.memory_space<vmem>>)
    %add3A_2023 = arith.constant 4224 : i32
    %add3A_2024 = arith.addi %mul3A_2, %add3A_2023 : i32
    %dma_start3A_2025 = arith.constant 3 : i32
    %dma_start3A_2026 = arith.constant 0 : i32
    %dma_start3A_2027 = arith.constant 0 : i32
    %dma_start3A_2028 = tpu.memref_slice %arg6[%dma_start3A_2025, %dma_start3A_2026, %dma_start3A_2027] : memref<6x128x64xf32, #tpu.memory_space<vmem>> -> memref<1x128x64xf32, #tpu.memory_space<vmem>>
    %dma_start3A_2029 = tpu.memref_squeeze %dma_start3A_2028 : memref<1x128x64xf32, #tpu.memory_space<vmem>> -> memref<128x64xf32, #tpu.memory_space<vmem>>
    %dma_start3A_2030 = arith.constant 0 : i32
    %dma_start3A_2031 = tpu.memref_slice %arg4[%add3A_2024, %dma_start3A_2030] : memref<204800x64xf32, #tpu.memory_space<hbm>> -> memref<128x64xf32, #tpu.memory_space<hbm>>
    %dma_start3A_2032 = arith.constant 0 : i32
    %dma_start3A_2033 = tpu.memref_slice %arg4[%add3A_2024, %dma_start3A_2032] : memref<204800x64xf32, #tpu.memory_space<hbm>> -> memref<128x64xf32, #tpu.memory_space<hbm>>
    %dma_start3A_2034 = arith.constant 0 : i32
    %dma_start3A_2035 = arith.constant 0 : i32
    %dma_start3A_2036 = tpu.memref_slice %arg6[%dma_start3A_2025, %dma_start3A_2034, %dma_start3A_2035] : memref<6x128x64xf32, #tpu.memory_space<vmem>> -> memref<1x128x64xf32, #tpu.memory_space<vmem>>
    %dma_start3A_2037 = tpu.memref_squeeze %dma_start3A_2036 : memref<1x128x64xf32, #tpu.memory_space<vmem>> -> memref<128x64xf32, #tpu.memory_space<vmem>>
    tpu.enqueue_dma source(%dma_start3A_2037 : memref<128x64xf32, #tpu.memory_space<vmem>>) target(%dma_start3A_2033 : memref<128x64xf32, #tpu.memory_space<hbm>>) target_semaphore(%arg20 : memref<!tpu.dma_semaphore, #tpu.memory_space<semaphore_mem>>)
    %dma_wait3A_2038 = arith.constant 1 : i32
    %dma_wait3A_2039 = arith.constant 0 : i32
    %dma_wait3A_2040 = arith.constant 0 : i32
    %dma_wait3A_2041 = tpu.memref_slice %arg6[%dma_wait3A_2038, %dma_wait3A_2039, %dma_wait3A_2040] : memref<6x128x64xf32, #tpu.memory_space<vmem>> -> memref<1x128x64xf32, #tpu.memory_space<vmem>>
    %dma_wait3A_2042 = tpu.memref_squeeze %dma_wait3A_2041 : memref<1x128x64xf32, #tpu.memory_space<vmem>> -> memref<128x64xf32, #tpu.memory_space<vmem>>
    %dma_wait3A_2043 = arith.constant 0 : i32
    %dma_wait3A_2044 = tpu.memref_slice %arg4[%add3A_1920, %dma_wait3A_2043] : memref<204800x64xf32, #tpu.memory_space<hbm>> -> memref<128x64xf32, #tpu.memory_space<hbm>>
    %dma_wait3A_2045 = arith.constant 0 : i32
    %dma_wait3A_2046 = tpu.memref_slice %arg4[%add3A_1920, %dma_wait3A_2045] : memref<204800x64xf32, #tpu.memory_space<hbm>> -> memref<128x64xf32, #tpu.memory_space<hbm>>
    %dma_wait3A_2047 = arith.constant 0 : i32
    %dma_wait3A_2048 = arith.constant 0 : i32
    %dma_wait3A_2049 = tpu.memref_slice %arg6[%dma_wait3A_2038, %dma_wait3A_2047, %dma_wait3A_2048] : memref<6x128x64xf32, #tpu.memory_space<vmem>> -> memref<1x128x64xf32, #tpu.memory_space<vmem>>
    %dma_wait3A_2050 = tpu.memref_squeeze %dma_wait3A_2049 : memref<1x128x64xf32, #tpu.memory_space<vmem>> -> memref<128x64xf32, #tpu.memory_space<vmem>>
    tpu.wait_dma2 semaphore(%arg18 : memref<!tpu.dma_semaphore, #tpu.memory_space<semaphore_mem>>) src(%dma_wait3A_2050 : memref<128x64xf32, #tpu.memory_space<vmem>>) dst(%dma_wait3A_2046 : memref<128x64xf32, #tpu.memory_space<hbm>>)
    %dma_start3A_2051 = arith.constant 37 : i32
    %dma_start3A_2052 = arith.constant 1 : i32
    %dma_start3A_2053 = arith.constant 0 : i32
    %dma_start3A_2054 = arith.constant 0 : i32
    %dma_start3A_2055 = tpu.memref_slice %arg6[%dma_start3A_2052, %dma_start3A_2053, %dma_start3A_2054] : memref<6x128x64xf32, #tpu.memory_space<vmem>> -> memref<1x128x64xf32, #tpu.memory_space<vmem>>
    %dma_start3A_2056 = tpu.memref_squeeze %dma_start3A_2055 : memref<1x128x64xf32, #tpu.memory_space<vmem>> -> memref<128x64xf32, #tpu.memory_space<vmem>>
    %dma_start3A_2057 = arith.constant 0 : i32
    %dma_start3A_2058 = tpu.memref_slice %arg5[%dma_start3A_2051, %dma_start3A_2057] : memref<50x128xi32, #tpu.memory_space<vmem>> -> memref<1x128xi32, #tpu.memory_space<vmem>>
    %dma_start3A_2059 = tpu.memref_squeeze %dma_start3A_2058 : memref<1x128xi32, #tpu.memory_space<vmem>> -> memref<128xi32, #tpu.memory_space<vmem>>
    %dma_start3A_2060 = arith.constant 0 : i32
    %dma_start3A_2061 = arith.constant 0 : i32
    %dma_start3A_2062 = tpu.memref_slice %arg3[%dma_start3A_2060, %dma_start3A_2061] : memref<100000x64xf32, #tpu.memory_space<hbm>> -> memref<100000x64xf32, #tpu.memory_space<hbm>>
    tpu.enqueue_indirect_dma source(%dma_start3A_2062 : memref<100000x64xf32, #tpu.memory_space<hbm>>) target(%dma_start3A_2056 : memref<128x64xf32, #tpu.memory_space<vmem>>) offsets(%dma_start3A_2059 : memref<128xi32, #tpu.memory_space<vmem>>) semaphore(%arg12 : memref<!tpu.dma_semaphore, #tpu.memory_space<semaphore_mem>>)
    %dma_wait3A_2063 = arith.constant 34 : i32
    %dma_wait3A_2064 = arith.constant 4 : i32
    %dma_wait3A_2065 = arith.constant 0 : i32
    %dma_wait3A_2066 = arith.constant 0 : i32
    %dma_wait3A_2067 = tpu.memref_slice %arg6[%dma_wait3A_2064, %dma_wait3A_2065, %dma_wait3A_2066] : memref<6x128x64xf32, #tpu.memory_space<vmem>> -> memref<1x128x64xf32, #tpu.memory_space<vmem>>
    %dma_wait3A_2068 = tpu.memref_squeeze %dma_wait3A_2067 : memref<1x128x64xf32, #tpu.memory_space<vmem>> -> memref<128x64xf32, #tpu.memory_space<vmem>>
    %dma_wait3A_2069 = arith.constant 0 : i32
    %dma_wait3A_2070 = tpu.memref_slice %arg5[%dma_wait3A_2063, %dma_wait3A_2069] : memref<50x128xi32, #tpu.memory_space<vmem>> -> memref<1x128xi32, #tpu.memory_space<vmem>>
    %dma_wait3A_2071 = tpu.memref_squeeze %dma_wait3A_2070 : memref<1x128xi32, #tpu.memory_space<vmem>> -> memref<128xi32, #tpu.memory_space<vmem>>
    %dma_wait3A_2072 = arith.constant 0 : i32
    %dma_wait3A_2073 = arith.constant 0 : i32
    %dma_wait3A_2074 = tpu.memref_slice %arg3[%dma_wait3A_2072, %dma_wait3A_2073] : memref<100000x64xf32, #tpu.memory_space<hbm>> -> memref<100000x64xf32, #tpu.memory_space<hbm>>
    tpu.wait_indirect_dma semaphore(%arg15 : memref<!tpu.dma_semaphore, #tpu.memory_space<semaphore_mem>>) src(%dma_wait3A_2074 : memref<100000x64xf32, #tpu.memory_space<hbm>>) dst(%dma_wait3A_2068 : memref<128x64xf32, #tpu.memory_space<vmem>>)
    %add3A_2075 = arith.constant 4352 : i32
    %add3A_2076 = arith.addi %mul3A_2, %add3A_2075 : i32
    %dma_start3A_2077 = arith.constant 4 : i32
    %dma_start3A_2078 = arith.constant 0 : i32
    %dma_start3A_2079 = arith.constant 0 : i32
    %dma_start3A_2080 = tpu.memref_slice %arg6[%dma_start3A_2077, %dma_start3A_2078, %dma_start3A_2079] : memref<6x128x64xf32, #tpu.memory_space<vmem>> -> memref<1x128x64xf32, #tpu.memory_space<vmem>>
    %dma_start3A_2081 = tpu.memref_squeeze %dma_start3A_2080 : memref<1x128x64xf32, #tpu.memory_space<vmem>> -> memref<128x64xf32, #tpu.memory_space<vmem>>
    %dma_start3A_2082 = arith.constant 0 : i32
    %dma_start3A_2083 = tpu.memref_slice %arg4[%add3A_2076, %dma_start3A_2082] : memref<204800x64xf32, #tpu.memory_space<hbm>> -> memref<128x64xf32, #tpu.memory_space<hbm>>
    %dma_start3A_2084 = arith.constant 0 : i32
    %dma_start3A_2085 = tpu.memref_slice %arg4[%add3A_2076, %dma_start3A_2084] : memref<204800x64xf32, #tpu.memory_space<hbm>> -> memref<128x64xf32, #tpu.memory_space<hbm>>
    %dma_start3A_2086 = arith.constant 0 : i32
    %dma_start3A_2087 = arith.constant 0 : i32
    %dma_start3A_2088 = tpu.memref_slice %arg6[%dma_start3A_2077, %dma_start3A_2086, %dma_start3A_2087] : memref<6x128x64xf32, #tpu.memory_space<vmem>> -> memref<1x128x64xf32, #tpu.memory_space<vmem>>
    %dma_start3A_2089 = tpu.memref_squeeze %dma_start3A_2088 : memref<1x128x64xf32, #tpu.memory_space<vmem>> -> memref<128x64xf32, #tpu.memory_space<vmem>>
    tpu.enqueue_dma source(%dma_start3A_2089 : memref<128x64xf32, #tpu.memory_space<vmem>>) target(%dma_start3A_2085 : memref<128x64xf32, #tpu.memory_space<hbm>>) target_semaphore(%arg21 : memref<!tpu.dma_semaphore, #tpu.memory_space<semaphore_mem>>)
    %dma_wait3A_2090 = arith.constant 2 : i32
    %dma_wait3A_2091 = arith.constant 0 : i32
    %dma_wait3A_2092 = arith.constant 0 : i32
    %dma_wait3A_2093 = tpu.memref_slice %arg6[%dma_wait3A_2090, %dma_wait3A_2091, %dma_wait3A_2092] : memref<6x128x64xf32, #tpu.memory_space<vmem>> -> memref<1x128x64xf32, #tpu.memory_space<vmem>>
    %dma_wait3A_2094 = tpu.memref_squeeze %dma_wait3A_2093 : memref<1x128x64xf32, #tpu.memory_space<vmem>> -> memref<128x64xf32, #tpu.memory_space<vmem>>
    %dma_wait3A_2095 = arith.constant 0 : i32
    %dma_wait3A_2096 = tpu.memref_slice %arg4[%add3A_1972, %dma_wait3A_2095] : memref<204800x64xf32, #tpu.memory_space<hbm>> -> memref<128x64xf32, #tpu.memory_space<hbm>>
    %dma_wait3A_2097 = arith.constant 0 : i32
    %dma_wait3A_2098 = tpu.memref_slice %arg4[%add3A_1972, %dma_wait3A_2097] : memref<204800x64xf32, #tpu.memory_space<hbm>> -> memref<128x64xf32, #tpu.memory_space<hbm>>
    %dma_wait3A_2099 = arith.constant 0 : i32
    %dma_wait3A_2100 = arith.constant 0 : i32
    %dma_wait3A_2101 = tpu.memref_slice %arg6[%dma_wait3A_2090, %dma_wait3A_2099, %dma_wait3A_2100] : memref<6x128x64xf32, #tpu.memory_space<vmem>> -> memref<1x128x64xf32, #tpu.memory_space<vmem>>
    %dma_wait3A_2102 = tpu.memref_squeeze %dma_wait3A_2101 : memref<1x128x64xf32, #tpu.memory_space<vmem>> -> memref<128x64xf32, #tpu.memory_space<vmem>>
    tpu.wait_dma2 semaphore(%arg19 : memref<!tpu.dma_semaphore, #tpu.memory_space<semaphore_mem>>) src(%dma_wait3A_2102 : memref<128x64xf32, #tpu.memory_space<vmem>>) dst(%dma_wait3A_2098 : memref<128x64xf32, #tpu.memory_space<hbm>>)
    %dma_start3A_2103 = arith.constant 38 : i32
    %dma_start3A_2104 = arith.constant 2 : i32
    %dma_start3A_2105 = arith.constant 0 : i32
    %dma_start3A_2106 = arith.constant 0 : i32
    %dma_start3A_2107 = tpu.memref_slice %arg6[%dma_start3A_2104, %dma_start3A_2105, %dma_start3A_2106] : memref<6x128x64xf32, #tpu.memory_space<vmem>> -> memref<1x128x64xf32, #tpu.memory_space<vmem>>
    %dma_start3A_2108 = tpu.memref_squeeze %dma_start3A_2107 : memref<1x128x64xf32, #tpu.memory_space<vmem>> -> memref<128x64xf32, #tpu.memory_space<vmem>>
    %dma_start3A_2109 = arith.constant 0 : i32
    %dma_start3A_2110 = tpu.memref_slice %arg5[%dma_start3A_2103, %dma_start3A_2109] : memref<50x128xi32, #tpu.memory_space<vmem>> -> memref<1x128xi32, #tpu.memory_space<vmem>>
    %dma_start3A_2111 = tpu.memref_squeeze %dma_start3A_2110 : memref<1x128xi32, #tpu.memory_space<vmem>> -> memref<128xi32, #tpu.memory_space<vmem>>
    %dma_start3A_2112 = arith.constant 0 : i32
    %dma_start3A_2113 = arith.constant 0 : i32
    %dma_start3A_2114 = tpu.memref_slice %arg3[%dma_start3A_2112, %dma_start3A_2113] : memref<100000x64xf32, #tpu.memory_space<hbm>> -> memref<100000x64xf32, #tpu.memory_space<hbm>>
    tpu.enqueue_indirect_dma source(%dma_start3A_2114 : memref<100000x64xf32, #tpu.memory_space<hbm>>) target(%dma_start3A_2108 : memref<128x64xf32, #tpu.memory_space<vmem>>) offsets(%dma_start3A_2111 : memref<128xi32, #tpu.memory_space<vmem>>) semaphore(%arg13 : memref<!tpu.dma_semaphore, #tpu.memory_space<semaphore_mem>>)
    %dma_wait3A_2115 = arith.constant 35 : i32
    %dma_wait3A_2116 = arith.constant 5 : i32
    %dma_wait3A_2117 = arith.constant 0 : i32
    %dma_wait3A_2118 = arith.constant 0 : i32
    %dma_wait3A_2119 = tpu.memref_slice %arg6[%dma_wait3A_2116, %dma_wait3A_2117, %dma_wait3A_2118] : memref<6x128x64xf32, #tpu.memory_space<vmem>> -> memref<1x128x64xf32, #tpu.memory_space<vmem>>
    %dma_wait3A_2120 = tpu.memref_squeeze %dma_wait3A_2119 : memref<1x128x64xf32, #tpu.memory_space<vmem>> -> memref<128x64xf32, #tpu.memory_space<vmem>>
    %dma_wait3A_2121 = arith.constant 0 : i32
    %dma_wait3A_2122 = tpu.memref_slice %arg5[%dma_wait3A_2115, %dma_wait3A_2121] : memref<50x128xi32, #tpu.memory_space<vmem>> -> memref<1x128xi32, #tpu.memory_space<vmem>>
    %dma_wait3A_2123 = tpu.memref_squeeze %dma_wait3A_2122 : memref<1x128xi32, #tpu.memory_space<vmem>> -> memref<128xi32, #tpu.memory_space<vmem>>
    %dma_wait3A_2124 = arith.constant 0 : i32
    %dma_wait3A_2125 = arith.constant 0 : i32
    %dma_wait3A_2126 = tpu.memref_slice %arg3[%dma_wait3A_2124, %dma_wait3A_2125] : memref<100000x64xf32, #tpu.memory_space<hbm>> -> memref<100000x64xf32, #tpu.memory_space<hbm>>
    tpu.wait_indirect_dma semaphore(%arg16 : memref<!tpu.dma_semaphore, #tpu.memory_space<semaphore_mem>>) src(%dma_wait3A_2126 : memref<100000x64xf32, #tpu.memory_space<hbm>>) dst(%dma_wait3A_2120 : memref<128x64xf32, #tpu.memory_space<vmem>>)
    %add3A_2127 = arith.constant 4480 : i32
    %add3A_2128 = arith.addi %mul3A_2, %add3A_2127 : i32
    %dma_start3A_2129 = arith.constant 5 : i32
    %dma_start3A_2130 = arith.constant 0 : i32
    %dma_start3A_2131 = arith.constant 0 : i32
    %dma_start3A_2132 = tpu.memref_slice %arg6[%dma_start3A_2129, %dma_start3A_2130, %dma_start3A_2131] : memref<6x128x64xf32, #tpu.memory_space<vmem>> -> memref<1x128x64xf32, #tpu.memory_space<vmem>>
    %dma_start3A_2133 = tpu.memref_squeeze %dma_start3A_2132 : memref<1x128x64xf32, #tpu.memory_space<vmem>> -> memref<128x64xf32, #tpu.memory_space<vmem>>
    %dma_start3A_2134 = arith.constant 0 : i32
    %dma_start3A_2135 = tpu.memref_slice %arg4[%add3A_2128, %dma_start3A_2134] : memref<204800x64xf32, #tpu.memory_space<hbm>> -> memref<128x64xf32, #tpu.memory_space<hbm>>
    %dma_start3A_2136 = arith.constant 0 : i32
    %dma_start3A_2137 = tpu.memref_slice %arg4[%add3A_2128, %dma_start3A_2136] : memref<204800x64xf32, #tpu.memory_space<hbm>> -> memref<128x64xf32, #tpu.memory_space<hbm>>
    %dma_start3A_2138 = arith.constant 0 : i32
    %dma_start3A_2139 = arith.constant 0 : i32
    %dma_start3A_2140 = tpu.memref_slice %arg6[%dma_start3A_2129, %dma_start3A_2138, %dma_start3A_2139] : memref<6x128x64xf32, #tpu.memory_space<vmem>> -> memref<1x128x64xf32, #tpu.memory_space<vmem>>
    %dma_start3A_2141 = tpu.memref_squeeze %dma_start3A_2140 : memref<1x128x64xf32, #tpu.memory_space<vmem>> -> memref<128x64xf32, #tpu.memory_space<vmem>>
    tpu.enqueue_dma source(%dma_start3A_2141 : memref<128x64xf32, #tpu.memory_space<vmem>>) target(%dma_start3A_2137 : memref<128x64xf32, #tpu.memory_space<hbm>>) target_semaphore(%arg22 : memref<!tpu.dma_semaphore, #tpu.memory_space<semaphore_mem>>)
    %dma_wait3A_2142 = arith.constant 3 : i32
    %dma_wait3A_2143 = arith.constant 0 : i32
    %dma_wait3A_2144 = arith.constant 0 : i32
    %dma_wait3A_2145 = tpu.memref_slice %arg6[%dma_wait3A_2142, %dma_wait3A_2143, %dma_wait3A_2144] : memref<6x128x64xf32, #tpu.memory_space<vmem>> -> memref<1x128x64xf32, #tpu.memory_space<vmem>>
    %dma_wait3A_2146 = tpu.memref_squeeze %dma_wait3A_2145 : memref<1x128x64xf32, #tpu.memory_space<vmem>> -> memref<128x64xf32, #tpu.memory_space<vmem>>
    %dma_wait3A_2147 = arith.constant 0 : i32
    %dma_wait3A_2148 = tpu.memref_slice %arg4[%add3A_2024, %dma_wait3A_2147] : memref<204800x64xf32, #tpu.memory_space<hbm>> -> memref<128x64xf32, #tpu.memory_space<hbm>>
    %dma_wait3A_2149 = arith.constant 0 : i32
    %dma_wait3A_2150 = tpu.memref_slice %arg4[%add3A_2024, %dma_wait3A_2149] : memref<204800x64xf32, #tpu.memory_space<hbm>> -> memref<128x64xf32, #tpu.memory_space<hbm>>
    %dma_wait3A_2151 = arith.constant 0 : i32
    %dma_wait3A_2152 = arith.constant 0 : i32
    %dma_wait3A_2153 = tpu.memref_slice %arg6[%dma_wait3A_2142, %dma_wait3A_2151, %dma_wait3A_2152] : memref<6x128x64xf32, #tpu.memory_space<vmem>> -> memref<1x128x64xf32, #tpu.memory_space<vmem>>
    %dma_wait3A_2154 = tpu.memref_squeeze %dma_wait3A_2153 : memref<1x128x64xf32, #tpu.memory_space<vmem>> -> memref<128x64xf32, #tpu.memory_space<vmem>>
    tpu.wait_dma2 semaphore(%arg20 : memref<!tpu.dma_semaphore, #tpu.memory_space<semaphore_mem>>) src(%dma_wait3A_2154 : memref<128x64xf32, #tpu.memory_space<vmem>>) dst(%dma_wait3A_2150 : memref<128x64xf32, #tpu.memory_space<hbm>>)
    %dma_start3A_2155 = arith.constant 39 : i32
    %dma_start3A_2156 = arith.constant 3 : i32
    %dma_start3A_2157 = arith.constant 0 : i32
    %dma_start3A_2158 = arith.constant 0 : i32
    %dma_start3A_2159 = tpu.memref_slice %arg6[%dma_start3A_2156, %dma_start3A_2157, %dma_start3A_2158] : memref<6x128x64xf32, #tpu.memory_space<vmem>> -> memref<1x128x64xf32, #tpu.memory_space<vmem>>
    %dma_start3A_2160 = tpu.memref_squeeze %dma_start3A_2159 : memref<1x128x64xf32, #tpu.memory_space<vmem>> -> memref<128x64xf32, #tpu.memory_space<vmem>>
    %dma_start3A_2161 = arith.constant 0 : i32
    %dma_start3A_2162 = tpu.memref_slice %arg5[%dma_start3A_2155, %dma_start3A_2161] : memref<50x128xi32, #tpu.memory_space<vmem>> -> memref<1x128xi32, #tpu.memory_space<vmem>>
    %dma_start3A_2163 = tpu.memref_squeeze %dma_start3A_2162 : memref<1x128xi32, #tpu.memory_space<vmem>> -> memref<128xi32, #tpu.memory_space<vmem>>
    %dma_start3A_2164 = arith.constant 0 : i32
    %dma_start3A_2165 = arith.constant 0 : i32
    %dma_start3A_2166 = tpu.memref_slice %arg3[%dma_start3A_2164, %dma_start3A_2165] : memref<100000x64xf32, #tpu.memory_space<hbm>> -> memref<100000x64xf32, #tpu.memory_space<hbm>>
    tpu.enqueue_indirect_dma source(%dma_start3A_2166 : memref<100000x64xf32, #tpu.memory_space<hbm>>) target(%dma_start3A_2160 : memref<128x64xf32, #tpu.memory_space<vmem>>) offsets(%dma_start3A_2163 : memref<128xi32, #tpu.memory_space<vmem>>) semaphore(%arg14 : memref<!tpu.dma_semaphore, #tpu.memory_space<semaphore_mem>>)
    %dma_wait3A_2167 = arith.constant 36 : i32
    %dma_wait3A_2168 = arith.constant 0 : i32
    %dma_wait3A_2169 = arith.constant 0 : i32
    %dma_wait3A_2170 = arith.constant 0 : i32
    %dma_wait3A_2171 = tpu.memref_slice %arg6[%dma_wait3A_2168, %dma_wait3A_2169, %dma_wait3A_2170] : memref<6x128x64xf32, #tpu.memory_space<vmem>> -> memref<1x128x64xf32, #tpu.memory_space<vmem>>
    %dma_wait3A_2172 = tpu.memref_squeeze %dma_wait3A_2171 : memref<1x128x64xf32, #tpu.memory_space<vmem>> -> memref<128x64xf32, #tpu.memory_space<vmem>>
    %dma_wait3A_2173 = arith.constant 0 : i32
    %dma_wait3A_2174 = tpu.memref_slice %arg5[%dma_wait3A_2167, %dma_wait3A_2173] : memref<50x128xi32, #tpu.memory_space<vmem>> -> memref<1x128xi32, #tpu.memory_space<vmem>>
    %dma_wait3A_2175 = tpu.memref_squeeze %dma_wait3A_2174 : memref<1x128xi32, #tpu.memory_space<vmem>> -> memref<128xi32, #tpu.memory_space<vmem>>
    %dma_wait3A_2176 = arith.constant 0 : i32
    %dma_wait3A_2177 = arith.constant 0 : i32
    %dma_wait3A_2178 = tpu.memref_slice %arg3[%dma_wait3A_2176, %dma_wait3A_2177] : memref<100000x64xf32, #tpu.memory_space<hbm>> -> memref<100000x64xf32, #tpu.memory_space<hbm>>
    tpu.wait_indirect_dma semaphore(%arg11 : memref<!tpu.dma_semaphore, #tpu.memory_space<semaphore_mem>>) src(%dma_wait3A_2178 : memref<100000x64xf32, #tpu.memory_space<hbm>>) dst(%dma_wait3A_2172 : memref<128x64xf32, #tpu.memory_space<vmem>>)
    %add3A_2179 = arith.constant 4608 : i32
    %add3A_2180 = arith.addi %mul3A_2, %add3A_2179 : i32
    %dma_start3A_2181 = arith.constant 0 : i32
    %dma_start3A_2182 = arith.constant 0 : i32
    %dma_start3A_2183 = arith.constant 0 : i32
    %dma_start3A_2184 = tpu.memref_slice %arg6[%dma_start3A_2181, %dma_start3A_2182, %dma_start3A_2183] : memref<6x128x64xf32, #tpu.memory_space<vmem>> -> memref<1x128x64xf32, #tpu.memory_space<vmem>>
    %dma_start3A_2185 = tpu.memref_squeeze %dma_start3A_2184 : memref<1x128x64xf32, #tpu.memory_space<vmem>> -> memref<128x64xf32, #tpu.memory_space<vmem>>
    %dma_start3A_2186 = arith.constant 0 : i32
    %dma_start3A_2187 = tpu.memref_slice %arg4[%add3A_2180, %dma_start3A_2186] : memref<204800x64xf32, #tpu.memory_space<hbm>> -> memref<128x64xf32, #tpu.memory_space<hbm>>
    %dma_start3A_2188 = arith.constant 0 : i32
    %dma_start3A_2189 = tpu.memref_slice %arg4[%add3A_2180, %dma_start3A_2188] : memref<204800x64xf32, #tpu.memory_space<hbm>> -> memref<128x64xf32, #tpu.memory_space<hbm>>
    %dma_start3A_2190 = arith.constant 0 : i32
    %dma_start3A_2191 = arith.constant 0 : i32
    %dma_start3A_2192 = tpu.memref_slice %arg6[%dma_start3A_2181, %dma_start3A_2190, %dma_start3A_2191] : memref<6x128x64xf32, #tpu.memory_space<vmem>> -> memref<1x128x64xf32, #tpu.memory_space<vmem>>
    %dma_start3A_2193 = tpu.memref_squeeze %dma_start3A_2192 : memref<1x128x64xf32, #tpu.memory_space<vmem>> -> memref<128x64xf32, #tpu.memory_space<vmem>>
    tpu.enqueue_dma source(%dma_start3A_2193 : memref<128x64xf32, #tpu.memory_space<vmem>>) target(%dma_start3A_2189 : memref<128x64xf32, #tpu.memory_space<hbm>>) target_semaphore(%arg17 : memref<!tpu.dma_semaphore, #tpu.memory_space<semaphore_mem>>)
    %dma_wait3A_2194 = arith.constant 4 : i32
    %dma_wait3A_2195 = arith.constant 0 : i32
    %dma_wait3A_2196 = arith.constant 0 : i32
    %dma_wait3A_2197 = tpu.memref_slice %arg6[%dma_wait3A_2194, %dma_wait3A_2195, %dma_wait3A_2196] : memref<6x128x64xf32, #tpu.memory_space<vmem>> -> memref<1x128x64xf32, #tpu.memory_space<vmem>>
    %dma_wait3A_2198 = tpu.memref_squeeze %dma_wait3A_2197 : memref<1x128x64xf32, #tpu.memory_space<vmem>> -> memref<128x64xf32, #tpu.memory_space<vmem>>
    %dma_wait3A_2199 = arith.constant 0 : i32
    %dma_wait3A_2200 = tpu.memref_slice %arg4[%add3A_2076, %dma_wait3A_2199] : memref<204800x64xf32, #tpu.memory_space<hbm>> -> memref<128x64xf32, #tpu.memory_space<hbm>>
    %dma_wait3A_2201 = arith.constant 0 : i32
    %dma_wait3A_2202 = tpu.memref_slice %arg4[%add3A_2076, %dma_wait3A_2201] : memref<204800x64xf32, #tpu.memory_space<hbm>> -> memref<128x64xf32, #tpu.memory_space<hbm>>
    %dma_wait3A_2203 = arith.constant 0 : i32
    %dma_wait3A_2204 = arith.constant 0 : i32
    %dma_wait3A_2205 = tpu.memref_slice %arg6[%dma_wait3A_2194, %dma_wait3A_2203, %dma_wait3A_2204] : memref<6x128x64xf32, #tpu.memory_space<vmem>> -> memref<1x128x64xf32, #tpu.memory_space<vmem>>
    %dma_wait3A_2206 = tpu.memref_squeeze %dma_wait3A_2205 : memref<1x128x64xf32, #tpu.memory_space<vmem>> -> memref<128x64xf32, #tpu.memory_space<vmem>>
    tpu.wait_dma2 semaphore(%arg21 : memref<!tpu.dma_semaphore, #tpu.memory_space<semaphore_mem>>) src(%dma_wait3A_2206 : memref<128x64xf32, #tpu.memory_space<vmem>>) dst(%dma_wait3A_2202 : memref<128x64xf32, #tpu.memory_space<hbm>>)
    %dma_start3A_2207 = arith.constant 40 : i32
    %dma_start3A_2208 = arith.constant 4 : i32
    %dma_start3A_2209 = arith.constant 0 : i32
    %dma_start3A_2210 = arith.constant 0 : i32
    %dma_start3A_2211 = tpu.memref_slice %arg6[%dma_start3A_2208, %dma_start3A_2209, %dma_start3A_2210] : memref<6x128x64xf32, #tpu.memory_space<vmem>> -> memref<1x128x64xf32, #tpu.memory_space<vmem>>
    %dma_start3A_2212 = tpu.memref_squeeze %dma_start3A_2211 : memref<1x128x64xf32, #tpu.memory_space<vmem>> -> memref<128x64xf32, #tpu.memory_space<vmem>>
    %dma_start3A_2213 = arith.constant 0 : i32
    %dma_start3A_2214 = tpu.memref_slice %arg5[%dma_start3A_2207, %dma_start3A_2213] : memref<50x128xi32, #tpu.memory_space<vmem>> -> memref<1x128xi32, #tpu.memory_space<vmem>>
    %dma_start3A_2215 = tpu.memref_squeeze %dma_start3A_2214 : memref<1x128xi32, #tpu.memory_space<vmem>> -> memref<128xi32, #tpu.memory_space<vmem>>
    %dma_start3A_2216 = arith.constant 0 : i32
    %dma_start3A_2217 = arith.constant 0 : i32
    %dma_start3A_2218 = tpu.memref_slice %arg3[%dma_start3A_2216, %dma_start3A_2217] : memref<100000x64xf32, #tpu.memory_space<hbm>> -> memref<100000x64xf32, #tpu.memory_space<hbm>>
    tpu.enqueue_indirect_dma source(%dma_start3A_2218 : memref<100000x64xf32, #tpu.memory_space<hbm>>) target(%dma_start3A_2212 : memref<128x64xf32, #tpu.memory_space<vmem>>) offsets(%dma_start3A_2215 : memref<128xi32, #tpu.memory_space<vmem>>) semaphore(%arg15 : memref<!tpu.dma_semaphore, #tpu.memory_space<semaphore_mem>>)
    %dma_wait3A_2219 = arith.constant 37 : i32
    %dma_wait3A_2220 = arith.constant 1 : i32
    %dma_wait3A_2221 = arith.constant 0 : i32
    %dma_wait3A_2222 = arith.constant 0 : i32
    %dma_wait3A_2223 = tpu.memref_slice %arg6[%dma_wait3A_2220, %dma_wait3A_2221, %dma_wait3A_2222] : memref<6x128x64xf32, #tpu.memory_space<vmem>> -> memref<1x128x64xf32, #tpu.memory_space<vmem>>
    %dma_wait3A_2224 = tpu.memref_squeeze %dma_wait3A_2223 : memref<1x128x64xf32, #tpu.memory_space<vmem>> -> memref<128x64xf32, #tpu.memory_space<vmem>>
    %dma_wait3A_2225 = arith.constant 0 : i32
    %dma_wait3A_2226 = tpu.memref_slice %arg5[%dma_wait3A_2219, %dma_wait3A_2225] : memref<50x128xi32, #tpu.memory_space<vmem>> -> memref<1x128xi32, #tpu.memory_space<vmem>>
    %dma_wait3A_2227 = tpu.memref_squeeze %dma_wait3A_2226 : memref<1x128xi32, #tpu.memory_space<vmem>> -> memref<128xi32, #tpu.memory_space<vmem>>
    %dma_wait3A_2228 = arith.constant 0 : i32
    %dma_wait3A_2229 = arith.constant 0 : i32
    %dma_wait3A_2230 = tpu.memref_slice %arg3[%dma_wait3A_2228, %dma_wait3A_2229] : memref<100000x64xf32, #tpu.memory_space<hbm>> -> memref<100000x64xf32, #tpu.memory_space<hbm>>
    tpu.wait_indirect_dma semaphore(%arg12 : memref<!tpu.dma_semaphore, #tpu.memory_space<semaphore_mem>>) src(%dma_wait3A_2230 : memref<100000x64xf32, #tpu.memory_space<hbm>>) dst(%dma_wait3A_2224 : memref<128x64xf32, #tpu.memory_space<vmem>>)
    %add3A_2231 = arith.constant 4736 : i32
    %add3A_2232 = arith.addi %mul3A_2, %add3A_2231 : i32
    %dma_start3A_2233 = arith.constant 1 : i32
    %dma_start3A_2234 = arith.constant 0 : i32
    %dma_start3A_2235 = arith.constant 0 : i32
    %dma_start3A_2236 = tpu.memref_slice %arg6[%dma_start3A_2233, %dma_start3A_2234, %dma_start3A_2235] : memref<6x128x64xf32, #tpu.memory_space<vmem>> -> memref<1x128x64xf32, #tpu.memory_space<vmem>>
    %dma_start3A_2237 = tpu.memref_squeeze %dma_start3A_2236 : memref<1x128x64xf32, #tpu.memory_space<vmem>> -> memref<128x64xf32, #tpu.memory_space<vmem>>
    %dma_start3A_2238 = arith.constant 0 : i32
    %dma_start3A_2239 = tpu.memref_slice %arg4[%add3A_2232, %dma_start3A_2238] : memref<204800x64xf32, #tpu.memory_space<hbm>> -> memref<128x64xf32, #tpu.memory_space<hbm>>
    %dma_start3A_2240 = arith.constant 0 : i32
    %dma_start3A_2241 = tpu.memref_slice %arg4[%add3A_2232, %dma_start3A_2240] : memref<204800x64xf32, #tpu.memory_space<hbm>> -> memref<128x64xf32, #tpu.memory_space<hbm>>
    %dma_start3A_2242 = arith.constant 0 : i32
    %dma_start3A_2243 = arith.constant 0 : i32
    %dma_start3A_2244 = tpu.memref_slice %arg6[%dma_start3A_2233, %dma_start3A_2242, %dma_start3A_2243] : memref<6x128x64xf32, #tpu.memory_space<vmem>> -> memref<1x128x64xf32, #tpu.memory_space<vmem>>
    %dma_start3A_2245 = tpu.memref_squeeze %dma_start3A_2244 : memref<1x128x64xf32, #tpu.memory_space<vmem>> -> memref<128x64xf32, #tpu.memory_space<vmem>>
    tpu.enqueue_dma source(%dma_start3A_2245 : memref<128x64xf32, #tpu.memory_space<vmem>>) target(%dma_start3A_2241 : memref<128x64xf32, #tpu.memory_space<hbm>>) target_semaphore(%arg18 : memref<!tpu.dma_semaphore, #tpu.memory_space<semaphore_mem>>)
    %dma_wait3A_2246 = arith.constant 5 : i32
    %dma_wait3A_2247 = arith.constant 0 : i32
    %dma_wait3A_2248 = arith.constant 0 : i32
    %dma_wait3A_2249 = tpu.memref_slice %arg6[%dma_wait3A_2246, %dma_wait3A_2247, %dma_wait3A_2248] : memref<6x128x64xf32, #tpu.memory_space<vmem>> -> memref<1x128x64xf32, #tpu.memory_space<vmem>>
    %dma_wait3A_2250 = tpu.memref_squeeze %dma_wait3A_2249 : memref<1x128x64xf32, #tpu.memory_space<vmem>> -> memref<128x64xf32, #tpu.memory_space<vmem>>
    %dma_wait3A_2251 = arith.constant 0 : i32
    %dma_wait3A_2252 = tpu.memref_slice %arg4[%add3A_2128, %dma_wait3A_2251] : memref<204800x64xf32, #tpu.memory_space<hbm>> -> memref<128x64xf32, #tpu.memory_space<hbm>>
    %dma_wait3A_2253 = arith.constant 0 : i32
    %dma_wait3A_2254 = tpu.memref_slice %arg4[%add3A_2128, %dma_wait3A_2253] : memref<204800x64xf32, #tpu.memory_space<hbm>> -> memref<128x64xf32, #tpu.memory_space<hbm>>
    %dma_wait3A_2255 = arith.constant 0 : i32
    %dma_wait3A_2256 = arith.constant 0 : i32
    %dma_wait3A_2257 = tpu.memref_slice %arg6[%dma_wait3A_2246, %dma_wait3A_2255, %dma_wait3A_2256] : memref<6x128x64xf32, #tpu.memory_space<vmem>> -> memref<1x128x64xf32, #tpu.memory_space<vmem>>
    %dma_wait3A_2258 = tpu.memref_squeeze %dma_wait3A_2257 : memref<1x128x64xf32, #tpu.memory_space<vmem>> -> memref<128x64xf32, #tpu.memory_space<vmem>>
    tpu.wait_dma2 semaphore(%arg22 : memref<!tpu.dma_semaphore, #tpu.memory_space<semaphore_mem>>) src(%dma_wait3A_2258 : memref<128x64xf32, #tpu.memory_space<vmem>>) dst(%dma_wait3A_2254 : memref<128x64xf32, #tpu.memory_space<hbm>>)
    %dma_start3A_2259 = arith.constant 41 : i32
    %dma_start3A_2260 = arith.constant 5 : i32
    %dma_start3A_2261 = arith.constant 0 : i32
    %dma_start3A_2262 = arith.constant 0 : i32
    %dma_start3A_2263 = tpu.memref_slice %arg6[%dma_start3A_2260, %dma_start3A_2261, %dma_start3A_2262] : memref<6x128x64xf32, #tpu.memory_space<vmem>> -> memref<1x128x64xf32, #tpu.memory_space<vmem>>
    %dma_start3A_2264 = tpu.memref_squeeze %dma_start3A_2263 : memref<1x128x64xf32, #tpu.memory_space<vmem>> -> memref<128x64xf32, #tpu.memory_space<vmem>>
    %dma_start3A_2265 = arith.constant 0 : i32
    %dma_start3A_2266 = tpu.memref_slice %arg5[%dma_start3A_2259, %dma_start3A_2265] : memref<50x128xi32, #tpu.memory_space<vmem>> -> memref<1x128xi32, #tpu.memory_space<vmem>>
    %dma_start3A_2267 = tpu.memref_squeeze %dma_start3A_2266 : memref<1x128xi32, #tpu.memory_space<vmem>> -> memref<128xi32, #tpu.memory_space<vmem>>
    %dma_start3A_2268 = arith.constant 0 : i32
    %dma_start3A_2269 = arith.constant 0 : i32
    %dma_start3A_2270 = tpu.memref_slice %arg3[%dma_start3A_2268, %dma_start3A_2269] : memref<100000x64xf32, #tpu.memory_space<hbm>> -> memref<100000x64xf32, #tpu.memory_space<hbm>>
    tpu.enqueue_indirect_dma source(%dma_start3A_2270 : memref<100000x64xf32, #tpu.memory_space<hbm>>) target(%dma_start3A_2264 : memref<128x64xf32, #tpu.memory_space<vmem>>) offsets(%dma_start3A_2267 : memref<128xi32, #tpu.memory_space<vmem>>) semaphore(%arg16 : memref<!tpu.dma_semaphore, #tpu.memory_space<semaphore_mem>>)
    %dma_wait3A_2271 = arith.constant 38 : i32
    %dma_wait3A_2272 = arith.constant 2 : i32
    %dma_wait3A_2273 = arith.constant 0 : i32
    %dma_wait3A_2274 = arith.constant 0 : i32
    %dma_wait3A_2275 = tpu.memref_slice %arg6[%dma_wait3A_2272, %dma_wait3A_2273, %dma_wait3A_2274] : memref<6x128x64xf32, #tpu.memory_space<vmem>> -> memref<1x128x64xf32, #tpu.memory_space<vmem>>
    %dma_wait3A_2276 = tpu.memref_squeeze %dma_wait3A_2275 : memref<1x128x64xf32, #tpu.memory_space<vmem>> -> memref<128x64xf32, #tpu.memory_space<vmem>>
    %dma_wait3A_2277 = arith.constant 0 : i32
    %dma_wait3A_2278 = tpu.memref_slice %arg5[%dma_wait3A_2271, %dma_wait3A_2277] : memref<50x128xi32, #tpu.memory_space<vmem>> -> memref<1x128xi32, #tpu.memory_space<vmem>>
    %dma_wait3A_2279 = tpu.memref_squeeze %dma_wait3A_2278 : memref<1x128xi32, #tpu.memory_space<vmem>> -> memref<128xi32, #tpu.memory_space<vmem>>
    %dma_wait3A_2280 = arith.constant 0 : i32
    %dma_wait3A_2281 = arith.constant 0 : i32
    %dma_wait3A_2282 = tpu.memref_slice %arg3[%dma_wait3A_2280, %dma_wait3A_2281] : memref<100000x64xf32, #tpu.memory_space<hbm>> -> memref<100000x64xf32, #tpu.memory_space<hbm>>
    tpu.wait_indirect_dma semaphore(%arg13 : memref<!tpu.dma_semaphore, #tpu.memory_space<semaphore_mem>>) src(%dma_wait3A_2282 : memref<100000x64xf32, #tpu.memory_space<hbm>>) dst(%dma_wait3A_2276 : memref<128x64xf32, #tpu.memory_space<vmem>>)
    %add3A_2283 = arith.constant 4864 : i32
    %add3A_2284 = arith.addi %mul3A_2, %add3A_2283 : i32
    %dma_start3A_2285 = arith.constant 2 : i32
    %dma_start3A_2286 = arith.constant 0 : i32
    %dma_start3A_2287 = arith.constant 0 : i32
    %dma_start3A_2288 = tpu.memref_slice %arg6[%dma_start3A_2285, %dma_start3A_2286, %dma_start3A_2287] : memref<6x128x64xf32, #tpu.memory_space<vmem>> -> memref<1x128x64xf32, #tpu.memory_space<vmem>>
    %dma_start3A_2289 = tpu.memref_squeeze %dma_start3A_2288 : memref<1x128x64xf32, #tpu.memory_space<vmem>> -> memref<128x64xf32, #tpu.memory_space<vmem>>
    %dma_start3A_2290 = arith.constant 0 : i32
    %dma_start3A_2291 = tpu.memref_slice %arg4[%add3A_2284, %dma_start3A_2290] : memref<204800x64xf32, #tpu.memory_space<hbm>> -> memref<128x64xf32, #tpu.memory_space<hbm>>
    %dma_start3A_2292 = arith.constant 0 : i32
    %dma_start3A_2293 = tpu.memref_slice %arg4[%add3A_2284, %dma_start3A_2292] : memref<204800x64xf32, #tpu.memory_space<hbm>> -> memref<128x64xf32, #tpu.memory_space<hbm>>
    %dma_start3A_2294 = arith.constant 0 : i32
    %dma_start3A_2295 = arith.constant 0 : i32
    %dma_start3A_2296 = tpu.memref_slice %arg6[%dma_start3A_2285, %dma_start3A_2294, %dma_start3A_2295] : memref<6x128x64xf32, #tpu.memory_space<vmem>> -> memref<1x128x64xf32, #tpu.memory_space<vmem>>
    %dma_start3A_2297 = tpu.memref_squeeze %dma_start3A_2296 : memref<1x128x64xf32, #tpu.memory_space<vmem>> -> memref<128x64xf32, #tpu.memory_space<vmem>>
    tpu.enqueue_dma source(%dma_start3A_2297 : memref<128x64xf32, #tpu.memory_space<vmem>>) target(%dma_start3A_2293 : memref<128x64xf32, #tpu.memory_space<hbm>>) target_semaphore(%arg19 : memref<!tpu.dma_semaphore, #tpu.memory_space<semaphore_mem>>)
    %dma_wait3A_2298 = arith.constant 0 : i32
    %dma_wait3A_2299 = arith.constant 0 : i32
    %dma_wait3A_2300 = arith.constant 0 : i32
    %dma_wait3A_2301 = tpu.memref_slice %arg6[%dma_wait3A_2298, %dma_wait3A_2299, %dma_wait3A_2300] : memref<6x128x64xf32, #tpu.memory_space<vmem>> -> memref<1x128x64xf32, #tpu.memory_space<vmem>>
    %dma_wait3A_2302 = tpu.memref_squeeze %dma_wait3A_2301 : memref<1x128x64xf32, #tpu.memory_space<vmem>> -> memref<128x64xf32, #tpu.memory_space<vmem>>
    %dma_wait3A_2303 = arith.constant 0 : i32
    %dma_wait3A_2304 = tpu.memref_slice %arg4[%add3A_2180, %dma_wait3A_2303] : memref<204800x64xf32, #tpu.memory_space<hbm>> -> memref<128x64xf32, #tpu.memory_space<hbm>>
    %dma_wait3A_2305 = arith.constant 0 : i32
    %dma_wait3A_2306 = tpu.memref_slice %arg4[%add3A_2180, %dma_wait3A_2305] : memref<204800x64xf32, #tpu.memory_space<hbm>> -> memref<128x64xf32, #tpu.memory_space<hbm>>
    %dma_wait3A_2307 = arith.constant 0 : i32
    %dma_wait3A_2308 = arith.constant 0 : i32
    %dma_wait3A_2309 = tpu.memref_slice %arg6[%dma_wait3A_2298, %dma_wait3A_2307, %dma_wait3A_2308] : memref<6x128x64xf32, #tpu.memory_space<vmem>> -> memref<1x128x64xf32, #tpu.memory_space<vmem>>
    %dma_wait3A_2310 = tpu.memref_squeeze %dma_wait3A_2309 : memref<1x128x64xf32, #tpu.memory_space<vmem>> -> memref<128x64xf32, #tpu.memory_space<vmem>>
    tpu.wait_dma2 semaphore(%arg17 : memref<!tpu.dma_semaphore, #tpu.memory_space<semaphore_mem>>) src(%dma_wait3A_2310 : memref<128x64xf32, #tpu.memory_space<vmem>>) dst(%dma_wait3A_2306 : memref<128x64xf32, #tpu.memory_space<hbm>>)
    %dma_start3A_2311 = arith.constant 42 : i32
    %dma_start3A_2312 = arith.constant 0 : i32
    %dma_start3A_2313 = arith.constant 0 : i32
    %dma_start3A_2314 = arith.constant 0 : i32
    %dma_start3A_2315 = tpu.memref_slice %arg6[%dma_start3A_2312, %dma_start3A_2313, %dma_start3A_2314] : memref<6x128x64xf32, #tpu.memory_space<vmem>> -> memref<1x128x64xf32, #tpu.memory_space<vmem>>
    %dma_start3A_2316 = tpu.memref_squeeze %dma_start3A_2315 : memref<1x128x64xf32, #tpu.memory_space<vmem>> -> memref<128x64xf32, #tpu.memory_space<vmem>>
    %dma_start3A_2317 = arith.constant 0 : i32
    %dma_start3A_2318 = tpu.memref_slice %arg5[%dma_start3A_2311, %dma_start3A_2317] : memref<50x128xi32, #tpu.memory_space<vmem>> -> memref<1x128xi32, #tpu.memory_space<vmem>>
    %dma_start3A_2319 = tpu.memref_squeeze %dma_start3A_2318 : memref<1x128xi32, #tpu.memory_space<vmem>> -> memref<128xi32, #tpu.memory_space<vmem>>
    %dma_start3A_2320 = arith.constant 0 : i32
    %dma_start3A_2321 = arith.constant 0 : i32
    %dma_start3A_2322 = tpu.memref_slice %arg3[%dma_start3A_2320, %dma_start3A_2321] : memref<100000x64xf32, #tpu.memory_space<hbm>> -> memref<100000x64xf32, #tpu.memory_space<hbm>>
    tpu.enqueue_indirect_dma source(%dma_start3A_2322 : memref<100000x64xf32, #tpu.memory_space<hbm>>) target(%dma_start3A_2316 : memref<128x64xf32, #tpu.memory_space<vmem>>) offsets(%dma_start3A_2319 : memref<128xi32, #tpu.memory_space<vmem>>) semaphore(%arg11 : memref<!tpu.dma_semaphore, #tpu.memory_space<semaphore_mem>>)
    %dma_wait3A_2323 = arith.constant 39 : i32
    %dma_wait3A_2324 = arith.constant 3 : i32
    %dma_wait3A_2325 = arith.constant 0 : i32
    %dma_wait3A_2326 = arith.constant 0 : i32
    %dma_wait3A_2327 = tpu.memref_slice %arg6[%dma_wait3A_2324, %dma_wait3A_2325, %dma_wait3A_2326] : memref<6x128x64xf32, #tpu.memory_space<vmem>> -> memref<1x128x64xf32, #tpu.memory_space<vmem>>
    %dma_wait3A_2328 = tpu.memref_squeeze %dma_wait3A_2327 : memref<1x128x64xf32, #tpu.memory_space<vmem>> -> memref<128x64xf32, #tpu.memory_space<vmem>>
    %dma_wait3A_2329 = arith.constant 0 : i32
    %dma_wait3A_2330 = tpu.memref_slice %arg5[%dma_wait3A_2323, %dma_wait3A_2329] : memref<50x128xi32, #tpu.memory_space<vmem>> -> memref<1x128xi32, #tpu.memory_space<vmem>>
    %dma_wait3A_2331 = tpu.memref_squeeze %dma_wait3A_2330 : memref<1x128xi32, #tpu.memory_space<vmem>> -> memref<128xi32, #tpu.memory_space<vmem>>
    %dma_wait3A_2332 = arith.constant 0 : i32
    %dma_wait3A_2333 = arith.constant 0 : i32
    %dma_wait3A_2334 = tpu.memref_slice %arg3[%dma_wait3A_2332, %dma_wait3A_2333] : memref<100000x64xf32, #tpu.memory_space<hbm>> -> memref<100000x64xf32, #tpu.memory_space<hbm>>
    tpu.wait_indirect_dma semaphore(%arg14 : memref<!tpu.dma_semaphore, #tpu.memory_space<semaphore_mem>>) src(%dma_wait3A_2334 : memref<100000x64xf32, #tpu.memory_space<hbm>>) dst(%dma_wait3A_2328 : memref<128x64xf32, #tpu.memory_space<vmem>>)
    %add3A_2335 = arith.constant 4992 : i32
    %add3A_2336 = arith.addi %mul3A_2, %add3A_2335 : i32
    %dma_start3A_2337 = arith.constant 3 : i32
    %dma_start3A_2338 = arith.constant 0 : i32
    %dma_start3A_2339 = arith.constant 0 : i32
    %dma_start3A_2340 = tpu.memref_slice %arg6[%dma_start3A_2337, %dma_start3A_2338, %dma_start3A_2339] : memref<6x128x64xf32, #tpu.memory_space<vmem>> -> memref<1x128x64xf32, #tpu.memory_space<vmem>>
    %dma_start3A_2341 = tpu.memref_squeeze %dma_start3A_2340 : memref<1x128x64xf32, #tpu.memory_space<vmem>> -> memref<128x64xf32, #tpu.memory_space<vmem>>
    %dma_start3A_2342 = arith.constant 0 : i32
    %dma_start3A_2343 = tpu.memref_slice %arg4[%add3A_2336, %dma_start3A_2342] : memref<204800x64xf32, #tpu.memory_space<hbm>> -> memref<128x64xf32, #tpu.memory_space<hbm>>
    %dma_start3A_2344 = arith.constant 0 : i32
    %dma_start3A_2345 = tpu.memref_slice %arg4[%add3A_2336, %dma_start3A_2344] : memref<204800x64xf32, #tpu.memory_space<hbm>> -> memref<128x64xf32, #tpu.memory_space<hbm>>
    %dma_start3A_2346 = arith.constant 0 : i32
    %dma_start3A_2347 = arith.constant 0 : i32
    %dma_start3A_2348 = tpu.memref_slice %arg6[%dma_start3A_2337, %dma_start3A_2346, %dma_start3A_2347] : memref<6x128x64xf32, #tpu.memory_space<vmem>> -> memref<1x128x64xf32, #tpu.memory_space<vmem>>
    %dma_start3A_2349 = tpu.memref_squeeze %dma_start3A_2348 : memref<1x128x64xf32, #tpu.memory_space<vmem>> -> memref<128x64xf32, #tpu.memory_space<vmem>>
    tpu.enqueue_dma source(%dma_start3A_2349 : memref<128x64xf32, #tpu.memory_space<vmem>>) target(%dma_start3A_2345 : memref<128x64xf32, #tpu.memory_space<hbm>>) target_semaphore(%arg20 : memref<!tpu.dma_semaphore, #tpu.memory_space<semaphore_mem>>)
    %dma_wait3A_2350 = arith.constant 1 : i32
    %dma_wait3A_2351 = arith.constant 0 : i32
    %dma_wait3A_2352 = arith.constant 0 : i32
    %dma_wait3A_2353 = tpu.memref_slice %arg6[%dma_wait3A_2350, %dma_wait3A_2351, %dma_wait3A_2352] : memref<6x128x64xf32, #tpu.memory_space<vmem>> -> memref<1x128x64xf32, #tpu.memory_space<vmem>>
    %dma_wait3A_2354 = tpu.memref_squeeze %dma_wait3A_2353 : memref<1x128x64xf32, #tpu.memory_space<vmem>> -> memref<128x64xf32, #tpu.memory_space<vmem>>
    %dma_wait3A_2355 = arith.constant 0 : i32
    %dma_wait3A_2356 = tpu.memref_slice %arg4[%add3A_2232, %dma_wait3A_2355] : memref<204800x64xf32, #tpu.memory_space<hbm>> -> memref<128x64xf32, #tpu.memory_space<hbm>>
    %dma_wait3A_2357 = arith.constant 0 : i32
    %dma_wait3A_2358 = tpu.memref_slice %arg4[%add3A_2232, %dma_wait3A_2357] : memref<204800x64xf32, #tpu.memory_space<hbm>> -> memref<128x64xf32, #tpu.memory_space<hbm>>
    %dma_wait3A_2359 = arith.constant 0 : i32
    %dma_wait3A_2360 = arith.constant 0 : i32
    %dma_wait3A_2361 = tpu.memref_slice %arg6[%dma_wait3A_2350, %dma_wait3A_2359, %dma_wait3A_2360] : memref<6x128x64xf32, #tpu.memory_space<vmem>> -> memref<1x128x64xf32, #tpu.memory_space<vmem>>
    %dma_wait3A_2362 = tpu.memref_squeeze %dma_wait3A_2361 : memref<1x128x64xf32, #tpu.memory_space<vmem>> -> memref<128x64xf32, #tpu.memory_space<vmem>>
    tpu.wait_dma2 semaphore(%arg18 : memref<!tpu.dma_semaphore, #tpu.memory_space<semaphore_mem>>) src(%dma_wait3A_2362 : memref<128x64xf32, #tpu.memory_space<vmem>>) dst(%dma_wait3A_2358 : memref<128x64xf32, #tpu.memory_space<hbm>>)
    %dma_start3A_2363 = arith.constant 43 : i32
    %dma_start3A_2364 = arith.constant 1 : i32
    %dma_start3A_2365 = arith.constant 0 : i32
    %dma_start3A_2366 = arith.constant 0 : i32
    %dma_start3A_2367 = tpu.memref_slice %arg6[%dma_start3A_2364, %dma_start3A_2365, %dma_start3A_2366] : memref<6x128x64xf32, #tpu.memory_space<vmem>> -> memref<1x128x64xf32, #tpu.memory_space<vmem>>
    %dma_start3A_2368 = tpu.memref_squeeze %dma_start3A_2367 : memref<1x128x64xf32, #tpu.memory_space<vmem>> -> memref<128x64xf32, #tpu.memory_space<vmem>>
    %dma_start3A_2369 = arith.constant 0 : i32
    %dma_start3A_2370 = tpu.memref_slice %arg5[%dma_start3A_2363, %dma_start3A_2369] : memref<50x128xi32, #tpu.memory_space<vmem>> -> memref<1x128xi32, #tpu.memory_space<vmem>>
    %dma_start3A_2371 = tpu.memref_squeeze %dma_start3A_2370 : memref<1x128xi32, #tpu.memory_space<vmem>> -> memref<128xi32, #tpu.memory_space<vmem>>
    %dma_start3A_2372 = arith.constant 0 : i32
    %dma_start3A_2373 = arith.constant 0 : i32
    %dma_start3A_2374 = tpu.memref_slice %arg3[%dma_start3A_2372, %dma_start3A_2373] : memref<100000x64xf32, #tpu.memory_space<hbm>> -> memref<100000x64xf32, #tpu.memory_space<hbm>>
    tpu.enqueue_indirect_dma source(%dma_start3A_2374 : memref<100000x64xf32, #tpu.memory_space<hbm>>) target(%dma_start3A_2368 : memref<128x64xf32, #tpu.memory_space<vmem>>) offsets(%dma_start3A_2371 : memref<128xi32, #tpu.memory_space<vmem>>) semaphore(%arg12 : memref<!tpu.dma_semaphore, #tpu.memory_space<semaphore_mem>>)
    %dma_wait3A_2375 = arith.constant 40 : i32
    %dma_wait3A_2376 = arith.constant 4 : i32
    %dma_wait3A_2377 = arith.constant 0 : i32
    %dma_wait3A_2378 = arith.constant 0 : i32
    %dma_wait3A_2379 = tpu.memref_slice %arg6[%dma_wait3A_2376, %dma_wait3A_2377, %dma_wait3A_2378] : memref<6x128x64xf32, #tpu.memory_space<vmem>> -> memref<1x128x64xf32, #tpu.memory_space<vmem>>
    %dma_wait3A_2380 = tpu.memref_squeeze %dma_wait3A_2379 : memref<1x128x64xf32, #tpu.memory_space<vmem>> -> memref<128x64xf32, #tpu.memory_space<vmem>>
    %dma_wait3A_2381 = arith.constant 0 : i32
    %dma_wait3A_2382 = tpu.memref_slice %arg5[%dma_wait3A_2375, %dma_wait3A_2381] : memref<50x128xi32, #tpu.memory_space<vmem>> -> memref<1x128xi32, #tpu.memory_space<vmem>>
    %dma_wait3A_2383 = tpu.memref_squeeze %dma_wait3A_2382 : memref<1x128xi32, #tpu.memory_space<vmem>> -> memref<128xi32, #tpu.memory_space<vmem>>
    %dma_wait3A_2384 = arith.constant 0 : i32
    %dma_wait3A_2385 = arith.constant 0 : i32
    %dma_wait3A_2386 = tpu.memref_slice %arg3[%dma_wait3A_2384, %dma_wait3A_2385] : memref<100000x64xf32, #tpu.memory_space<hbm>> -> memref<100000x64xf32, #tpu.memory_space<hbm>>
    tpu.wait_indirect_dma semaphore(%arg15 : memref<!tpu.dma_semaphore, #tpu.memory_space<semaphore_mem>>) src(%dma_wait3A_2386 : memref<100000x64xf32, #tpu.memory_space<hbm>>) dst(%dma_wait3A_2380 : memref<128x64xf32, #tpu.memory_space<vmem>>)
    %add3A_2387 = arith.constant 5120 : i32
    %add3A_2388 = arith.addi %mul3A_2, %add3A_2387 : i32
    %dma_start3A_2389 = arith.constant 4 : i32
    %dma_start3A_2390 = arith.constant 0 : i32
    %dma_start3A_2391 = arith.constant 0 : i32
    %dma_start3A_2392 = tpu.memref_slice %arg6[%dma_start3A_2389, %dma_start3A_2390, %dma_start3A_2391] : memref<6x128x64xf32, #tpu.memory_space<vmem>> -> memref<1x128x64xf32, #tpu.memory_space<vmem>>
    %dma_start3A_2393 = tpu.memref_squeeze %dma_start3A_2392 : memref<1x128x64xf32, #tpu.memory_space<vmem>> -> memref<128x64xf32, #tpu.memory_space<vmem>>
    %dma_start3A_2394 = arith.constant 0 : i32
    %dma_start3A_2395 = tpu.memref_slice %arg4[%add3A_2388, %dma_start3A_2394] : memref<204800x64xf32, #tpu.memory_space<hbm>> -> memref<128x64xf32, #tpu.memory_space<hbm>>
    %dma_start3A_2396 = arith.constant 0 : i32
    %dma_start3A_2397 = tpu.memref_slice %arg4[%add3A_2388, %dma_start3A_2396] : memref<204800x64xf32, #tpu.memory_space<hbm>> -> memref<128x64xf32, #tpu.memory_space<hbm>>
    %dma_start3A_2398 = arith.constant 0 : i32
    %dma_start3A_2399 = arith.constant 0 : i32
    %dma_start3A_2400 = tpu.memref_slice %arg6[%dma_start3A_2389, %dma_start3A_2398, %dma_start3A_2399] : memref<6x128x64xf32, #tpu.memory_space<vmem>> -> memref<1x128x64xf32, #tpu.memory_space<vmem>>
    %dma_start3A_2401 = tpu.memref_squeeze %dma_start3A_2400 : memref<1x128x64xf32, #tpu.memory_space<vmem>> -> memref<128x64xf32, #tpu.memory_space<vmem>>
    tpu.enqueue_dma source(%dma_start3A_2401 : memref<128x64xf32, #tpu.memory_space<vmem>>) target(%dma_start3A_2397 : memref<128x64xf32, #tpu.memory_space<hbm>>) target_semaphore(%arg21 : memref<!tpu.dma_semaphore, #tpu.memory_space<semaphore_mem>>)
    %dma_wait3A_2402 = arith.constant 2 : i32
    %dma_wait3A_2403 = arith.constant 0 : i32
    %dma_wait3A_2404 = arith.constant 0 : i32
    %dma_wait3A_2405 = tpu.memref_slice %arg6[%dma_wait3A_2402, %dma_wait3A_2403, %dma_wait3A_2404] : memref<6x128x64xf32, #tpu.memory_space<vmem>> -> memref<1x128x64xf32, #tpu.memory_space<vmem>>
    %dma_wait3A_2406 = tpu.memref_squeeze %dma_wait3A_2405 : memref<1x128x64xf32, #tpu.memory_space<vmem>> -> memref<128x64xf32, #tpu.memory_space<vmem>>
    %dma_wait3A_2407 = arith.constant 0 : i32
    %dma_wait3A_2408 = tpu.memref_slice %arg4[%add3A_2284, %dma_wait3A_2407] : memref<204800x64xf32, #tpu.memory_space<hbm>> -> memref<128x64xf32, #tpu.memory_space<hbm>>
    %dma_wait3A_2409 = arith.constant 0 : i32
    %dma_wait3A_2410 = tpu.memref_slice %arg4[%add3A_2284, %dma_wait3A_2409] : memref<204800x64xf32, #tpu.memory_space<hbm>> -> memref<128x64xf32, #tpu.memory_space<hbm>>
    %dma_wait3A_2411 = arith.constant 0 : i32
    %dma_wait3A_2412 = arith.constant 0 : i32
    %dma_wait3A_2413 = tpu.memref_slice %arg6[%dma_wait3A_2402, %dma_wait3A_2411, %dma_wait3A_2412] : memref<6x128x64xf32, #tpu.memory_space<vmem>> -> memref<1x128x64xf32, #tpu.memory_space<vmem>>
    %dma_wait3A_2414 = tpu.memref_squeeze %dma_wait3A_2413 : memref<1x128x64xf32, #tpu.memory_space<vmem>> -> memref<128x64xf32, #tpu.memory_space<vmem>>
    tpu.wait_dma2 semaphore(%arg19 : memref<!tpu.dma_semaphore, #tpu.memory_space<semaphore_mem>>) src(%dma_wait3A_2414 : memref<128x64xf32, #tpu.memory_space<vmem>>) dst(%dma_wait3A_2410 : memref<128x64xf32, #tpu.memory_space<hbm>>)
    %dma_start3A_2415 = arith.constant 44 : i32
    %dma_start3A_2416 = arith.constant 2 : i32
    %dma_start3A_2417 = arith.constant 0 : i32
    %dma_start3A_2418 = arith.constant 0 : i32
    %dma_start3A_2419 = tpu.memref_slice %arg6[%dma_start3A_2416, %dma_start3A_2417, %dma_start3A_2418] : memref<6x128x64xf32, #tpu.memory_space<vmem>> -> memref<1x128x64xf32, #tpu.memory_space<vmem>>
    %dma_start3A_2420 = tpu.memref_squeeze %dma_start3A_2419 : memref<1x128x64xf32, #tpu.memory_space<vmem>> -> memref<128x64xf32, #tpu.memory_space<vmem>>
    %dma_start3A_2421 = arith.constant 0 : i32
    %dma_start3A_2422 = tpu.memref_slice %arg5[%dma_start3A_2415, %dma_start3A_2421] : memref<50x128xi32, #tpu.memory_space<vmem>> -> memref<1x128xi32, #tpu.memory_space<vmem>>
    %dma_start3A_2423 = tpu.memref_squeeze %dma_start3A_2422 : memref<1x128xi32, #tpu.memory_space<vmem>> -> memref<128xi32, #tpu.memory_space<vmem>>
    %dma_start3A_2424 = arith.constant 0 : i32
    %dma_start3A_2425 = arith.constant 0 : i32
    %dma_start3A_2426 = tpu.memref_slice %arg3[%dma_start3A_2424, %dma_start3A_2425] : memref<100000x64xf32, #tpu.memory_space<hbm>> -> memref<100000x64xf32, #tpu.memory_space<hbm>>
    tpu.enqueue_indirect_dma source(%dma_start3A_2426 : memref<100000x64xf32, #tpu.memory_space<hbm>>) target(%dma_start3A_2420 : memref<128x64xf32, #tpu.memory_space<vmem>>) offsets(%dma_start3A_2423 : memref<128xi32, #tpu.memory_space<vmem>>) semaphore(%arg13 : memref<!tpu.dma_semaphore, #tpu.memory_space<semaphore_mem>>)
    %dma_wait3A_2427 = arith.constant 41 : i32
    %dma_wait3A_2428 = arith.constant 5 : i32
    %dma_wait3A_2429 = arith.constant 0 : i32
    %dma_wait3A_2430 = arith.constant 0 : i32
    %dma_wait3A_2431 = tpu.memref_slice %arg6[%dma_wait3A_2428, %dma_wait3A_2429, %dma_wait3A_2430] : memref<6x128x64xf32, #tpu.memory_space<vmem>> -> memref<1x128x64xf32, #tpu.memory_space<vmem>>
    %dma_wait3A_2432 = tpu.memref_squeeze %dma_wait3A_2431 : memref<1x128x64xf32, #tpu.memory_space<vmem>> -> memref<128x64xf32, #tpu.memory_space<vmem>>
    %dma_wait3A_2433 = arith.constant 0 : i32
    %dma_wait3A_2434 = tpu.memref_slice %arg5[%dma_wait3A_2427, %dma_wait3A_2433] : memref<50x128xi32, #tpu.memory_space<vmem>> -> memref<1x128xi32, #tpu.memory_space<vmem>>
    %dma_wait3A_2435 = tpu.memref_squeeze %dma_wait3A_2434 : memref<1x128xi32, #tpu.memory_space<vmem>> -> memref<128xi32, #tpu.memory_space<vmem>>
    %dma_wait3A_2436 = arith.constant 0 : i32
    %dma_wait3A_2437 = arith.constant 0 : i32
    %dma_wait3A_2438 = tpu.memref_slice %arg3[%dma_wait3A_2436, %dma_wait3A_2437] : memref<100000x64xf32, #tpu.memory_space<hbm>> -> memref<100000x64xf32, #tpu.memory_space<hbm>>
    tpu.wait_indirect_dma semaphore(%arg16 : memref<!tpu.dma_semaphore, #tpu.memory_space<semaphore_mem>>) src(%dma_wait3A_2438 : memref<100000x64xf32, #tpu.memory_space<hbm>>) dst(%dma_wait3A_2432 : memref<128x64xf32, #tpu.memory_space<vmem>>)
    %add3A_2439 = arith.constant 5248 : i32
    %add3A_2440 = arith.addi %mul3A_2, %add3A_2439 : i32
    %dma_start3A_2441 = arith.constant 5 : i32
    %dma_start3A_2442 = arith.constant 0 : i32
    %dma_start3A_2443 = arith.constant 0 : i32
    %dma_start3A_2444 = tpu.memref_slice %arg6[%dma_start3A_2441, %dma_start3A_2442, %dma_start3A_2443] : memref<6x128x64xf32, #tpu.memory_space<vmem>> -> memref<1x128x64xf32, #tpu.memory_space<vmem>>
    %dma_start3A_2445 = tpu.memref_squeeze %dma_start3A_2444 : memref<1x128x64xf32, #tpu.memory_space<vmem>> -> memref<128x64xf32, #tpu.memory_space<vmem>>
    %dma_start3A_2446 = arith.constant 0 : i32
    %dma_start3A_2447 = tpu.memref_slice %arg4[%add3A_2440, %dma_start3A_2446] : memref<204800x64xf32, #tpu.memory_space<hbm>> -> memref<128x64xf32, #tpu.memory_space<hbm>>
    %dma_start3A_2448 = arith.constant 0 : i32
    %dma_start3A_2449 = tpu.memref_slice %arg4[%add3A_2440, %dma_start3A_2448] : memref<204800x64xf32, #tpu.memory_space<hbm>> -> memref<128x64xf32, #tpu.memory_space<hbm>>
    %dma_start3A_2450 = arith.constant 0 : i32
    %dma_start3A_2451 = arith.constant 0 : i32
    %dma_start3A_2452 = tpu.memref_slice %arg6[%dma_start3A_2441, %dma_start3A_2450, %dma_start3A_2451] : memref<6x128x64xf32, #tpu.memory_space<vmem>> -> memref<1x128x64xf32, #tpu.memory_space<vmem>>
    %dma_start3A_2453 = tpu.memref_squeeze %dma_start3A_2452 : memref<1x128x64xf32, #tpu.memory_space<vmem>> -> memref<128x64xf32, #tpu.memory_space<vmem>>
    tpu.enqueue_dma source(%dma_start3A_2453 : memref<128x64xf32, #tpu.memory_space<vmem>>) target(%dma_start3A_2449 : memref<128x64xf32, #tpu.memory_space<hbm>>) target_semaphore(%arg22 : memref<!tpu.dma_semaphore, #tpu.memory_space<semaphore_mem>>)
    %dma_wait3A_2454 = arith.constant 3 : i32
    %dma_wait3A_2455 = arith.constant 0 : i32
    %dma_wait3A_2456 = arith.constant 0 : i32
    %dma_wait3A_2457 = tpu.memref_slice %arg6[%dma_wait3A_2454, %dma_wait3A_2455, %dma_wait3A_2456] : memref<6x128x64xf32, #tpu.memory_space<vmem>> -> memref<1x128x64xf32, #tpu.memory_space<vmem>>
    %dma_wait3A_2458 = tpu.memref_squeeze %dma_wait3A_2457 : memref<1x128x64xf32, #tpu.memory_space<vmem>> -> memref<128x64xf32, #tpu.memory_space<vmem>>
    %dma_wait3A_2459 = arith.constant 0 : i32
    %dma_wait3A_2460 = tpu.memref_slice %arg4[%add3A_2336, %dma_wait3A_2459] : memref<204800x64xf32, #tpu.memory_space<hbm>> -> memref<128x64xf32, #tpu.memory_space<hbm>>
    %dma_wait3A_2461 = arith.constant 0 : i32
    %dma_wait3A_2462 = tpu.memref_slice %arg4[%add3A_2336, %dma_wait3A_2461] : memref<204800x64xf32, #tpu.memory_space<hbm>> -> memref<128x64xf32, #tpu.memory_space<hbm>>
    %dma_wait3A_2463 = arith.constant 0 : i32
    %dma_wait3A_2464 = arith.constant 0 : i32
    %dma_wait3A_2465 = tpu.memref_slice %arg6[%dma_wait3A_2454, %dma_wait3A_2463, %dma_wait3A_2464] : memref<6x128x64xf32, #tpu.memory_space<vmem>> -> memref<1x128x64xf32, #tpu.memory_space<vmem>>
    %dma_wait3A_2466 = tpu.memref_squeeze %dma_wait3A_2465 : memref<1x128x64xf32, #tpu.memory_space<vmem>> -> memref<128x64xf32, #tpu.memory_space<vmem>>
    tpu.wait_dma2 semaphore(%arg20 : memref<!tpu.dma_semaphore, #tpu.memory_space<semaphore_mem>>) src(%dma_wait3A_2466 : memref<128x64xf32, #tpu.memory_space<vmem>>) dst(%dma_wait3A_2462 : memref<128x64xf32, #tpu.memory_space<hbm>>)
    %dma_start3A_2467 = arith.constant 45 : i32
    %dma_start3A_2468 = arith.constant 3 : i32
    %dma_start3A_2469 = arith.constant 0 : i32
    %dma_start3A_2470 = arith.constant 0 : i32
    %dma_start3A_2471 = tpu.memref_slice %arg6[%dma_start3A_2468, %dma_start3A_2469, %dma_start3A_2470] : memref<6x128x64xf32, #tpu.memory_space<vmem>> -> memref<1x128x64xf32, #tpu.memory_space<vmem>>
    %dma_start3A_2472 = tpu.memref_squeeze %dma_start3A_2471 : memref<1x128x64xf32, #tpu.memory_space<vmem>> -> memref<128x64xf32, #tpu.memory_space<vmem>>
    %dma_start3A_2473 = arith.constant 0 : i32
    %dma_start3A_2474 = tpu.memref_slice %arg5[%dma_start3A_2467, %dma_start3A_2473] : memref<50x128xi32, #tpu.memory_space<vmem>> -> memref<1x128xi32, #tpu.memory_space<vmem>>
    %dma_start3A_2475 = tpu.memref_squeeze %dma_start3A_2474 : memref<1x128xi32, #tpu.memory_space<vmem>> -> memref<128xi32, #tpu.memory_space<vmem>>
    %dma_start3A_2476 = arith.constant 0 : i32
    %dma_start3A_2477 = arith.constant 0 : i32
    %dma_start3A_2478 = tpu.memref_slice %arg3[%dma_start3A_2476, %dma_start3A_2477] : memref<100000x64xf32, #tpu.memory_space<hbm>> -> memref<100000x64xf32, #tpu.memory_space<hbm>>
    tpu.enqueue_indirect_dma source(%dma_start3A_2478 : memref<100000x64xf32, #tpu.memory_space<hbm>>) target(%dma_start3A_2472 : memref<128x64xf32, #tpu.memory_space<vmem>>) offsets(%dma_start3A_2475 : memref<128xi32, #tpu.memory_space<vmem>>) semaphore(%arg14 : memref<!tpu.dma_semaphore, #tpu.memory_space<semaphore_mem>>)
    %dma_wait3A_2479 = arith.constant 42 : i32
    %dma_wait3A_2480 = arith.constant 0 : i32
    %dma_wait3A_2481 = arith.constant 0 : i32
    %dma_wait3A_2482 = arith.constant 0 : i32
    %dma_wait3A_2483 = tpu.memref_slice %arg6[%dma_wait3A_2480, %dma_wait3A_2481, %dma_wait3A_2482] : memref<6x128x64xf32, #tpu.memory_space<vmem>> -> memref<1x128x64xf32, #tpu.memory_space<vmem>>
    %dma_wait3A_2484 = tpu.memref_squeeze %dma_wait3A_2483 : memref<1x128x64xf32, #tpu.memory_space<vmem>> -> memref<128x64xf32, #tpu.memory_space<vmem>>
    %dma_wait3A_2485 = arith.constant 0 : i32
    %dma_wait3A_2486 = tpu.memref_slice %arg5[%dma_wait3A_2479, %dma_wait3A_2485] : memref<50x128xi32, #tpu.memory_space<vmem>> -> memref<1x128xi32, #tpu.memory_space<vmem>>
    %dma_wait3A_2487 = tpu.memref_squeeze %dma_wait3A_2486 : memref<1x128xi32, #tpu.memory_space<vmem>> -> memref<128xi32, #tpu.memory_space<vmem>>
    %dma_wait3A_2488 = arith.constant 0 : i32
    %dma_wait3A_2489 = arith.constant 0 : i32
    %dma_wait3A_2490 = tpu.memref_slice %arg3[%dma_wait3A_2488, %dma_wait3A_2489] : memref<100000x64xf32, #tpu.memory_space<hbm>> -> memref<100000x64xf32, #tpu.memory_space<hbm>>
    tpu.wait_indirect_dma semaphore(%arg11 : memref<!tpu.dma_semaphore, #tpu.memory_space<semaphore_mem>>) src(%dma_wait3A_2490 : memref<100000x64xf32, #tpu.memory_space<hbm>>) dst(%dma_wait3A_2484 : memref<128x64xf32, #tpu.memory_space<vmem>>)
    %add3A_2491 = arith.constant 5376 : i32
    %add3A_2492 = arith.addi %mul3A_2, %add3A_2491 : i32
    %dma_start3A_2493 = arith.constant 0 : i32
    %dma_start3A_2494 = arith.constant 0 : i32
    %dma_start3A_2495 = arith.constant 0 : i32
    %dma_start3A_2496 = tpu.memref_slice %arg6[%dma_start3A_2493, %dma_start3A_2494, %dma_start3A_2495] : memref<6x128x64xf32, #tpu.memory_space<vmem>> -> memref<1x128x64xf32, #tpu.memory_space<vmem>>
    %dma_start3A_2497 = tpu.memref_squeeze %dma_start3A_2496 : memref<1x128x64xf32, #tpu.memory_space<vmem>> -> memref<128x64xf32, #tpu.memory_space<vmem>>
    %dma_start3A_2498 = arith.constant 0 : i32
    %dma_start3A_2499 = tpu.memref_slice %arg4[%add3A_2492, %dma_start3A_2498] : memref<204800x64xf32, #tpu.memory_space<hbm>> -> memref<128x64xf32, #tpu.memory_space<hbm>>
    %dma_start3A_2500 = arith.constant 0 : i32
    %dma_start3A_2501 = tpu.memref_slice %arg4[%add3A_2492, %dma_start3A_2500] : memref<204800x64xf32, #tpu.memory_space<hbm>> -> memref<128x64xf32, #tpu.memory_space<hbm>>
    %dma_start3A_2502 = arith.constant 0 : i32
    %dma_start3A_2503 = arith.constant 0 : i32
    %dma_start3A_2504 = tpu.memref_slice %arg6[%dma_start3A_2493, %dma_start3A_2502, %dma_start3A_2503] : memref<6x128x64xf32, #tpu.memory_space<vmem>> -> memref<1x128x64xf32, #tpu.memory_space<vmem>>
    %dma_start3A_2505 = tpu.memref_squeeze %dma_start3A_2504 : memref<1x128x64xf32, #tpu.memory_space<vmem>> -> memref<128x64xf32, #tpu.memory_space<vmem>>
    tpu.enqueue_dma source(%dma_start3A_2505 : memref<128x64xf32, #tpu.memory_space<vmem>>) target(%dma_start3A_2501 : memref<128x64xf32, #tpu.memory_space<hbm>>) target_semaphore(%arg17 : memref<!tpu.dma_semaphore, #tpu.memory_space<semaphore_mem>>)
    %dma_wait3A_2506 = arith.constant 4 : i32
    %dma_wait3A_2507 = arith.constant 0 : i32
    %dma_wait3A_2508 = arith.constant 0 : i32
    %dma_wait3A_2509 = tpu.memref_slice %arg6[%dma_wait3A_2506, %dma_wait3A_2507, %dma_wait3A_2508] : memref<6x128x64xf32, #tpu.memory_space<vmem>> -> memref<1x128x64xf32, #tpu.memory_space<vmem>>
    %dma_wait3A_2510 = tpu.memref_squeeze %dma_wait3A_2509 : memref<1x128x64xf32, #tpu.memory_space<vmem>> -> memref<128x64xf32, #tpu.memory_space<vmem>>
    %dma_wait3A_2511 = arith.constant 0 : i32
    %dma_wait3A_2512 = tpu.memref_slice %arg4[%add3A_2388, %dma_wait3A_2511] : memref<204800x64xf32, #tpu.memory_space<hbm>> -> memref<128x64xf32, #tpu.memory_space<hbm>>
    %dma_wait3A_2513 = arith.constant 0 : i32
    %dma_wait3A_2514 = tpu.memref_slice %arg4[%add3A_2388, %dma_wait3A_2513] : memref<204800x64xf32, #tpu.memory_space<hbm>> -> memref<128x64xf32, #tpu.memory_space<hbm>>
    %dma_wait3A_2515 = arith.constant 0 : i32
    %dma_wait3A_2516 = arith.constant 0 : i32
    %dma_wait3A_2517 = tpu.memref_slice %arg6[%dma_wait3A_2506, %dma_wait3A_2515, %dma_wait3A_2516] : memref<6x128x64xf32, #tpu.memory_space<vmem>> -> memref<1x128x64xf32, #tpu.memory_space<vmem>>
    %dma_wait3A_2518 = tpu.memref_squeeze %dma_wait3A_2517 : memref<1x128x64xf32, #tpu.memory_space<vmem>> -> memref<128x64xf32, #tpu.memory_space<vmem>>
    tpu.wait_dma2 semaphore(%arg21 : memref<!tpu.dma_semaphore, #tpu.memory_space<semaphore_mem>>) src(%dma_wait3A_2518 : memref<128x64xf32, #tpu.memory_space<vmem>>) dst(%dma_wait3A_2514 : memref<128x64xf32, #tpu.memory_space<hbm>>)
    %dma_start3A_2519 = arith.constant 46 : i32
    %dma_start3A_2520 = arith.constant 4 : i32
    %dma_start3A_2521 = arith.constant 0 : i32
    %dma_start3A_2522 = arith.constant 0 : i32
    %dma_start3A_2523 = tpu.memref_slice %arg6[%dma_start3A_2520, %dma_start3A_2521, %dma_start3A_2522] : memref<6x128x64xf32, #tpu.memory_space<vmem>> -> memref<1x128x64xf32, #tpu.memory_space<vmem>>
    %dma_start3A_2524 = tpu.memref_squeeze %dma_start3A_2523 : memref<1x128x64xf32, #tpu.memory_space<vmem>> -> memref<128x64xf32, #tpu.memory_space<vmem>>
    %dma_start3A_2525 = arith.constant 0 : i32
    %dma_start3A_2526 = tpu.memref_slice %arg5[%dma_start3A_2519, %dma_start3A_2525] : memref<50x128xi32, #tpu.memory_space<vmem>> -> memref<1x128xi32, #tpu.memory_space<vmem>>
    %dma_start3A_2527 = tpu.memref_squeeze %dma_start3A_2526 : memref<1x128xi32, #tpu.memory_space<vmem>> -> memref<128xi32, #tpu.memory_space<vmem>>
    %dma_start3A_2528 = arith.constant 0 : i32
    %dma_start3A_2529 = arith.constant 0 : i32
    %dma_start3A_2530 = tpu.memref_slice %arg3[%dma_start3A_2528, %dma_start3A_2529] : memref<100000x64xf32, #tpu.memory_space<hbm>> -> memref<100000x64xf32, #tpu.memory_space<hbm>>
    tpu.enqueue_indirect_dma source(%dma_start3A_2530 : memref<100000x64xf32, #tpu.memory_space<hbm>>) target(%dma_start3A_2524 : memref<128x64xf32, #tpu.memory_space<vmem>>) offsets(%dma_start3A_2527 : memref<128xi32, #tpu.memory_space<vmem>>) semaphore(%arg15 : memref<!tpu.dma_semaphore, #tpu.memory_space<semaphore_mem>>)
    %dma_wait3A_2531 = arith.constant 43 : i32
    %dma_wait3A_2532 = arith.constant 1 : i32
    %dma_wait3A_2533 = arith.constant 0 : i32
    %dma_wait3A_2534 = arith.constant 0 : i32
    %dma_wait3A_2535 = tpu.memref_slice %arg6[%dma_wait3A_2532, %dma_wait3A_2533, %dma_wait3A_2534] : memref<6x128x64xf32, #tpu.memory_space<vmem>> -> memref<1x128x64xf32, #tpu.memory_space<vmem>>
    %dma_wait3A_2536 = tpu.memref_squeeze %dma_wait3A_2535 : memref<1x128x64xf32, #tpu.memory_space<vmem>> -> memref<128x64xf32, #tpu.memory_space<vmem>>
    %dma_wait3A_2537 = arith.constant 0 : i32
    %dma_wait3A_2538 = tpu.memref_slice %arg5[%dma_wait3A_2531, %dma_wait3A_2537] : memref<50x128xi32, #tpu.memory_space<vmem>> -> memref<1x128xi32, #tpu.memory_space<vmem>>
    %dma_wait3A_2539 = tpu.memref_squeeze %dma_wait3A_2538 : memref<1x128xi32, #tpu.memory_space<vmem>> -> memref<128xi32, #tpu.memory_space<vmem>>
    %dma_wait3A_2540 = arith.constant 0 : i32
    %dma_wait3A_2541 = arith.constant 0 : i32
    %dma_wait3A_2542 = tpu.memref_slice %arg3[%dma_wait3A_2540, %dma_wait3A_2541] : memref<100000x64xf32, #tpu.memory_space<hbm>> -> memref<100000x64xf32, #tpu.memory_space<hbm>>
    tpu.wait_indirect_dma semaphore(%arg12 : memref<!tpu.dma_semaphore, #tpu.memory_space<semaphore_mem>>) src(%dma_wait3A_2542 : memref<100000x64xf32, #tpu.memory_space<hbm>>) dst(%dma_wait3A_2536 : memref<128x64xf32, #tpu.memory_space<vmem>>)
    %add3A_2543 = arith.constant 5504 : i32
    %add3A_2544 = arith.addi %mul3A_2, %add3A_2543 : i32
    %dma_start3A_2545 = arith.constant 1 : i32
    %dma_start3A_2546 = arith.constant 0 : i32
    %dma_start3A_2547 = arith.constant 0 : i32
    %dma_start3A_2548 = tpu.memref_slice %arg6[%dma_start3A_2545, %dma_start3A_2546, %dma_start3A_2547] : memref<6x128x64xf32, #tpu.memory_space<vmem>> -> memref<1x128x64xf32, #tpu.memory_space<vmem>>
    %dma_start3A_2549 = tpu.memref_squeeze %dma_start3A_2548 : memref<1x128x64xf32, #tpu.memory_space<vmem>> -> memref<128x64xf32, #tpu.memory_space<vmem>>
    %dma_start3A_2550 = arith.constant 0 : i32
    %dma_start3A_2551 = tpu.memref_slice %arg4[%add3A_2544, %dma_start3A_2550] : memref<204800x64xf32, #tpu.memory_space<hbm>> -> memref<128x64xf32, #tpu.memory_space<hbm>>
    %dma_start3A_2552 = arith.constant 0 : i32
    %dma_start3A_2553 = tpu.memref_slice %arg4[%add3A_2544, %dma_start3A_2552] : memref<204800x64xf32, #tpu.memory_space<hbm>> -> memref<128x64xf32, #tpu.memory_space<hbm>>
    %dma_start3A_2554 = arith.constant 0 : i32
    %dma_start3A_2555 = arith.constant 0 : i32
    %dma_start3A_2556 = tpu.memref_slice %arg6[%dma_start3A_2545, %dma_start3A_2554, %dma_start3A_2555] : memref<6x128x64xf32, #tpu.memory_space<vmem>> -> memref<1x128x64xf32, #tpu.memory_space<vmem>>
    %dma_start3A_2557 = tpu.memref_squeeze %dma_start3A_2556 : memref<1x128x64xf32, #tpu.memory_space<vmem>> -> memref<128x64xf32, #tpu.memory_space<vmem>>
    tpu.enqueue_dma source(%dma_start3A_2557 : memref<128x64xf32, #tpu.memory_space<vmem>>) target(%dma_start3A_2553 : memref<128x64xf32, #tpu.memory_space<hbm>>) target_semaphore(%arg18 : memref<!tpu.dma_semaphore, #tpu.memory_space<semaphore_mem>>)
    %dma_wait3A_2558 = arith.constant 5 : i32
    %dma_wait3A_2559 = arith.constant 0 : i32
    %dma_wait3A_2560 = arith.constant 0 : i32
    %dma_wait3A_2561 = tpu.memref_slice %arg6[%dma_wait3A_2558, %dma_wait3A_2559, %dma_wait3A_2560] : memref<6x128x64xf32, #tpu.memory_space<vmem>> -> memref<1x128x64xf32, #tpu.memory_space<vmem>>
    %dma_wait3A_2562 = tpu.memref_squeeze %dma_wait3A_2561 : memref<1x128x64xf32, #tpu.memory_space<vmem>> -> memref<128x64xf32, #tpu.memory_space<vmem>>
    %dma_wait3A_2563 = arith.constant 0 : i32
    %dma_wait3A_2564 = tpu.memref_slice %arg4[%add3A_2440, %dma_wait3A_2563] : memref<204800x64xf32, #tpu.memory_space<hbm>> -> memref<128x64xf32, #tpu.memory_space<hbm>>
    %dma_wait3A_2565 = arith.constant 0 : i32
    %dma_wait3A_2566 = tpu.memref_slice %arg4[%add3A_2440, %dma_wait3A_2565] : memref<204800x64xf32, #tpu.memory_space<hbm>> -> memref<128x64xf32, #tpu.memory_space<hbm>>
    %dma_wait3A_2567 = arith.constant 0 : i32
    %dma_wait3A_2568 = arith.constant 0 : i32
    %dma_wait3A_2569 = tpu.memref_slice %arg6[%dma_wait3A_2558, %dma_wait3A_2567, %dma_wait3A_2568] : memref<6x128x64xf32, #tpu.memory_space<vmem>> -> memref<1x128x64xf32, #tpu.memory_space<vmem>>
    %dma_wait3A_2570 = tpu.memref_squeeze %dma_wait3A_2569 : memref<1x128x64xf32, #tpu.memory_space<vmem>> -> memref<128x64xf32, #tpu.memory_space<vmem>>
    tpu.wait_dma2 semaphore(%arg22 : memref<!tpu.dma_semaphore, #tpu.memory_space<semaphore_mem>>) src(%dma_wait3A_2570 : memref<128x64xf32, #tpu.memory_space<vmem>>) dst(%dma_wait3A_2566 : memref<128x64xf32, #tpu.memory_space<hbm>>)
    %dma_start3A_2571 = arith.constant 47 : i32
    %dma_start3A_2572 = arith.constant 5 : i32
    %dma_start3A_2573 = arith.constant 0 : i32
    %dma_start3A_2574 = arith.constant 0 : i32
    %dma_start3A_2575 = tpu.memref_slice %arg6[%dma_start3A_2572, %dma_start3A_2573, %dma_start3A_2574] : memref<6x128x64xf32, #tpu.memory_space<vmem>> -> memref<1x128x64xf32, #tpu.memory_space<vmem>>
    %dma_start3A_2576 = tpu.memref_squeeze %dma_start3A_2575 : memref<1x128x64xf32, #tpu.memory_space<vmem>> -> memref<128x64xf32, #tpu.memory_space<vmem>>
    %dma_start3A_2577 = arith.constant 0 : i32
    %dma_start3A_2578 = tpu.memref_slice %arg5[%dma_start3A_2571, %dma_start3A_2577] : memref<50x128xi32, #tpu.memory_space<vmem>> -> memref<1x128xi32, #tpu.memory_space<vmem>>
    %dma_start3A_2579 = tpu.memref_squeeze %dma_start3A_2578 : memref<1x128xi32, #tpu.memory_space<vmem>> -> memref<128xi32, #tpu.memory_space<vmem>>
    %dma_start3A_2580 = arith.constant 0 : i32
    %dma_start3A_2581 = arith.constant 0 : i32
    %dma_start3A_2582 = tpu.memref_slice %arg3[%dma_start3A_2580, %dma_start3A_2581] : memref<100000x64xf32, #tpu.memory_space<hbm>> -> memref<100000x64xf32, #tpu.memory_space<hbm>>
    tpu.enqueue_indirect_dma source(%dma_start3A_2582 : memref<100000x64xf32, #tpu.memory_space<hbm>>) target(%dma_start3A_2576 : memref<128x64xf32, #tpu.memory_space<vmem>>) offsets(%dma_start3A_2579 : memref<128xi32, #tpu.memory_space<vmem>>) semaphore(%arg16 : memref<!tpu.dma_semaphore, #tpu.memory_space<semaphore_mem>>)
    %dma_wait3A_2583 = arith.constant 44 : i32
    %dma_wait3A_2584 = arith.constant 2 : i32
    %dma_wait3A_2585 = arith.constant 0 : i32
    %dma_wait3A_2586 = arith.constant 0 : i32
    %dma_wait3A_2587 = tpu.memref_slice %arg6[%dma_wait3A_2584, %dma_wait3A_2585, %dma_wait3A_2586] : memref<6x128x64xf32, #tpu.memory_space<vmem>> -> memref<1x128x64xf32, #tpu.memory_space<vmem>>
    %dma_wait3A_2588 = tpu.memref_squeeze %dma_wait3A_2587 : memref<1x128x64xf32, #tpu.memory_space<vmem>> -> memref<128x64xf32, #tpu.memory_space<vmem>>
    %dma_wait3A_2589 = arith.constant 0 : i32
    %dma_wait3A_2590 = tpu.memref_slice %arg5[%dma_wait3A_2583, %dma_wait3A_2589] : memref<50x128xi32, #tpu.memory_space<vmem>> -> memref<1x128xi32, #tpu.memory_space<vmem>>
    %dma_wait3A_2591 = tpu.memref_squeeze %dma_wait3A_2590 : memref<1x128xi32, #tpu.memory_space<vmem>> -> memref<128xi32, #tpu.memory_space<vmem>>
    %dma_wait3A_2592 = arith.constant 0 : i32
    %dma_wait3A_2593 = arith.constant 0 : i32
    %dma_wait3A_2594 = tpu.memref_slice %arg3[%dma_wait3A_2592, %dma_wait3A_2593] : memref<100000x64xf32, #tpu.memory_space<hbm>> -> memref<100000x64xf32, #tpu.memory_space<hbm>>
    tpu.wait_indirect_dma semaphore(%arg13 : memref<!tpu.dma_semaphore, #tpu.memory_space<semaphore_mem>>) src(%dma_wait3A_2594 : memref<100000x64xf32, #tpu.memory_space<hbm>>) dst(%dma_wait3A_2588 : memref<128x64xf32, #tpu.memory_space<vmem>>)
    %add3A_2595 = arith.constant 5632 : i32
    %add3A_2596 = arith.addi %mul3A_2, %add3A_2595 : i32
    %dma_start3A_2597 = arith.constant 2 : i32
    %dma_start3A_2598 = arith.constant 0 : i32
    %dma_start3A_2599 = arith.constant 0 : i32
    %dma_start3A_2600 = tpu.memref_slice %arg6[%dma_start3A_2597, %dma_start3A_2598, %dma_start3A_2599] : memref<6x128x64xf32, #tpu.memory_space<vmem>> -> memref<1x128x64xf32, #tpu.memory_space<vmem>>
    %dma_start3A_2601 = tpu.memref_squeeze %dma_start3A_2600 : memref<1x128x64xf32, #tpu.memory_space<vmem>> -> memref<128x64xf32, #tpu.memory_space<vmem>>
    %dma_start3A_2602 = arith.constant 0 : i32
    %dma_start3A_2603 = tpu.memref_slice %arg4[%add3A_2596, %dma_start3A_2602] : memref<204800x64xf32, #tpu.memory_space<hbm>> -> memref<128x64xf32, #tpu.memory_space<hbm>>
    %dma_start3A_2604 = arith.constant 0 : i32
    %dma_start3A_2605 = tpu.memref_slice %arg4[%add3A_2596, %dma_start3A_2604] : memref<204800x64xf32, #tpu.memory_space<hbm>> -> memref<128x64xf32, #tpu.memory_space<hbm>>
    %dma_start3A_2606 = arith.constant 0 : i32
    %dma_start3A_2607 = arith.constant 0 : i32
    %dma_start3A_2608 = tpu.memref_slice %arg6[%dma_start3A_2597, %dma_start3A_2606, %dma_start3A_2607] : memref<6x128x64xf32, #tpu.memory_space<vmem>> -> memref<1x128x64xf32, #tpu.memory_space<vmem>>
    %dma_start3A_2609 = tpu.memref_squeeze %dma_start3A_2608 : memref<1x128x64xf32, #tpu.memory_space<vmem>> -> memref<128x64xf32, #tpu.memory_space<vmem>>
    tpu.enqueue_dma source(%dma_start3A_2609 : memref<128x64xf32, #tpu.memory_space<vmem>>) target(%dma_start3A_2605 : memref<128x64xf32, #tpu.memory_space<hbm>>) target_semaphore(%arg19 : memref<!tpu.dma_semaphore, #tpu.memory_space<semaphore_mem>>)
    %dma_wait3A_2610 = arith.constant 0 : i32
    %dma_wait3A_2611 = arith.constant 0 : i32
    %dma_wait3A_2612 = arith.constant 0 : i32
    %dma_wait3A_2613 = tpu.memref_slice %arg6[%dma_wait3A_2610, %dma_wait3A_2611, %dma_wait3A_2612] : memref<6x128x64xf32, #tpu.memory_space<vmem>> -> memref<1x128x64xf32, #tpu.memory_space<vmem>>
    %dma_wait3A_2614 = tpu.memref_squeeze %dma_wait3A_2613 : memref<1x128x64xf32, #tpu.memory_space<vmem>> -> memref<128x64xf32, #tpu.memory_space<vmem>>
    %dma_wait3A_2615 = arith.constant 0 : i32
    %dma_wait3A_2616 = tpu.memref_slice %arg4[%add3A_2492, %dma_wait3A_2615] : memref<204800x64xf32, #tpu.memory_space<hbm>> -> memref<128x64xf32, #tpu.memory_space<hbm>>
    %dma_wait3A_2617 = arith.constant 0 : i32
    %dma_wait3A_2618 = tpu.memref_slice %arg4[%add3A_2492, %dma_wait3A_2617] : memref<204800x64xf32, #tpu.memory_space<hbm>> -> memref<128x64xf32, #tpu.memory_space<hbm>>
    %dma_wait3A_2619 = arith.constant 0 : i32
    %dma_wait3A_2620 = arith.constant 0 : i32
    %dma_wait3A_2621 = tpu.memref_slice %arg6[%dma_wait3A_2610, %dma_wait3A_2619, %dma_wait3A_2620] : memref<6x128x64xf32, #tpu.memory_space<vmem>> -> memref<1x128x64xf32, #tpu.memory_space<vmem>>
    %dma_wait3A_2622 = tpu.memref_squeeze %dma_wait3A_2621 : memref<1x128x64xf32, #tpu.memory_space<vmem>> -> memref<128x64xf32, #tpu.memory_space<vmem>>
    tpu.wait_dma2 semaphore(%arg17 : memref<!tpu.dma_semaphore, #tpu.memory_space<semaphore_mem>>) src(%dma_wait3A_2622 : memref<128x64xf32, #tpu.memory_space<vmem>>) dst(%dma_wait3A_2618 : memref<128x64xf32, #tpu.memory_space<hbm>>)
    %dma_start3A_2623 = arith.constant 48 : i32
    %dma_start3A_2624 = arith.constant 0 : i32
    %dma_start3A_2625 = arith.constant 0 : i32
    %dma_start3A_2626 = arith.constant 0 : i32
    %dma_start3A_2627 = tpu.memref_slice %arg6[%dma_start3A_2624, %dma_start3A_2625, %dma_start3A_2626] : memref<6x128x64xf32, #tpu.memory_space<vmem>> -> memref<1x128x64xf32, #tpu.memory_space<vmem>>
    %dma_start3A_2628 = tpu.memref_squeeze %dma_start3A_2627 : memref<1x128x64xf32, #tpu.memory_space<vmem>> -> memref<128x64xf32, #tpu.memory_space<vmem>>
    %dma_start3A_2629 = arith.constant 0 : i32
    %dma_start3A_2630 = tpu.memref_slice %arg5[%dma_start3A_2623, %dma_start3A_2629] : memref<50x128xi32, #tpu.memory_space<vmem>> -> memref<1x128xi32, #tpu.memory_space<vmem>>
    %dma_start3A_2631 = tpu.memref_squeeze %dma_start3A_2630 : memref<1x128xi32, #tpu.memory_space<vmem>> -> memref<128xi32, #tpu.memory_space<vmem>>
    %dma_start3A_2632 = arith.constant 0 : i32
    %dma_start3A_2633 = arith.constant 0 : i32
    %dma_start3A_2634 = tpu.memref_slice %arg3[%dma_start3A_2632, %dma_start3A_2633] : memref<100000x64xf32, #tpu.memory_space<hbm>> -> memref<100000x64xf32, #tpu.memory_space<hbm>>
    tpu.enqueue_indirect_dma source(%dma_start3A_2634 : memref<100000x64xf32, #tpu.memory_space<hbm>>) target(%dma_start3A_2628 : memref<128x64xf32, #tpu.memory_space<vmem>>) offsets(%dma_start3A_2631 : memref<128xi32, #tpu.memory_space<vmem>>) semaphore(%arg11 : memref<!tpu.dma_semaphore, #tpu.memory_space<semaphore_mem>>)
    %dma_wait3A_2635 = arith.constant 45 : i32
    %dma_wait3A_2636 = arith.constant 3 : i32
    %dma_wait3A_2637 = arith.constant 0 : i32
    %dma_wait3A_2638 = arith.constant 0 : i32
    %dma_wait3A_2639 = tpu.memref_slice %arg6[%dma_wait3A_2636, %dma_wait3A_2637, %dma_wait3A_2638] : memref<6x128x64xf32, #tpu.memory_space<vmem>> -> memref<1x128x64xf32, #tpu.memory_space<vmem>>
    %dma_wait3A_2640 = tpu.memref_squeeze %dma_wait3A_2639 : memref<1x128x64xf32, #tpu.memory_space<vmem>> -> memref<128x64xf32, #tpu.memory_space<vmem>>
    %dma_wait3A_2641 = arith.constant 0 : i32
    %dma_wait3A_2642 = tpu.memref_slice %arg5[%dma_wait3A_2635, %dma_wait3A_2641] : memref<50x128xi32, #tpu.memory_space<vmem>> -> memref<1x128xi32, #tpu.memory_space<vmem>>
    %dma_wait3A_2643 = tpu.memref_squeeze %dma_wait3A_2642 : memref<1x128xi32, #tpu.memory_space<vmem>> -> memref<128xi32, #tpu.memory_space<vmem>>
    %dma_wait3A_2644 = arith.constant 0 : i32
    %dma_wait3A_2645 = arith.constant 0 : i32
    %dma_wait3A_2646 = tpu.memref_slice %arg3[%dma_wait3A_2644, %dma_wait3A_2645] : memref<100000x64xf32, #tpu.memory_space<hbm>> -> memref<100000x64xf32, #tpu.memory_space<hbm>>
    tpu.wait_indirect_dma semaphore(%arg14 : memref<!tpu.dma_semaphore, #tpu.memory_space<semaphore_mem>>) src(%dma_wait3A_2646 : memref<100000x64xf32, #tpu.memory_space<hbm>>) dst(%dma_wait3A_2640 : memref<128x64xf32, #tpu.memory_space<vmem>>)
    %add3A_2647 = arith.constant 5760 : i32
    %add3A_2648 = arith.addi %mul3A_2, %add3A_2647 : i32
    %dma_start3A_2649 = arith.constant 3 : i32
    %dma_start3A_2650 = arith.constant 0 : i32
    %dma_start3A_2651 = arith.constant 0 : i32
    %dma_start3A_2652 = tpu.memref_slice %arg6[%dma_start3A_2649, %dma_start3A_2650, %dma_start3A_2651] : memref<6x128x64xf32, #tpu.memory_space<vmem>> -> memref<1x128x64xf32, #tpu.memory_space<vmem>>
    %dma_start3A_2653 = tpu.memref_squeeze %dma_start3A_2652 : memref<1x128x64xf32, #tpu.memory_space<vmem>> -> memref<128x64xf32, #tpu.memory_space<vmem>>
    %dma_start3A_2654 = arith.constant 0 : i32
    %dma_start3A_2655 = tpu.memref_slice %arg4[%add3A_2648, %dma_start3A_2654] : memref<204800x64xf32, #tpu.memory_space<hbm>> -> memref<128x64xf32, #tpu.memory_space<hbm>>
    %dma_start3A_2656 = arith.constant 0 : i32
    %dma_start3A_2657 = tpu.memref_slice %arg4[%add3A_2648, %dma_start3A_2656] : memref<204800x64xf32, #tpu.memory_space<hbm>> -> memref<128x64xf32, #tpu.memory_space<hbm>>
    %dma_start3A_2658 = arith.constant 0 : i32
    %dma_start3A_2659 = arith.constant 0 : i32
    %dma_start3A_2660 = tpu.memref_slice %arg6[%dma_start3A_2649, %dma_start3A_2658, %dma_start3A_2659] : memref<6x128x64xf32, #tpu.memory_space<vmem>> -> memref<1x128x64xf32, #tpu.memory_space<vmem>>
    %dma_start3A_2661 = tpu.memref_squeeze %dma_start3A_2660 : memref<1x128x64xf32, #tpu.memory_space<vmem>> -> memref<128x64xf32, #tpu.memory_space<vmem>>
    tpu.enqueue_dma source(%dma_start3A_2661 : memref<128x64xf32, #tpu.memory_space<vmem>>) target(%dma_start3A_2657 : memref<128x64xf32, #tpu.memory_space<hbm>>) target_semaphore(%arg20 : memref<!tpu.dma_semaphore, #tpu.memory_space<semaphore_mem>>)
    %dma_wait3A_2662 = arith.constant 1 : i32
    %dma_wait3A_2663 = arith.constant 0 : i32
    %dma_wait3A_2664 = arith.constant 0 : i32
    %dma_wait3A_2665 = tpu.memref_slice %arg6[%dma_wait3A_2662, %dma_wait3A_2663, %dma_wait3A_2664] : memref<6x128x64xf32, #tpu.memory_space<vmem>> -> memref<1x128x64xf32, #tpu.memory_space<vmem>>
    %dma_wait3A_2666 = tpu.memref_squeeze %dma_wait3A_2665 : memref<1x128x64xf32, #tpu.memory_space<vmem>> -> memref<128x64xf32, #tpu.memory_space<vmem>>
    %dma_wait3A_2667 = arith.constant 0 : i32
    %dma_wait3A_2668 = tpu.memref_slice %arg4[%add3A_2544, %dma_wait3A_2667] : memref<204800x64xf32, #tpu.memory_space<hbm>> -> memref<128x64xf32, #tpu.memory_space<hbm>>
    %dma_wait3A_2669 = arith.constant 0 : i32
    %dma_wait3A_2670 = tpu.memref_slice %arg4[%add3A_2544, %dma_wait3A_2669] : memref<204800x64xf32, #tpu.memory_space<hbm>> -> memref<128x64xf32, #tpu.memory_space<hbm>>
    %dma_wait3A_2671 = arith.constant 0 : i32
    %dma_wait3A_2672 = arith.constant 0 : i32
    %dma_wait3A_2673 = tpu.memref_slice %arg6[%dma_wait3A_2662, %dma_wait3A_2671, %dma_wait3A_2672] : memref<6x128x64xf32, #tpu.memory_space<vmem>> -> memref<1x128x64xf32, #tpu.memory_space<vmem>>
    %dma_wait3A_2674 = tpu.memref_squeeze %dma_wait3A_2673 : memref<1x128x64xf32, #tpu.memory_space<vmem>> -> memref<128x64xf32, #tpu.memory_space<vmem>>
    tpu.wait_dma2 semaphore(%arg18 : memref<!tpu.dma_semaphore, #tpu.memory_space<semaphore_mem>>) src(%dma_wait3A_2674 : memref<128x64xf32, #tpu.memory_space<vmem>>) dst(%dma_wait3A_2670 : memref<128x64xf32, #tpu.memory_space<hbm>>)
    %dma_start3A_2675 = arith.constant 49 : i32
    %dma_start3A_2676 = arith.constant 1 : i32
    %dma_start3A_2677 = arith.constant 0 : i32
    %dma_start3A_2678 = arith.constant 0 : i32
    %dma_start3A_2679 = tpu.memref_slice %arg6[%dma_start3A_2676, %dma_start3A_2677, %dma_start3A_2678] : memref<6x128x64xf32, #tpu.memory_space<vmem>> -> memref<1x128x64xf32, #tpu.memory_space<vmem>>
    %dma_start3A_2680 = tpu.memref_squeeze %dma_start3A_2679 : memref<1x128x64xf32, #tpu.memory_space<vmem>> -> memref<128x64xf32, #tpu.memory_space<vmem>>
    %dma_start3A_2681 = arith.constant 0 : i32
    %dma_start3A_2682 = tpu.memref_slice %arg5[%dma_start3A_2675, %dma_start3A_2681] : memref<50x128xi32, #tpu.memory_space<vmem>> -> memref<1x128xi32, #tpu.memory_space<vmem>>
    %dma_start3A_2683 = tpu.memref_squeeze %dma_start3A_2682 : memref<1x128xi32, #tpu.memory_space<vmem>> -> memref<128xi32, #tpu.memory_space<vmem>>
    %dma_start3A_2684 = arith.constant 0 : i32
    %dma_start3A_2685 = arith.constant 0 : i32
    %dma_start3A_2686 = tpu.memref_slice %arg3[%dma_start3A_2684, %dma_start3A_2685] : memref<100000x64xf32, #tpu.memory_space<hbm>> -> memref<100000x64xf32, #tpu.memory_space<hbm>>
    tpu.enqueue_indirect_dma source(%dma_start3A_2686 : memref<100000x64xf32, #tpu.memory_space<hbm>>) target(%dma_start3A_2680 : memref<128x64xf32, #tpu.memory_space<vmem>>) offsets(%dma_start3A_2683 : memref<128xi32, #tpu.memory_space<vmem>>) semaphore(%arg12 : memref<!tpu.dma_semaphore, #tpu.memory_space<semaphore_mem>>)
    %dma_wait3A_2687 = arith.constant 46 : i32
    %dma_wait3A_2688 = arith.constant 4 : i32
    %dma_wait3A_2689 = arith.constant 0 : i32
    %dma_wait3A_2690 = arith.constant 0 : i32
    %dma_wait3A_2691 = tpu.memref_slice %arg6[%dma_wait3A_2688, %dma_wait3A_2689, %dma_wait3A_2690] : memref<6x128x64xf32, #tpu.memory_space<vmem>> -> memref<1x128x64xf32, #tpu.memory_space<vmem>>
    %dma_wait3A_2692 = tpu.memref_squeeze %dma_wait3A_2691 : memref<1x128x64xf32, #tpu.memory_space<vmem>> -> memref<128x64xf32, #tpu.memory_space<vmem>>
    %dma_wait3A_2693 = arith.constant 0 : i32
    %dma_wait3A_2694 = tpu.memref_slice %arg5[%dma_wait3A_2687, %dma_wait3A_2693] : memref<50x128xi32, #tpu.memory_space<vmem>> -> memref<1x128xi32, #tpu.memory_space<vmem>>
    %dma_wait3A_2695 = tpu.memref_squeeze %dma_wait3A_2694 : memref<1x128xi32, #tpu.memory_space<vmem>> -> memref<128xi32, #tpu.memory_space<vmem>>
    %dma_wait3A_2696 = arith.constant 0 : i32
    %dma_wait3A_2697 = arith.constant 0 : i32
    %dma_wait3A_2698 = tpu.memref_slice %arg3[%dma_wait3A_2696, %dma_wait3A_2697] : memref<100000x64xf32, #tpu.memory_space<hbm>> -> memref<100000x64xf32, #tpu.memory_space<hbm>>
    tpu.wait_indirect_dma semaphore(%arg15 : memref<!tpu.dma_semaphore, #tpu.memory_space<semaphore_mem>>) src(%dma_wait3A_2698 : memref<100000x64xf32, #tpu.memory_space<hbm>>) dst(%dma_wait3A_2692 : memref<128x64xf32, #tpu.memory_space<vmem>>)
    %add3A_2699 = arith.constant 5888 : i32
    %add3A_2700 = arith.addi %mul3A_2, %add3A_2699 : i32
    %dma_start3A_2701 = arith.constant 4 : i32
    %dma_start3A_2702 = arith.constant 0 : i32
    %dma_start3A_2703 = arith.constant 0 : i32
    %dma_start3A_2704 = tpu.memref_slice %arg6[%dma_start3A_2701, %dma_start3A_2702, %dma_start3A_2703] : memref<6x128x64xf32, #tpu.memory_space<vmem>> -> memref<1x128x64xf32, #tpu.memory_space<vmem>>
    %dma_start3A_2705 = tpu.memref_squeeze %dma_start3A_2704 : memref<1x128x64xf32, #tpu.memory_space<vmem>> -> memref<128x64xf32, #tpu.memory_space<vmem>>
    %dma_start3A_2706 = arith.constant 0 : i32
    %dma_start3A_2707 = tpu.memref_slice %arg4[%add3A_2700, %dma_start3A_2706] : memref<204800x64xf32, #tpu.memory_space<hbm>> -> memref<128x64xf32, #tpu.memory_space<hbm>>
    %dma_start3A_2708 = arith.constant 0 : i32
    %dma_start3A_2709 = tpu.memref_slice %arg4[%add3A_2700, %dma_start3A_2708] : memref<204800x64xf32, #tpu.memory_space<hbm>> -> memref<128x64xf32, #tpu.memory_space<hbm>>
    %dma_start3A_2710 = arith.constant 0 : i32
    %dma_start3A_2711 = arith.constant 0 : i32
    %dma_start3A_2712 = tpu.memref_slice %arg6[%dma_start3A_2701, %dma_start3A_2710, %dma_start3A_2711] : memref<6x128x64xf32, #tpu.memory_space<vmem>> -> memref<1x128x64xf32, #tpu.memory_space<vmem>>
    %dma_start3A_2713 = tpu.memref_squeeze %dma_start3A_2712 : memref<1x128x64xf32, #tpu.memory_space<vmem>> -> memref<128x64xf32, #tpu.memory_space<vmem>>
    tpu.enqueue_dma source(%dma_start3A_2713 : memref<128x64xf32, #tpu.memory_space<vmem>>) target(%dma_start3A_2709 : memref<128x64xf32, #tpu.memory_space<hbm>>) target_semaphore(%arg21 : memref<!tpu.dma_semaphore, #tpu.memory_space<semaphore_mem>>)
    %dma_wait3A_2714 = arith.constant 47 : i32
    %dma_wait3A_2715 = arith.constant 5 : i32
    %dma_wait3A_2716 = arith.constant 0 : i32
    %dma_wait3A_2717 = arith.constant 0 : i32
    %dma_wait3A_2718 = tpu.memref_slice %arg6[%dma_wait3A_2715, %dma_wait3A_2716, %dma_wait3A_2717] : memref<6x128x64xf32, #tpu.memory_space<vmem>> -> memref<1x128x64xf32, #tpu.memory_space<vmem>>
    %dma_wait3A_2719 = tpu.memref_squeeze %dma_wait3A_2718 : memref<1x128x64xf32, #tpu.memory_space<vmem>> -> memref<128x64xf32, #tpu.memory_space<vmem>>
    %dma_wait3A_2720 = arith.constant 0 : i32
    %dma_wait3A_2721 = tpu.memref_slice %arg5[%dma_wait3A_2714, %dma_wait3A_2720] : memref<50x128xi32, #tpu.memory_space<vmem>> -> memref<1x128xi32, #tpu.memory_space<vmem>>
    %dma_wait3A_2722 = tpu.memref_squeeze %dma_wait3A_2721 : memref<1x128xi32, #tpu.memory_space<vmem>> -> memref<128xi32, #tpu.memory_space<vmem>>
    %dma_wait3A_2723 = arith.constant 0 : i32
    %dma_wait3A_2724 = arith.constant 0 : i32
    %dma_wait3A_2725 = tpu.memref_slice %arg3[%dma_wait3A_2723, %dma_wait3A_2724] : memref<100000x64xf32, #tpu.memory_space<hbm>> -> memref<100000x64xf32, #tpu.memory_space<hbm>>
    tpu.wait_indirect_dma semaphore(%arg16 : memref<!tpu.dma_semaphore, #tpu.memory_space<semaphore_mem>>) src(%dma_wait3A_2725 : memref<100000x64xf32, #tpu.memory_space<hbm>>) dst(%dma_wait3A_2719 : memref<128x64xf32, #tpu.memory_space<vmem>>)
    %add3A_2726 = arith.constant 6016 : i32
    %add3A_2727 = arith.addi %mul3A_2, %add3A_2726 : i32
    %dma_start3A_2728 = arith.constant 5 : i32
    %dma_start3A_2729 = arith.constant 0 : i32
    %dma_start3A_2730 = arith.constant 0 : i32
    %dma_start3A_2731 = tpu.memref_slice %arg6[%dma_start3A_2728, %dma_start3A_2729, %dma_start3A_2730] : memref<6x128x64xf32, #tpu.memory_space<vmem>> -> memref<1x128x64xf32, #tpu.memory_space<vmem>>
    %dma_start3A_2732 = tpu.memref_squeeze %dma_start3A_2731 : memref<1x128x64xf32, #tpu.memory_space<vmem>> -> memref<128x64xf32, #tpu.memory_space<vmem>>
    %dma_start3A_2733 = arith.constant 0 : i32
    %dma_start3A_2734 = tpu.memref_slice %arg4[%add3A_2727, %dma_start3A_2733] : memref<204800x64xf32, #tpu.memory_space<hbm>> -> memref<128x64xf32, #tpu.memory_space<hbm>>
    %dma_start3A_2735 = arith.constant 0 : i32
    %dma_start3A_2736 = tpu.memref_slice %arg4[%add3A_2727, %dma_start3A_2735] : memref<204800x64xf32, #tpu.memory_space<hbm>> -> memref<128x64xf32, #tpu.memory_space<hbm>>
    %dma_start3A_2737 = arith.constant 0 : i32
    %dma_start3A_2738 = arith.constant 0 : i32
    %dma_start3A_2739 = tpu.memref_slice %arg6[%dma_start3A_2728, %dma_start3A_2737, %dma_start3A_2738] : memref<6x128x64xf32, #tpu.memory_space<vmem>> -> memref<1x128x64xf32, #tpu.memory_space<vmem>>
    %dma_start3A_2740 = tpu.memref_squeeze %dma_start3A_2739 : memref<1x128x64xf32, #tpu.memory_space<vmem>> -> memref<128x64xf32, #tpu.memory_space<vmem>>
    tpu.enqueue_dma source(%dma_start3A_2740 : memref<128x64xf32, #tpu.memory_space<vmem>>) target(%dma_start3A_2736 : memref<128x64xf32, #tpu.memory_space<hbm>>) target_semaphore(%arg22 : memref<!tpu.dma_semaphore, #tpu.memory_space<semaphore_mem>>)
    %dma_wait3A_2741 = arith.constant 48 : i32
    %dma_wait3A_2742 = arith.constant 0 : i32
    %dma_wait3A_2743 = arith.constant 0 : i32
    %dma_wait3A_2744 = arith.constant 0 : i32
    %dma_wait3A_2745 = tpu.memref_slice %arg6[%dma_wait3A_2742, %dma_wait3A_2743, %dma_wait3A_2744] : memref<6x128x64xf32, #tpu.memory_space<vmem>> -> memref<1x128x64xf32, #tpu.memory_space<vmem>>
    %dma_wait3A_2746 = tpu.memref_squeeze %dma_wait3A_2745 : memref<1x128x64xf32, #tpu.memory_space<vmem>> -> memref<128x64xf32, #tpu.memory_space<vmem>>
    %dma_wait3A_2747 = arith.constant 0 : i32
    %dma_wait3A_2748 = tpu.memref_slice %arg5[%dma_wait3A_2741, %dma_wait3A_2747] : memref<50x128xi32, #tpu.memory_space<vmem>> -> memref<1x128xi32, #tpu.memory_space<vmem>>
    %dma_wait3A_2749 = tpu.memref_squeeze %dma_wait3A_2748 : memref<1x128xi32, #tpu.memory_space<vmem>> -> memref<128xi32, #tpu.memory_space<vmem>>
    %dma_wait3A_2750 = arith.constant 0 : i32
    %dma_wait3A_2751 = arith.constant 0 : i32
    %dma_wait3A_2752 = tpu.memref_slice %arg3[%dma_wait3A_2750, %dma_wait3A_2751] : memref<100000x64xf32, #tpu.memory_space<hbm>> -> memref<100000x64xf32, #tpu.memory_space<hbm>>
    tpu.wait_indirect_dma semaphore(%arg11 : memref<!tpu.dma_semaphore, #tpu.memory_space<semaphore_mem>>) src(%dma_wait3A_2752 : memref<100000x64xf32, #tpu.memory_space<hbm>>) dst(%dma_wait3A_2746 : memref<128x64xf32, #tpu.memory_space<vmem>>)
    %add3A_2753 = arith.constant 6144 : i32
    %add3A_2754 = arith.addi %mul3A_2, %add3A_2753 : i32
    %dma_start3A_2755 = arith.constant 0 : i32
    %dma_start3A_2756 = arith.constant 0 : i32
    %dma_start3A_2757 = arith.constant 0 : i32
    %dma_start3A_2758 = tpu.memref_slice %arg6[%dma_start3A_2755, %dma_start3A_2756, %dma_start3A_2757] : memref<6x128x64xf32, #tpu.memory_space<vmem>> -> memref<1x128x64xf32, #tpu.memory_space<vmem>>
    %dma_start3A_2759 = tpu.memref_squeeze %dma_start3A_2758 : memref<1x128x64xf32, #tpu.memory_space<vmem>> -> memref<128x64xf32, #tpu.memory_space<vmem>>
    %dma_start3A_2760 = arith.constant 0 : i32
    %dma_start3A_2761 = tpu.memref_slice %arg4[%add3A_2754, %dma_start3A_2760] : memref<204800x64xf32, #tpu.memory_space<hbm>> -> memref<128x64xf32, #tpu.memory_space<hbm>>
    %dma_start3A_2762 = arith.constant 0 : i32
    %dma_start3A_2763 = tpu.memref_slice %arg4[%add3A_2754, %dma_start3A_2762] : memref<204800x64xf32, #tpu.memory_space<hbm>> -> memref<128x64xf32, #tpu.memory_space<hbm>>
    %dma_start3A_2764 = arith.constant 0 : i32
    %dma_start3A_2765 = arith.constant 0 : i32
    %dma_start3A_2766 = tpu.memref_slice %arg6[%dma_start3A_2755, %dma_start3A_2764, %dma_start3A_2765] : memref<6x128x64xf32, #tpu.memory_space<vmem>> -> memref<1x128x64xf32, #tpu.memory_space<vmem>>
    %dma_start3A_2767 = tpu.memref_squeeze %dma_start3A_2766 : memref<1x128x64xf32, #tpu.memory_space<vmem>> -> memref<128x64xf32, #tpu.memory_space<vmem>>
    tpu.enqueue_dma source(%dma_start3A_2767 : memref<128x64xf32, #tpu.memory_space<vmem>>) target(%dma_start3A_2763 : memref<128x64xf32, #tpu.memory_space<hbm>>) target_semaphore(%arg17 : memref<!tpu.dma_semaphore, #tpu.memory_space<semaphore_mem>>)
    %dma_wait3A_2768 = arith.constant 49 : i32
    %dma_wait3A_2769 = arith.constant 1 : i32
    %dma_wait3A_2770 = arith.constant 0 : i32
    %dma_wait3A_2771 = arith.constant 0 : i32
    %dma_wait3A_2772 = tpu.memref_slice %arg6[%dma_wait3A_2769, %dma_wait3A_2770, %dma_wait3A_2771] : memref<6x128x64xf32, #tpu.memory_space<vmem>> -> memref<1x128x64xf32, #tpu.memory_space<vmem>>
    %dma_wait3A_2773 = tpu.memref_squeeze %dma_wait3A_2772 : memref<1x128x64xf32, #tpu.memory_space<vmem>> -> memref<128x64xf32, #tpu.memory_space<vmem>>
    %dma_wait3A_2774 = arith.constant 0 : i32
    %dma_wait3A_2775 = tpu.memref_slice %arg5[%dma_wait3A_2768, %dma_wait3A_2774] : memref<50x128xi32, #tpu.memory_space<vmem>> -> memref<1x128xi32, #tpu.memory_space<vmem>>
    %dma_wait3A_2776 = tpu.memref_squeeze %dma_wait3A_2775 : memref<1x128xi32, #tpu.memory_space<vmem>> -> memref<128xi32, #tpu.memory_space<vmem>>
    %dma_wait3A_2777 = arith.constant 0 : i32
    %dma_wait3A_2778 = arith.constant 0 : i32
    %dma_wait3A_2779 = tpu.memref_slice %arg3[%dma_wait3A_2777, %dma_wait3A_2778] : memref<100000x64xf32, #tpu.memory_space<hbm>> -> memref<100000x64xf32, #tpu.memory_space<hbm>>
    tpu.wait_indirect_dma semaphore(%arg12 : memref<!tpu.dma_semaphore, #tpu.memory_space<semaphore_mem>>) src(%dma_wait3A_2779 : memref<100000x64xf32, #tpu.memory_space<hbm>>) dst(%dma_wait3A_2773 : memref<128x64xf32, #tpu.memory_space<vmem>>)
    %add3A_2780 = arith.constant 6272 : i32
    %add3A_2781 = arith.addi %mul3A_2, %add3A_2780 : i32
    %dma_start3A_2782 = arith.constant 1 : i32
    %dma_start3A_2783 = arith.constant 0 : i32
    %dma_start3A_2784 = arith.constant 0 : i32
    %dma_start3A_2785 = tpu.memref_slice %arg6[%dma_start3A_2782, %dma_start3A_2783, %dma_start3A_2784] : memref<6x128x64xf32, #tpu.memory_space<vmem>> -> memref<1x128x64xf32, #tpu.memory_space<vmem>>
    %dma_start3A_2786 = tpu.memref_squeeze %dma_start3A_2785 : memref<1x128x64xf32, #tpu.memory_space<vmem>> -> memref<128x64xf32, #tpu.memory_space<vmem>>
    %dma_start3A_2787 = arith.constant 0 : i32
    %dma_start3A_2788 = tpu.memref_slice %arg4[%add3A_2781, %dma_start3A_2787] : memref<204800x64xf32, #tpu.memory_space<hbm>> -> memref<128x64xf32, #tpu.memory_space<hbm>>
    %dma_start3A_2789 = arith.constant 0 : i32
    %dma_start3A_2790 = tpu.memref_slice %arg4[%add3A_2781, %dma_start3A_2789] : memref<204800x64xf32, #tpu.memory_space<hbm>> -> memref<128x64xf32, #tpu.memory_space<hbm>>
    %dma_start3A_2791 = arith.constant 0 : i32
    %dma_start3A_2792 = arith.constant 0 : i32
    %dma_start3A_2793 = tpu.memref_slice %arg6[%dma_start3A_2782, %dma_start3A_2791, %dma_start3A_2792] : memref<6x128x64xf32, #tpu.memory_space<vmem>> -> memref<1x128x64xf32, #tpu.memory_space<vmem>>
    %dma_start3A_2794 = tpu.memref_squeeze %dma_start3A_2793 : memref<1x128x64xf32, #tpu.memory_space<vmem>> -> memref<128x64xf32, #tpu.memory_space<vmem>>
    tpu.enqueue_dma source(%dma_start3A_2794 : memref<128x64xf32, #tpu.memory_space<vmem>>) target(%dma_start3A_2790 : memref<128x64xf32, #tpu.memory_space<hbm>>) target_semaphore(%arg18 : memref<!tpu.dma_semaphore, #tpu.memory_space<semaphore_mem>>)
    %dma_wait3A_2795 = arith.constant 2 : i32
    %dma_wait3A_2796 = arith.constant 0 : i32
    %dma_wait3A_2797 = arith.constant 0 : i32
    %dma_wait3A_2798 = tpu.memref_slice %arg6[%dma_wait3A_2795, %dma_wait3A_2796, %dma_wait3A_2797] : memref<6x128x64xf32, #tpu.memory_space<vmem>> -> memref<1x128x64xf32, #tpu.memory_space<vmem>>
    %dma_wait3A_2799 = tpu.memref_squeeze %dma_wait3A_2798 : memref<1x128x64xf32, #tpu.memory_space<vmem>> -> memref<128x64xf32, #tpu.memory_space<vmem>>
    %dma_wait3A_2800 = arith.constant 0 : i32
    %dma_wait3A_2801 = tpu.memref_slice %arg4[%add3A_2596, %dma_wait3A_2800] : memref<204800x64xf32, #tpu.memory_space<hbm>> -> memref<128x64xf32, #tpu.memory_space<hbm>>
    %dma_wait3A_2802 = arith.constant 0 : i32
    %dma_wait3A_2803 = tpu.memref_slice %arg4[%add3A_2596, %dma_wait3A_2802] : memref<204800x64xf32, #tpu.memory_space<hbm>> -> memref<128x64xf32, #tpu.memory_space<hbm>>
    %dma_wait3A_2804 = arith.constant 0 : i32
    %dma_wait3A_2805 = arith.constant 0 : i32
    %dma_wait3A_2806 = tpu.memref_slice %arg6[%dma_wait3A_2795, %dma_wait3A_2804, %dma_wait3A_2805] : memref<6x128x64xf32, #tpu.memory_space<vmem>> -> memref<1x128x64xf32, #tpu.memory_space<vmem>>
    %dma_wait3A_2807 = tpu.memref_squeeze %dma_wait3A_2806 : memref<1x128x64xf32, #tpu.memory_space<vmem>> -> memref<128x64xf32, #tpu.memory_space<vmem>>
    tpu.wait_dma2 semaphore(%arg19 : memref<!tpu.dma_semaphore, #tpu.memory_space<semaphore_mem>>) src(%dma_wait3A_2807 : memref<128x64xf32, #tpu.memory_space<vmem>>) dst(%dma_wait3A_2803 : memref<128x64xf32, #tpu.memory_space<hbm>>)
    %dma_wait3A_2808 = arith.constant 3 : i32
    %dma_wait3A_2809 = arith.constant 0 : i32
    %dma_wait3A_2810 = arith.constant 0 : i32
    %dma_wait3A_2811 = tpu.memref_slice %arg6[%dma_wait3A_2808, %dma_wait3A_2809, %dma_wait3A_2810] : memref<6x128x64xf32, #tpu.memory_space<vmem>> -> memref<1x128x64xf32, #tpu.memory_space<vmem>>
    %dma_wait3A_2812 = tpu.memref_squeeze %dma_wait3A_2811 : memref<1x128x64xf32, #tpu.memory_space<vmem>> -> memref<128x64xf32, #tpu.memory_space<vmem>>
    %dma_wait3A_2813 = arith.constant 0 : i32
    %dma_wait3A_2814 = tpu.memref_slice %arg4[%add3A_2648, %dma_wait3A_2813] : memref<204800x64xf32, #tpu.memory_space<hbm>> -> memref<128x64xf32, #tpu.memory_space<hbm>>
    %dma_wait3A_2815 = arith.constant 0 : i32
    %dma_wait3A_2816 = tpu.memref_slice %arg4[%add3A_2648, %dma_wait3A_2815] : memref<204800x64xf32, #tpu.memory_space<hbm>> -> memref<128x64xf32, #tpu.memory_space<hbm>>
    %dma_wait3A_2817 = arith.constant 0 : i32
    %dma_wait3A_2818 = arith.constant 0 : i32
    %dma_wait3A_2819 = tpu.memref_slice %arg6[%dma_wait3A_2808, %dma_wait3A_2817, %dma_wait3A_2818] : memref<6x128x64xf32, #tpu.memory_space<vmem>> -> memref<1x128x64xf32, #tpu.memory_space<vmem>>
    %dma_wait3A_2820 = tpu.memref_squeeze %dma_wait3A_2819 : memref<1x128x64xf32, #tpu.memory_space<vmem>> -> memref<128x64xf32, #tpu.memory_space<vmem>>
    tpu.wait_dma2 semaphore(%arg20 : memref<!tpu.dma_semaphore, #tpu.memory_space<semaphore_mem>>) src(%dma_wait3A_2820 : memref<128x64xf32, #tpu.memory_space<vmem>>) dst(%dma_wait3A_2816 : memref<128x64xf32, #tpu.memory_space<hbm>>)
    %dma_wait3A_2821 = arith.constant 4 : i32
    %dma_wait3A_2822 = arith.constant 0 : i32
    %dma_wait3A_2823 = arith.constant 0 : i32
    %dma_wait3A_2824 = tpu.memref_slice %arg6[%dma_wait3A_2821, %dma_wait3A_2822, %dma_wait3A_2823] : memref<6x128x64xf32, #tpu.memory_space<vmem>> -> memref<1x128x64xf32, #tpu.memory_space<vmem>>
    %dma_wait3A_2825 = tpu.memref_squeeze %dma_wait3A_2824 : memref<1x128x64xf32, #tpu.memory_space<vmem>> -> memref<128x64xf32, #tpu.memory_space<vmem>>
    %dma_wait3A_2826 = arith.constant 0 : i32
    %dma_wait3A_2827 = tpu.memref_slice %arg4[%add3A_2700, %dma_wait3A_2826] : memref<204800x64xf32, #tpu.memory_space<hbm>> -> memref<128x64xf32, #tpu.memory_space<hbm>>
    %dma_wait3A_2828 = arith.constant 0 : i32
    %dma_wait3A_2829 = tpu.memref_slice %arg4[%add3A_2700, %dma_wait3A_2828] : memref<204800x64xf32, #tpu.memory_space<hbm>> -> memref<128x64xf32, #tpu.memory_space<hbm>>
    %dma_wait3A_2830 = arith.constant 0 : i32
    %dma_wait3A_2831 = arith.constant 0 : i32
    %dma_wait3A_2832 = tpu.memref_slice %arg6[%dma_wait3A_2821, %dma_wait3A_2830, %dma_wait3A_2831] : memref<6x128x64xf32, #tpu.memory_space<vmem>> -> memref<1x128x64xf32, #tpu.memory_space<vmem>>
    %dma_wait3A_2833 = tpu.memref_squeeze %dma_wait3A_2832 : memref<1x128x64xf32, #tpu.memory_space<vmem>> -> memref<128x64xf32, #tpu.memory_space<vmem>>
    tpu.wait_dma2 semaphore(%arg21 : memref<!tpu.dma_semaphore, #tpu.memory_space<semaphore_mem>>) src(%dma_wait3A_2833 : memref<128x64xf32, #tpu.memory_space<vmem>>) dst(%dma_wait3A_2829 : memref<128x64xf32, #tpu.memory_space<hbm>>)
    %dma_wait3A_2834 = arith.constant 5 : i32
    %dma_wait3A_2835 = arith.constant 0 : i32
    %dma_wait3A_2836 = arith.constant 0 : i32
    %dma_wait3A_2837 = tpu.memref_slice %arg6[%dma_wait3A_2834, %dma_wait3A_2835, %dma_wait3A_2836] : memref<6x128x64xf32, #tpu.memory_space<vmem>> -> memref<1x128x64xf32, #tpu.memory_space<vmem>>
    %dma_wait3A_2838 = tpu.memref_squeeze %dma_wait3A_2837 : memref<1x128x64xf32, #tpu.memory_space<vmem>> -> memref<128x64xf32, #tpu.memory_space<vmem>>
    %dma_wait3A_2839 = arith.constant 0 : i32
    %dma_wait3A_2840 = tpu.memref_slice %arg4[%add3A_2727, %dma_wait3A_2839] : memref<204800x64xf32, #tpu.memory_space<hbm>> -> memref<128x64xf32, #tpu.memory_space<hbm>>
    %dma_wait3A_2841 = arith.constant 0 : i32
    %dma_wait3A_2842 = tpu.memref_slice %arg4[%add3A_2727, %dma_wait3A_2841] : memref<204800x64xf32, #tpu.memory_space<hbm>> -> memref<128x64xf32, #tpu.memory_space<hbm>>
    %dma_wait3A_2843 = arith.constant 0 : i32
    %dma_wait3A_2844 = arith.constant 0 : i32
    %dma_wait3A_2845 = tpu.memref_slice %arg6[%dma_wait3A_2834, %dma_wait3A_2843, %dma_wait3A_2844] : memref<6x128x64xf32, #tpu.memory_space<vmem>> -> memref<1x128x64xf32, #tpu.memory_space<vmem>>
    %dma_wait3A_2846 = tpu.memref_squeeze %dma_wait3A_2845 : memref<1x128x64xf32, #tpu.memory_space<vmem>> -> memref<128x64xf32, #tpu.memory_space<vmem>>
    tpu.wait_dma2 semaphore(%arg22 : memref<!tpu.dma_semaphore, #tpu.memory_space<semaphore_mem>>) src(%dma_wait3A_2846 : memref<128x64xf32, #tpu.memory_space<vmem>>) dst(%dma_wait3A_2842 : memref<128x64xf32, #tpu.memory_space<hbm>>)
    %dma_wait3A_2847 = arith.constant 0 : i32
    %dma_wait3A_2848 = arith.constant 0 : i32
    %dma_wait3A_2849 = arith.constant 0 : i32
    %dma_wait3A_2850 = tpu.memref_slice %arg6[%dma_wait3A_2847, %dma_wait3A_2848, %dma_wait3A_2849] : memref<6x128x64xf32, #tpu.memory_space<vmem>> -> memref<1x128x64xf32, #tpu.memory_space<vmem>>
    %dma_wait3A_2851 = tpu.memref_squeeze %dma_wait3A_2850 : memref<1x128x64xf32, #tpu.memory_space<vmem>> -> memref<128x64xf32, #tpu.memory_space<vmem>>
    %dma_wait3A_2852 = arith.constant 0 : i32
    %dma_wait3A_2853 = tpu.memref_slice %arg4[%add3A_2754, %dma_wait3A_2852] : memref<204800x64xf32, #tpu.memory_space<hbm>> -> memref<128x64xf32, #tpu.memory_space<hbm>>
    %dma_wait3A_2854 = arith.constant 0 : i32
    %dma_wait3A_2855 = tpu.memref_slice %arg4[%add3A_2754, %dma_wait3A_2854] : memref<204800x64xf32, #tpu.memory_space<hbm>> -> memref<128x64xf32, #tpu.memory_space<hbm>>
    %dma_wait3A_2856 = arith.constant 0 : i32
    %dma_wait3A_2857 = arith.constant 0 : i32
    %dma_wait3A_2858 = tpu.memref_slice %arg6[%dma_wait3A_2847, %dma_wait3A_2856, %dma_wait3A_2857] : memref<6x128x64xf32, #tpu.memory_space<vmem>> -> memref<1x128x64xf32, #tpu.memory_space<vmem>>
    %dma_wait3A_2859 = tpu.memref_squeeze %dma_wait3A_2858 : memref<1x128x64xf32, #tpu.memory_space<vmem>> -> memref<128x64xf32, #tpu.memory_space<vmem>>
    tpu.wait_dma2 semaphore(%arg17 : memref<!tpu.dma_semaphore, #tpu.memory_space<semaphore_mem>>) src(%dma_wait3A_2859 : memref<128x64xf32, #tpu.memory_space<vmem>>) dst(%dma_wait3A_2855 : memref<128x64xf32, #tpu.memory_space<hbm>>)
    %dma_wait3A_2860 = arith.constant 1 : i32
    %dma_wait3A_2861 = arith.constant 0 : i32
    %dma_wait3A_2862 = arith.constant 0 : i32
    %dma_wait3A_2863 = tpu.memref_slice %arg6[%dma_wait3A_2860, %dma_wait3A_2861, %dma_wait3A_2862] : memref<6x128x64xf32, #tpu.memory_space<vmem>> -> memref<1x128x64xf32, #tpu.memory_space<vmem>>
    %dma_wait3A_2864 = tpu.memref_squeeze %dma_wait3A_2863 : memref<1x128x64xf32, #tpu.memory_space<vmem>> -> memref<128x64xf32, #tpu.memory_space<vmem>>
    %dma_wait3A_2865 = arith.constant 0 : i32
    %dma_wait3A_2866 = tpu.memref_slice %arg4[%add3A_2781, %dma_wait3A_2865] : memref<204800x64xf32, #tpu.memory_space<hbm>> -> memref<128x64xf32, #tpu.memory_space<hbm>>
    %dma_wait3A_2867 = arith.constant 0 : i32
    %dma_wait3A_2868 = tpu.memref_slice %arg4[%add3A_2781, %dma_wait3A_2867] : memref<204800x64xf32, #tpu.memory_space<hbm>> -> memref<128x64xf32, #tpu.memory_space<hbm>>
    %dma_wait3A_2869 = arith.constant 0 : i32
    %dma_wait3A_2870 = arith.constant 0 : i32
    %dma_wait3A_2871 = tpu.memref_slice %arg6[%dma_wait3A_2860, %dma_wait3A_2869, %dma_wait3A_2870] : memref<6x128x64xf32, #tpu.memory_space<vmem>> -> memref<1x128x64xf32, #tpu.memory_space<vmem>>
    %dma_wait3A_2872 = tpu.memref_squeeze %dma_wait3A_2871 : memref<1x128x64xf32, #tpu.memory_space<vmem>> -> memref<128x64xf32, #tpu.memory_space<vmem>>
    tpu.wait_dma2 semaphore(%arg18 : memref<!tpu.dma_semaphore, #tpu.memory_space<semaphore_mem>>) src(%dma_wait3A_2872 : memref<128x64xf32, #tpu.memory_space<vmem>>) dst(%dma_wait3A_2868 : memref<128x64xf32, #tpu.memory_space<hbm>>)
    %iota3A = tpu.iota {dimensions = array<i32: 0>} : vector<16xi32>
    %scan3A = arith.constant 1073741824 : i32
    %scan3A_2873 = arith.constant 0 : i32
    %scan3A_2874 = arith.constant 1073741824 : i32
    %scan3A_2875 = arith.constant 0 : i32
    %scan3A_2876 = arith.constant 400 : i32
    %scan3A_2877 = arith.addi %scan3A_2875, %scan3A_2876 : i32
    %scan3A_2878 = arith.constant 1 : i32
    %scan3A_2879:2 = scf.for %scan3A_2911 = %scan3A_2875 to %scan3A_2877 step %scan3A_2878 iter_args(%scan3A_2912 = %scan3A_2873, %scan3A_2913 = %scan3A_2874) -> (i32, i32)  : i32 {
      %jit3A_2914 = arith.constant 8 : i32
      %div3A_2915 = arith.divsi %scan3A_2911, %jit3A_2914 : i32
      %sign3A_2916 = arith.constant 0 : i32
      %sign3A_2917 = arith.cmpi sgt, %scan3A_2911, %sign3A_2916 : i32
      %sign3A_2918 = arith.extui %sign3A_2917 : i1 to i32
      %sign3A_2919 = arith.constant 0 : i32
      %sign3A_2920 = arith.cmpi slt, %scan3A_2911, %sign3A_2919 : i32
      %sign3A_2921 = arith.extui %sign3A_2920 : i1 to i32
      %sign3A_2922 = arith.subi %sign3A_2918, %sign3A_2921 : i32
      %sign3A_2923 = arith.constant 0 : i32
      %sign3A_2924 = arith.cmpi sgt, %jit3A_2914, %sign3A_2923 : i32
      %sign3A_2925 = arith.extui %sign3A_2924 : i1 to i32
      %sign3A_2926 = arith.constant 0 : i32
      %sign3A_2927 = arith.cmpi slt, %jit3A_2914, %sign3A_2926 : i32
      %sign3A_2928 = arith.extui %sign3A_2927 : i1 to i32
      %sign3A_2929 = arith.subi %sign3A_2925, %sign3A_2928 : i32
      %ne3A_2930 = arith.cmpi ne, %sign3A_2922, %sign3A_2929 : i32
      %rem3A_2931 = arith.remsi %scan3A_2911, %jit3A_2914 : i32
      %ne3A_2932 = arith.constant 0 : i32
      %ne3A_2933 = arith.cmpi ne, %rem3A_2931, %ne3A_2932 : i32
      %and3A_2934 = arith.andi %ne3A_2930, %ne3A_2933 : i1
      %sub3A_2935 = arith.constant 1 : i32
      %sub3A_2936 = arith.subi %div3A_2915, %sub3A_2935 : i32
      %select_n3A_2937 = arith.select %and3A_2934, %sub3A_2936, %div3A_2915 : i32
      %jit3A_2938 = arith.constant 8 : i32
      %eq3A = arith.constant 0 : i32
      %eq3A_2939 = arith.cmpi eq, %jit3A_2938, %eq3A : i32
      %jit3A_2940 = arith.constant 1 : i32
      %select_n3A_2941 = arith.select %eq3A_2939, %jit3A_2940, %jit3A_2938 : i32
      %rem3A_2942 = arith.remsi %scan3A_2911, %select_n3A_2941 : i32
      %ne3A_2943 = arith.constant 0 : i32
      %ne3A_2944 = arith.cmpi ne, %rem3A_2942, %ne3A_2943 : i32
      %lt3A = arith.constant 0 : i32
      %lt3A_2945 = arith.cmpi slt, %rem3A_2942, %lt3A : i32
      %lt3A_2946 = arith.constant 0 : i32
      %lt3A_2947 = arith.cmpi slt, %select_n3A_2941, %lt3A_2946 : i32
      %ne3A_2948 = arith.xori %lt3A_2945, %lt3A_2947 : i1
      %and3A_2949 = arith.andi %ne3A_2948, %ne3A_2944 : i1
      %add3A_2950 = arith.addi %rem3A_2942, %select_n3A_2941 : i32
      %select_n3A_2951 = arith.select %and3A_2949, %add3A_2950, %rem3A_2942 : i32
      %mul3A_2952 = arith.constant 16 : i32
      %mul3A_2953 = arith.muli %select_n3A_2951, %mul3A_2952 : i32
      %get3A = arith.index_cast %select_n3A_2937 : i32 to index
      %get3A_2954 = arith.index_cast %mul3A_2953 : i32 to index
      %get3A_2955 = tpu.vector_load %arg5[%get3A, %get3A_2954] {strides = array<i32>} : memref<50x128xi32, #tpu.memory_space<vmem>>, vector<16xi32>,
      %eq3A_2956 = arith.constant 0 : i32
      %eq3A_2957 = vector.broadcast %eq3A_2956 : i32 to vector<16xi32>
      %eq3A_2958 = arith.cmpi eq, %get3A_2955, %eq3A_2957 : vector<16xi32>
      %mul3A_2959 = arith.constant 16 : i32
      %mul3A_2960 = arith.muli %scan3A_2911, %mul3A_2959 : i32
      %add3A_2961 = arith.addi %mul3A_2, %mul3A_2960 : i32
      %add3A_2962 = vector.broadcast %add3A_2961 : i32 to vector<16xi32>
      %add3A_2963 = arith.addi %add3A_2962, %iota3A : vector<16xi32>
      %broadcast_in_dim3A_2964 = vector.broadcast %scan3A : i32 to vector<16xi32>
      %select_n3A_2965 = arith.select %eq3A_2958, %add3A_2963, %broadcast_in_dim3A_2964 : vector<16xi1>, vector<16xi32>
      %reduce_min3A = arith.constant true
      %reduce_min3A_2966 = vector.broadcast %reduce_min3A : i1 to vector<16xi1>
      %reduce_min3A_2967 = arith.constant -2147483648 : i32
      %reduce_min3A_2968 = vector.broadcast %reduce_min3A_2967 : i32 to vector<16xi32>
      %reduce_min3A_2969 = arith.xori %select_n3A_2965, %reduce_min3A_2968 : vector<16xi32>
      %reduce_min3A_2970 = tpu.scan <min>, %reduce_min3A_2969 masked %reduce_min3A_2966 : vector<16xi32>, vector<16xi1> -> vector<16xi32>
      %reduce_min3A_2971 = arith.xori %reduce_min3A_2970, %reduce_min3A_2968 : vector<16xi32>
      %reduce_min3A_2972 = vector.extract %reduce_min3A_2971[15] : i32 from vector<16xi32>
      %min3A = arith.minsi %scan3A_2913, %reduce_min3A_2972 : i32
      %swap3A_2973 = arith.index_cast %scan3A_2912 : i32 to index
      %swap3A_2974 = tpu.vector_load %arg8[%swap3A_2973] masked %eq3A_2958 {strides = array<i32>} : memref<6416xi32, #tpu.memory_space<vmem>>, vector<16xi32>, vector<16xi1>
      tpu.vector_store %arg8[%swap3A_2973], %add3A_2963 masked %eq3A_2958 {strides = array<i32>} : memref<6416xi32, #tpu.memory_space<vmem>>, vector<16xi32>, vector<16xi1>
      %all_reduce_population_count3A = tpu.all_reduce %eq3A_2958 {dim = 0 : i64, kind = #tpu.reduction_kind<sum>} : vector<16xi1> -> vector<16xi32>
      %slice3A = vector.extract_strided_slice %all_reduce_population_count3A {offsets = [0], sizes = [1], strides = [1]} : vector<16xi32> to vector<1xi32>
      %squeeze3A = vector.extract %slice3A[0] : i32 from vector<1xi32>
      %add3A_2975 = arith.addi %scan3A_2912, %squeeze3A : i32
      scf.yield %add3A_2975, %min3A : i32, i32
    }
    %scan3A_2880 = arith.constant 400 : i32
    %broadcast_in_dim3A_2881 = vector.broadcast %scan3A_2879#1 : i32 to vector<16xi32>
    %swap3A_2882 = arith.index_cast %scan3A_2879#0 : i32 to index
    %swap3A_2883 = tpu.vector_load %arg8[%swap3A_2882] {strides = array<i32>} : memref<6416xi32, #tpu.memory_space<vmem>>, vector<16xi32>,
    tpu.vector_store %arg8[%swap3A_2882], %broadcast_in_dim3A_2881 {strides = array<i32>} : memref<6416xi32, #tpu.memory_space<vmem>>, vector<16xi32>,
    %add3A_2884 = arith.constant 15 : i32
    %add3A_2885 = arith.addi %scan3A_2879#0, %add3A_2884 : i32
    %jit3A = arith.constant 16 : i32
    %div3A = arith.divsi %add3A_2885, %jit3A : i32
    %sign3A = arith.constant 0 : i32
    %sign3A_2886 = arith.cmpi sgt, %add3A_2885, %sign3A : i32
    %sign3A_2887 = arith.extui %sign3A_2886 : i1 to i32
    %sign3A_2888 = arith.constant 0 : i32
    %sign3A_2889 = arith.cmpi slt, %add3A_2885, %sign3A_2888 : i32
    %sign3A_2890 = arith.extui %sign3A_2889 : i1 to i32
    %sign3A_2891 = arith.subi %sign3A_2887, %sign3A_2890 : i32
    %sign3A_2892 = arith.constant 0 : i32
    %sign3A_2893 = arith.cmpi sgt, %jit3A, %sign3A_2892 : i32
    %sign3A_2894 = arith.extui %sign3A_2893 : i1 to i32
    %sign3A_2895 = arith.constant 0 : i32
    %sign3A_2896 = arith.cmpi slt, %jit3A, %sign3A_2895 : i32
    %sign3A_2897 = arith.extui %sign3A_2896 : i1 to i32
    %sign3A_2898 = arith.subi %sign3A_2894, %sign3A_2897 : i32
    %ne3A = arith.cmpi ne, %sign3A_2891, %sign3A_2898 : i32
    %rem3A = arith.remsi %add3A_2885, %jit3A : i32
    %ne3A_2899 = arith.constant 0 : i32
    %ne3A_2900 = arith.cmpi ne, %rem3A, %ne3A_2899 : i32
    %and3A = arith.andi %ne3A, %ne3A_2900 : i1
    %sub3A = arith.constant 1 : i32
    %sub3A_2901 = arith.subi %div3A, %sub3A : i32
    %select_n3A = arith.select %and3A, %sub3A_2901, %div3A : i32
    %while3A = arith.constant 0 : i32
    %while3A_2902 = arith.constant 0 : i32
    %while3A_2903 = arith.subi %select_n3A, %while3A_2902 : i32
    %while3A_2904 = arith.addi %while3A_2902, %while3A_2903 : i32
    %while3A_2905 = arith.constant 1 : i32
    %while3A_2906 = arith.divsi %while3A_2903, %while3A_2905 : i32
    %while3A_2907 = arith.muli %while3A_2906, %while3A_2905 : i32
    %while3A_2908 = arith.addi %while3A_2902, %while3A_2907 : i32
    %while3A_2909 = arith.constant 1 : i32
    scf.for %while3A_2911 = %while3A_2902 to %while3A_2908 step %while3A_2909  : i32 {
      %mul3A_2912 = arith.constant 16 : i32
      %mul3A_2913 = arith.muli %while3A_2911, %mul3A_2912 : i32
      %get3A = arith.index_cast %mul3A_2913 : i32 to index
      %get3A_2914 = tpu.vector_load %arg8[%get3A] {strides = array<i32>} : memref<6416xi32, #tpu.memory_space<vmem>>, vector<16xi32>,
      %dma_start3A_2915 = arith.constant 0 : i32
      %dma_start3A_2916 = arith.constant 0 : i32
      %dma_start3A_2917 = tpu.memref_slice %arg4[%dma_start3A_2915, %dma_start3A_2916] : memref<204800x64xf32, #tpu.memory_space<hbm>> -> memref<204800x64xf32, #tpu.memory_space<hbm>>
      tpu.enqueue_indirect_dma source(%arg7 : memref<16x64xf32, #tpu.memory_space<vmem>>) target(%dma_start3A_2917 : memref<204800x64xf32, #tpu.memory_space<hbm>>) offsets(%get3A_2914 : vector<16xi32>) semaphore(%arg10 : memref<!tpu.dma_semaphore, #tpu.memory_space<semaphore_mem>>)
      %dma_wait3A_2918 = arith.constant 0 : i32
      %dma_wait3A_2919 = arith.constant 0 : i32
      %dma_wait3A_2920 = tpu.memref_slice %arg4[%dma_wait3A_2918, %dma_wait3A_2919] : memref<204800x64xf32, #tpu.memory_space<hbm>> -> memref<204800x64xf32, #tpu.memory_space<hbm>>
      tpu.wait_indirect_dma semaphore(%arg10 : memref<!tpu.dma_semaphore, #tpu.memory_space<semaphore_mem>>) src(%arg7 : memref<16x64xf32, #tpu.memory_space<vmem>>) dst(%dma_wait3A_2920 : memref<204800x64xf32, #tpu.memory_space<hbm>>)
    }
    %while3A_2910 = arith.constant 1 : i32
    scf.for %while3A_2911 = %while3A_2908 to %while3A_2904 step %while3A_2910  : i32 {
      %mul3A_2912 = arith.constant 16 : i32
      %mul3A_2913 = arith.muli %while3A_2911, %mul3A_2912 : i32
      %get3A = arith.index_cast %mul3A_2913 : i32 to index
      %get3A_2914 = tpu.vector_load %arg8[%get3A] {strides = array<i32>} : memref<6416xi32, #tpu.memory_space<vmem>>, vector<16xi32>,
      %dma_start3A_2915 = arith.constant 0 : i32
      %dma_start3A_2916 = arith.constant 0 : i32
      %dma_start3A_2917 = tpu.memref_slice %arg4[%dma_start3A_2915, %dma_start3A_2916] : memref<204800x64xf32, #tpu.memory_space<hbm>> -> memref<204800x64xf32, #tpu.memory_space<hbm>>
      tpu.enqueue_indirect_dma source(%arg7 : memref<16x64xf32, #tpu.memory_space<vmem>>) target(%dma_start3A_2917 : memref<204800x64xf32, #tpu.memory_space<hbm>>) offsets(%get3A_2914 : vector<16xi32>) semaphore(%arg10 : memref<!tpu.dma_semaphore, #tpu.memory_space<semaphore_mem>>)
      %dma_wait3A_2918 = arith.constant 0 : i32
      %dma_wait3A_2919 = arith.constant 0 : i32
      %dma_wait3A_2920 = tpu.memref_slice %arg4[%dma_wait3A_2918, %dma_wait3A_2919] : memref<204800x64xf32, #tpu.memory_space<hbm>> -> memref<204800x64xf32, #tpu.memory_space<hbm>>
      tpu.wait_indirect_dma semaphore(%arg10 : memref<!tpu.dma_semaphore, #tpu.memory_space<semaphore_mem>>) src(%arg7 : memref<16x64xf32, #tpu.memory_space<vmem>>) dst(%dma_wait3A_2920 : memref<204800x64xf32, #tpu.memory_space<hbm>>)
    }
    return
  }
}

</mosaic_0001>

<sc_bundles>
// kernel: kernel.3.cloned.1.call-start
scs
__scs_entry_jumppad:
0x0: {  	(pc) =	sbr.rel $0x88, $3  }
0x1: {  	(tag) =	ssettag $0x0;
	lr =	simm.s32 $0x1  }
0x2: {  	[smem:$0x3F9F] =	sst lr;
	_ =	strace $0xD0000000  }
0x3: {  	_ = 	snop  }
0x4: {  	_ = 	snop  }
0x5: {  	_ = 	snop  }
0x6: {  	_ = 	snop  }
0x7: {  	_ = 	snop  }
__scs_overlays_trampoline_lowered:
0x8: {  	[smem:$0x3FAE] =	sst s0  }
0x9: {  	[smem:$0x3FAF] =	sst s1  }
0xa: {  	[smem:$0x3FB0] =	sst s2  }
0xb: {  	[smem:$0x3FB1] =	sst s3  }
0xc: {  	[smem:$0x3FB2] =	sst s4  }
0xd: {  	[smem:$0x3FB3] =	sst s5  }
0xe: {  	[smem:$0x3FB4] =	sst s6  }
0xf: {  	[smem:$0x3FB5] =	sst s7  }
0x10: {  	[smem:$0x3FB6] =	sst s8  }
0x11: {  	[smem:$0x3FB7] =	sst s9;
	s0 =	simm.s32 @!p0 $0x0  }
0x12: {  	s1 =	sld [smem:$0x3F9D];
	s0 =	simm.s32 @p0 $0x1  }
0x13: {  	[smem:$0x3FB8] =	sst s0;
	s0 =	simm.s32 @!p1 $0x0  }
0x14: {  	s2 =	sld [smem:$0x3F9C];
	s0 =	simm.s32 @p1 $0x1  }
0x15: {  	[smem:$0x3FB9] =	sst s0;
	s0 =	simm.s32 @!p2 $0x0  }
0x16: {  	s3 =	sld [smem:$0x3FDB];
	s0 =	simm.s32 @p2 $0x1  }
0x17: {  	s4 =	simm.s32 $0x1BF5;
	[smem:$0x3FBB] =	sst s0  }
0x18: {  	s0 =	sld [smem:$0x3F9E];
	_ =	swait.ge [sflag:s4], $0x0  }
0x19: {  	s7 =	sld [smem:$0x3F9F]  }
0x1a: {  	s8 =	sadd.s32 $0xFFFFE003, lr  }
0x1b: {  	s9 =	sadd.s32 $0xFFFFFEF7, lr;
	s5 =	simm.s32 $0xFFFFFFFF;
	p2 =	slt.u32 s8, $0xFFFFF086  }
0x1c: {  	p1 =	slt.u32 s9, $0xF7A;
	s5 =	simm.s32 @!p2 $0x0  }
0x1d: {  	s5 =	simm.s32 @p1 $0x1;
	p0 =	seq.s32 s7, s2  }
0x1e: {  	s7 =	smul.u32 @!p0 $0xF7A, s2;
	p2 =	seq.s32 @!p0 s5, $0x0  }
0x1f: {  	s9 =	smul.u32 $0xF7A, s1;
	s8 =	simm.s32 @!p0 $0x1BF5;
	p2 =	por !p2, p0  }
0x20: {  	[sflag:s8] =	ssyncset.s32 @!p0 $0xFFFFF086;
	s6 =	sadd.s32 @!p0 s3, s7;
	s7 =	simm.s32 @!p0 $0x108  }
0x21: {  	s3 =	sadd.s32 s3, s9;
	s6 =	sadd.s32 @!p0 $0x88, s6;
	s7 =	simm.s32 @p2 $0x1082  }
0x22: {  	[simem:s7], [sflag:s8] =	dma.local @!p0 [hbm:s6], $0xF7A  }
0x23: {  	s9 =	sor.u32 $0xD0000000, s2;
	s6 =	simm.s32 $0x108;
	_ =	swait.ge @!p0 [sflag:s8], $0x0  }
0x24: {  	s3 =	sadd.s32 $0x88, s3;
	s6 =	simm.s32 @!p1 $0x1082;
	[sflag:s4] =	ssyncset.s32 $0xFFFFF086  }
0x25: {  	[simem:s6], [sflag:s4] =	dma.local [hbm:s3], $0xF7A  }
0x26: {  	[smem:$0x3F9F] =	sst s1;
	(tag) =	ssettag s2;
	_ =	strace s9  }
0x27: {  	s1 =	sld [smem:$0x3FAF]  }
0x28: {  	s2 =	sld [smem:$0x3FB0]  }
0x29: {  	s4 =	sld [smem:$0x3FB2]  }
0x2a: {  	p0 =	seq.s32 s5, $0x0;
	s5 =	sld [smem:$0x3FB3]  }
0x2b: {  	s6 =	sld [smem:$0x3FB4]  }
0x2c: {  	s7 =	sld [smem:$0x3FB5]  }
0x2d: {  	s3 =	simm.s32 $0x108;
	s8 =	sld [smem:$0x3FB6]  }
0x2e: {  	s3 =	simm.s32 @!p0 $0x1082;
	s9 =	sld [smem:$0x3FB7]  }
0x2f: {  	lr =	sadd.s32 s0, s3;
	s0 =	sld [smem:$0x3FAE]  }
0x30: {  	s3 =	sld [smem:$0x3FB1]  }
0x31: {  	[smem:$0x3FBA] =	sst s10  }
0x32: {  	s10 =	sld [smem:$0x3FB8];
	_ =	sdelay $0x3  }
0x33: {  	p0 =	seq.s32 s10, $0x1;
	s10 =	sld [smem:$0x3FBA];
	_ =	sdelay $0x3  }
0x34: {  	[smem:$0x3FBA] =	sst s10  }
0x35: {  	s10 =	sld [smem:$0x3FB9];
	_ =	sdelay $0x3  }
0x36: {  	p1 =	seq.s32 s10, $0x1;
	s10 =	sld [smem:$0x3FBA];
	_ =	sdelay $0x3  }
0x37: {  	[smem:$0x3FBA] =	sst s10  }
0x38: {  	s10 =	sld [smem:$0x3FBB]  }
0x39: {  	_ = 	snop;
	(pc) =	sbr.ind lr, $3  }
0x3a: {  	_ = 	snop  }
0x3b: {  	_ = 	snop  }
0x3c: {  	p2 =	seq.s32 s10, $0x1;
	s10 =	sld [smem:$0x3FBA]  }
0x3d: {  	_ =	shalt  }
0x3e: {  	_ =	shalt  }
0x3f: {  	_ =	shalt  }
0x40: {  	_ =	shalt  }
0x41: {  	_ =	shalt  }
0x42: {  	_ =	shalt  }
0x43: {  	_ =	shalt  }
0x44: {  	_ =	shalt  }
0x45: {  	_ =	shalt  }
0x46: {  	_ =	shalt  }
0x47: {  	_ =	shalt  }
0x48: {  	_ =	shalt  }
0x49: {  	_ =	shalt  }
0x4a: {  	_ =	shalt  }
0x4b: {  	_ =	shalt  }
0x4c: {  	_ =	shalt  }
0x4d: {  	_ =	shalt  }
0x4e: {  	_ =	shalt  }
0x4f: {  	_ =	shalt  }
0x50: {  	_ =	shalt  }
0x51: {  	_ =	shalt  }
0x52: {  	_ =	shalt  }
0x53: {  	_ =	shalt  }
0x54: {  	_ =	shalt  }
0x55: {  	_ =	shalt  }
0x56: {  	_ =	shalt  }
0x57: {  	_ =	shalt  }
0x58: {  	_ =	shalt  }
0x59: {  	_ =	shalt  }
0x5a: {  	_ =	shalt  }
0x5b: {  	_ =	shalt  }
0x5c: {  	_ =	shalt  }
0x5d: {  	_ =	shalt  }
0x5e: {  	_ =	shalt  }
0x5f: {  	_ =	shalt  }
0x60: {  	_ =	shalt  }
0x61: {  	_ =	shalt  }
0x62: {  	_ =	shalt  }
0x63: {  	_ =	shalt  }
0x64: {  	_ =	shalt  }
0x65: {  	_ =	shalt  }
0x66: {  	_ =	shalt  }
0x67: {  	_ =	shalt  }
0x68: {  	_ =	shalt  }
0x69: {  	_ =	shalt  }
0x6a: {  	_ =	shalt  }
0x6b: {  	_ =	shalt  }
0x6c: {  	_ =	shalt  }
0x6d: {  	_ =	shalt  }
0x6e: {  	_ =	shalt  }
0x6f: {  	_ =	shalt  }
0x70: {  	_ =	shalt  }
0x71: {  	_ =	shalt  }
0x72: {  	_ =	shalt  }
0x73: {  	_ =	shalt  }
0x74: {  	_ =	shalt  }
0x75: {  	_ =	shalt  }
0x76: {  	_ =	shalt  }
0x77: {  	_ =	shalt  }
0x78: {  	_ =	shalt  }
0x79: {  	_ =	shalt  }
0x7a: {  	_ =	shalt  }
0x7b: {  	_ =	shalt  }
0x7c: {  	_ =	shalt  }
0x7d: {  	_ =	shalt  }
0x7e: {  	_ =	shalt  }
0x7f: {  	_ =	shalt  }
0x80: {  	_ =	shalt  }
0x81: {  	_ =	shalt  }
0x82: {  	_ =	shalt  }
0x83: {  	_ =	shalt  }
0x84: {  	_ =	shalt  }
0x85: {  	_ =	shalt  }
0x86: {  	_ =	shalt  }
0x87: {  	_ =	shalt  }
.Lfunc_end0:
.L_simem_size_0:
called_computation.1_lowered:
.L_overlay_start_0:
0x88: {  	s2 =	sld [smem:$0x3FD9]  }
0x89: {  	s3 =	sld [smem:$0x3FFE];
	_ =	sdelay $0x1  }
0x8a: {  	s1 =	srdreg.scid  }
0x8b: {  	s0 =	sand.u32 $0x1, s1  }
0x8c: {  	s17 =	sshll.u32 s0, $0xA;
	s2 =	sadd.s32 s3, s2  }
0x8d: {  	s2 =	sadd.s32 s2, s17  }
0x8e: {  	[smem:$0x3FC6] =	sst s2  }
0x8f: {  	_ = 	snop  }
0x90: {  	s2 =	sld [smem:$0x3FD0];
	(tm) =	ssettm $0x1  }
0x91: {  	s18 =	sld [smem:$0x3FFB];
	_ =	sdelay $0x3  }
0x92: {  	_ =	strace s18  }
0x93: {  	s3 =	sld [smem:$0x3FFC];
	_ =	sdelay $0x3  }
0x94: {  	_ =	strace s3  }
0x95: {  	s3 =	sld [smem:$0x3FFD];
	_ =	sdelay $0x3  }
0x96: {  	_ =	strace s3  }
0x97: {  	_ =	strace $0x8FFFFFFF  }
0x98: {  	s19 =	sld [smem:$0x3FDB];
	_ =	sdelay $0x1  }
0x99: {  	s4 =	simm.s32 $_scs_section_size  }
0x9a: {  	s5 =	simm.s32 $_size__tile_overlayer_lowered;
	s6 =	simm.s32 $_tile_overlayer_lowered  }
0x9b: {  	s22 =	simm.s32 $0x1BFF;
	s21 =	sshll.u32 s6, $0x1;
	s3 =	sadd.s32 s4, s19  }
0x9c: {  	s7 =	simm.s32 $0x0;
	s20 =	sshll.u32 s5, $0x1;
	s5 =	sadd.s32 s21, s3  }
0x9d: {  	[timem:s7], [sflag:s22] =	dma.local [hbm:s5], s20  }
0x9e: {  	_ =	swait.ge [sflag:s22], s20  }
0x9f: {  	s4 =	ssub.s32 $0x0, s20;
	[sflag:s22] =	ssyncset.done $0x0  }
0xa0: {  	[sflag:s22] =	ssyncadd.s32 s4;
	_ =	sdelay $0x1  }
0xa1: {  	s23 =	simm.s32 $0x1B8B  }
0xa2: {  	_ =	swait.ge [sflag:s23], $0x1  }
0xa3: {  	[sflag:s23] =	ssyncset.done $0x0  }
0xa4: {  	s25 =	simm.s32 $0x1B8E;
	s24 =	sld [smem:$0x3FFE];
	[sflag:s23] =	ssyncadd.s32 $0xFFFFFFFF  }
0xa5: {  	s26 =	simm.s32 $execute0_lowered;
	[smem:$0x3FD2] =	sst s25  }
0xa6: {  	s5 =	sshll.u32 s26, $0x1;
	_ =	strace $0x80000046;
	[dreg:$0x1] =	wrdreg $0xFFFFFFFF  }
0xa7: {  	s28 =	simm.s32 $_size_execute0_lowered;
	s3 =	sadd.s32 s3, s5;
	[dreg:$0x0] =	wrdreg $0x0  }
0xa8: {  	s5 =	sshll.u32 s28, $0x1;
	[dreg:$0x2] =	wrdreg s3  }
0xa9: {  	[dreg:$0x3] =	wrdreg s5  }
0xaa: {  	[dreg:$0x4] =	wrdreg $0xC0  }
0xab: {  	_ =	task [dreg:s7], $0x5FFFF  }
0xac: {  	[dreg:$0x1] =	wrdreg $0xFFFFFFFF  }
0xad: {  	[dreg:$0x0] =	wrdreg $0x60  }
0xae: {  	[dreg:$0x2] =	wrdreg s24  }
0xaf: {  	[dreg:$0x3] =	wrdreg s2  }
0xb0: {  	[dreg:$0x4] =	wrdreg $0x9  }
0xb1: {  	_ =	task.clear_ibuf [dreg:s7], $0x5FFFF;
	_ =	strace $0x90000046  }
0xb2: {  	s29 =	simm.s32 $0x9;
	_ =	strace $0x80000048  }
0xb3: {  	_ =	swait.ge [sflag:s29], $0x1  }
0xb4: {  	[sflag:s29] =	ssyncadd.s32 $0xFFFFFFFF  }
0xb5: {  	_ =	strace $0x90000048  }
0xb6: {  	_ =	sfence  }
0xb7: {  	s30 =	sld [smem:$0x0];
	_ =	sdelay $0x2  }
0xb8: {  	s31 =	sshll.u32 s1, $0xD;
	s1 =	sshrl.u32 s1, $0x2  }
0xb9: {  	s3 =	sand.u32 $0x4000, s31;
	s1 =	sadd.s32 s1, s30  }
0xba: {  	s0 =	sor.u32 s3, s0;
	s1 =	sshll.u32 s1, $0x11  }
0xbb: {  	s0 =	sor.u32 s1, s0  }
0xbc: {  	s0 =	sadd.s32 $0x8F2B, s0  }
0xbd: {  	[sflag:s0] =	ssyncadd.remote.s32 $0x1  }
0xbe: {  	_ =	sfence.sel $0xFFFF  }
0xbf: {  	[dreg:$0x0] =	wrdreg $0xFFFFFFFF;
	(pc) =	sbr.abs _section_cstart, $3  }
0xc0: {  	[dreg:$0x1] =	wrdreg $0xFFFFFFFF  }
0xc1: {  	_ =	task.clear_ibuf [dreg:s7], $0x2FFFF;
	_ =	strace $0x9FFFFFFF  }
0xc2: {  	(tm) =	ssettm $0x7FFFFFFF  }
0xc3: {  	_ =	shalt  }
tec
execute0_lowered:
.L_overlay_start_1:
0x0: {  	(tag) =	ssettag $0x1  }
0x1: {  	s0 =	srdreg.scid;
	s9 =	stileid.u32  }
0x2: {  	s0 =	sand.u32 $0x1, s0;
	s1 =	sshll.u32 s9, $0x1  }
0x3: {  	s1 =	sor.u32 s0, s1  }
0x4: {  	s5 =	smul.u32 $0x1900, s1  }
0x5: {  	s4 =	rddreg [dreg:$0x0];
	s6 =	smul.u32 $0x64000, s1  }
0x6: {  	s2 =	rddreg [dreg:$0x1];
	s5 =	sshrl.u32 s5, $0x3  }
0x7: {  	s3 =	simm.s32 $0x0;
	s6 =	sshrl.u32 s6, $0x3;
	s5 =	sadd.s32 s5, s4  }
0x8: {  	[smem:$0x7FF] =	sst s3;
	s6 =	sadd.s32 s2, s6;
	s5 =	sadd.s32 $0x800, s5  }
0x9: {  	_ =	strace $0x80000047;
	s24 =	sadd.s32 $0x800, s6;
	[dreg:$0x3] =	wrdreg s5  }
0xa: {  	s25 =	sadd.s32 $0xC00, s6;
	[dreg:$0x5] =	wrdreg s24  }
0xb: {  	s26 =	sadd.s32 $0x1000, s6;
	[dreg:$0x6] =	wrdreg s25  }
0xc: {  	s28 =	sadd.s32 $0x1400, s6;
	[dreg:$0x7] =	wrdreg s26  }
0xd: {  	s29 =	sadd.s32 $0x1800, s6;
	[dreg:$0x8] =	wrdreg s28  }
0xe: {  	s7 =	ssub.s32 $0x2, s0;
	s30 =	sadd.s32 $0x1C00, s6;
	[dreg:$0x9] =	wrdreg s29  }
0xf: {  	s8 =	sshrl.u32 s7, $0x1;
	s31 =	sadd.s32 $0x2000, s6;
	[dreg:$0xa] =	wrdreg s30  }
0x10: {  	s7 =	ssub.s32 s7, s8;
	s8 =	sadd.s32 $0x2400, s6;
	[dreg:$0xb] =	wrdreg s31  }
0x11: {  	s10 =	sadd.s32 $0x2800, s6;
	[dreg:$0xc] =	wrdreg s8  }
0x12: {  	s12 =	sadd.s32 $0x2C00, s6;
	[dreg:$0xd] =	wrdreg s10  }
0x13: {  	s13 =	sadd.s32 $0x3000, s6;
	[dreg:$0xe] =	wrdreg s12  }
0x14: {  	s14 =	sadd.s32 $0x3400, s6;
	[dreg:$0xf] =	wrdreg s13  }
0x15: {  	s15 =	sadd.s32 $0x3800, s6;
	[dreg:$0x10] =	wrdreg s14  }
0x16: {  	s16 =	sadd.s32 $0x3C00, s6;
	[dreg:$0x11] =	wrdreg s15  }
0x17: {  	s17 =	sadd.s32 $0x4000, s6;
	[dreg:$0x12] =	wrdreg s16  }
0x18: {  	s18 =	sadd.s32 $0x4400, s6;
	[dreg:$0x13] =	wrdreg s17  }
0x19: {  	s19 =	sadd.s32 $0x4800, s6;
	[dreg:$0x14] =	wrdreg s18  }
0x1a: {  	s20 =	sadd.s32 $0x4C00, s6;
	[dreg:$0x15] =	wrdreg s19  }
0x1b: {  	s11 =	smul.u32 $0x3200, s9;
	s21 =	sadd.s32 $0x5000, s6;
	[dreg:$0x16] =	wrdreg s20  }
0x1c: {  	s0 =	smul.u32 $0x1900, s0;
	s23 =	sadd.s32 $0x5400, s6;
	[dreg:$0x17] =	wrdreg s21  }
0x1d: {  	s9 =	sadd.s32 $0x7C00, s6;
	[dreg:$0x18] =	wrdreg s23  }
0x1e: {  	s22 =	sadd.s32 s0, s11;
	s11 =	sadd.s32 $0x8400, s6;
	[smem:$0x7E9] =	sst s9  }
0x1f: {  	s24 =	sadd.s32 $0x5800, s6;
	[smem:$0x7EB] =	sst s11  }
0x20: {  	s25 =	sadd.s32 $0x5C00, s6;
	[dreg:$0x19] =	wrdreg s24  }
0x21: {  	s26 =	sadd.s32 $0x6000, s6;
	[dreg:$0x1a] =	wrdreg s25  }
0x22: {  	s28 =	sadd.s32 $0x6400, s6;
	[dreg:$0x1b] =	wrdreg s26  }
0x23: {  	s29 =	sadd.s32 $0x6800, s6;
	[dreg:$0x1c] =	wrdreg s28  }
0x24: {  	s1 =	smul.u32 $0xC800, s1;
	s30 =	sadd.s32 $0x6C00, s6;
	[dreg:$0x1d] =	wrdreg s29  }
0x25: {  	s31 =	sadd.s32 $0x7000, s6;
	[dreg:$0x1e] =	wrdreg s30  }
0x26: {  	s5 =	sadd.s32 s2, s1;
	s1 =	sadd.s32 $0x7400, s6;
	[dreg:$0x1f] =	wrdreg s31  }
0x27: {  	s8 =	sadd.s32 $0x7800, s6;
	[smem:$0x7E7] =	sst s1  }
0x28: {  	s10 =	sadd.s32 $0x8000, s6;
	[smem:$0x7E8] =	sst s8  }
0x29: {  	s12 =	sadd.s32 $0x8800, s6;
	[smem:$0x7EA] =	sst s10  }
0x2a: {  	s13 =	sadd.s32 $0x8C00, s6;
	[smem:$0x7EC] =	sst s12  }
0x2b: {  	s14 =	sadd.s32 $0x9000, s6;
	[smem:$0x7ED] =	sst s13  }
0x2c: {  	s15 =	sadd.s32 $0x9400, s6;
	[smem:$0x7EE] =	sst s14  }
0x2d: {  	s16 =	sadd.s32 $0x9800, s6;
	[smem:$0x7EF] =	sst s15  }
0x2e: {  	s17 =	sadd.s32 $0x9C00, s6;
	[smem:$0x7F0] =	sst s16  }
0x2f: {  	s18 =	sadd.s32 $0xA000, s6;
	[smem:$0x7F1] =	sst s17  }
0x30: {  	s19 =	sadd.s32 $0xA400, s6;
	[smem:$0x7F2] =	sst s18  }
0x31: {  	s20 =	sadd.s32 $0xA800, s6;
	[smem:$0x7F3] =	sst s19  }
0x32: {  	s0 =	simm.s32 $0x80;
	s21 =	sadd.s32 $0xAC00, s6;
	[smem:$0x7F4] =	sst s20  }
0x33: {  	s4 =	sadd.s32 $0x6C00, s4;
	s23 =	sadd.s32 $0xB000, s6;
	[smem:$0x7F5] =	sst s21  }
0x34: {  	s11 =	simm.s32 $0x9900;
	[smem:$0x7F6] =	sst s23;
	s24 =	sadd.s32 $0xB400, s6  }
0x35: {  	s25 =	sadd.s32 $0xB800, s6;
	s26 =	sadd.s32 $0xBC00, s6;
	s28 =	sadd.s32 $0xC000, s6  }
0x36: {  	s29 =	sadd.s32 $0xC400, s6;
	s30 =	smax.u32 s7, $0x1;
	[dreg:$0x4] =	wrdreg s5  }
0x37: {  	s31 =	sadd.s32 $0x400, s5;
	s5 =	simm.s32 $0x1900;
	s7 =	simm.s32 $0x3900  }
0x38: {  	s10 =	simm.s32 $0x3;
	s12 =	simm.s32 $0x4;
	[smem:$0x7F7] =	sst s24  }
0x39: {  	s13 =	simm.s32 $0xB900;
	s14 =	simm.s32 $0x5;
	[smem:$0x7F8] =	sst s25  }
0x3a: {  	s15 =	simm.s32 $0x9;
	s16 =	simm.s32 $0x6;
	[smem:$0x7F9] =	sst s26  }
.Ltmp0:
0x3b: {  	s17 =	simm.s32 $0xA;
	[smem:$0x7FA] =	sst s28;
	(pc) =	sbr.rel .LBB2_1-.Ltmp0, $4  }
0x3c: {  	s18 =	simm.s32 $0x7;
	s19 =	simm.s32 $0xB;
	[smem:$0x7FB] =	sst s29  }
0x3d: {  	s20 =	simm.s32 $0x8;
	s21 =	simm.s32 $0xC;
	[smem:$0x7FC] =	sst s30  }
0x3e: {  	v0 =	vlaneseq.u32;
	s23 =	simm.s32 $0xD;
	s8 =	simm.s32 $0x0;
	[smem:$0x7FD] =	sst s31  }
0x3f: {  	v1 =	vimm.f32 $0.0e+00;
	vm0 =	vmmov $0xffff;
	v2 =	vor.u32 $0x80000000, v0;
	s24 =	simm.s32 $0xE;
	s25 =	simm.s32 $0xD900;
	s26 =	simm.s32 $0x2  }
.LBB2_6:
0x40: {  	_ =	sdelay $0x3  }
0x41: {  	[hbm4b:s2+s3] =	stream.indirect_vreg.scatter [tilespmem:s25], [sflag:$0x2], $0x40, v3, vm0, $0xb8;
	[tilespmem:$0xF610] =	vst v63  }
0x42: {  	_ =	swait.ge [sflag:s26], $0x400  }
0x43: {  	[sflag:s26] =	ssyncset.done $0x0  }
0x44: {  	s8 =	sld [smem:$0x7E6];
	[sflag:s26] =	ssyncadd.s32 $0xFFFFFC00  }
.LBB2_7:
0x45: {  	s1 =	sld [smem:$0x7FC];
	_ =	sdelay $0x1  }
0x46: {  	s8 =	sadd.s32 $0x1, s8  }
0x47: {  	p0 =	sne.s32 s8, s1  }
.Ltmp1:
0x48: {  	_ = 	snop;
	(pc) =	sbr.rel @!p0 .LBB2_8-.Ltmp1, $1  }
0x49: {  	_ =	sdelay $0x3  }
.LBB2_1:
0x4a: {  	[smem:$0x7E6] =	sst s8  }
0x4b: {  	s1 =	rddreg [dreg:$0x3];
	s6 =	simm.s32 $0x1  }
0x4c: {  	[tilespmem:s3], [sflag:$0x1] =	stream.linear.gather [hbm4b:s1+s3], $0x1900, $0x38;
	[tilespmem:$0xF610] =	vst v63  }
0x4d: {  	_ =	swait.ge [sflag:s6], $0x1900  }
0x4e: {  	[sflag:s6] =	ssyncset.done $0x0  }
0x4f: {  	[sflag:s6] =	ssyncadd.s32 $0xFFFFE700  }
0x50: {  	[tilespmem:$0xD900] =	vst v1  }
0x51: {  	[tilespmem:$0xD910] =	vst v1  }
0x52: {  	[tilespmem:$0xD920] =	vst v1  }
0x53: {  	[tilespmem:$0xD930] =	vst v1  }
0x54: {  	[tilespmem:$0xD940] =	vst v1  }
0x55: {  	[tilespmem:$0xD950] =	vst v1  }
0x56: {  	[tilespmem:$0xD960] =	vst v1  }
0x57: {  	[tilespmem:$0xD970] =	vst v1  }
0x58: {  	[tilespmem:$0xD980] =	vst v1  }
0x59: {  	[tilespmem:$0xD990] =	vst v1  }
0x5a: {  	[tilespmem:$0xD9A0] =	vst v1  }
0x5b: {  	[tilespmem:$0xD9B0] =	vst v1  }
0x5c: {  	[tilespmem:$0xD9C0] =	vst v1  }
0x5d: {  	[tilespmem:$0xD9D0] =	vst v1  }
0x5e: {  	[tilespmem:$0xD9E0] =	vst v1  }
0x5f: {  	[tilespmem:$0xD9F0] =	vst v1  }
0x60: {  	[tilespmem:$0xDA00] =	vst v1  }
0x61: {  	[tilespmem:$0xDA10] =	vst v1  }
0x62: {  	[tilespmem:$0xDA20] =	vst v1  }
0x63: {  	[tilespmem:$0xDA30] =	vst v1  }
0x64: {  	[tilespmem:$0xDA40] =	vst v1  }
0x65: {  	[tilespmem:$0xDA50] =	vst v1  }
0x66: {  	[tilespmem:$0xDA60] =	vst v1  }
0x67: {  	[tilespmem:$0xDA70] =	vst v1  }
0x68: {  	[tilespmem:$0xDA80] =	vst v1  }
0x69: {  	[tilespmem:$0xDA90] =	vst v1  }
0x6a: {  	[tilespmem:$0xDAA0] =	vst v1  }
0x6b: {  	[tilespmem:$0xDAB0] =	vst v1  }
0x6c: {  	[tilespmem:$0xDAC0] =	vst v1  }
0x6d: {  	[tilespmem:$0xDAD0] =	vst v1  }
0x6e: {  	[tilespmem:$0xDAE0] =	vst v1  }
0x6f: {  	[tilespmem:$0xDAF0] =	vst v1  }
0x70: {  	[tilespmem:$0xDB00] =	vst v1  }
0x71: {  	[tilespmem:$0xDB10] =	vst v1  }
0x72: {  	[tilespmem:$0xDB20] =	vst v1  }
0x73: {  	[tilespmem:$0xDB30] =	vst v1  }
0x74: {  	[tilespmem:$0xDB40] =	vst v1  }
0x75: {  	[tilespmem:$0xDB50] =	vst v1  }
0x76: {  	[tilespmem:$0xDB60] =	vst v1  }
0x77: {  	[tilespmem:$0xDB70] =	vst v1  }
0x78: {  	[tilespmem:$0xDB80] =	vst v1  }
0x79: {  	[tilespmem:$0xDB90] =	vst v1  }
0x7a: {  	[tilespmem:$0xDBA0] =	vst v1  }
0x7b: {  	[tilespmem:$0xDBB0] =	vst v1  }
0x7c: {  	[tilespmem:$0xDBC0] =	vst v1  }
0x7d: {  	[tilespmem:$0xDBD0] =	vst v1  }
0x7e: {  	[tilespmem:$0xDBE0] =	vst v1  }
0x7f: {  	[tilespmem:$0xDBF0] =	vst v1  }
0x80: {  	[tilespmem:$0xDC00] =	vst v1  }
0x81: {  	[tilespmem:$0xDC10] =	vst v1  }
0x82: {  	[tilespmem:$0xDC20] =	vst v1  }
0x83: {  	[tilespmem:$0xDC30] =	vst v1  }
0x84: {  	[tilespmem:$0xDC40] =	vst v1  }
0x85: {  	[tilespmem:$0xDC50] =	vst v1  }
0x86: {  	[tilespmem:$0xDC60] =	vst v1  }
0x87: {  	[tilespmem:$0xDC70] =	vst v1  }
0x88: {  	[tilespmem:$0xDC80] =	vst v1  }
0x89: {  	[tilespmem:$0xDC90] =	vst v1  }
0x8a: {  	[tilespmem:$0xDCA0] =	vst v1  }
0x8b: {  	[tilespmem:$0xDCB0] =	vst v1  }
0x8c: {  	[tilespmem:$0xDCC0] =	vst v1  }
0x8d: {  	[tilespmem:$0xDCD0] =	vst v1  }
0x8e: {  	[tilespmem:$0xDCE0] =	vst v1  }
0x8f: {  	[tilespmem:$0xDCF0] =	vst v1  }
0x90: {  	[tilespmem:s5], [sflag:$0x3] =	stream.indirect.gather [hbm4b:s4+s0], $0x40, s3, s0, $0xb8;
	[tilespmem:$0xF610] =	vst v63  }
0x91: {  	_ = 	snop  }
0x92: {  	[tilespmem:s7], [sflag:$0x4] =	stream.indirect.gather [hbm4b:s4+s0], $0x40, s0, s0, $0xb8;
	[tilespmem:$0xF610] =	vst v63  }
0x93: {  	s8 =	simm.s32 $0x100;
	s6 =	simm.s32 $0x5900  }
0x94: {  	[tilespmem:s6], [sflag:$0x5] =	stream.indirect.gather [hbm4b:s4+s0], $0x40, s8, s0, $0xb8;
	[tilespmem:$0xF610] =	vst v63  }
0x95: {  	s9 =	simm.s32 $0x180;
	s8 =	simm.s32 $0x7900  }
0x96: {  	[tilespmem:s8], [sflag:$0x6] =	stream.indirect.gather [hbm4b:s4+s0], $0x40, s9, s0, $0xb8;
	[tilespmem:$0xF610] =	vst v63  }
0x97: {  	_ =	swait.ge [sflag:s10], $0x2000  }
0x98: {  	[sflag:s10] =	ssyncset.done $0x0  }
0x99: {  	s9 =	rddreg [dreg:$0x4];
	[sflag:s10] =	ssyncadd.s32 $0xFFFFE000  }
0x9a: {  	[hbm4b:s9+s3] =	stream.linear.scatter [tilespmem:s5], [sflag:$0x9], $0x2000, $0x38;
	[tilespmem:$0xF610] =	vst v63  }
0x9b: {  	s9 =	simm.s32 $0x200  }
0x9c: {  	[tilespmem:s11], [sflag:$0x7] =	stream.indirect.gather [hbm4b:s4+s0], $0x40, s9, s0, $0xb8;
	[tilespmem:$0xF610] =	vst v63  }
0x9d: {  	_ =	swait.ge [sflag:s12], $0x2000  }
0x9e: {  	s9 =	sld [smem:$0x7FD]  }
0x9f: {  	[sflag:s12] =	ssyncset.done $0x0  }
0xa0: {  	[sflag:s12] =	ssyncadd.s32 $0xFFFFE000  }
0xa1: {  	[hbm4b:s9+s3] =	stream.linear.scatter [tilespmem:s7], [sflag:$0xA], $0x2000, $0x38;
	[tilespmem:$0xF610] =	vst v63  }
0xa2: {  	s9 =	simm.s32 $0x280  }
0xa3: {  	[tilespmem:s13], [sflag:$0x8] =	stream.indirect.gather [hbm4b:s4+s0], $0x40, s9, s0, $0xb8;
	[tilespmem:$0xF610] =	vst v63  }
0xa4: {  	_ =	swait.ge [sflag:s14], $0x2000  }
0xa5: {  	[sflag:s14] =	ssyncset.done $0x0  }
0xa6: {  	s9 =	rddreg [dreg:$0x5];
	[sflag:s14] =	ssyncadd.s32 $0xFFFFE000  }
0xa7: {  	[hbm4b:s9+s3] =	stream.linear.scatter [tilespmem:s6], [sflag:$0xB], $0x2000, $0x38;
	[tilespmem:$0xF610] =	vst v63  }
0xa8: {  	_ =	swait.ge [sflag:s15], $0x2000  }
0xa9: {  	[sflag:s15] =	ssyncset.done $0x0  }
0xaa: {  	s9 =	simm.s32 $0x300;
	[sflag:s15] =	ssyncadd.s32 $0xFFFFE000  }
0xab: {  	[tilespmem:s5], [sflag:$0x3] =	stream.indirect.gather [hbm4b:s4+s0], $0x40, s9, s0, $0xb8;
	[tilespmem:$0xF610] =	vst v63  }
0xac: {  	_ =	swait.ge [sflag:s16], $0x2000  }
0xad: {  	[sflag:s16] =	ssyncset.done $0x0  }
0xae: {  	s9 =	rddreg [dreg:$0x6];
	[sflag:s16] =	ssyncadd.s32 $0xFFFFE000  }
0xaf: {  	[hbm4b:s9+s3] =	stream.linear.scatter [tilespmem:s8], [sflag:$0xC], $0x2000, $0x38;
	[tilespmem:$0xF610] =	vst v63  }
0xb0: {  	_ =	swait.ge [sflag:s17], $0x2000  }
0xb1: {  	[sflag:s17] =	ssyncset.done $0x0  }
0xb2: {  	s9 =	simm.s32 $0x380;
	[sflag:s17] =	ssyncadd.s32 $0xFFFFE000  }
0xb3: {  	[tilespmem:s7], [sflag:$0x4] =	stream.indirect.gather [hbm4b:s4+s0], $0x40, s9, s0, $0xb8;
	[tilespmem:$0xF610] =	vst v63  }
0xb4: {  	_ =	swait.ge [sflag:s18], $0x2000  }
0xb5: {  	[sflag:s18] =	ssyncset.done $0x0  }
0xb6: {  	s9 =	rddreg [dreg:$0x7];
	[sflag:s18] =	ssyncadd.s32 $0xFFFFE000  }
0xb7: {  	[hbm4b:s9+s3] =	stream.linear.scatter [tilespmem:s11], [sflag:$0xD], $0x2000, $0x38;
	[tilespmem:$0xF610] =	vst v63  }
0xb8: {  	_ =	swait.ge [sflag:s19], $0x2000  }
0xb9: {  	[sflag:s19] =	ssyncset.done $0x0  }
0xba: {  	s9 =	simm.s32 $0x400;
	[sflag:s19] =	ssyncadd.s32 $0xFFFFE000  }
0xbb: {  	[tilespmem:s6], [sflag:$0x5] =	stream.indirect.gather [hbm4b:s4+s0], $0x40, s9, s0, $0xb8;
	[tilespmem:$0xF610] =	vst v63  }
0xbc: {  	_ =	swait.ge [sflag:s20], $0x2000  }
0xbd: {  	[sflag:s20] =	ssyncset.done $0x0  }
0xbe: {  	s9 =	rddreg [dreg:$0x8];
	[sflag:s20] =	ssyncadd.s32 $0xFFFFE000  }
0xbf: {  	[hbm4b:s9+s3] =	stream.linear.scatter [tilespmem:s13], [sflag:$0xE], $0x2000, $0x38;
	[tilespmem:$0xF610] =	vst v63  }
0xc0: {  	_ =	swait.ge [sflag:s21], $0x2000  }
0xc1: {  	[sflag:s21] =	ssyncset.done $0x0  }
0xc2: {  	s9 =	simm.s32 $0x480;
	[sflag:s21] =	ssyncadd.s32 $0xFFFFE000  }
0xc3: {  	[tilespmem:s8], [sflag:$0x6] =	stream.indirect.gather [hbm4b:s4+s0], $0x40, s9, s0, $0xb8;
	[tilespmem:$0xF610] =	vst v63  }
0xc4: {  	_ =	swait.ge [sflag:s10], $0x2000  }
0xc5: {  	[sflag:s10] =	ssyncset.done $0x0  }
0xc6: {  	s9 =	rddreg [dreg:$0x9];
	[sflag:s10] =	ssyncadd.s32 $0xFFFFE000  }
0xc7: {  	[hbm4b:s9+s3] =	stream.linear.scatter [tilespmem:s5], [sflag:$0x9], $0x2000, $0x38;
	[tilespmem:$0xF610] =	vst v63  }
0xc8: {  	_ =	swait.ge [sflag:s23], $0x2000  }
0xc9: {  	[sflag:s23] =	ssyncset.done $0x0  }
0xca: {  	s9 =	simm.s32 $0x500;
	[sflag:s23] =	ssyncadd.s32 $0xFFFFE000  }
0xcb: {  	[tilespmem:s11], [sflag:$0x7] =	stream.indirect.gather [hbm4b:s4+s0], $0x40, s9, s0, $0xb8;
	[tilespmem:$0xF610] =	vst v63  }
0xcc: {  	_ =	swait.ge [sflag:s12], $0x2000  }
0xcd: {  	[sflag:s12] =	ssyncset.done $0x0  }
0xce: {  	s9 =	rddreg [dreg:$0xa];
	[sflag:s12] =	ssyncadd.s32 $0xFFFFE000  }
0xcf: {  	[hbm4b:s9+s3] =	stream.linear.scatter [tilespmem:s7], [sflag:$0xA], $0x2000, $0x38;
	[tilespmem:$0xF610] =	vst v63  }
0xd0: {  	_ =	swait.ge [sflag:s24], $0x2000  }
0xd1: {  	[sflag:s24] =	ssyncset.done $0x0  }
0xd2: {  	s9 =	simm.s32 $0x580;
	[sflag:s24] =	ssyncadd.s32 $0xFFFFE000  }
0xd3: {  	[tilespmem:s13], [sflag:$0x8] =	stream.indirect.gather [hbm4b:s4+s0], $0x40, s9, s0, $0xb8;
	[tilespmem:$0xF610] =	vst v63  }
0xd4: {  	_ =	swait.ge [sflag:s14], $0x2000  }
0xd5: {  	[sflag:s14] =	ssyncset.done $0x0  }
0xd6: {  	s9 =	rddreg [dreg:$0xb];
	[sflag:s14] =	ssyncadd.s32 $0xFFFFE000  }
0xd7: {  	[hbm4b:s9+s3] =	stream.linear.scatter [tilespmem:s6], [sflag:$0xB], $0x2000, $0x38;
	[tilespmem:$0xF610] =	vst v63  }
0xd8: {  	_ =	swait.ge [sflag:s15], $0x2000  }
0xd9: {  	[sflag:s15] =	ssyncset.done $0x0  }
0xda: {  	s9 =	simm.s32 $0x600;
	[sflag:s15] =	ssyncadd.s32 $0xFFFFE000  }
0xdb: {  	[tilespmem:s5], [sflag:$0x3] =	stream.indirect.gather [hbm4b:s4+s0], $0x40, s9, s0, $0xb8;
	[tilespmem:$0xF610] =	vst v63  }
0xdc: {  	_ =	swait.ge [sflag:s16], $0x2000  }
0xdd: {  	[sflag:s16] =	ssyncset.done $0x0  }
0xde: {  	s9 =	rddreg [dreg:$0xc];
	[sflag:s16] =	ssyncadd.s32 $0xFFFFE000  }
0xdf: {  	[hbm4b:s9+s3] =	stream.linear.scatter [tilespmem:s8], [sflag:$0xC], $0x2000, $0x38;
	[tilespmem:$0xF610] =	vst v63  }
0xe0: {  	_ =	swait.ge [sflag:s17], $0x2000  }
0xe1: {  	[sflag:s17] =	ssyncset.done $0x0  }
0xe2: {  	s9 =	simm.s32 $0x680;
	[sflag:s17] =	ssyncadd.s32 $0xFFFFE000  }
0xe3: {  	[tilespmem:s7], [sflag:$0x4] =	stream.indirect.gather [hbm4b:s4+s0], $0x40, s9, s0, $0xb8;
	[tilespmem:$0xF610] =	vst v63  }
0xe4: {  	_ =	swait.ge [sflag:s18], $0x2000  }
0xe5: {  	[sflag:s18] =	ssyncset.done $0x0  }
0xe6: {  	s9 =	rddreg [dreg:$0xd];
	[sflag:s18] =	ssyncadd.s32 $0xFFFFE000  }
0xe7: {  	[hbm4b:s9+s3] =	stream.linear.scatter [tilespmem:s11], [sflag:$0xD], $0x2000, $0x38;
	[tilespmem:$0xF610] =	vst v63  }
0xe8: {  	_ =	swait.ge [sflag:s19], $0x2000  }
0xe9: {  	[sflag:s19] =	ssyncset.done $0x0  }
0xea: {  	s9 =	simm.s32 $0x700;
	[sflag:s19] =	ssyncadd.s32 $0xFFFFE000  }
0xeb: {  	[tilespmem:s6], [sflag:$0x5] =	stream.indirect.gather [hbm4b:s4+s0], $0x40, s9, s0, $0xb8;
	[tilespmem:$0xF610] =	vst v63  }
0xec: {  	_ =	swait.ge [sflag:s20], $0x2000  }
0xed: {  	[sflag:s20] =	ssyncset.done $0x0  }
0xee: {  	s9 =	rddreg [dreg:$0xe];
	[sflag:s20] =	ssyncadd.s32 $0xFFFFE000  }
0xef: {  	[hbm4b:s9+s3] =	stream.linear.scatter [tilespmem:s13], [sflag:$0xE], $0x2000, $0x38;
	[tilespmem:$0xF610] =	vst v63  }
0xf0: {  	_ =	swait.ge [sflag:s21], $0x2000  }
0xf1: {  	[sflag:s21] =	ssyncset.done $0x0  }
0xf2: {  	s9 =	simm.s32 $0x780;
	[sflag:s21] =	ssyncadd.s32 $0xFFFFE000  }
0xf3: {  	[tilespmem:s8], [sflag:$0x6] =	stream.indirect.gather [hbm4b:s4+s0], $0x40, s9, s0, $0xb8;
	[tilespmem:$0xF610] =	vst v63  }
0xf4: {  	_ =	swait.ge [sflag:s10], $0x2000  }
0xf5: {  	[sflag:s10] =	ssyncset.done $0x0  }
0xf6: {  	s9 =	rddreg [dreg:$0xf];
	[sflag:s10] =	ssyncadd.s32 $0xFFFFE000  }
0xf7: {  	[hbm4b:s9+s3] =	stream.linear.scatter [tilespmem:s5], [sflag:$0x9], $0x2000, $0x38;
	[tilespmem:$0xF610] =	vst v63  }
0xf8: {  	_ =	swait.ge [sflag:s23], $0x2000  }
0xf9: {  	[sflag:s23] =	ssyncset.done $0x0  }
0xfa: {  	s9 =	simm.s32 $0x800;
	[sflag:s23] =	ssyncadd.s32 $0xFFFFE000  }
0xfb: {  	[tilespmem:s11], [sflag:$0x7] =	stream.indirect.gather [hbm4b:s4+s0], $0x40, s9, s0, $0xb8;
	[tilespmem:$0xF610] =	vst v63  }
0xfc: {  	_ =	swait.ge [sflag:s12], $0x2000  }
0xfd: {  	[sflag:s12] =	ssyncset.done $0x0  }
0xfe: {  	s9 =	rddreg [dreg:$0x10];
	[sflag:s12] =	ssyncadd.s32 $0xFFFFE000  }
0xff: {  	[hbm4b:s9+s3] =	stream.linear.scatter [tilespmem:s7], [sflag:$0xA], $0x2000, $0x38;
	[tilespmem:$0xF610] =	vst v63  }
0x100: {  	_ =	swait.ge [sflag:s24], $0x2000  }
0x101: {  	[sflag:s24] =	ssyncset.done $0x0  }
0x102: {  	s9 =	simm.s32 $0x880;
	[sflag:s24] =	ssyncadd.s32 $0xFFFFE000  }
0x103: {  	[tilespmem:s13], [sflag:$0x8] =	stream.indirect.gather [hbm4b:s4+s0], $0x40, s9, s0, $0xb8;
	[tilespmem:$0xF610] =	vst v63  }
0x104: {  	_ =	swait.ge [sflag:s14], $0x2000  }
0x105: {  	[sflag:s14] =	ssyncset.done $0x0  }
0x106: {  	s9 =	rddreg [dreg:$0x11];
	[sflag:s14] =	ssyncadd.s32 $0xFFFFE000  }
0x107: {  	[hbm4b:s9+s3] =	stream.linear.scatter [tilespmem:s6], [sflag:$0xB], $0x2000, $0x38;
	[tilespmem:$0xF610] =	vst v63  }
0x108: {  	_ =	swait.ge [sflag:s15], $0x2000  }
0x109: {  	[sflag:s15] =	ssyncset.done $0x0  }
0x10a: {  	s9 =	simm.s32 $0x900;
	[sflag:s15] =	ssyncadd.s32 $0xFFFFE000  }
0x10b: {  	[tilespmem:s5], [sflag:$0x3] =	stream.indirect.gather [hbm4b:s4+s0], $0x40, s9, s0, $0xb8;
	[tilespmem:$0xF610] =	vst v63  }
0x10c: {  	_ =	swait.ge [sflag:s16], $0x2000  }
0x10d: {  	[sflag:s16] =	ssyncset.done $0x0  }
0x10e: {  	s9 =	rddreg [dreg:$0x12];
	[sflag:s16] =	ssyncadd.s32 $0xFFFFE000  }
0x10f: {  	[hbm4b:s9+s3] =	stream.linear.scatter [tilespmem:s8], [sflag:$0xC], $0x2000, $0x38;
	[tilespmem:$0xF610] =	vst v63  }
0x110: {  	_ =	swait.ge [sflag:s17], $0x2000  }
0x111: {  	[sflag:s17] =	ssyncset.done $0x0  }
0x112: {  	s9 =	simm.s32 $0x980;
	[sflag:s17] =	ssyncadd.s32 $0xFFFFE000  }
0x113: {  	[tilespmem:s7], [sflag:$0x4] =	stream.indirect.gather [hbm4b:s4+s0], $0x40, s9, s0, $0xb8;
	[tilespmem:$0xF610] =	vst v63  }
0x114: {  	_ =	swait.ge [sflag:s18], $0x2000  }
0x115: {  	[sflag:s18] =	ssyncset.done $0x0  }
0x116: {  	s9 =	rddreg [dreg:$0x13];
	[sflag:s18] =	ssyncadd.s32 $0xFFFFE000  }
0x117: {  	[hbm4b:s9+s3] =	stream.linear.scatter [tilespmem:s11], [sflag:$0xD], $0x2000, $0x38;
	[tilespmem:$0xF610] =	vst v63  }
0x118: {  	_ =	swait.ge [sflag:s19], $0x2000  }
0x119: {  	[sflag:s19] =	ssyncset.done $0x0  }
0x11a: {  	s9 =	simm.s32 $0xA00;
	[sflag:s19] =	ssyncadd.s32 $0xFFFFE000  }
0x11b: {  	[tilespmem:s6], [sflag:$0x5] =	stream.indirect.gather [hbm4b:s4+s0], $0x40, s9, s0, $0xb8;
	[tilespmem:$0xF610] =	vst v63  }
0x11c: {  	_ =	swait.ge [sflag:s20], $0x2000  }
0x11d: {  	[sflag:s20] =	ssyncset.done $0x0  }
0x11e: {  	s9 =	rddreg [dreg:$0x14];
	[sflag:s20] =	ssyncadd.s32 $0xFFFFE000  }
0x11f: {  	[hbm4b:s9+s3] =	stream.linear.scatter [tilespmem:s13], [sflag:$0xE], $0x2000, $0x38;
	[tilespmem:$0xF610] =	vst v63  }
0x120: {  	_ =	swait.ge [sflag:s21], $0x2000  }
0x121: {  	[sflag:s21] =	ssyncset.done $0x0  }
0x122: {  	s9 =	simm.s32 $0xA80;
	[sflag:s21] =	ssyncadd.s32 $0xFFFFE000  }
0x123: {  	[tilespmem:s8], [sflag:$0x6] =	stream.indirect.gather [hbm4b:s4+s0], $0x40, s9, s0, $0xb8;
	[tilespmem:$0xF610] =	vst v63  }
0x124: {  	_ =	swait.ge [sflag:s10], $0x2000  }
0x125: {  	[sflag:s10] =	ssyncset.done $0x0  }
0x126: {  	s9 =	rddreg [dreg:$0x15];
	[sflag:s10] =	ssyncadd.s32 $0xFFFFE000  }
0x127: {  	[hbm4b:s9+s3] =	stream.linear.scatter [tilespmem:s5], [sflag:$0x9], $0x2000, $0x38;
	[tilespmem:$0xF610] =	vst v63  }
0x128: {  	_ =	swait.ge [sflag:s23], $0x2000  }
0x129: {  	[sflag:s23] =	ssyncset.done $0x0  }
0x12a: {  	s9 =	simm.s32 $0xB00;
	[sflag:s23] =	ssyncadd.s32 $0xFFFFE000  }
0x12b: {  	[tilespmem:s11], [sflag:$0x7] =	stream.indirect.gather [hbm4b:s4+s0], $0x40, s9, s0, $0xb8;
	[tilespmem:$0xF610] =	vst v63  }
0x12c: {  	_ =	swait.ge [sflag:s12], $0x2000  }
0x12d: {  	[sflag:s12] =	ssyncset.done $0x0  }
0x12e: {  	s9 =	rddreg [dreg:$0x16];
	[sflag:s12] =	ssyncadd.s32 $0xFFFFE000  }
0x12f: {  	[hbm4b:s9+s3] =	stream.linear.scatter [tilespmem:s7], [sflag:$0xA], $0x2000, $0x38;
	[tilespmem:$0xF610] =	vst v63  }
0x130: {  	_ =	swait.ge [sflag:s24], $0x2000  }
0x131: {  	[sflag:s24] =	ssyncset.done $0x0  }
0x132: {  	s9 =	simm.s32 $0xB80;
	[sflag:s24] =	ssyncadd.s32 $0xFFFFE000  }
0x133: {  	[tilespmem:s13], [sflag:$0x8] =	stream.indirect.gather [hbm4b:s4+s0], $0x40, s9, s0, $0xb8;
	[tilespmem:$0xF610] =	vst v63  }
0x134: {  	_ =	swait.ge [sflag:s14], $0x2000  }
0x135: {  	[sflag:s14] =	ssyncset.done $0x0  }
0x136: {  	s9 =	rddreg [dreg:$0x17];
	[sflag:s14] =	ssyncadd.s32 $0xFFFFE000  }
0x137: {  	[hbm4b:s9+s3] =	stream.linear.scatter [tilespmem:s6], [sflag:$0xB], $0x2000, $0x38;
	[tilespmem:$0xF610] =	vst v63  }
0x138: {  	_ =	swait.ge [sflag:s15], $0x2000  }
0x139: {  	[sflag:s15] =	ssyncset.done $0x0  }
0x13a: {  	s9 =	simm.s32 $0xC00;
	[sflag:s15] =	ssyncadd.s32 $0xFFFFE000  }
0x13b: {  	[tilespmem:s5], [sflag:$0x3] =	stream.indirect.gather [hbm4b:s4+s0], $0x40, s9, s0, $0xb8;
	[tilespmem:$0xF610] =	vst v63  }
0x13c: {  	_ =	swait.ge [sflag:s16], $0x2000  }
0x13d: {  	[sflag:s16] =	ssyncset.done $0x0  }
0x13e: {  	s9 =	rddreg [dreg:$0x18];
	[sflag:s16] =	ssyncadd.s32 $0xFFFFE000  }
0x13f: {  	[hbm4b:s9+s3] =	stream.linear.scatter [tilespmem:s8], [sflag:$0xC], $0x2000, $0x38;
	[tilespmem:$0xF610] =	vst v63  }
0x140: {  	_ =	swait.ge [sflag:s17], $0x2000  }
0x141: {  	[sflag:s17] =	ssyncset.done $0x0  }
0x142: {  	s9 =	simm.s32 $0xC80;
	[sflag:s17] =	ssyncadd.s32 $0xFFFFE000  }
0x143: {  	[tilespmem:s7], [sflag:$0x4] =	stream.indirect.gather [hbm4b:s4+s0], $0x40, s9, s0, $0xb8;
	[tilespmem:$0xF610] =	vst v63  }
0x144: {  	_ =	swait.ge [sflag:s18], $0x2000  }
0x145: {  	[sflag:s18] =	ssyncset.done $0x0  }
0x146: {  	s9 =	rddreg [dreg:$0x19];
	[sflag:s18] =	ssyncadd.s32 $0xFFFFE000  }
0x147: {  	[hbm4b:s9+s3] =	stream.linear.scatter [tilespmem:s11], [sflag:$0xD], $0x2000, $0x38;
	[tilespmem:$0xF610] =	vst v63  }
0x148: {  	_ =	swait.ge [sflag:s19], $0x2000  }
0x149: {  	[sflag:s19] =	ssyncset.done $0x0  }
0x14a: {  	s9 =	simm.s32 $0xD00;
	[sflag:s19] =	ssyncadd.s32 $0xFFFFE000  }
0x14b: {  	[tilespmem:s6], [sflag:$0x5] =	stream.indirect.gather [hbm4b:s4+s0], $0x40, s9, s0, $0xb8;
	[tilespmem:$0xF610] =	vst v63  }
0x14c: {  	_ =	swait.ge [sflag:s20], $0x2000  }
0x14d: {  	[sflag:s20] =	ssyncset.done $0x0  }
0x14e: {  	s9 =	rddreg [dreg:$0x1a];
	[sflag:s20] =	ssyncadd.s32 $0xFFFFE000  }
0x14f: {  	[hbm4b:s9+s3] =	stream.linear.scatter [tilespmem:s13], [sflag:$0xE], $0x2000, $0x38;
	[tilespmem:$0xF610] =	vst v63  }
0x150: {  	_ =	swait.ge [sflag:s21], $0x2000  }
0x151: {  	[sflag:s21] =	ssyncset.done $0x0  }
0x152: {  	s9 =	simm.s32 $0xD80;
	[sflag:s21] =	ssyncadd.s32 $0xFFFFE000  }
0x153: {  	[tilespmem:s8], [sflag:$0x6] =	stream.indirect.gather [hbm4b:s4+s0], $0x40, s9, s0, $0xb8;
	[tilespmem:$0xF610] =	vst v63  }
0x154: {  	_ =	swait.ge [sflag:s10], $0x2000  }
0x155: {  	[sflag:s10] =	ssyncset.done $0x0  }
0x156: {  	s9 =	rddreg [dreg:$0x1b];
	[sflag:s10] =	ssyncadd.s32 $0xFFFFE000  }
0x157: {  	[hbm4b:s9+s3] =	stream.linear.scatter [tilespmem:s5], [sflag:$0x9], $0x2000, $0x38;
	[tilespmem:$0xF610] =	vst v63  }
0x158: {  	_ =	swait.ge [sflag:s23], $0x2000  }
0x159: {  	[sflag:s23] =	ssyncset.done $0x0  }
0x15a: {  	s9 =	simm.s32 $0xE00;
	[sflag:s23] =	ssyncadd.s32 $0xFFFFE000  }
0x15b: {  	[tilespmem:s11], [sflag:$0x7] =	stream.indirect.gather [hbm4b:s4+s0], $0x40, s9, s0, $0xb8;
	[tilespmem:$0xF610] =	vst v63  }
0x15c: {  	_ =	swait.ge [sflag:s12], $0x2000  }
0x15d: {  	[sflag:s12] =	ssyncset.done $0x0  }
0x15e: {  	s9 =	rddreg [dreg:$0x1c];
	[sflag:s12] =	ssyncadd.s32 $0xFFFFE000  }
0x15f: {  	[hbm4b:s9+s3] =	stream.linear.scatter [tilespmem:s7], [sflag:$0xA], $0x2000, $0x38;
	[tilespmem:$0xF610] =	vst v63  }
0x160: {  	_ =	swait.ge [sflag:s24], $0x2000  }
0x161: {  	[sflag:s24] =	ssyncset.done $0x0  }
0x162: {  	s9 =	simm.s32 $0xE80;
	[sflag:s24] =	ssyncadd.s32 $0xFFFFE000  }
0x163: {  	[tilespmem:s13], [sflag:$0x8] =	stream.indirect.gather [hbm4b:s4+s0], $0x40, s9, s0, $0xb8;
	[tilespmem:$0xF610] =	vst v63  }
0x164: {  	_ =	swait.ge [sflag:s14], $0x2000  }
0x165: {  	[sflag:s14] =	ssyncset.done $0x0  }
0x166: {  	s9 =	rddreg [dreg:$0x1d];
	[sflag:s14] =	ssyncadd.s32 $0xFFFFE000  }
0x167: {  	[hbm4b:s9+s3] =	stream.linear.scatter [tilespmem:s6], [sflag:$0xB], $0x2000, $0x38;
	[tilespmem:$0xF610] =	vst v63  }
0x168: {  	_ =	swait.ge [sflag:s15], $0x2000  }
0x169: {  	[sflag:s15] =	ssyncset.done $0x0  }
0x16a: {  	s9 =	simm.s32 $0xF00;
	[sflag:s15] =	ssyncadd.s32 $0xFFFFE000  }
0x16b: {  	[tilespmem:s5], [sflag:$0x3] =	stream.indirect.gather [hbm4b:s4+s0], $0x40, s9, s0, $0xb8;
	[tilespmem:$0xF610] =	vst v63  }
0x16c: {  	_ =	swait.ge [sflag:s16], $0x2000  }
0x16d: {  	[sflag:s16] =	ssyncset.done $0x0  }
0x16e: {  	s9 =	rddreg [dreg:$0x1e];
	[sflag:s16] =	ssyncadd.s32 $0xFFFFE000  }
0x16f: {  	[hbm4b:s9+s3] =	stream.linear.scatter [tilespmem:s8], [sflag:$0xC], $0x2000, $0x38;
	[tilespmem:$0xF610] =	vst v63  }
0x170: {  	_ =	swait.ge [sflag:s17], $0x2000  }
0x171: {  	[sflag:s17] =	ssyncset.done $0x0  }
0x172: {  	s9 =	simm.s32 $0xF80;
	[sflag:s17] =	ssyncadd.s32 $0xFFFFE000  }
0x173: {  	[tilespmem:s7], [sflag:$0x4] =	stream.indirect.gather [hbm4b:s4+s0], $0x40, s9, s0, $0xb8;
	[tilespmem:$0xF610] =	vst v63  }
0x174: {  	_ =	swait.ge [sflag:s18], $0x2000  }
0x175: {  	[sflag:s18] =	ssyncset.done $0x0  }
0x176: {  	s9 =	rddreg [dreg:$0x1f];
	[sflag:s18] =	ssyncadd.s32 $0xFFFFE000  }
0x177: {  	[hbm4b:s9+s3] =	stream.linear.scatter [tilespmem:s11], [sflag:$0xD], $0x2000, $0x38;
	[tilespmem:$0xF610] =	vst v63  }
0x178: {  	_ =	swait.ge [sflag:s19], $0x2000  }
0x179: {  	[sflag:s19] =	ssyncset.done $0x0  }
0x17a: {  	s9 =	simm.s32 $0x1000;
	[sflag:s19] =	ssyncadd.s32 $0xFFFFE000  }
0x17b: {  	[tilespmem:s6], [sflag:$0x5] =	stream.indirect.gather [hbm4b:s4+s0], $0x40, s9, s0, $0xb8;
	[tilespmem:$0xF610] =	vst v63  }
0x17c: {  	_ =	swait.ge [sflag:s20], $0x2000  }
0x17d: {  	s9 =	sld [smem:$0x7E7]  }
0x17e: {  	[sflag:s20] =	ssyncset.done $0x0  }
0x17f: {  	[sflag:s20] =	ssyncadd.s32 $0xFFFFE000  }
0x180: {  	[hbm4b:s9+s3] =	stream.linear.scatter [tilespmem:s13], [sflag:$0xE], $0x2000, $0x38;
	[tilespmem:$0xF610] =	vst v63  }
0x181: {  	_ =	swait.ge [sflag:s21], $0x2000  }
0x182: {  	[sflag:s21] =	ssyncset.done $0x0  }
0x183: {  	s9 =	simm.s32 $0x1080;
	[sflag:s21] =	ssyncadd.s32 $0xFFFFE000  }
0x184: {  	[tilespmem:s8], [sflag:$0x6] =	stream.indirect.gather [hbm4b:s4+s0], $0x40, s9, s0, $0xb8;
	[tilespmem:$0xF610] =	vst v63  }
0x185: {  	_ =	swait.ge [sflag:s10], $0x2000  }
0x186: {  	s9 =	sld [smem:$0x7E8]  }
0x187: {  	[sflag:s10] =	ssyncset.done $0x0  }
0x188: {  	[sflag:s10] =	ssyncadd.s32 $0xFFFFE000  }
0x189: {  	[hbm4b:s9+s3] =	stream.linear.scatter [tilespmem:s5], [sflag:$0x9], $0x2000, $0x38;
	[tilespmem:$0xF610] =	vst v63  }
0x18a: {  	_ =	swait.ge [sflag:s23], $0x2000  }
0x18b: {  	[sflag:s23] =	ssyncset.done $0x0  }
0x18c: {  	s9 =	simm.s32 $0x1100;
	[sflag:s23] =	ssyncadd.s32 $0xFFFFE000  }
0x18d: {  	[tilespmem:s11], [sflag:$0x7] =	stream.indirect.gather [hbm4b:s4+s0], $0x40, s9, s0, $0xb8;
	[tilespmem:$0xF610] =	vst v63  }
0x18e: {  	_ =	swait.ge [sflag:s12], $0x2000  }
0x18f: {  	s9 =	sld [smem:$0x7E9]  }
0x190: {  	[sflag:s12] =	ssyncset.done $0x0  }
0x191: {  	[sflag:s12] =	ssyncadd.s32 $0xFFFFE000  }
0x192: {  	[hbm4b:s9+s3] =	stream.linear.scatter [tilespmem:s7], [sflag:$0xA], $0x2000, $0x38;
	[tilespmem:$0xF610] =	vst v63  }
0x193: {  	_ =	swait.ge [sflag:s24], $0x2000  }
0x194: {  	[sflag:s24] =	ssyncset.done $0x0  }
0x195: {  	s9 =	simm.s32 $0x1180;
	[sflag:s24] =	ssyncadd.s32 $0xFFFFE000  }
0x196: {  	[tilespmem:s13], [sflag:$0x8] =	stream.indirect.gather [hbm4b:s4+s0], $0x40, s9, s0, $0xb8;
	[tilespmem:$0xF610] =	vst v63  }
0x197: {  	_ =	swait.ge [sflag:s14], $0x2000  }
0x198: {  	s9 =	sld [smem:$0x7EA]  }
0x199: {  	[sflag:s14] =	ssyncset.done $0x0  }
0x19a: {  	[sflag:s14] =	ssyncadd.s32 $0xFFFFE000  }
0x19b: {  	[hbm4b:s9+s3] =	stream.linear.scatter [tilespmem:s6], [sflag:$0xB], $0x2000, $0x38;
	[tilespmem:$0xF610] =	vst v63  }
0x19c: {  	_ =	swait.ge [sflag:s15], $0x2000  }
0x19d: {  	[sflag:s15] =	ssyncset.done $0x0  }
0x19e: {  	s9 =	simm.s32 $0x1200;
	[sflag:s15] =	ssyncadd.s32 $0xFFFFE000  }
0x19f: {  	[tilespmem:s5], [sflag:$0x3] =	stream.indirect.gather [hbm4b:s4+s0], $0x40, s9, s0, $0xb8;
	[tilespmem:$0xF610] =	vst v63  }
0x1a0: {  	_ =	swait.ge [sflag:s16], $0x2000  }
0x1a1: {  	s9 =	sld [smem:$0x7EB]  }
0x1a2: {  	[sflag:s16] =	ssyncset.done $0x0  }
0x1a3: {  	[sflag:s16] =	ssyncadd.s32 $0xFFFFE000  }
0x1a4: {  	[hbm4b:s9+s3] =	stream.linear.scatter [tilespmem:s8], [sflag:$0xC], $0x2000, $0x38;
	[tilespmem:$0xF610] =	vst v63  }
0x1a5: {  	_ =	swait.ge [sflag:s17], $0x2000  }
0x1a6: {  	[sflag:s17] =	ssyncset.done $0x0  }
0x1a7: {  	s9 =	simm.s32 $0x1280;
	[sflag:s17] =	ssyncadd.s32 $0xFFFFE000  }
0x1a8: {  	[tilespmem:s7], [sflag:$0x4] =	stream.indirect.gather [hbm4b:s4+s0], $0x40, s9, s0, $0xb8;
	[tilespmem:$0xF610] =	vst v63  }
0x1a9: {  	_ =	swait.ge [sflag:s18], $0x2000  }
0x1aa: {  	s9 =	sld [smem:$0x7EC]  }
0x1ab: {  	[sflag:s18] =	ssyncset.done $0x0  }
0x1ac: {  	[sflag:s18] =	ssyncadd.s32 $0xFFFFE000  }
0x1ad: {  	[hbm4b:s9+s3] =	stream.linear.scatter [tilespmem:s11], [sflag:$0xD], $0x2000, $0x38;
	[tilespmem:$0xF610] =	vst v63  }
0x1ae: {  	_ =	swait.ge [sflag:s19], $0x2000  }
0x1af: {  	[sflag:s19] =	ssyncset.done $0x0  }
0x1b0: {  	s9 =	simm.s32 $0x1300;
	[sflag:s19] =	ssyncadd.s32 $0xFFFFE000  }
0x1b1: {  	[tilespmem:s6], [sflag:$0x5] =	stream.indirect.gather [hbm4b:s4+s0], $0x40, s9, s0, $0xb8;
	[tilespmem:$0xF610] =	vst v63  }
0x1b2: {  	_ =	swait.ge [sflag:s20], $0x2000  }
0x1b3: {  	s9 =	sld [smem:$0x7ED]  }
0x1b4: {  	[sflag:s20] =	ssyncset.done $0x0  }
0x1b5: {  	[sflag:s20] =	ssyncadd.s32 $0xFFFFE000  }
0x1b6: {  	[hbm4b:s9+s3] =	stream.linear.scatter [tilespmem:s13], [sflag:$0xE], $0x2000, $0x38;
	[tilespmem:$0xF610] =	vst v63  }
0x1b7: {  	_ =	swait.ge [sflag:s21], $0x2000  }
0x1b8: {  	[sflag:s21] =	ssyncset.done $0x0  }
0x1b9: {  	s9 =	simm.s32 $0x1380;
	[sflag:s21] =	ssyncadd.s32 $0xFFFFE000  }
0x1ba: {  	[tilespmem:s8], [sflag:$0x6] =	stream.indirect.gather [hbm4b:s4+s0], $0x40, s9, s0, $0xb8;
	[tilespmem:$0xF610] =	vst v63  }
0x1bb: {  	_ =	swait.ge [sflag:s10], $0x2000  }
0x1bc: {  	s9 =	sld [smem:$0x7EE]  }
0x1bd: {  	[sflag:s10] =	ssyncset.done $0x0  }
0x1be: {  	[sflag:s10] =	ssyncadd.s32 $0xFFFFE000  }
0x1bf: {  	[hbm4b:s9+s3] =	stream.linear.scatter [tilespmem:s5], [sflag:$0x9], $0x2000, $0x38;
	[tilespmem:$0xF610] =	vst v63  }
0x1c0: {  	_ =	swait.ge [sflag:s23], $0x2000  }
0x1c1: {  	[sflag:s23] =	ssyncset.done $0x0  }
0x1c2: {  	s9 =	simm.s32 $0x1400;
	[sflag:s23] =	ssyncadd.s32 $0xFFFFE000  }
0x1c3: {  	[tilespmem:s11], [sflag:$0x7] =	stream.indirect.gather [hbm4b:s4+s0], $0x40, s9, s0, $0xb8;
	[tilespmem:$0xF610] =	vst v63  }
0x1c4: {  	_ =	swait.ge [sflag:s12], $0x2000  }
0x1c5: {  	s9 =	sld [smem:$0x7EF]  }
0x1c6: {  	[sflag:s12] =	ssyncset.done $0x0  }
0x1c7: {  	[sflag:s12] =	ssyncadd.s32 $0xFFFFE000  }
0x1c8: {  	[hbm4b:s9+s3] =	stream.linear.scatter [tilespmem:s7], [sflag:$0xA], $0x2000, $0x38;
	[tilespmem:$0xF610] =	vst v63  }
0x1c9: {  	_ =	swait.ge [sflag:s24], $0x2000  }
0x1ca: {  	[sflag:s24] =	ssyncset.done $0x0  }
0x1cb: {  	s9 =	simm.s32 $0x1480;
	[sflag:s24] =	ssyncadd.s32 $0xFFFFE000  }
0x1cc: {  	[tilespmem:s13], [sflag:$0x8] =	stream.indirect.gather [hbm4b:s4+s0], $0x40, s9, s0, $0xb8;
	[tilespmem:$0xF610] =	vst v63  }
0x1cd: {  	_ =	swait.ge [sflag:s14], $0x2000  }
0x1ce: {  	s9 =	sld [smem:$0x7F0]  }
0x1cf: {  	[sflag:s14] =	ssyncset.done $0x0  }
0x1d0: {  	[sflag:s14] =	ssyncadd.s32 $0xFFFFE000  }
0x1d1: {  	[hbm4b:s9+s3] =	stream.linear.scatter [tilespmem:s6], [sflag:$0xB], $0x2000, $0x38;
	[tilespmem:$0xF610] =	vst v63  }
0x1d2: {  	_ =	swait.ge [sflag:s15], $0x2000  }
0x1d3: {  	[sflag:s15] =	ssyncset.done $0x0  }
0x1d4: {  	s9 =	simm.s32 $0x1500;
	[sflag:s15] =	ssyncadd.s32 $0xFFFFE000  }
0x1d5: {  	[tilespmem:s5], [sflag:$0x3] =	stream.indirect.gather [hbm4b:s4+s0], $0x40, s9, s0, $0xb8;
	[tilespmem:$0xF610] =	vst v63  }
0x1d6: {  	_ =	swait.ge [sflag:s16], $0x2000  }
0x1d7: {  	s9 =	sld [smem:$0x7F1]  }
0x1d8: {  	[sflag:s16] =	ssyncset.done $0x0  }
0x1d9: {  	[sflag:s16] =	ssyncadd.s32 $0xFFFFE000  }
0x1da: {  	[hbm4b:s9+s3] =	stream.linear.scatter [tilespmem:s8], [sflag:$0xC], $0x2000, $0x38;
	[tilespmem:$0xF610] =	vst v63  }
0x1db: {  	_ =	swait.ge [sflag:s17], $0x2000  }
0x1dc: {  	[sflag:s17] =	ssyncset.done $0x0  }
0x1dd: {  	s9 =	simm.s32 $0x1580;
	[sflag:s17] =	ssyncadd.s32 $0xFFFFE000  }
0x1de: {  	[tilespmem:s7], [sflag:$0x4] =	stream.indirect.gather [hbm4b:s4+s0], $0x40, s9, s0, $0xb8;
	[tilespmem:$0xF610] =	vst v63  }
0x1df: {  	_ =	swait.ge [sflag:s18], $0x2000  }
0x1e0: {  	s9 =	sld [smem:$0x7F2]  }
0x1e1: {  	[sflag:s18] =	ssyncset.done $0x0  }
0x1e2: {  	[sflag:s18] =	ssyncadd.s32 $0xFFFFE000  }
0x1e3: {  	[hbm4b:s9+s3] =	stream.linear.scatter [tilespmem:s11], [sflag:$0xD], $0x2000, $0x38;
	[tilespmem:$0xF610] =	vst v63  }
0x1e4: {  	_ =	swait.ge [sflag:s19], $0x2000  }
0x1e5: {  	[sflag:s19] =	ssyncset.done $0x0  }
0x1e6: {  	s9 =	simm.s32 $0x1600;
	[sflag:s19] =	ssyncadd.s32 $0xFFFFE000  }
0x1e7: {  	[tilespmem:s6], [sflag:$0x5] =	stream.indirect.gather [hbm4b:s4+s0], $0x40, s9, s0, $0xb8;
	[tilespmem:$0xF610] =	vst v63  }
0x1e8: {  	_ =	swait.ge [sflag:s20], $0x2000  }
0x1e9: {  	s9 =	sld [smem:$0x7F3]  }
0x1ea: {  	[sflag:s20] =	ssyncset.done $0x0  }
0x1eb: {  	[sflag:s20] =	ssyncadd.s32 $0xFFFFE000  }
0x1ec: {  	[hbm4b:s9+s3] =	stream.linear.scatter [tilespmem:s13], [sflag:$0xE], $0x2000, $0x38;
	[tilespmem:$0xF610] =	vst v63  }
0x1ed: {  	_ =	swait.ge [sflag:s21], $0x2000  }
0x1ee: {  	[sflag:s21] =	ssyncset.done $0x0  }
0x1ef: {  	s9 =	simm.s32 $0x1680;
	[sflag:s21] =	ssyncadd.s32 $0xFFFFE000  }
0x1f0: {  	[tilespmem:s8], [sflag:$0x6] =	stream.indirect.gather [hbm4b:s4+s0], $0x40, s9, s0, $0xb8;
	[tilespmem:$0xF610] =	vst v63  }
0x1f1: {  	_ =	swait.ge [sflag:s10], $0x2000  }
0x1f2: {  	s9 =	sld [smem:$0x7F4]  }
0x1f3: {  	[sflag:s10] =	ssyncset.done $0x0  }
0x1f4: {  	[sflag:s10] =	ssyncadd.s32 $0xFFFFE000  }
0x1f5: {  	[hbm4b:s9+s3] =	stream.linear.scatter [tilespmem:s5], [sflag:$0x9], $0x2000, $0x38;
	[tilespmem:$0xF610] =	vst v63  }
0x1f6: {  	_ =	swait.ge [sflag:s23], $0x2000  }
0x1f7: {  	[sflag:s23] =	ssyncset.done $0x0  }
0x1f8: {  	s9 =	simm.s32 $0x1700;
	[sflag:s23] =	ssyncadd.s32 $0xFFFFE000  }
0x1f9: {  	[tilespmem:s11], [sflag:$0x7] =	stream.indirect.gather [hbm4b:s4+s0], $0x40, s9, s0, $0xb8;
	[tilespmem:$0xF610] =	vst v63  }
0x1fa: {  	_ =	swait.ge [sflag:s12], $0x2000  }
0x1fb: {  	s9 =	sld [smem:$0x7F5]  }
0x1fc: {  	[sflag:s12] =	ssyncset.done $0x0  }
0x1fd: {  	[sflag:s12] =	ssyncadd.s32 $0xFFFFE000  }
0x1fe: {  	[hbm4b:s9+s3] =	stream.linear.scatter [tilespmem:s7], [sflag:$0xA], $0x2000, $0x38;
	[tilespmem:$0xF610] =	vst v63  }
0x1ff: {  	_ =	swait.ge [sflag:s24], $0x2000  }
0x200: {  	[sflag:s24] =	ssyncset.done $0x0  }
0x201: {  	s9 =	simm.s32 $0x1780;
	[sflag:s24] =	ssyncadd.s32 $0xFFFFE000  }
0x202: {  	[tilespmem:s13], [sflag:$0x8] =	stream.indirect.gather [hbm4b:s4+s0], $0x40, s9, s0, $0xb8;
	[tilespmem:$0xF610] =	vst v63  }
0x203: {  	_ =	swait.ge [sflag:s14], $0x2000  }
0x204: {  	s9 =	sld [smem:$0x7F6]  }
0x205: {  	[sflag:s14] =	ssyncset.done $0x0  }
0x206: {  	[sflag:s14] =	ssyncadd.s32 $0xFFFFE000  }
0x207: {  	[hbm4b:s9+s3] =	stream.linear.scatter [tilespmem:s6], [sflag:$0xB], $0x2000, $0x38;
	[tilespmem:$0xF610] =	vst v63  }
0x208: {  	_ =	swait.ge [sflag:s15], $0x2000  }
0x209: {  	[sflag:s15] =	ssyncset.done $0x0  }
0x20a: {  	s9 =	simm.s32 $0x1800;
	[sflag:s15] =	ssyncadd.s32 $0xFFFFE000  }
0x20b: {  	[tilespmem:s5], [sflag:$0x3] =	stream.indirect.gather [hbm4b:s4+s0], $0x40, s9, s0, $0xb8;
	[tilespmem:$0xF610] =	vst v63  }
0x20c: {  	_ =	swait.ge [sflag:s16], $0x2000  }
0x20d: {  	s6 =	sld [smem:$0x7F7]  }
0x20e: {  	[sflag:s16] =	ssyncset.done $0x0  }
0x20f: {  	[sflag:s16] =	ssyncadd.s32 $0xFFFFE000  }
0x210: {  	[hbm4b:s6+s3] =	stream.linear.scatter [tilespmem:s8], [sflag:$0xC], $0x2000, $0x38;
	[tilespmem:$0xF610] =	vst v63  }
0x211: {  	_ =	swait.ge [sflag:s17], $0x2000  }
0x212: {  	[sflag:s17] =	ssyncset.done $0x0  }
0x213: {  	s8 =	simm.s32 $0x1880;
	[sflag:s17] =	ssyncadd.s32 $0xFFFFE000  }
0x214: {  	[tilespmem:s7], [sflag:$0x4] =	stream.indirect.gather [hbm4b:s4+s0], $0x40, s8, s0, $0xb8;
	[tilespmem:$0xF610] =	vst v63  }
0x215: {  	_ =	swait.ge [sflag:s18], $0x2000  }
0x216: {  	s9 =	sld [smem:$0x7F8]  }
0x217: {  	[sflag:s18] =	ssyncset.done $0x0  }
0x218: {  	[sflag:s18] =	ssyncadd.s32 $0xFFFFE000  }
0x219: {  	[hbm4b:s9+s3] =	stream.linear.scatter [tilespmem:s11], [sflag:$0xD], $0x2000, $0x38;
	[tilespmem:$0xF610] =	vst v63  }
0x21a: {  	_ =	swait.ge [sflag:s20], $0x2000  }
0x21b: {  	s6 =	sld [smem:$0x7F9]  }
0x21c: {  	[sflag:s20] =	ssyncset.done $0x0  }
0x21d: {  	[sflag:s20] =	ssyncadd.s32 $0xFFFFE000  }
0x21e: {  	[hbm4b:s6+s3] =	stream.linear.scatter [tilespmem:s13], [sflag:$0xE], $0x2000, $0x38;
	[tilespmem:$0xF610] =	vst v63  }
0x21f: {  	_ =	swait.ge [sflag:s10], $0x2000  }
0x220: {  	s8 =	sld [smem:$0x7FA]  }
0x221: {  	[sflag:s10] =	ssyncset.done $0x0  }
0x222: {  	[sflag:s10] =	ssyncadd.s32 $0xFFFFE000  }
0x223: {  	[hbm4b:s8+s3] =	stream.linear.scatter [tilespmem:s5], [sflag:$0x9], $0x2000, $0x38;
	[tilespmem:$0xF610] =	vst v63  }
0x224: {  	_ =	swait.ge [sflag:s12], $0x2000  }
0x225: {  	s9 =	sld [smem:$0x7FB]  }
0x226: {  	[sflag:s12] =	ssyncset.done $0x0  }
0x227: {  	[sflag:s12] =	ssyncadd.s32 $0xFFFFE000  }
0x228: {  	[hbm4b:s9+s3] =	stream.linear.scatter [tilespmem:s7], [sflag:$0xA], $0x2000, $0x38;
	[tilespmem:$0xF610] =	vst v63  }
0x229: {  	_ =	swait.ge [sflag:s19], $0x2000  }
0x22a: {  	[sflag:s19] =	ssyncset.done $0x0  }
0x22b: {  	[sflag:s19] =	ssyncadd.s32 $0xFFFFE000  }
0x22c: {  	_ =	swait.ge [sflag:s21], $0x2000  }
0x22d: {  	[sflag:s21] =	ssyncset.done $0x0  }
0x22e: {  	[sflag:s21] =	ssyncadd.s32 $0xFFFFE000  }
0x22f: {  	_ =	swait.ge [sflag:s23], $0x2000  }
0x230: {  	[sflag:s23] =	ssyncset.done $0x0  }
0x231: {  	[sflag:s23] =	ssyncadd.s32 $0xFFFFE000  }
0x232: {  	_ =	swait.ge [sflag:s24], $0x2000  }
0x233: {  	[sflag:s24] =	ssyncset.done $0x0  }
0x234: {  	[sflag:s24] =	ssyncadd.s32 $0xFFFFE000  }
0x235: {  	_ =	swait.ge [sflag:s15], $0x2000  }
0x236: {  	[sflag:s15] =	ssyncset.done $0x0  }
0x237: {  	[sflag:s15] =	ssyncadd.s32 $0xFFFFE000  }
0x238: {  	s6 =	sand.u32 $0x7E00, s3;
	_ =	swait.ge [sflag:s17], $0x2000  }
0x239: {  	s1 =	sshrl.u32 s6, $0x2;
	s8 =	sand.u32 $0x70, s3;
	[sflag:s17] =	ssyncset.done $0x0  }
0x23a: {  	s1 =	sor.u32 s8, s1;
	[sflag:s17] =	ssyncadd.s32 $0xFFFFE000  }
0x23b: {  	v3 =	vld [tilespmem:s1+$0x0];
	_ =	sdelay $0x3  }
0x23c: {  	s9 =	sadd.s32 $0x0, s22  }
0x23d: {  	vm1 =	veq.s32 v3, $0x0;
	v3 =	vor.u32 s9, v2  }
0x23e: {  	v3 =	vnsel vm1, $0xC0000000, v3;
	v4 =	vmpcnt.ones.xlane vm1  }
0x23f: {  	(xrf0) =	vmin.scan.msk.u32 $0xffff, v3  }
0x240: {  	(v2sf) =	vpush v4, $0x0;
	_ =	sdelay $0x2  }
0x241: {  	s8 =	simm.s32 $0x40  }
0x242: {  	s6 =	simm.s32 $0x10;
	s28 =	sand.u32 $0x7E00, s8  }
0x243: {  	s28 =	sshrl.u32 s28, $0x2;
	v3 =	vor.u32 s9, v0;
	s9 =	sand.u32 $0x70, s6;
	v4, _, _ =	vpop (xrf0)  }
0x244: {  	[tilespmem:s3+$0xDD00] =	vst.msk vm1, v3;
	s1 =	sor.u32 s9, s28;
	(v2sf) =	vpush v4, $0xF  }
0x245: {  	v3 =	vld [tilespmem:s1+$0x0];
	_ =	sdelay $0x3  }
0x246: {  	s29 =	simm.s32 $0x40000000;
	s28 =	sadd.s32 $0x10, s22  }
0x247: {  	s31 =	simm.s32 $0xC0;
	s30 =	simm.s32 $0x0;
	s1 =	simm.s32 $0x80;
	vm2 =	veq.s32 v3, $0x0;
	v3 =	vor.u32 s28, v2  }
.LBB2_2:
0x248: {  	s8 =	smov.u32 s29  }
0x249: {  	p0 =	sne.s32 s31, $0x63C0;
	v3 =	vnsel vm2, $0xC0000000, v3;
	v4 =	vmpcnt.ones.xlane vm2  }
0x24a: {  	(xrf0) =	vmin.scan.msk.u32 $0xffff, v3;
	s29 =	spop (v2sf)  }
0x24b: {  	v3 =	vor.u32 s28, v0;
	(v2sf) =	vpush v4, $0x0;
	s30 =	sadd.s32 s30, s29  }
0x24c: {  	[tilespmem:s30+$0xDD00] =	vst.msk vm2, v3;
	_ =	sdelay $0x3  }
0x24d: {  	s1 =	sand.u32 $0x7E00, s1;
	s6 =	sadd.s32 $0x10, s6;
	v3, _, _ =	vpop (xrf0);
	s28 =	spop (v2sf)  }
0x24e: {  	s9 =	sand.u32 $0x70, s6;
	s1 =	sshrl.u32 s1, $0x2;
	(v2sf) =	vpush v3, $0xF;
	s29 =	sxor.u32 $0x80000000, s28  }
0x24f: {  	s9 =	sor.u32 s9, s1;
	s1 =	smov.u32 s31;
	p1 =	slt.s32 s8, s29  }
0x250: {  	v3 =	vld [tilespmem:s9+$0x0];
	s29 =	smov.u32 @p1 s8  }
.Ltmp2:
0x251: {  	(pc) =	sbr.rel @p0 .LBB2_2-.Ltmp2, $3  }
0x252: {  	_ =	sdelay $0x1  }
0x253: {  	s28 =	sadd.s32 s6, s22  }
0x254: {  	s31 =	sadd.s32 $0x40, s31;
	vm2 =	veq.s32 v3, $0x0;
	v3 =	vor.u32 s28, v2  }
0x255: {  	_ = 	snop  }
0x256: {  	s1 =	sand.u32 $0x7E00, s1;
	s6 =	sadd.s32 $0x10, s6;
	s8 =	spop (v2sf)  }
0x257: {  	v4 =	vor.u32 s28, v0;
	s9 =	sand.u32 $0x70, s6;
	s1 =	sshrl.u32 s1, $0x2;
	s8 =	sadd.s32 s30, s8  }
0x258: {  	s1 =	sor.u32 s9, s1;
	[tilespmem:s8+$0xDD00] =	vst.msk vm2, v4  }
0x259: {  	v4 =	vld [tilespmem:s1+$0x0];
	_ =	sdelay $0x1  }
0x25a: {  	v3 =	vnsel vm2, $0xC0000000, v3  }
0x25b: {  	(xrf0) =	vmin.scan.msk.u32 $0xffff, v3  }
0x25c: {  	s1 =	sadd.s32 s6, s22  }
0x25d: {  	v3 =	vor.u32 s1, v2;
	vm1 =	veq.s32 v4, $0x0  }
0x25e: {  	v3 =	vnsel vm1, $0xC0000000, v3  }
0x25f: {  	v62 =	vmpcnt.ones.xlane vm2;
	(xrf0) =	vmin.scan.msk.u32 $0xffff, v3;
	_ =	sdelay $0x1  }
0x260: {  	(v2sf) =	vpush v62, $0x0;
	v63 =	vmpcnt.ones.xlane vm1;
	v3, _, _ =	vpop (xrf0)  }
0x261: {  	(v2sf) =	vpush v3, $0xF  }
0x262: {  	(v2sf) =	vpush v63, $0x0;
	_ =	sdelay $0x1  }
0x263: {  	v3, _, _ =	vpop (xrf0)  }
0x264: {  	(v2sf) =	vpush v3, $0xF;
	_ =	sdelay $0x8  }
0x265: {  	s9 =	spop (v2sf)  }
0x266: {  	s30 =	spop (v2sf)  }
0x267: {  	s6 =	sxor.u32 $0x80000000, s9;
	s31 =	spop (v2sf)  }
0x268: {  	p0 =	slt.s32 s29, s6;
	s8 =	sadd.s32 s8, s30;
	s30 =	spop (v2sf)  }
0x269: {  	s6 =	smov.u32 @p0 s29;
	s28 =	sxor.u32 $0x80000000, s31;
	s9 =	sadd.s32 s8, s30  }
0x26a: {  	p0 =	slt.s32 s6, s28;
	s29 =	sadd.s32 $0xF, s9  }
0x26b: {  	s28 =	smov.u32 @p0 s6;
	s6 =	spop (v2sf);
	s31 =	sand.u32 $0xF, s29  }
0x26c: {  	s30 =	sshra.s32 s29, $0x1F;
	p1 =	slt.s32 s29, $0x1;
	p6 =	sne.s32 s31, $0x0  }
0x26d: {  	s31 =	sxor.u32 $0x80000000, s6;
	s30 =	sshrl.u32 s30, $0x1C;
	p0 =	por !p1, !p6  }
0x26e: {  	s6 =	sadd.s32 s30, s29;
	s29 =	simm.s32 $0x1;
	p0 =	por !p0, !p0  }
0x26f: {  	s6 =	sshra.s32 s6, $0x4;
	s29 =	simm.s32 @!p0 $0x0  }
0x270: {  	s6 =	ssub.s32 s6, s29  }
0x271: {  	p0 =	slt.s32 s6, $0x1  }
.Ltmp3:
0x272: {  	_ = 	snop;
	(pc) =	sbr.rel @p0 .LBB2_7-.Ltmp3, $4  }
0x273: {  	p1 =	slt.s32 s28, s31  }
0x274: {  	v3 =	vor.u32 s1, v0;
	s31 =	smov.u32 @p1 s28  }
0x275: {  	[tilespmem:s8+$0xDD00] =	vst.msk vm1, v3;
	v3 =	vmov s31  }
0x276: {  	s1 =	simm.s32 $0xDD00;
	s8 =	sld [smem:$0x7E6];
	[tilespmem:s9+$0xDD00] =	vst v3  }
0x277: {  	p0 =	sne.s32 s6, $0x1  }
.Ltmp4:
0x278: {  	_ = 	snop;
	(pc) =	sbr.rel @!p0 .LBB2_6-.Ltmp4, $2  }
0x279: {  	v3 =	vld [tilespmem:s1+$0x0];
	_ =	sdelay $0x2  }
0x27a: {  	s6 =	sadd.s32 $0xFFFFFFFF, s6  }
.LBB2_5:
0x27b: {  	p0 =	sne.s32 s6, $0x1;
	_ =	sdelay $0x5  }
0x27c: {  	[hbm4b:s2+s3] =	stream.indirect_vreg.scatter [tilespmem:s25], [sflag:$0x2], $0x40, v3, vm0, $0xb8;
	[tilespmem:$0xF610] =	vst v63  }
.Ltmp5:
0x27d: {  	_ =	swait.ge [sflag:s26], $0x400;
	(pc) =	sbr.rel @p0 .LBB2_5-.Ltmp5, $4  }
0x27e: {  	[sflag:s26] =	ssyncset.done $0x0  }
0x27f: {  	s1 =	sadd.s32 $0x10, s1;
	[sflag:s26] =	ssyncadd.s32 $0xFFFFFC00  }
0x280: {  	v3 =	vld [tilespmem:s1+$0x0]  }
0x281: {  	s6 =	sadd.s32 $0xFFFFFFFF, s6  }
.Ltmp6:
0x282: {  	_ = 	snop;
	(pc) =	sbr.rel .LBB2_6-.Ltmp6, $1  }
0x283: {  	_ =	sdelay $0x3  }
.LBB2_8:
0x284: {  	_ =	sfence.sel $0x180000  }
0x285: {  	[bflag:$0x0] =	sbarrier.arrive $0xFFFF  }
0x286: {  	_ =	strace $0x90000047  }
0x287: {  	s0 =	stileid.u32;
	[bflag:$0x2] =	sbarrier.arrive $0xFFFF  }
0x288: {  	p0 =	sne.s32 s0, $0x0;
	s0 =	rddreg [dreg:$0x2]  }
0x289: {  	s0 =	sadd.s32 @!p0 $0x100000, s0  }
0x28a: {  	[sflag:s0] =	ssyncadd.tile.s32 @!p0 $0x1;
	_ =	shalt  }
.Lfunc_end2:
_tile_overlayer_lowered:
.L_overlay_start_2:
0x28b: {  	(tag) =	ssettag $0x2  }
0x28c: {  	s0 =	rddreg [dreg:$0x0];
	s2 =	stileid.u32  }
0x28d: {  	s1 =	rddreg [dreg:$0x1];
	p0 =	sne.s32 s2, $0x0  }
0x28e: {  	s3 =	rddreg [dreg:$0x2];
	[bflag:$0x3] =	sbarrier.arrive $0xFFFF;
	s2 =	simm.s32 @!p0 $0x1C0F  }
0x28f: {  	[timem:s3], [sflag:s2] =	dma.local @!p0 [hbm:s0], s1  }
0x290: {  	s0 =	simm.s32 @!p0 $0xF  }
0x291: {  	_ =	swait.ge @!p0 [sflag:s0], s1  }
0x292: {  	s1 =	ssub.s32 @!p0 $0x0, s1;
	[sflag:s0] =	ssyncset.done @!p0 $0x0  }
0x293: {  	[sflag:s0] =	ssyncadd.s32 @!p0 s1  }
0x294: {  	[bflag:$0x3] =	sbarrier.arrive $0xFFFF  }
0x295: {  	_ =	shalt  }

// kernel: sparse-core-data-format-call.cloned.1.call-start
scs
called_computation_lowered:
.L_overlay_start_0:
0x0: {  	s2 =	sld [smem:$0x3FD9]  }
0x1: {  	s3 =	sld [smem:$0x3FFE];
	_ =	sdelay $0x1  }
0x2: {  	s1 =	srdreg.scid  }
0x3: {  	s0 =	sand.u32 $0x1, s1  }
0x4: {  	s18 =	sshll.u32 s0, $0xA;
	s2 =	sadd.s32 s3, s2  }
0x5: {  	s2 =	sadd.s32 s2, s18  }
0x6: {  	[smem:$0x3FC6] =	sst s2  }
0x7: {  	_ = 	snop  }
0x8: {  	s2 =	sld [smem:$0x3FD0];
	(tm) =	ssettm $0x1  }
0x9: {  	s19 =	sld [smem:$0x3FFB];
	_ =	sdelay $0x3  }
0xa: {  	_ =	strace s19  }
0xb: {  	s3 =	sld [smem:$0x3FFC];
	_ =	sdelay $0x3  }
0xc: {  	_ =	strace s3  }
0xd: {  	s3 =	sld [smem:$0x3FFD];
	_ =	sdelay $0x3  }
0xe: {  	_ =	strace s3  }
0xf: {  	_ =	strace $0x8FFFFFFF  }
0x10: {  	s20 =	sld [smem:$0x3FDB];
	_ =	sdelay $0x1  }
0x11: {  	s4 =	simm.s32 $_scs_section_size  }
0x12: {  	s5 =	simm.s32 $_size__tile_overlayer_lowered;
	s6 =	simm.s32 $_tile_overlayer_lowered  }
0x13: {  	s23 =	simm.s32 $0x1BFF;
	s22 =	sshll.u32 s6, $0x1;
	s3 =	sadd.s32 s4, s20  }
0x14: {  	s7 =	simm.s32 $0x0;
	s21 =	sshll.u32 s5, $0x1;
	s5 =	sadd.s32 s22, s3  }
0x15: {  	[timem:s7], [sflag:s23] =	dma.local [hbm:s5], s21  }
0x16: {  	_ =	swait.ge [sflag:s23], s21  }
0x17: {  	s4 =	ssub.s32 $0x0, s21;
	[sflag:s23] =	ssyncset.done $0x0  }
0x18: {  	[sflag:s23] =	ssyncadd.s32 s4;
	_ =	sdelay $0x1  }
0x19: {  	s24 =	simm.s32 $0x1B8B  }
0x1a: {  	_ =	swait.ge [sflag:s24], $0x1  }
0x1b: {  	[sflag:s24] =	ssyncset.done $0x0  }
0x1c: {  	s26 =	simm.s32 $0x1B8E;
	s25 =	sld [smem:$0x3FFE];
	[sflag:s24] =	ssyncadd.s32 $0xFFFFFFFF  }
0x1d: {  	s27 =	simm.s32 $execute0_lowered;
	[smem:$0x3FD2] =	sst s26  }
0x1e: {  	s5 =	sshll.u32 s27, $0x1;
	_ =	strace $0x80000049;
	[dreg:$0x1] =	wrdreg $0xFFFFFFFF  }
0x1f: {  	s28 =	simm.s32 $_size_execute0_lowered;
	s3 =	sadd.s32 s3, s5;
	[dreg:$0x0] =	wrdreg $0x0  }
0x20: {  	s5 =	sshll.u32 s28, $0x1;
	[dreg:$0x2] =	wrdreg s3  }
0x21: {  	[dreg:$0x3] =	wrdreg s5  }
0x22: {  	[dreg:$0x4] =	wrdreg $0xC0  }
0x23: {  	_ =	task [dreg:s7], $0x5FFFF  }
0x24: {  	[dreg:$0x1] =	wrdreg $0xFFFFFFFF  }
0x25: {  	[dreg:$0x0] =	wrdreg $0x60  }
0x26: {  	[dreg:$0x2] =	wrdreg s25  }
0x27: {  	[dreg:$0x3] =	wrdreg s2  }
0x28: {  	[dreg:$0x4] =	wrdreg $0x9  }
0x29: {  	_ =	task.clear_ibuf [dreg:s7], $0x5FFFF;
	_ =	strace $0x90000049  }
0x2a: {  	s29 =	simm.s32 $0x9;
	_ =	strace $0x8000004B  }
0x2b: {  	_ =	swait.ge [sflag:s29], $0x1  }
0x2c: {  	[sflag:s29] =	ssyncadd.s32 $0xFFFFFFFF  }
0x2d: {  	_ =	strace $0x9000004B  }
0x2e: {  	_ =	sfence  }
0x2f: {  	s30 =	sld [smem:$0x0];
	_ =	sdelay $0x2  }
0x30: {  	s31 =	sshll.u32 s1, $0xD;
	s1 =	sshrl.u32 s1, $0x2  }
0x31: {  	s3 =	sand.u32 $0x4000, s31;
	s1 =	sadd.s32 s1, s30  }
0x32: {  	s0 =	sor.u32 s3, s0;
	s1 =	sshll.u32 s1, $0x11  }
0x33: {  	s0 =	sor.u32 s1, s0  }
0x34: {  	s0 =	sadd.s32 $0x8F2B, s0  }
0x35: {  	[sflag:s0] =	ssyncadd.remote.s32 $0x1  }
0x36: {  	_ =	sfence.sel $0xFFFF  }
0x37: {  	[dreg:$0x0] =	wrdreg $0xFFFFFFFF;
	(pc) =	sbr.abs _section_cstart, $3  }
0x38: {  	[dreg:$0x1] =	wrdreg $0xFFFFFFFF  }
0x39: {  	_ =	task.clear_ibuf [dreg:s7], $0x2FFFF;
	_ =	strace $0x9FFFFFFF  }
0x3a: {  	(tm) =	ssettm $0x7FFFFFFF  }
0x3b: {  	_ =	shalt  }
tec
execute0_lowered:
.L_overlay_start_1:
0x0: {  	(tag) =	ssettag $0x1  }
0x1: {  	s0 =	srdreg.scid  }
0x2: {  	s1 =	sshll.u32 s0, $0x4  }
0x3: {  	s0 =	stileid.u32;
	s1 =	sand.u32 $0x10, s1  }
0x4: {  	s1 =	sor.u32 s0, s1  }
0x5: {  	s6 =	rddreg [dreg:$0x0];
	s4 =	simm.s32 $0x1;
	s2 =	sshll.u32 s1, $0x7  }
0x6: {  	s7 =	simm.s32 $0x2;
	s12 =	simm.s32 $0x0;
	s1 =	ssub.s32 $0x1000, s2  }
0x7: {  	s8 =	simm.s32 $0x8000;
	s13 =	simm.s32 $0x0;
	s3 =	sand.u32 $0xF80, s1  }
0x8: {  	s9 =	simm.s32 $0x0;
	s5 =	sshrl.u32 s1, $0xC;
	p0 =	sne.s32 s3, $0x0  }
.Ltmp0:
0x9: {  	s1 =	rddreg [dreg:$0x2];
	s4 =	simm.s32 @!p0 $0x0;
	(pc) =	sbr.rel .LBB1_1-.Ltmp0, $4  }
0xa: {  	s11 =	simm.s32 $0x0;
	s3 =	rddreg [dreg:$0x1];
	s5 =	sadd.s32 s4, s5  }
0xb: {  	_ =	strace $0x8000004A;
	s4 =	simm.s32 $0x1;
	s5 =	smul.u32 $0x32, s5  }
0xc: {  	s6 =	sadd.s32 $0x800, s6;
	s10 =	smov.u32 s2;
	[sflag:s4] =	ssyncpa.u1 $0x0  }
0xd: {  	p0 =	por $0x0, $0x0;
	[sflag:s7] =	ssyncpa.u1 $0x0;
	s7 =	sor.u32 $0x1, s5  }
.LBB1_4:
0xe: {  	s16 =	sshll.u32 s13, $0x3;
	s17 =	sand.u32 $0x78, s13  }
0xf: {  	s30 =	sand.u32 $0x7E00, s13;
	s12 =	sshll.u32 s12, $0xF;
	s16 =	sand.u32 $0xC00, s16  }
0x10: {  	[tilespmem:s15+$0x810 ss:$0x81] =	vst.msk $0xffff, v2;
	s31 =	sand.u32 $0x7, s13;
	s16 =	sor.u32 s17, s16;
	s17 =	sadd.s32 s3, s30  }
0x11: {  	[tilespmem:s15+$0x1020 ss:$0x81] =	vst.msk $0xffff, v0;
	s13 =	sshll.u32 s31, $0x12;
	s12 =	sadd.s32 s12, s17;
	s16 =	sshrl.u32 s16, $0x3  }
0x12: {  	[tilespmem:s15+$0x0 ss:$0x81] =	vst.msk $0xffff, v1;
	s13 =	sor.u32 $0x400, s13;
	s12 =	sadd.s32 s16, s12  }
0x13: {  	[hbm4b:s12+s13] =	stream.strided.scatter [tilespmem:s14], [sflag:$0x2], $0x2000, s8, s13, $0x20;
	[tilespmem:$0x8080] =	vst v63  }
.LBB1_5:
0x14: {  	s14 =	sadd.s32 $0x1, s9  }
0x15: {  	s12 =	sadd.s32 $0x1000, s10;
	s16 =	smov.u32 s10;
	p2 =	sgt.s32 s14, $0x31  }
0x16: {  	s16 =	smov.u32 @p2 s12  }
0x17: {  	s14 =	simm.s32 @p2 $0x0;
	p2 =	sgt.s32 s16, $0xFFF  }
0x18: {  	s16 =	smov.u32 @p2 s2;
	p2 =	sne.s32 s11, s7  }
.Ltmp1:
0x19: {  	p1 =	slt.u32 s11, $0x2;
	(pc) =	sbr.rel @!p2 .LBB1_6-.Ltmp1, $4  }
0x1a: {  	s15 =	simm.s32 @!p1 $0x2  }
0x1b: {  	s13 =	smov.u32 s10;
	p0 =	por !p0, !p0;
	_ =	swait.ge @!p1 [sflag:s15], $0x2000  }
0x1c: {  	s12 =	smov.u32 s9;
	[sflag:s15] =	ssyncset.done @!p1 $0x0;
	s9 =	smov.u32 s14  }
0x1d: {  	s11 =	sadd.s32 $0x1, s11;
	[sflag:s15] =	ssyncadd.s32 @!p1 $0xFFFFE000;
	s10 =	smov.u32 s16  }
.LBB1_1:
0x1e: {  	p1 =	sge.u32 s11, s5  }
0x1f: {  	s14 =	sand.u32 @!p1 $0x1FFFFFF, s9  }
0x20: {  	s15 =	smulhi.u32 @!p1 $0x4924925, s14;
	_ =	sdelay $0x1  }
0x21: {  	s15 =	smul.u32 @!p1 $0x38, s15  }
0x22: {  	s16 =	sxor.u32 @!p1 $0xFFFFFFFF, s11;
	s17 =	smul.u32 @!p1 $0x380, s10  }
0x23: {  	s31 =	sadd.s32 $0xFFFFFFFF, s11;
	s16 =	sshll.u32 @!p1 s16, $0xD;
	s14 =	ssub.s32 @!p1 s14, s15  }
0x24: {  	s15 =	sand.u32 @!p1 $0x2000, s16;
	s16 =	sadd.s32 @!p1 s6, s17;
	s14 =	sshll.u32 @!p1 s14, $0x4  }
0x25: {  	s17 =	simm.s32 @!p1 $0x1C00;
	s14 =	sadd.s32 @!p1 s14, s16;
	s16 =	simm.s32 @!p1 $0x40  }
0x26: {  	[tilespmem:s15], [sflag:$0x1] =	stream.strided.gather @!p1 [hbm4b:s14+s16], $0x2000, s17, s16, $0x38;
	[tilespmem:$0x8080] =	vst v63  }
0x27: {  	p1 =	sge.u32 s31, s5  }
.Ltmp2:
0x28: {  	_ = 	snop;
	(pc) =	sbr.rel @p1 .LBB1_5-.Ltmp2, $1  }
0x29: {  	_ =	sdelay $0x3  }
0x2a: {  	s14 =	simm.s32 $0x1  }
0x2b: {  	_ =	swait.ge [sflag:s4], $0x2000;
	s14 =	simm.s32 @!p0 $0x0  }
0x2c: {  	[sflag:s4] =	ssyncset.done $0x0;
	s15 =	sshll.u32 s14, $0xD  }
0x2d: {  	[sflag:s4] =	ssyncadd.s32 $0xFFFFE000;
	s18 =	sor.u32 $0x20, s15  }
0x2e: {  	s14 =	smul.u32 $0x8100, s14;
	v3 =	vld [tilespmem:s18+$0x10]  }
0x2f: {  	s30 =	sand.u32 $0x1, s11;
	v2 =	vld [tilespmem:s18+$0xFFFFFFF0]  }
0x30: {  	s15 =	smul.u32 $0x8100, s30;
	s14 =	sshrl.u32 s14, $0x2;
	v0 =	vld [tilespmem:s18+$0x0]  }
0x31: {  	v1 =	vld [tilespmem:s18+$0xFFFFFFE0];
	s16 =	sor.u32 $0x4000, s14  }
0x32: {  	s31 =	sshrl.u32 s15, $0x2;
	s15 =	sadd.s32 $0x0, s16  }
0x33: {  	s17 =	simm.s32 $0x4;
	s18 =	sadd.s32 $0x40, s18;
	s14 =	sor.u32 $0x4000, s31;
	[tilespmem:s15+$0x1830 ss:$0x81] =	vst.msk $0xffff, v3  }
.LBB1_3:
0x34: {  	v3 =	vld [tilespmem:s18+$0x10];
	p1 =	sne.s32 s17, $0x1FC;
	[tilespmem:s15+$0x810 ss:$0x81] =	vst.msk $0xffff, v2;
	s19 =	smov.u32 s17;
	s17 =	sadd.s32 $0x4, s17  }
.Ltmp3:
0x35: {  	v2 =	vld [tilespmem:s18+$0xFFFFFFF0];
	[tilespmem:s15+$0x1020 ss:$0x81] =	vst.msk $0xffff, v0;
	(pc) =	sbr.rel @p1 .LBB1_3-.Ltmp3, $4  }
0x36: {  	v0 =	vld [tilespmem:s18+$0x0];
	[tilespmem:s15+$0x0 ss:$0x81] =	vst.msk $0xffff, v1  }
0x37: {  	s15 =	sshra.s32 s19, $0x2;
	v1 =	vld [tilespmem:s18+$0xFFFFFFE0]  }
0x38: {  	s15 =	sadd.s32 s15, s16  }
0x39: {  	s18 =	sadd.s32 $0x40, s18;
	[tilespmem:s15+$0x1830 ss:$0x81] =	vst.msk $0xffff, v3  }
.Ltmp4:
0x3a: {  	_ = 	snop;
	(pc) =	sbr.rel .LBB1_4-.Ltmp4, $1  }
0x3b: {  	_ =	sdelay $0x3  }
.LBB1_6:
0x3c: {  	_ =	sfence.sel $0x180000  }
0x3d: {  	s2 =	simm.s32 $0x1;
	[bflag:$0x0] =	sbarrier.arrive $0xFFFF  }
0x3e: {  	s31 =	simm.s32 $0x2;
	[sflag:s2] =	ssyncpa.u1 $0x1  }
0x3f: {  	[sflag:s31] =	ssyncpa.u1 $0x1  }
0x40: {  	p0 =	sne.s32 s0, $0x0;
	_ =	strace $0x9000004A  }
0x41: {  	s0 =	sadd.s32 @!p0 $0x100000, s1;
	[bflag:$0x2] =	sbarrier.arrive $0xFFFF  }
0x42: {  	[sflag:s0] =	ssyncadd.tile.s32 @!p0 $0x1;
	_ =	shalt  }
.Lfunc_end1:
_tile_overlayer_lowered:
.L_overlay_start_2:
0x43: {  	(tag) =	ssettag $0x2  }
0x44: {  	s0 =	rddreg [dreg:$0x0];
	s2 =	stileid.u32  }
0x45: {  	s1 =	rddreg [dreg:$0x1];
	p0 =	sne.s32 s2, $0x0  }
0x46: {  	s3 =	rddreg [dreg:$0x2];
	[bflag:$0x3] =	sbarrier.arrive $0xFFFF;
	s2 =	simm.s32 @!p0 $0x1C01  }
0x47: {  	[timem:s3], [sflag:s2] =	dma.local @!p0 [hbm:s0], s1  }
0x48: {  	s0 =	simm.s32 @!p0 $0x1  }
0x49: {  	_ =	swait.ge @!p0 [sflag:s0], s1  }
0x4a: {  	s1 =	ssub.s32 @!p0 $0x0, s1;
	[sflag:s0] =	ssyncset.done @!p0 $0x0  }
0x4b: {  	[sflag:s0] =	ssyncadd.s32 @!p0 s1  }
0x4c: {  	[bflag:$0x3] =	sbarrier.arrive $0xFFFF  }
0x4d: {  	_ =	shalt  }

</sc_bundles>
